<compile_context>
chip_gen: v7x
topology: tpu7x:2x2x1
jax: 0.10.2.dev20260603
libtpu: 0.0.44.dev20260713+nightly
codegen_flags: <defaults>
</compile_context>

<pallas_src>
import functools

import jax
import jax.numpy as jnp
from jax import lax
from jax.experimental import pallas as pl
from jax.experimental.pallas import tpu as pltpu
from jax.experimental.pallas import tpu_sc as plsc

N = 10000
D = 128
DEGW = 16
NSC = 2
NSUB = 16
C = 40
L = 16
NREL = 401


def _tc_prep_body(alpha_ref, bw_ref, loop_ref, wrel_ref, rel_embed_ref,
                  rel_out_ref):
    re = jnp.dot(alpha_ref[...], bw_ref[...],
                 preferred_element_type=jnp.float32)
    nrel = re.shape[0]
    rel_embed_ref[0:nrel, :] = re
    rel_embed_ref[nrel:nrel + 1, :] = loop_ref[...]
    rel_out_ref[...] = jnp.dot(re, wrel_ref[...],
                               preferred_element_type=jnp.float32)


def _tc_prep(alpha, basis_weight, loop_rel, weight_rel):
    nrel = alpha.shape[0]
    return pl.pallas_call(
        _tc_prep_body,
        out_shape=[
            jax.ShapeDtypeStruct((nrel + 1, D), jnp.float32),
            jax.ShapeDtypeStruct((nrel, D), jnp.float32),
        ],
    )(alpha, basis_weight, loop_rel, weight_rel)


def _sc_body(nch, x_hbm, rel_hbm, dst_hbm, src_hbm, typ_hbm,
             out_hbm, outd_hbm,
             accum, deg, rel_sp, idx, xr, rr, msg, ones,
             isem, gxsem, grsem, ssem, dsem):
    c = lax.axis_index("c")
    s = lax.axis_index("s")
    rpt = N // NSUB

    @pl.when(s == 0)
    def _():
        pltpu.sync_copy(rel_hbm, rel_sp)

    zero16 = jnp.zeros((L,), jnp.float32)
    def zrow(e, carry):
        for k in range(D // L):
            msg[0, e, pl.ds(L * k, L)] = zero16
        return carry
    lax.fori_loop(0, C, zrow, 0)
    base = s * rpt
    for j in range(rpt // C):
        pltpu.sync_copy(msg.at[0], accum.at[pl.ds(base + j * C, C)])
    rem = rpt % C
    if rem:
        pltpu.sync_copy(msg.at[0, pl.ds(0, rem)],
                        accum.at[pl.ds(base + (rpt // C) * C, rem)])

    def zdrow(e, carry):
        ones[e, pl.ds(0, DEGW)] = zero16
        return carry
    lax.fori_loop(0, C, zdrow, 0)
    for j in range(rpt // C):
        pltpu.sync_copy(ones.at[:], deg.at[pl.ds(base + j * C, C)])
    if rem:
        pltpu.sync_copy(ones.at[pl.ds(0, rem)],
                        deg.at[pl.ds(base + (rpt // C) * C, rem)])
    one16 = jnp.ones((L,), jnp.float32)
    def odrow(e, carry):
        ones[e, pl.ds(0, DEGW)] = one16
        return carry
    lax.fori_loop(0, C, odrow, 0)

    plsc.subcore_barrier()

    def fire_idx(ci):
        r = lax.rem(ci, 4)
        pltpu.async_copy(dst_hbm.at[c, s, ci], idx.at[r, 0], isem.at[r])
        pltpu.async_copy(src_hbm.at[c, s, ci], idx.at[r, 1], isem.at[r])
        pltpu.async_copy(typ_hbm.at[c, s, ci], idx.at[r, 2], isem.at[r])

    def wait_idx(ci):
        r = lax.rem(ci, 4)
        for k in range(3):
            pltpu.make_async_copy(dst_hbm.at[c, s, 0], idx.at[r, k],
                                  isem.at[r]).wait()

    def fire_gathers(ci, b):
        r = lax.rem(ci, 4)
        pltpu.async_copy(x_hbm.at[idx.at[r, 1]], xr.at[b], gxsem.at[b])
        pltpu.async_copy(rel_sp.at[idx.at[r, 2]], rr.at[b], grsem.at[b])

    def wait_gathers(b):
        pltpu.make_async_copy(x_hbm.at[idx.at[0, 1]], xr.at[b],
                              gxsem.at[b]).wait()
        pltpu.make_async_copy(rel_sp.at[idx.at[0, 2]], rr.at[b],
                              grsem.at[b]).wait()

    def fire_scatter(ci, b):
        r = lax.rem(ci, 4)
        pltpu.async_copy(msg.at[b], accum.at[idx.at[r, 0]], ssem.at[b],
                         add=True)
        pltpu.async_copy(ones.at[:], deg.at[idx.at[r, 0]], dsem.at[b],
                         add=True)

    def wait_scatter(b):
        pltpu.make_async_copy(msg.at[b], accum.at[idx.at[0, 0]],
                              ssem.at[b]).wait()
        pltpu.make_async_copy(ones.at[:], deg.at[idx.at[0, 0]],
                              dsem.at[b]).wait()

    def compute(b):
        def erow(e, carry):
            for k in range(D // L):
                sl = pl.ds(L * k, L)
                msg[b, e, sl] = xr[b, e, sl] * rr[b, e, sl]
            return carry
        lax.fori_loop(0, C, erow, 0)

    fire_idx(0)
    fire_idx(1)
    wait_idx(0)
    fire_gathers(0, 0)
    fire_idx(2)
    wait_idx(1)
    fire_gathers(1, 1)
    fire_idx(3)
    for b in (0, 1):
        wait_gathers(b)
        compute(b)
        fire_scatter(b, b)
        wait_idx(b + 2)
        fire_gathers(b + 2, b)

    def loop_body(i, carry):
        for b in (0, 1):
            ci = 2 * i + b
            wait_scatter(b)
            @pl.when(ci + 2 < nch)
            def _():
                fire_idx(ci + 2)
            wait_gathers(b)
            compute(b)
            fire_scatter(ci, b)
            @pl.when(ci + 2 < nch)
            def _():
                wait_idx(ci + 2)
                fire_gathers(ci + 2, b)
        return carry
    lax.fori_loop(1, nch // 2, loop_body, 0)

    for b in (0, 1):
        wait_scatter(b)
    plsc.subcore_barrier()

    pltpu.sync_copy(accum.at[pl.ds(s * rpt, rpt)],
                    out_hbm.at[c, pl.ds(s * rpt, rpt)])
    pltpu.sync_copy(deg.at[pl.ds(s * rpt, rpt)],
                    outd_hbm.at[c, pl.ds(s * rpt, rpt)])


def _sc_agg(x, rel_embed, dst, src, typ):
    nch = dst.shape[2]
    mesh = plsc.VectorSubcoreMesh(core_axis_name="c", subcore_axis_name="s")
    fn = pl.kernel(
        functools.partial(_sc_body, nch),
        out_type=[
            jax.ShapeDtypeStruct((NSC, N, D), jnp.float32),
            jax.ShapeDtypeStruct((NSC, N, DEGW), jnp.float32),
        ],
        mesh=mesh,
        scratch_types=[
            pltpu.VMEM_SHARED((N, D), jnp.float32),
            pltpu.VMEM_SHARED((N, DEGW), jnp.float32),
            pltpu.VMEM_SHARED((NREL, D), jnp.float32),
            pltpu.VMEM((4, 3, C), jnp.int32),
            pltpu.VMEM((2, C, D), jnp.float32),
            pltpu.VMEM((2, C, D), jnp.float32),
            pltpu.VMEM((2, C, D), jnp.float32),
            pltpu.VMEM((C, DEGW), jnp.float32),
            pltpu.SemaphoreType.DMA((4,)),
            pltpu.SemaphoreType.DMA((2,)),
            pltpu.SemaphoreType.DMA((2,)),
            pltpu.SemaphoreType.DMA((2,)),
            pltpu.SemaphoreType.DMA((2,)),
        ],
        compiler_params=pltpu.CompilerParams(use_tc_tiling_on_sc=False),
    )
    return fn(x, rel_embed, dst, src, typ)


def _tc_final_body(acc_ref, degs_ref, x_ref, loop_ref,
                   win_ref, wout_ref, wloop_ref, bias_ref, gamma_ref,
                   beta_ref, out_ref):
    deg0 = degs_ref[0, :, 0:1]
    deg1 = degs_ref[1, :, 0:1]
    inv0 = jnp.where(deg0 > 0, 1.0 / jnp.maximum(deg0, 1.0), 0.0)
    inv1 = jnp.where(deg1 > 0, 1.0 / jnp.maximum(deg1, 1.0), 0.0)
    h = jnp.dot(acc_ref[0] * inv0, win_ref[...],
                preferred_element_type=jnp.float32)
    h = h + jnp.dot(acc_ref[1] * inv1, wout_ref[...],
                    preferred_element_type=jnp.float32)
    h = h + jnp.dot(x_ref[...] * loop_ref[...], wloop_ref[...],
                    preferred_element_type=jnp.float32)
    h = h * (1.0 / 3.0) + bias_ref[...]
    mean = jnp.mean(h, axis=0, keepdims=True)
    cen = h - mean
    var = jnp.mean(cen * cen, axis=0, keepdims=True)
    out_ref[...] = (cen / jnp.sqrt(var + 1e-5)) * gamma_ref[...] + beta_ref[...]


def _tc_final(acc, degs, x, loop_rel, weight_in, weight_out,
              weight_loop, bias, bn_gamma, bn_beta):
    return pl.pallas_call(
        _tc_final_body,
        out_shape=jax.ShapeDtypeStruct((N, D), jnp.float32),
    )(acc, degs, x, loop_rel, weight_in, weight_out, weight_loop,
      bias, bn_gamma, bn_beta)


def kernel(x, edge_index, edge_type, basis_weight, alpha, loop_rel,
           weight_in, weight_out, weight_loop, weight_rel,
           bias, bn_gamma, bn_beta):
    e2 = edge_index.shape[1]
    nch = e2 // (NSC * NSUB * C)

    rel_embed, rel_out = _tc_prep(alpha, basis_weight, loop_rel, weight_rel)

    dst = edge_index[0].reshape(NSC, NSUB, nch, C)
    src = edge_index[1].reshape(NSC, NSUB, nch, C)
    typ = edge_type.reshape(NSC, NSUB, nch, C)

    acc, degs = _sc_agg(x, rel_embed, dst, src, typ)

    out = _tc_final(acc, degs, x, loop_rel,
                    weight_in, weight_out, weight_loop,
                    bias.reshape(1, D), bn_gamma.reshape(1, D),
                    bn_beta.reshape(1, D))
    return out, rel_out

# --- scband reference (transcript-rebuilt; emitter-appended) ---
"""Pipeline reference for scband-comp-gcnlayer-46454366273980 (READ-ONLY COPY).

The authoritative reference and input builder live on the scoring server;
editing this copy changes nothing except your own understanding.
"""

import jax, jax.numpy as jnp
import numpy as np

N = 10000
E = 320000
D = 128
NUM_RELS = 200
NUM_BASES = 50


def _xavier_uniform(key, shape):
    fan_in, fan_out = shape[0], shape[1]
    a = (6.0 / (fan_in + fan_out)) ** 0.5
    return jax.random.uniform(key, shape, jnp.float32, -a, a)


def _xavier_normal(key, shape):
    fan_in, fan_out = shape[0], shape[1]
    std = (2.0 / (fan_in + fan_out)) ** 0.5
    return std * jax.random.normal(key, shape, jnp.float32)


def setup_inputs(seed: int = 0):
    key = jax.random.key(seed)
    ks = jax.random.split(key, 12)
    x = jax.random.normal(ks[0], (N, D), jnp.float32)
    edge_index = jax.random.randint(ks[1], (2, E), 0, N, dtype=jnp.int32)
    edge_type = jax.random.randint(ks[2], (E,), 0, 2 * NUM_RELS, dtype=jnp.int32)
    weight_in = _xavier_normal(ks[3], (D, D))
    weight_out = _xavier_normal(ks[4], (D, D))
    weight_rel = _xavier_normal(ks[5], (D, D))
    weight_loop = _xavier_normal(ks[6], (D, D))
    loop_rel = _xavier_normal(ks[7], (1, D))
    basis_weight = _xavier_uniform(ks[8], (NUM_BASES, D))
    alpha = _xavier_uniform(ks[9], (2 * NUM_RELS, NUM_BASES))
    bias = jnp.zeros((D,), jnp.float32)
    bn_gamma = jnp.ones((D,), jnp.float32)
    bn_beta = jnp.zeros((D,), jnp.float32)
    return {"x": x, "edge_index": edge_index, "edge_type": edge_type,
            "basis_weight": basis_weight, "alpha": alpha, "loop_rel": loop_rel,
            "weight_in": weight_in, "weight_out": weight_out,
            "weight_loop": weight_loop, "weight_rel": weight_rel,
            "bias": bias, "bn_gamma": bn_gamma, "bn_beta": bn_beta}


def reference(x, edge_index, edge_type, basis_weight, alpha, loop_rel,
              weight_in, weight_out, weight_loop, weight_rel,
              bias, bn_gamma, bn_beta):
    # BasesRelEmbLayer: rel_embed = alpha @ weight  -> [2*num_rels, in_feats]
    rel_embed = jnp.matmul(alpha, basis_weight)
    rel_embed = jnp.concatenate([rel_embed, loop_rel], axis=0)
    num_edges = edge_index.shape[1] // 2
    n = x.shape[0]
    index = edge_index[:, :num_edges]
    rev_index = edge_index[:, num_edges:]
    types = edge_type[:num_edges]
    rev_types = edge_type[num_edges:]
    loop_index = jnp.stack([jnp.arange(n, dtype=jnp.int32), jnp.arange(n, dtype=jnp.int32)])
    loop_types = jnp.full((n,), rel_embed.shape[0] - 1, dtype=jnp.int32)

    def row_normalization(ei):
        # in-degree inverse norm on destination (row) nodes, standard CompGCN
        deg = jnp.zeros((n,), x.dtype).at[ei[0]].add(jnp.ones((ei.shape[1],), x.dtype))
        inv = jnp.where(deg > 0, 1.0 / jnp.maximum(deg, 1.0), 0.0)
        return inv[ei[0]]

    def message_passing(ei, etypes, weight, edge_weight=None):
        tail_emb = x[ei[1]]                      # gather node features
        rel_emb = rel_embed[etypes]              # gather relation embeddings
        trans = tail_emb * rel_emb               # opn == 'mult'
        trans = jnp.matmul(trans, weight)
        if edge_weight is not None:
            trans = trans * edge_weight[:, None]
        return jnp.zeros((n, weight.shape[1]), x.dtype).at[ei[0]].add(trans)

    in_norm = row_normalization(index)
    rev_norm = row_normalization(rev_index)
    emb = message_passing(index, types, weight_in, in_norm)
    rev_emb = message_passing(rev_index, rev_types, weight_out, rev_norm)
    loop_emb = message_passing(loop_index, loop_types, weight_loop)
    out = (1.0 / 3.0) * (emb + rev_emb + loop_emb)
    out = out + bias
    # BatchNorm1d in training mode: batch statistics, biased variance
    mean = jnp.mean(out, axis=0)
    var = jnp.var(out, axis=0)
    out = (out - mean) / jnp.sqrt(var + 1e-5) * bn_gamma + bn_beta
    # activation is identity by default
    rel_out = jnp.matmul(rel_embed, weight_rel)[:-1]
    return out, rel_out

if __name__ == "__main__":
    import jax
    _d = setup_inputs()
    print(jax.jit(kernel)(*tuple(_d.values())))

</pallas_src>

<mosaic_0001>
#map = affine_map<(d0, d1) -> (0, 0)>
#map1 = affine_map<(d0, d1) -> (0, 0, 0, 0)>
#map2 = affine_map<(d0, d1) -> (0, 0, 0)>
module attributes {stable_mosaic.version = 14 : i64} {
  func.func @_sc_body(%arg0: i32, %arg1: i32, %arg2: memref<10000x128xf32, #tpu.memory_space<hbm>>, %arg3: memref<401x128xf32, #tpu.memory_space<hbm>>, %arg4: memref<2x16x250x40xi32, #tpu.memory_space<hbm>>, %arg5: memref<2x16x250x40xi32, #tpu.memory_space<hbm>>, %arg6: memref<2x16x250x40xi32, #tpu.memory_space<hbm>>, %arg7: memref<2x10000x128xf32, #tpu.memory_space<hbm>>, %arg8: memref<2x10000x16xf32, #tpu.memory_space<hbm>>, %arg9: memref<10000x128xf32, #tpu.memory_space<vmem_shared>>, %arg10: memref<10000x16xf32, #tpu.memory_space<vmem_shared>>, %arg11: memref<401x128xf32, #tpu.memory_space<vmem_shared>>, %arg12: memref<4x3x40xi32, #tpu.memory_space<vmem>>, %arg13: memref<2x40x128xf32, #tpu.memory_space<vmem>>, %arg14: memref<2x40x128xf32, #tpu.memory_space<vmem>>, %arg15: memref<2x40x128xf32, #tpu.memory_space<vmem>>, %arg16: memref<40x16xf32, #tpu.memory_space<vmem>>, %arg17: memref<4x!tpu.dma_semaphore, #tpu.memory_space<semaphore_mem>>, %arg18: memref<2x!tpu.dma_semaphore, #tpu.memory_space<semaphore_mem>>, %arg19: memref<2x!tpu.dma_semaphore, #tpu.memory_space<semaphore_mem>>, %arg20: memref<2x!tpu.dma_semaphore, #tpu.memory_space<semaphore_mem>>, %arg21: memref<2x!tpu.dma_semaphore, #tpu.memory_space<semaphore_mem>>) attributes {dimension_semantics = [#tpu.dimension_semantics<core_parallel>, #tpu.dimension_semantics<subcore_parallel>], iteration_bounds = array<i64: 2, 16>, scalar_prefetch = 0 : i64, scratch_operands = 13 : i64, tpu.core_type = #tpu.core_type<sc_vector_subcore>, window_params = [{transform_indices = #map}, {transform_indices = #map}, {transform_indices = #map1}, {transform_indices = #map1}, {transform_indices = #map1}, {transform_indices = #map2}, {transform_indices = #map2}]} {
    %eq3A = arith.constant 0 : i32
    %eq3A_0 = arith.cmpi eq, %arg1, %eq3A : i32
    %convert_element_type3A = arith.extui %eq3A_0 : i1 to i32
    %cond3A = arith.constant 0 : i32
    %cond3A_1 = arith.cmpi ne, %convert_element_type3A, %cond3A : i32
    scf.if %cond3A_1 {
      "tpu.region"() ({
        %run_scoped3A_851 = tpu.sem_alloc : memref<!tpu.dma_semaphore, #tpu.memory_space<semaphore_mem>>
        tpu.enqueue_dma source(%arg3 : memref<401x128xf32, #tpu.memory_space<hbm>>) target(%arg11 : memref<401x128xf32, #tpu.memory_space<vmem_shared>>) target_semaphore(%run_scoped3A_851 : memref<!tpu.dma_semaphore, #tpu.memory_space<semaphore_mem>>)
        tpu.wait_dma2 semaphore(%run_scoped3A_851 : memref<!tpu.dma_semaphore, #tpu.memory_space<semaphore_mem>>) src(%arg3 : memref<401x128xf32, #tpu.memory_space<hbm>>) dst(%arg11 : memref<401x128xf32, #tpu.memory_space<vmem_shared>>)
        tpu.yield
      }) : () -> ()
    } else {
    }
    %broadcast_in_dim3A = arith.constant 0.000000e+00 : f32
    %broadcast_in_dim3A_2 = vector.broadcast %broadcast_in_dim3A : f32 to vector<16xf32>
    %scan3A = arith.constant 0 : i32
    %scan3A_3 = arith.constant 0 : i32
    %scan3A_4 = arith.constant 40 : i32
    %scan3A_5 = arith.addi %scan3A_3, %scan3A_4 : i32
    %scan3A_6 = arith.constant 1 : i32
    scf.for %scan3A_851 = %scan3A_3 to %scan3A_5 step %scan3A_6  : i32 {
      %swap3A = arith.constant 0 : i32
      %swap3A_852 = arith.index_cast %swap3A : i32 to index
      %swap3A_853 = arith.index_cast %scan3A_851 : i32 to index
      %swap3A_854 = arith.constant 0 : index
      %swap3A_855 = tpu.vector_load %arg15[%swap3A_852, %swap3A_853, %swap3A_854] {strides = array<i32>} : memref<2x40x128xf32, #tpu.memory_space<vmem>>, vector<1x1x16xf32>,
      %swap3A_856 = vector.shape_cast %swap3A_855 : vector<1x1x16xf32> to vector<16xf32>
      %swap3A_857 = vector.shape_cast %broadcast_in_dim3A_2 : vector<16xf32> to vector<1x1x16xf32>
      tpu.vector_store %arg15[%swap3A_852, %swap3A_853, %swap3A_854], %swap3A_857 {strides = array<i32>} : memref<2x40x128xf32, #tpu.memory_space<vmem>>, vector<1x1x16xf32>,
      %swap3A_858 = arith.constant 0 : i32
      %swap3A_859 = arith.index_cast %swap3A_858 : i32 to index
      %swap3A_860 = arith.index_cast %scan3A_851 : i32 to index
      %swap3A_861 = arith.constant 16 : index
      %swap3A_862 = tpu.vector_load %arg15[%swap3A_859, %swap3A_860, %swap3A_861] {strides = array<i32>} : memref<2x40x128xf32, #tpu.memory_space<vmem>>, vector<1x1x16xf32>,
      %swap3A_863 = vector.shape_cast %swap3A_862 : vector<1x1x16xf32> to vector<16xf32>
      %swap3A_864 = vector.shape_cast %broadcast_in_dim3A_2 : vector<16xf32> to vector<1x1x16xf32>
      tpu.vector_store %arg15[%swap3A_859, %swap3A_860, %swap3A_861], %swap3A_864 {strides = array<i32>} : memref<2x40x128xf32, #tpu.memory_space<vmem>>, vector<1x1x16xf32>,
      %swap3A_865 = arith.constant 0 : i32
      %swap3A_866 = arith.index_cast %swap3A_865 : i32 to index
      %swap3A_867 = arith.index_cast %scan3A_851 : i32 to index
      %swap3A_868 = arith.constant 32 : index
      %swap3A_869 = tpu.vector_load %arg15[%swap3A_866, %swap3A_867, %swap3A_868] {strides = array<i32>} : memref<2x40x128xf32, #tpu.memory_space<vmem>>, vector<1x1x16xf32>,
      %swap3A_870 = vector.shape_cast %swap3A_869 : vector<1x1x16xf32> to vector<16xf32>
      %swap3A_871 = vector.shape_cast %broadcast_in_dim3A_2 : vector<16xf32> to vector<1x1x16xf32>
      tpu.vector_store %arg15[%swap3A_866, %swap3A_867, %swap3A_868], %swap3A_871 {strides = array<i32>} : memref<2x40x128xf32, #tpu.memory_space<vmem>>, vector<1x1x16xf32>,
      %swap3A_872 = arith.constant 0 : i32
      %swap3A_873 = arith.index_cast %swap3A_872 : i32 to index
      %swap3A_874 = arith.index_cast %scan3A_851 : i32 to index
      %swap3A_875 = arith.constant 48 : index
      %swap3A_876 = tpu.vector_load %arg15[%swap3A_873, %swap3A_874, %swap3A_875] {strides = array<i32>} : memref<2x40x128xf32, #tpu.memory_space<vmem>>, vector<1x1x16xf32>,
      %swap3A_877 = vector.shape_cast %swap3A_876 : vector<1x1x16xf32> to vector<16xf32>
      %swap3A_878 = vector.shape_cast %broadcast_in_dim3A_2 : vector<16xf32> to vector<1x1x16xf32>
      tpu.vector_store %arg15[%swap3A_873, %swap3A_874, %swap3A_875], %swap3A_878 {strides = array<i32>} : memref<2x40x128xf32, #tpu.memory_space<vmem>>, vector<1x1x16xf32>,
      %swap3A_879 = arith.constant 0 : i32
      %swap3A_880 = arith.index_cast %swap3A_879 : i32 to index
      %swap3A_881 = arith.index_cast %scan3A_851 : i32 to index
      %swap3A_882 = arith.constant 64 : index
      %swap3A_883 = tpu.vector_load %arg15[%swap3A_880, %swap3A_881, %swap3A_882] {strides = array<i32>} : memref<2x40x128xf32, #tpu.memory_space<vmem>>, vector<1x1x16xf32>,
      %swap3A_884 = vector.shape_cast %swap3A_883 : vector<1x1x16xf32> to vector<16xf32>
      %swap3A_885 = vector.shape_cast %broadcast_in_dim3A_2 : vector<16xf32> to vector<1x1x16xf32>
      tpu.vector_store %arg15[%swap3A_880, %swap3A_881, %swap3A_882], %swap3A_885 {strides = array<i32>} : memref<2x40x128xf32, #tpu.memory_space<vmem>>, vector<1x1x16xf32>,
      %swap3A_886 = arith.constant 0 : i32
      %swap3A_887 = arith.index_cast %swap3A_886 : i32 to index
      %swap3A_888 = arith.index_cast %scan3A_851 : i32 to index
      %swap3A_889 = arith.constant 80 : index
      %swap3A_890 = tpu.vector_load %arg15[%swap3A_887, %swap3A_888, %swap3A_889] {strides = array<i32>} : memref<2x40x128xf32, #tpu.memory_space<vmem>>, vector<1x1x16xf32>,
      %swap3A_891 = vector.shape_cast %swap3A_890 : vector<1x1x16xf32> to vector<16xf32>
      %swap3A_892 = vector.shape_cast %broadcast_in_dim3A_2 : vector<16xf32> to vector<1x1x16xf32>
      tpu.vector_store %arg15[%swap3A_887, %swap3A_888, %swap3A_889], %swap3A_892 {strides = array<i32>} : memref<2x40x128xf32, #tpu.memory_space<vmem>>, vector<1x1x16xf32>,
      %swap3A_893 = arith.constant 0 : i32
      %swap3A_894 = arith.index_cast %swap3A_893 : i32 to index
      %swap3A_895 = arith.index_cast %scan3A_851 : i32 to index
      %swap3A_896 = arith.constant 96 : index
      %swap3A_897 = tpu.vector_load %arg15[%swap3A_894, %swap3A_895, %swap3A_896] {strides = array<i32>} : memref<2x40x128xf32, #tpu.memory_space<vmem>>, vector<1x1x16xf32>,
      %swap3A_898 = vector.shape_cast %swap3A_897 : vector<1x1x16xf32> to vector<16xf32>
      %swap3A_899 = vector.shape_cast %broadcast_in_dim3A_2 : vector<16xf32> to vector<1x1x16xf32>
      tpu.vector_store %arg15[%swap3A_894, %swap3A_895, %swap3A_896], %swap3A_899 {strides = array<i32>} : memref<2x40x128xf32, #tpu.memory_space<vmem>>, vector<1x1x16xf32>,
      %swap3A_900 = arith.constant 0 : i32
      %swap3A_901 = arith.index_cast %swap3A_900 : i32 to index
      %swap3A_902 = arith.index_cast %scan3A_851 : i32 to index
      %swap3A_903 = arith.constant 112 : index
      %swap3A_904 = tpu.vector_load %arg15[%swap3A_901, %swap3A_902, %swap3A_903] {strides = array<i32>} : memref<2x40x128xf32, #tpu.memory_space<vmem>>, vector<1x1x16xf32>,
      %swap3A_905 = vector.shape_cast %swap3A_904 : vector<1x1x16xf32> to vector<16xf32>
      %swap3A_906 = vector.shape_cast %broadcast_in_dim3A_2 : vector<16xf32> to vector<1x1x16xf32>
      tpu.vector_store %arg15[%swap3A_901, %swap3A_902, %swap3A_903], %swap3A_906 {strides = array<i32>} : memref<2x40x128xf32, #tpu.memory_space<vmem>>, vector<1x1x16xf32>,
    }
    %scan3A_7 = arith.constant 40 : i32
    %mul3A = arith.constant 625 : i32
    %mul3A_8 = arith.muli %arg1, %mul3A : i32
    %add3A = arith.constant 0 : i32
    %add3A_9 = arith.addi %mul3A_8, %add3A : i32
    %run_scoped3A = arith.constant 0 : i32
    "tpu.region"() ({
      %run_scoped3A_851 = tpu.sem_alloc : memref<!tpu.dma_semaphore, #tpu.memory_space<semaphore_mem>>
      %dma_start3A_852 = arith.constant 0 : i32
      %dma_start3A_853 = arith.constant 0 : i32
      %dma_start3A_854 = tpu.memref_slice %arg15[%run_scoped3A, %dma_start3A_852, %dma_start3A_853] : memref<2x40x128xf32, #tpu.memory_space<vmem>> -> memref<1x40x128xf32, #tpu.memory_space<vmem>>
      %dma_start3A_855 = tpu.memref_squeeze %dma_start3A_854 : memref<1x40x128xf32, #tpu.memory_space<vmem>> -> memref<40x128xf32, #tpu.memory_space<vmem>>
      %dma_start3A_856 = arith.constant 0 : i32
      %dma_start3A_857 = tpu.memref_slice %arg9[%add3A_9, %dma_start3A_856] : memref<10000x128xf32, #tpu.memory_space<vmem_shared>> -> memref<40x128xf32, #tpu.memory_space<vmem_shared>>
      %dma_start3A_858 = arith.constant 0 : i32
      %dma_start3A_859 = tpu.memref_slice %arg9[%add3A_9, %dma_start3A_858] : memref<10000x128xf32, #tpu.memory_space<vmem_shared>> -> memref<40x128xf32, #tpu.memory_space<vmem_shared>>
      %dma_start3A_860 = arith.constant 0 : i32
      %dma_start3A_861 = arith.constant 0 : i32
      %dma_start3A_862 = tpu.memref_slice %arg15[%run_scoped3A, %dma_start3A_860, %dma_start3A_861] : memref<2x40x128xf32, #tpu.memory_space<vmem>> -> memref<1x40x128xf32, #tpu.memory_space<vmem>>
      %dma_start3A_863 = tpu.memref_squeeze %dma_start3A_862 : memref<1x40x128xf32, #tpu.memory_space<vmem>> -> memref<40x128xf32, #tpu.memory_space<vmem>>
      tpu.enqueue_dma source(%dma_start3A_863 : memref<40x128xf32, #tpu.memory_space<vmem>>) target(%dma_start3A_859 : memref<40x128xf32, #tpu.memory_space<vmem_shared>>) target_semaphore(%run_scoped3A_851 : memref<!tpu.dma_semaphore, #tpu.memory_space<semaphore_mem>>)
      %dma_wait3A_864 = arith.constant 0 : i32
      %dma_wait3A_865 = arith.constant 0 : i32
      %dma_wait3A_866 = tpu.memref_slice %arg15[%run_scoped3A, %dma_wait3A_864, %dma_wait3A_865] : memref<2x40x128xf32, #tpu.memory_space<vmem>> -> memref<1x40x128xf32, #tpu.memory_space<vmem>>
      %dma_wait3A_867 = tpu.memref_squeeze %dma_wait3A_866 : memref<1x40x128xf32, #tpu.memory_space<vmem>> -> memref<40x128xf32, #tpu.memory_space<vmem>>
      %dma_wait3A_868 = arith.constant 0 : i32
      %dma_wait3A_869 = tpu.memref_slice %arg9[%add3A_9, %dma_wait3A_868] : memref<10000x128xf32, #tpu.memory_space<vmem_shared>> -> memref<40x128xf32, #tpu.memory_space<vmem_shared>>
      %dma_wait3A_870 = arith.constant 0 : i32
      %dma_wait3A_871 = tpu.memref_slice %arg9[%add3A_9, %dma_wait3A_870] : memref<10000x128xf32, #tpu.memory_space<vmem_shared>> -> memref<40x128xf32, #tpu.memory_space<vmem_shared>>
      %dma_wait3A_872 = arith.constant 0 : i32
      %dma_wait3A_873 = arith.constant 0 : i32
      %dma_wait3A_874 = tpu.memref_slice %arg15[%run_scoped3A, %dma_wait3A_872, %dma_wait3A_873] : memref<2x40x128xf32, #tpu.memory_space<vmem>> -> memref<1x40x128xf32, #tpu.memory_space<vmem>>
      %dma_wait3A_875 = tpu.memref_squeeze %dma_wait3A_874 : memref<1x40x128xf32, #tpu.memory_space<vmem>> -> memref<40x128xf32, #tpu.memory_space<vmem>>
      tpu.wait_dma2 semaphore(%run_scoped3A_851 : memref<!tpu.dma_semaphore, #tpu.memory_space<semaphore_mem>>) src(%dma_wait3A_875 : memref<40x128xf32, #tpu.memory_space<vmem>>) dst(%dma_wait3A_871 : memref<40x128xf32, #tpu.memory_space<vmem_shared>>)
      tpu.yield
    }) : () -> ()
    %add3A_10 = arith.constant 40 : i32
    %add3A_11 = arith.addi %mul3A_8, %add3A_10 : i32
    %run_scoped3A_12 = arith.constant 0 : i32
    "tpu.region"() ({
      %run_scoped3A_851 = tpu.sem_alloc : memref<!tpu.dma_semaphore, #tpu.memory_space<semaphore_mem>>
      %dma_start3A_852 = arith.constant 0 : i32
      %dma_start3A_853 = arith.constant 0 : i32
      %dma_start3A_854 = tpu.memref_slice %arg15[%run_scoped3A_12, %dma_start3A_852, %dma_start3A_853] : memref<2x40x128xf32, #tpu.memory_space<vmem>> -> memref<1x40x128xf32, #tpu.memory_space<vmem>>
      %dma_start3A_855 = tpu.memref_squeeze %dma_start3A_854 : memref<1x40x128xf32, #tpu.memory_space<vmem>> -> memref<40x128xf32, #tpu.memory_space<vmem>>
      %dma_start3A_856 = arith.constant 0 : i32
      %dma_start3A_857 = tpu.memref_slice %arg9[%add3A_11, %dma_start3A_856] : memref<10000x128xf32, #tpu.memory_space<vmem_shared>> -> memref<40x128xf32, #tpu.memory_space<vmem_shared>>
      %dma_start3A_858 = arith.constant 0 : i32
      %dma_start3A_859 = tpu.memref_slice %arg9[%add3A_11, %dma_start3A_858] : memref<10000x128xf32, #tpu.memory_space<vmem_shared>> -> memref<40x128xf32, #tpu.memory_space<vmem_shared>>
      %dma_start3A_860 = arith.constant 0 : i32
      %dma_start3A_861 = arith.constant 0 : i32
      %dma_start3A_862 = tpu.memref_slice %arg15[%run_scoped3A_12, %dma_start3A_860, %dma_start3A_861] : memref<2x40x128xf32, #tpu.memory_space<vmem>> -> memref<1x40x128xf32, #tpu.memory_space<vmem>>
      %dma_start3A_863 = tpu.memref_squeeze %dma_start3A_862 : memref<1x40x128xf32, #tpu.memory_space<vmem>> -> memref<40x128xf32, #tpu.memory_space<vmem>>
      tpu.enqueue_dma source(%dma_start3A_863 : memref<40x128xf32, #tpu.memory_space<vmem>>) target(%dma_start3A_859 : memref<40x128xf32, #tpu.memory_space<vmem_shared>>) target_semaphore(%run_scoped3A_851 : memref<!tpu.dma_semaphore, #tpu.memory_space<semaphore_mem>>)
      %dma_wait3A_864 = arith.constant 0 : i32
      %dma_wait3A_865 = arith.constant 0 : i32
      %dma_wait3A_866 = tpu.memref_slice %arg15[%run_scoped3A_12, %dma_wait3A_864, %dma_wait3A_865] : memref<2x40x128xf32, #tpu.memory_space<vmem>> -> memref<1x40x128xf32, #tpu.memory_space<vmem>>
      %dma_wait3A_867 = tpu.memref_squeeze %dma_wait3A_866 : memref<1x40x128xf32, #tpu.memory_space<vmem>> -> memref<40x128xf32, #tpu.memory_space<vmem>>
      %dma_wait3A_868 = arith.constant 0 : i32
      %dma_wait3A_869 = tpu.memref_slice %arg9[%add3A_11, %dma_wait3A_868] : memref<10000x128xf32, #tpu.memory_space<vmem_shared>> -> memref<40x128xf32, #tpu.memory_space<vmem_shared>>
      %dma_wait3A_870 = arith.constant 0 : i32
      %dma_wait3A_871 = tpu.memref_slice %arg9[%add3A_11, %dma_wait3A_870] : memref<10000x128xf32, #tpu.memory_space<vmem_shared>> -> memref<40x128xf32, #tpu.memory_space<vmem_shared>>
      %dma_wait3A_872 = arith.constant 0 : i32
      %dma_wait3A_873 = arith.constant 0 : i32
      %dma_wait3A_874 = tpu.memref_slice %arg15[%run_scoped3A_12, %dma_wait3A_872, %dma_wait3A_873] : memref<2x40x128xf32, #tpu.memory_space<vmem>> -> memref<1x40x128xf32, #tpu.memory_space<vmem>>
      %dma_wait3A_875 = tpu.memref_squeeze %dma_wait3A_874 : memref<1x40x128xf32, #tpu.memory_space<vmem>> -> memref<40x128xf32, #tpu.memory_space<vmem>>
      tpu.wait_dma2 semaphore(%run_scoped3A_851 : memref<!tpu.dma_semaphore, #tpu.memory_space<semaphore_mem>>) src(%dma_wait3A_875 : memref<40x128xf32, #tpu.memory_space<vmem>>) dst(%dma_wait3A_871 : memref<40x128xf32, #tpu.memory_space<vmem_shared>>)
      tpu.yield
    }) : () -> ()
    %add3A_13 = arith.constant 80 : i32
    %add3A_14 = arith.addi %mul3A_8, %add3A_13 : i32
    %run_scoped3A_15 = arith.constant 0 : i32
    "tpu.region"() ({
      %run_scoped3A_851 = tpu.sem_alloc : memref<!tpu.dma_semaphore, #tpu.memory_space<semaphore_mem>>
      %dma_start3A_852 = arith.constant 0 : i32
      %dma_start3A_853 = arith.constant 0 : i32
      %dma_start3A_854 = tpu.memref_slice %arg15[%run_scoped3A_15, %dma_start3A_852, %dma_start3A_853] : memref<2x40x128xf32, #tpu.memory_space<vmem>> -> memref<1x40x128xf32, #tpu.memory_space<vmem>>
      %dma_start3A_855 = tpu.memref_squeeze %dma_start3A_854 : memref<1x40x128xf32, #tpu.memory_space<vmem>> -> memref<40x128xf32, #tpu.memory_space<vmem>>
      %dma_start3A_856 = arith.constant 0 : i32
      %dma_start3A_857 = tpu.memref_slice %arg9[%add3A_14, %dma_start3A_856] : memref<10000x128xf32, #tpu.memory_space<vmem_shared>> -> memref<40x128xf32, #tpu.memory_space<vmem_shared>>
      %dma_start3A_858 = arith.constant 0 : i32
      %dma_start3A_859 = tpu.memref_slice %arg9[%add3A_14, %dma_start3A_858] : memref<10000x128xf32, #tpu.memory_space<vmem_shared>> -> memref<40x128xf32, #tpu.memory_space<vmem_shared>>
      %dma_start3A_860 = arith.constant 0 : i32
      %dma_start3A_861 = arith.constant 0 : i32
      %dma_start3A_862 = tpu.memref_slice %arg15[%run_scoped3A_15, %dma_start3A_860, %dma_start3A_861] : memref<2x40x128xf32, #tpu.memory_space<vmem>> -> memref<1x40x128xf32, #tpu.memory_space<vmem>>
      %dma_start3A_863 = tpu.memref_squeeze %dma_start3A_862 : memref<1x40x128xf32, #tpu.memory_space<vmem>> -> memref<40x128xf32, #tpu.memory_space<vmem>>
      tpu.enqueue_dma source(%dma_start3A_863 : memref<40x128xf32, #tpu.memory_space<vmem>>) target(%dma_start3A_859 : memref<40x128xf32, #tpu.memory_space<vmem_shared>>) target_semaphore(%run_scoped3A_851 : memref<!tpu.dma_semaphore, #tpu.memory_space<semaphore_mem>>)
      %dma_wait3A_864 = arith.constant 0 : i32
      %dma_wait3A_865 = arith.constant 0 : i32
      %dma_wait3A_866 = tpu.memref_slice %arg15[%run_scoped3A_15, %dma_wait3A_864, %dma_wait3A_865] : memref<2x40x128xf32, #tpu.memory_space<vmem>> -> memref<1x40x128xf32, #tpu.memory_space<vmem>>
      %dma_wait3A_867 = tpu.memref_squeeze %dma_wait3A_866 : memref<1x40x128xf32, #tpu.memory_space<vmem>> -> memref<40x128xf32, #tpu.memory_space<vmem>>
      %dma_wait3A_868 = arith.constant 0 : i32
      %dma_wait3A_869 = tpu.memref_slice %arg9[%add3A_14, %dma_wait3A_868] : memref<10000x128xf32, #tpu.memory_space<vmem_shared>> -> memref<40x128xf32, #tpu.memory_space<vmem_shared>>
      %dma_wait3A_870 = arith.constant 0 : i32
      %dma_wait3A_871 = tpu.memref_slice %arg9[%add3A_14, %dma_wait3A_870] : memref<10000x128xf32, #tpu.memory_space<vmem_shared>> -> memref<40x128xf32, #tpu.memory_space<vmem_shared>>
      %dma_wait3A_872 = arith.constant 0 : i32
      %dma_wait3A_873 = arith.constant 0 : i32
      %dma_wait3A_874 = tpu.memref_slice %arg15[%run_scoped3A_15, %dma_wait3A_872, %dma_wait3A_873] : memref<2x40x128xf32, #tpu.memory_space<vmem>> -> memref<1x40x128xf32, #tpu.memory_space<vmem>>
      %dma_wait3A_875 = tpu.memref_squeeze %dma_wait3A_874 : memref<1x40x128xf32, #tpu.memory_space<vmem>> -> memref<40x128xf32, #tpu.memory_space<vmem>>
      tpu.wait_dma2 semaphore(%run_scoped3A_851 : memref<!tpu.dma_semaphore, #tpu.memory_space<semaphore_mem>>) src(%dma_wait3A_875 : memref<40x128xf32, #tpu.memory_space<vmem>>) dst(%dma_wait3A_871 : memref<40x128xf32, #tpu.memory_space<vmem_shared>>)
      tpu.yield
    }) : () -> ()
    %add3A_16 = arith.constant 120 : i32
    %add3A_17 = arith.addi %mul3A_8, %add3A_16 : i32
    %run_scoped3A_18 = arith.constant 0 : i32
    "tpu.region"() ({
      %run_scoped3A_851 = tpu.sem_alloc : memref<!tpu.dma_semaphore, #tpu.memory_space<semaphore_mem>>
      %dma_start3A_852 = arith.constant 0 : i32
      %dma_start3A_853 = arith.constant 0 : i32
      %dma_start3A_854 = tpu.memref_slice %arg15[%run_scoped3A_18, %dma_start3A_852, %dma_start3A_853] : memref<2x40x128xf32, #tpu.memory_space<vmem>> -> memref<1x40x128xf32, #tpu.memory_space<vmem>>
      %dma_start3A_855 = tpu.memref_squeeze %dma_start3A_854 : memref<1x40x128xf32, #tpu.memory_space<vmem>> -> memref<40x128xf32, #tpu.memory_space<vmem>>
      %dma_start3A_856 = arith.constant 0 : i32
      %dma_start3A_857 = tpu.memref_slice %arg9[%add3A_17, %dma_start3A_856] : memref<10000x128xf32, #tpu.memory_space<vmem_shared>> -> memref<40x128xf32, #tpu.memory_space<vmem_shared>>
      %dma_start3A_858 = arith.constant 0 : i32
      %dma_start3A_859 = tpu.memref_slice %arg9[%add3A_17, %dma_start3A_858] : memref<10000x128xf32, #tpu.memory_space<vmem_shared>> -> memref<40x128xf32, #tpu.memory_space<vmem_shared>>
      %dma_start3A_860 = arith.constant 0 : i32
      %dma_start3A_861 = arith.constant 0 : i32
      %dma_start3A_862 = tpu.memref_slice %arg15[%run_scoped3A_18, %dma_start3A_860, %dma_start3A_861] : memref<2x40x128xf32, #tpu.memory_space<vmem>> -> memref<1x40x128xf32, #tpu.memory_space<vmem>>
      %dma_start3A_863 = tpu.memref_squeeze %dma_start3A_862 : memref<1x40x128xf32, #tpu.memory_space<vmem>> -> memref<40x128xf32, #tpu.memory_space<vmem>>
      tpu.enqueue_dma source(%dma_start3A_863 : memref<40x128xf32, #tpu.memory_space<vmem>>) target(%dma_start3A_859 : memref<40x128xf32, #tpu.memory_space<vmem_shared>>) target_semaphore(%run_scoped3A_851 : memref<!tpu.dma_semaphore, #tpu.memory_space<semaphore_mem>>)
      %dma_wait3A_864 = arith.constant 0 : i32
      %dma_wait3A_865 = arith.constant 0 : i32
      %dma_wait3A_866 = tpu.memref_slice %arg15[%run_scoped3A_18, %dma_wait3A_864, %dma_wait3A_865] : memref<2x40x128xf32, #tpu.memory_space<vmem>> -> memref<1x40x128xf32, #tpu.memory_space<vmem>>
      %dma_wait3A_867 = tpu.memref_squeeze %dma_wait3A_866 : memref<1x40x128xf32, #tpu.memory_space<vmem>> -> memref<40x128xf32, #tpu.memory_space<vmem>>
      %dma_wait3A_868 = arith.constant 0 : i32
      %dma_wait3A_869 = tpu.memref_slice %arg9[%add3A_17, %dma_wait3A_868] : memref<10000x128xf32, #tpu.memory_space<vmem_shared>> -> memref<40x128xf32, #tpu.memory_space<vmem_shared>>
      %dma_wait3A_870 = arith.constant 0 : i32
      %dma_wait3A_871 = tpu.memref_slice %arg9[%add3A_17, %dma_wait3A_870] : memref<10000x128xf32, #tpu.memory_space<vmem_shared>> -> memref<40x128xf32, #tpu.memory_space<vmem_shared>>
      %dma_wait3A_872 = arith.constant 0 : i32
      %dma_wait3A_873 = arith.constant 0 : i32
      %dma_wait3A_874 = tpu.memref_slice %arg15[%run_scoped3A_18, %dma_wait3A_872, %dma_wait3A_873] : memref<2x40x128xf32, #tpu.memory_space<vmem>> -> memref<1x40x128xf32, #tpu.memory_space<vmem>>
      %dma_wait3A_875 = tpu.memref_squeeze %dma_wait3A_874 : memref<1x40x128xf32, #tpu.memory_space<vmem>> -> memref<40x128xf32, #tpu.memory_space<vmem>>
      tpu.wait_dma2 semaphore(%run_scoped3A_851 : memref<!tpu.dma_semaphore, #tpu.memory_space<semaphore_mem>>) src(%dma_wait3A_875 : memref<40x128xf32, #tpu.memory_space<vmem>>) dst(%dma_wait3A_871 : memref<40x128xf32, #tpu.memory_space<vmem_shared>>)
      tpu.yield
    }) : () -> ()
    %add3A_19 = arith.constant 160 : i32
    %add3A_20 = arith.addi %mul3A_8, %add3A_19 : i32
    %run_scoped3A_21 = arith.constant 0 : i32
    "tpu.region"() ({
      %run_scoped3A_851 = tpu.sem_alloc : memref<!tpu.dma_semaphore, #tpu.memory_space<semaphore_mem>>
      %dma_start3A_852 = arith.constant 0 : i32
      %dma_start3A_853 = arith.constant 0 : i32
      %dma_start3A_854 = tpu.memref_slice %arg15[%run_scoped3A_21, %dma_start3A_852, %dma_start3A_853] : memref<2x40x128xf32, #tpu.memory_space<vmem>> -> memref<1x40x128xf32, #tpu.memory_space<vmem>>
      %dma_start3A_855 = tpu.memref_squeeze %dma_start3A_854 : memref<1x40x128xf32, #tpu.memory_space<vmem>> -> memref<40x128xf32, #tpu.memory_space<vmem>>
      %dma_start3A_856 = arith.constant 0 : i32
      %dma_start3A_857 = tpu.memref_slice %arg9[%add3A_20, %dma_start3A_856] : memref<10000x128xf32, #tpu.memory_space<vmem_shared>> -> memref<40x128xf32, #tpu.memory_space<vmem_shared>>
      %dma_start3A_858 = arith.constant 0 : i32
      %dma_start3A_859 = tpu.memref_slice %arg9[%add3A_20, %dma_start3A_858] : memref<10000x128xf32, #tpu.memory_space<vmem_shared>> -> memref<40x128xf32, #tpu.memory_space<vmem_shared>>
      %dma_start3A_860 = arith.constant 0 : i32
      %dma_start3A_861 = arith.constant 0 : i32
      %dma_start3A_862 = tpu.memref_slice %arg15[%run_scoped3A_21, %dma_start3A_860, %dma_start3A_861] : memref<2x40x128xf32, #tpu.memory_space<vmem>> -> memref<1x40x128xf32, #tpu.memory_space<vmem>>
      %dma_start3A_863 = tpu.memref_squeeze %dma_start3A_862 : memref<1x40x128xf32, #tpu.memory_space<vmem>> -> memref<40x128xf32, #tpu.memory_space<vmem>>
      tpu.enqueue_dma source(%dma_start3A_863 : memref<40x128xf32, #tpu.memory_space<vmem>>) target(%dma_start3A_859 : memref<40x128xf32, #tpu.memory_space<vmem_shared>>) target_semaphore(%run_scoped3A_851 : memref<!tpu.dma_semaphore, #tpu.memory_space<semaphore_mem>>)
      %dma_wait3A_864 = arith.constant 0 : i32
      %dma_wait3A_865 = arith.constant 0 : i32
      %dma_wait3A_866 = tpu.memref_slice %arg15[%run_scoped3A_21, %dma_wait3A_864, %dma_wait3A_865] : memref<2x40x128xf32, #tpu.memory_space<vmem>> -> memref<1x40x128xf32, #tpu.memory_space<vmem>>
      %dma_wait3A_867 = tpu.memref_squeeze %dma_wait3A_866 : memref<1x40x128xf32, #tpu.memory_space<vmem>> -> memref<40x128xf32, #tpu.memory_space<vmem>>
      %dma_wait3A_868 = arith.constant 0 : i32
      %dma_wait3A_869 = tpu.memref_slice %arg9[%add3A_20, %dma_wait3A_868] : memref<10000x128xf32, #tpu.memory_space<vmem_shared>> -> memref<40x128xf32, #tpu.memory_space<vmem_shared>>
      %dma_wait3A_870 = arith.constant 0 : i32
      %dma_wait3A_871 = tpu.memref_slice %arg9[%add3A_20, %dma_wait3A_870] : memref<10000x128xf32, #tpu.memory_space<vmem_shared>> -> memref<40x128xf32, #tpu.memory_space<vmem_shared>>
      %dma_wait3A_872 = arith.constant 0 : i32
      %dma_wait3A_873 = arith.constant 0 : i32
      %dma_wait3A_874 = tpu.memref_slice %arg15[%run_scoped3A_21, %dma_wait3A_872, %dma_wait3A_873] : memref<2x40x128xf32, #tpu.memory_space<vmem>> -> memref<1x40x128xf32, #tpu.memory_space<vmem>>
      %dma_wait3A_875 = tpu.memref_squeeze %dma_wait3A_874 : memref<1x40x128xf32, #tpu.memory_space<vmem>> -> memref<40x128xf32, #tpu.memory_space<vmem>>
      tpu.wait_dma2 semaphore(%run_scoped3A_851 : memref<!tpu.dma_semaphore, #tpu.memory_space<semaphore_mem>>) src(%dma_wait3A_875 : memref<40x128xf32, #tpu.memory_space<vmem>>) dst(%dma_wait3A_871 : memref<40x128xf32, #tpu.memory_space<vmem_shared>>)
      tpu.yield
    }) : () -> ()
    %add3A_22 = arith.constant 200 : i32
    %add3A_23 = arith.addi %mul3A_8, %add3A_22 : i32
    %run_scoped3A_24 = arith.constant 0 : i32
    "tpu.region"() ({
      %run_scoped3A_851 = tpu.sem_alloc : memref<!tpu.dma_semaphore, #tpu.memory_space<semaphore_mem>>
      %dma_start3A_852 = arith.constant 0 : i32
      %dma_start3A_853 = arith.constant 0 : i32
      %dma_start3A_854 = tpu.memref_slice %arg15[%run_scoped3A_24, %dma_start3A_852, %dma_start3A_853] : memref<2x40x128xf32, #tpu.memory_space<vmem>> -> memref<1x40x128xf32, #tpu.memory_space<vmem>>
      %dma_start3A_855 = tpu.memref_squeeze %dma_start3A_854 : memref<1x40x128xf32, #tpu.memory_space<vmem>> -> memref<40x128xf32, #tpu.memory_space<vmem>>
      %dma_start3A_856 = arith.constant 0 : i32
      %dma_start3A_857 = tpu.memref_slice %arg9[%add3A_23, %dma_start3A_856] : memref<10000x128xf32, #tpu.memory_space<vmem_shared>> -> memref<40x128xf32, #tpu.memory_space<vmem_shared>>
      %dma_start3A_858 = arith.constant 0 : i32
      %dma_start3A_859 = tpu.memref_slice %arg9[%add3A_23, %dma_start3A_858] : memref<10000x128xf32, #tpu.memory_space<vmem_shared>> -> memref<40x128xf32, #tpu.memory_space<vmem_shared>>
      %dma_start3A_860 = arith.constant 0 : i32
      %dma_start3A_861 = arith.constant 0 : i32
      %dma_start3A_862 = tpu.memref_slice %arg15[%run_scoped3A_24, %dma_start3A_860, %dma_start3A_861] : memref<2x40x128xf32, #tpu.memory_space<vmem>> -> memref<1x40x128xf32, #tpu.memory_space<vmem>>
      %dma_start3A_863 = tpu.memref_squeeze %dma_start3A_862 : memref<1x40x128xf32, #tpu.memory_space<vmem>> -> memref<40x128xf32, #tpu.memory_space<vmem>>
      tpu.enqueue_dma source(%dma_start3A_863 : memref<40x128xf32, #tpu.memory_space<vmem>>) target(%dma_start3A_859 : memref<40x128xf32, #tpu.memory_space<vmem_shared>>) target_semaphore(%run_scoped3A_851 : memref<!tpu.dma_semaphore, #tpu.memory_space<semaphore_mem>>)
      %dma_wait3A_864 = arith.constant 0 : i32
      %dma_wait3A_865 = arith.constant 0 : i32
      %dma_wait3A_866 = tpu.memref_slice %arg15[%run_scoped3A_24, %dma_wait3A_864, %dma_wait3A_865] : memref<2x40x128xf32, #tpu.memory_space<vmem>> -> memref<1x40x128xf32, #tpu.memory_space<vmem>>
      %dma_wait3A_867 = tpu.memref_squeeze %dma_wait3A_866 : memref<1x40x128xf32, #tpu.memory_space<vmem>> -> memref<40x128xf32, #tpu.memory_space<vmem>>
      %dma_wait3A_868 = arith.constant 0 : i32
      %dma_wait3A_869 = tpu.memref_slice %arg9[%add3A_23, %dma_wait3A_868] : memref<10000x128xf32, #tpu.memory_space<vmem_shared>> -> memref<40x128xf32, #tpu.memory_space<vmem_shared>>
      %dma_wait3A_870 = arith.constant 0 : i32
      %dma_wait3A_871 = tpu.memref_slice %arg9[%add3A_23, %dma_wait3A_870] : memref<10000x128xf32, #tpu.memory_space<vmem_shared>> -> memref<40x128xf32, #tpu.memory_space<vmem_shared>>
      %dma_wait3A_872 = arith.constant 0 : i32
      %dma_wait3A_873 = arith.constant 0 : i32
      %dma_wait3A_874 = tpu.memref_slice %arg15[%run_scoped3A_24, %dma_wait3A_872, %dma_wait3A_873] : memref<2x40x128xf32, #tpu.memory_space<vmem>> -> memref<1x40x128xf32, #tpu.memory_space<vmem>>
      %dma_wait3A_875 = tpu.memref_squeeze %dma_wait3A_874 : memref<1x40x128xf32, #tpu.memory_space<vmem>> -> memref<40x128xf32, #tpu.memory_space<vmem>>
      tpu.wait_dma2 semaphore(%run_scoped3A_851 : memref<!tpu.dma_semaphore, #tpu.memory_space<semaphore_mem>>) src(%dma_wait3A_875 : memref<40x128xf32, #tpu.memory_space<vmem>>) dst(%dma_wait3A_871 : memref<40x128xf32, #tpu.memory_space<vmem_shared>>)
      tpu.yield
    }) : () -> ()
    %add3A_25 = arith.constant 240 : i32
    %add3A_26 = arith.addi %mul3A_8, %add3A_25 : i32
    %run_scoped3A_27 = arith.constant 0 : i32
    "tpu.region"() ({
      %run_scoped3A_851 = tpu.sem_alloc : memref<!tpu.dma_semaphore, #tpu.memory_space<semaphore_mem>>
      %dma_start3A_852 = arith.constant 0 : i32
      %dma_start3A_853 = arith.constant 0 : i32
      %dma_start3A_854 = tpu.memref_slice %arg15[%run_scoped3A_27, %dma_start3A_852, %dma_start3A_853] : memref<2x40x128xf32, #tpu.memory_space<vmem>> -> memref<1x40x128xf32, #tpu.memory_space<vmem>>
      %dma_start3A_855 = tpu.memref_squeeze %dma_start3A_854 : memref<1x40x128xf32, #tpu.memory_space<vmem>> -> memref<40x128xf32, #tpu.memory_space<vmem>>
      %dma_start3A_856 = arith.constant 0 : i32
      %dma_start3A_857 = tpu.memref_slice %arg9[%add3A_26, %dma_start3A_856] : memref<10000x128xf32, #tpu.memory_space<vmem_shared>> -> memref<40x128xf32, #tpu.memory_space<vmem_shared>>
      %dma_start3A_858 = arith.constant 0 : i32
      %dma_start3A_859 = tpu.memref_slice %arg9[%add3A_26, %dma_start3A_858] : memref<10000x128xf32, #tpu.memory_space<vmem_shared>> -> memref<40x128xf32, #tpu.memory_space<vmem_shared>>
      %dma_start3A_860 = arith.constant 0 : i32
      %dma_start3A_861 = arith.constant 0 : i32
      %dma_start3A_862 = tpu.memref_slice %arg15[%run_scoped3A_27, %dma_start3A_860, %dma_start3A_861] : memref<2x40x128xf32, #tpu.memory_space<vmem>> -> memref<1x40x128xf32, #tpu.memory_space<vmem>>
      %dma_start3A_863 = tpu.memref_squeeze %dma_start3A_862 : memref<1x40x128xf32, #tpu.memory_space<vmem>> -> memref<40x128xf32, #tpu.memory_space<vmem>>
      tpu.enqueue_dma source(%dma_start3A_863 : memref<40x128xf32, #tpu.memory_space<vmem>>) target(%dma_start3A_859 : memref<40x128xf32, #tpu.memory_space<vmem_shared>>) target_semaphore(%run_scoped3A_851 : memref<!tpu.dma_semaphore, #tpu.memory_space<semaphore_mem>>)
      %dma_wait3A_864 = arith.constant 0 : i32
      %dma_wait3A_865 = arith.constant 0 : i32
      %dma_wait3A_866 = tpu.memref_slice %arg15[%run_scoped3A_27, %dma_wait3A_864, %dma_wait3A_865] : memref<2x40x128xf32, #tpu.memory_space<vmem>> -> memref<1x40x128xf32, #tpu.memory_space<vmem>>
      %dma_wait3A_867 = tpu.memref_squeeze %dma_wait3A_866 : memref<1x40x128xf32, #tpu.memory_space<vmem>> -> memref<40x128xf32, #tpu.memory_space<vmem>>
      %dma_wait3A_868 = arith.constant 0 : i32
      %dma_wait3A_869 = tpu.memref_slice %arg9[%add3A_26, %dma_wait3A_868] : memref<10000x128xf32, #tpu.memory_space<vmem_shared>> -> memref<40x128xf32, #tpu.memory_space<vmem_shared>>
      %dma_wait3A_870 = arith.constant 0 : i32
      %dma_wait3A_871 = tpu.memref_slice %arg9[%add3A_26, %dma_wait3A_870] : memref<10000x128xf32, #tpu.memory_space<vmem_shared>> -> memref<40x128xf32, #tpu.memory_space<vmem_shared>>
      %dma_wait3A_872 = arith.constant 0 : i32
      %dma_wait3A_873 = arith.constant 0 : i32
      %dma_wait3A_874 = tpu.memref_slice %arg15[%run_scoped3A_27, %dma_wait3A_872, %dma_wait3A_873] : memref<2x40x128xf32, #tpu.memory_space<vmem>> -> memref<1x40x128xf32, #tpu.memory_space<vmem>>
      %dma_wait3A_875 = tpu.memref_squeeze %dma_wait3A_874 : memref<1x40x128xf32, #tpu.memory_space<vmem>> -> memref<40x128xf32, #tpu.memory_space<vmem>>
      tpu.wait_dma2 semaphore(%run_scoped3A_851 : memref<!tpu.dma_semaphore, #tpu.memory_space<semaphore_mem>>) src(%dma_wait3A_875 : memref<40x128xf32, #tpu.memory_space<vmem>>) dst(%dma_wait3A_871 : memref<40x128xf32, #tpu.memory_space<vmem_shared>>)
      tpu.yield
    }) : () -> ()
    %add3A_28 = arith.constant 280 : i32
    %add3A_29 = arith.addi %mul3A_8, %add3A_28 : i32
    %run_scoped3A_30 = arith.constant 0 : i32
    "tpu.region"() ({
      %run_scoped3A_851 = tpu.sem_alloc : memref<!tpu.dma_semaphore, #tpu.memory_space<semaphore_mem>>
      %dma_start3A_852 = arith.constant 0 : i32
      %dma_start3A_853 = arith.constant 0 : i32
      %dma_start3A_854 = tpu.memref_slice %arg15[%run_scoped3A_30, %dma_start3A_852, %dma_start3A_853] : memref<2x40x128xf32, #tpu.memory_space<vmem>> -> memref<1x40x128xf32, #tpu.memory_space<vmem>>
      %dma_start3A_855 = tpu.memref_squeeze %dma_start3A_854 : memref<1x40x128xf32, #tpu.memory_space<vmem>> -> memref<40x128xf32, #tpu.memory_space<vmem>>
      %dma_start3A_856 = arith.constant 0 : i32
      %dma_start3A_857 = tpu.memref_slice %arg9[%add3A_29, %dma_start3A_856] : memref<10000x128xf32, #tpu.memory_space<vmem_shared>> -> memref<40x128xf32, #tpu.memory_space<vmem_shared>>
      %dma_start3A_858 = arith.constant 0 : i32
      %dma_start3A_859 = tpu.memref_slice %arg9[%add3A_29, %dma_start3A_858] : memref<10000x128xf32, #tpu.memory_space<vmem_shared>> -> memref<40x128xf32, #tpu.memory_space<vmem_shared>>
      %dma_start3A_860 = arith.constant 0 : i32
      %dma_start3A_861 = arith.constant 0 : i32
      %dma_start3A_862 = tpu.memref_slice %arg15[%run_scoped3A_30, %dma_start3A_860, %dma_start3A_861] : memref<2x40x128xf32, #tpu.memory_space<vmem>> -> memref<1x40x128xf32, #tpu.memory_space<vmem>>
      %dma_start3A_863 = tpu.memref_squeeze %dma_start3A_862 : memref<1x40x128xf32, #tpu.memory_space<vmem>> -> memref<40x128xf32, #tpu.memory_space<vmem>>
      tpu.enqueue_dma source(%dma_start3A_863 : memref<40x128xf32, #tpu.memory_space<vmem>>) target(%dma_start3A_859 : memref<40x128xf32, #tpu.memory_space<vmem_shared>>) target_semaphore(%run_scoped3A_851 : memref<!tpu.dma_semaphore, #tpu.memory_space<semaphore_mem>>)
      %dma_wait3A_864 = arith.constant 0 : i32
      %dma_wait3A_865 = arith.constant 0 : i32
      %dma_wait3A_866 = tpu.memref_slice %arg15[%run_scoped3A_30, %dma_wait3A_864, %dma_wait3A_865] : memref<2x40x128xf32, #tpu.memory_space<vmem>> -> memref<1x40x128xf32, #tpu.memory_space<vmem>>
      %dma_wait3A_867 = tpu.memref_squeeze %dma_wait3A_866 : memref<1x40x128xf32, #tpu.memory_space<vmem>> -> memref<40x128xf32, #tpu.memory_space<vmem>>
      %dma_wait3A_868 = arith.constant 0 : i32
      %dma_wait3A_869 = tpu.memref_slice %arg9[%add3A_29, %dma_wait3A_868] : memref<10000x128xf32, #tpu.memory_space<vmem_shared>> -> memref<40x128xf32, #tpu.memory_space<vmem_shared>>
      %dma_wait3A_870 = arith.constant 0 : i32
      %dma_wait3A_871 = tpu.memref_slice %arg9[%add3A_29, %dma_wait3A_870] : memref<10000x128xf32, #tpu.memory_space<vmem_shared>> -> memref<40x128xf32, #tpu.memory_space<vmem_shared>>
      %dma_wait3A_872 = arith.constant 0 : i32
      %dma_wait3A_873 = arith.constant 0 : i32
      %dma_wait3A_874 = tpu.memref_slice %arg15[%run_scoped3A_30, %dma_wait3A_872, %dma_wait3A_873] : memref<2x40x128xf32, #tpu.memory_space<vmem>> -> memref<1x40x128xf32, #tpu.memory_space<vmem>>
      %dma_wait3A_875 = tpu.memref_squeeze %dma_wait3A_874 : memref<1x40x128xf32, #tpu.memory_space<vmem>> -> memref<40x128xf32, #tpu.memory_space<vmem>>
      tpu.wait_dma2 semaphore(%run_scoped3A_851 : memref<!tpu.dma_semaphore, #tpu.memory_space<semaphore_mem>>) src(%dma_wait3A_875 : memref<40x128xf32, #tpu.memory_space<vmem>>) dst(%dma_wait3A_871 : memref<40x128xf32, #tpu.memory_space<vmem_shared>>)
      tpu.yield
    }) : () -> ()
    %add3A_31 = arith.constant 320 : i32
    %add3A_32 = arith.addi %mul3A_8, %add3A_31 : i32
    %run_scoped3A_33 = arith.constant 0 : i32
    "tpu.region"() ({
      %run_scoped3A_851 = tpu.sem_alloc : memref<!tpu.dma_semaphore, #tpu.memory_space<semaphore_mem>>
      %dma_start3A_852 = arith.constant 0 : i32
      %dma_start3A_853 = arith.constant 0 : i32
      %dma_start3A_854 = tpu.memref_slice %arg15[%run_scoped3A_33, %dma_start3A_852, %dma_start3A_853] : memref<2x40x128xf32, #tpu.memory_space<vmem>> -> memref<1x40x128xf32, #tpu.memory_space<vmem>>
      %dma_start3A_855 = tpu.memref_squeeze %dma_start3A_854 : memref<1x40x128xf32, #tpu.memory_space<vmem>> -> memref<40x128xf32, #tpu.memory_space<vmem>>
      %dma_start3A_856 = arith.constant 0 : i32
      %dma_start3A_857 = tpu.memref_slice %arg9[%add3A_32, %dma_start3A_856] : memref<10000x128xf32, #tpu.memory_space<vmem_shared>> -> memref<40x128xf32, #tpu.memory_space<vmem_shared>>
      %dma_start3A_858 = arith.constant 0 : i32
      %dma_start3A_859 = tpu.memref_slice %arg9[%add3A_32, %dma_start3A_858] : memref<10000x128xf32, #tpu.memory_space<vmem_shared>> -> memref<40x128xf32, #tpu.memory_space<vmem_shared>>
      %dma_start3A_860 = arith.constant 0 : i32
      %dma_start3A_861 = arith.constant 0 : i32
      %dma_start3A_862 = tpu.memref_slice %arg15[%run_scoped3A_33, %dma_start3A_860, %dma_start3A_861] : memref<2x40x128xf32, #tpu.memory_space<vmem>> -> memref<1x40x128xf32, #tpu.memory_space<vmem>>
      %dma_start3A_863 = tpu.memref_squeeze %dma_start3A_862 : memref<1x40x128xf32, #tpu.memory_space<vmem>> -> memref<40x128xf32, #tpu.memory_space<vmem>>
      tpu.enqueue_dma source(%dma_start3A_863 : memref<40x128xf32, #tpu.memory_space<vmem>>) target(%dma_start3A_859 : memref<40x128xf32, #tpu.memory_space<vmem_shared>>) target_semaphore(%run_scoped3A_851 : memref<!tpu.dma_semaphore, #tpu.memory_space<semaphore_mem>>)
      %dma_wait3A_864 = arith.constant 0 : i32
      %dma_wait3A_865 = arith.constant 0 : i32
      %dma_wait3A_866 = tpu.memref_slice %arg15[%run_scoped3A_33, %dma_wait3A_864, %dma_wait3A_865] : memref<2x40x128xf32, #tpu.memory_space<vmem>> -> memref<1x40x128xf32, #tpu.memory_space<vmem>>
      %dma_wait3A_867 = tpu.memref_squeeze %dma_wait3A_866 : memref<1x40x128xf32, #tpu.memory_space<vmem>> -> memref<40x128xf32, #tpu.memory_space<vmem>>
      %dma_wait3A_868 = arith.constant 0 : i32
      %dma_wait3A_869 = tpu.memref_slice %arg9[%add3A_32, %dma_wait3A_868] : memref<10000x128xf32, #tpu.memory_space<vmem_shared>> -> memref<40x128xf32, #tpu.memory_space<vmem_shared>>
      %dma_wait3A_870 = arith.constant 0 : i32
      %dma_wait3A_871 = tpu.memref_slice %arg9[%add3A_32, %dma_wait3A_870] : memref<10000x128xf32, #tpu.memory_space<vmem_shared>> -> memref<40x128xf32, #tpu.memory_space<vmem_shared>>
      %dma_wait3A_872 = arith.constant 0 : i32
      %dma_wait3A_873 = arith.constant 0 : i32
      %dma_wait3A_874 = tpu.memref_slice %arg15[%run_scoped3A_33, %dma_wait3A_872, %dma_wait3A_873] : memref<2x40x128xf32, #tpu.memory_space<vmem>> -> memref<1x40x128xf32, #tpu.memory_space<vmem>>
      %dma_wait3A_875 = tpu.memref_squeeze %dma_wait3A_874 : memref<1x40x128xf32, #tpu.memory_space<vmem>> -> memref<40x128xf32, #tpu.memory_space<vmem>>
      tpu.wait_dma2 semaphore(%run_scoped3A_851 : memref<!tpu.dma_semaphore, #tpu.memory_space<semaphore_mem>>) src(%dma_wait3A_875 : memref<40x128xf32, #tpu.memory_space<vmem>>) dst(%dma_wait3A_871 : memref<40x128xf32, #tpu.memory_space<vmem_shared>>)
      tpu.yield
    }) : () -> ()
    %add3A_34 = arith.constant 360 : i32
    %add3A_35 = arith.addi %mul3A_8, %add3A_34 : i32
    %run_scoped3A_36 = arith.constant 0 : i32
    "tpu.region"() ({
      %run_scoped3A_851 = tpu.sem_alloc : memref<!tpu.dma_semaphore, #tpu.memory_space<semaphore_mem>>
      %dma_start3A_852 = arith.constant 0 : i32
      %dma_start3A_853 = arith.constant 0 : i32
      %dma_start3A_854 = tpu.memref_slice %arg15[%run_scoped3A_36, %dma_start3A_852, %dma_start3A_853] : memref<2x40x128xf32, #tpu.memory_space<vmem>> -> memref<1x40x128xf32, #tpu.memory_space<vmem>>
      %dma_start3A_855 = tpu.memref_squeeze %dma_start3A_854 : memref<1x40x128xf32, #tpu.memory_space<vmem>> -> memref<40x128xf32, #tpu.memory_space<vmem>>
      %dma_start3A_856 = arith.constant 0 : i32
      %dma_start3A_857 = tpu.memref_slice %arg9[%add3A_35, %dma_start3A_856] : memref<10000x128xf32, #tpu.memory_space<vmem_shared>> -> memref<40x128xf32, #tpu.memory_space<vmem_shared>>
      %dma_start3A_858 = arith.constant 0 : i32
      %dma_start3A_859 = tpu.memref_slice %arg9[%add3A_35, %dma_start3A_858] : memref<10000x128xf32, #tpu.memory_space<vmem_shared>> -> memref<40x128xf32, #tpu.memory_space<vmem_shared>>
      %dma_start3A_860 = arith.constant 0 : i32
      %dma_start3A_861 = arith.constant 0 : i32
      %dma_start3A_862 = tpu.memref_slice %arg15[%run_scoped3A_36, %dma_start3A_860, %dma_start3A_861] : memref<2x40x128xf32, #tpu.memory_space<vmem>> -> memref<1x40x128xf32, #tpu.memory_space<vmem>>
      %dma_start3A_863 = tpu.memref_squeeze %dma_start3A_862 : memref<1x40x128xf32, #tpu.memory_space<vmem>> -> memref<40x128xf32, #tpu.memory_space<vmem>>
      tpu.enqueue_dma source(%dma_start3A_863 : memref<40x128xf32, #tpu.memory_space<vmem>>) target(%dma_start3A_859 : memref<40x128xf32, #tpu.memory_space<vmem_shared>>) target_semaphore(%run_scoped3A_851 : memref<!tpu.dma_semaphore, #tpu.memory_space<semaphore_mem>>)
      %dma_wait3A_864 = arith.constant 0 : i32
      %dma_wait3A_865 = arith.constant 0 : i32
      %dma_wait3A_866 = tpu.memref_slice %arg15[%run_scoped3A_36, %dma_wait3A_864, %dma_wait3A_865] : memref<2x40x128xf32, #tpu.memory_space<vmem>> -> memref<1x40x128xf32, #tpu.memory_space<vmem>>
      %dma_wait3A_867 = tpu.memref_squeeze %dma_wait3A_866 : memref<1x40x128xf32, #tpu.memory_space<vmem>> -> memref<40x128xf32, #tpu.memory_space<vmem>>
      %dma_wait3A_868 = arith.constant 0 : i32
      %dma_wait3A_869 = tpu.memref_slice %arg9[%add3A_35, %dma_wait3A_868] : memref<10000x128xf32, #tpu.memory_space<vmem_shared>> -> memref<40x128xf32, #tpu.memory_space<vmem_shared>>
      %dma_wait3A_870 = arith.constant 0 : i32
      %dma_wait3A_871 = tpu.memref_slice %arg9[%add3A_35, %dma_wait3A_870] : memref<10000x128xf32, #tpu.memory_space<vmem_shared>> -> memref<40x128xf32, #tpu.memory_space<vmem_shared>>
      %dma_wait3A_872 = arith.constant 0 : i32
      %dma_wait3A_873 = arith.constant 0 : i32
      %dma_wait3A_874 = tpu.memref_slice %arg15[%run_scoped3A_36, %dma_wait3A_872, %dma_wait3A_873] : memref<2x40x128xf32, #tpu.memory_space<vmem>> -> memref<1x40x128xf32, #tpu.memory_space<vmem>>
      %dma_wait3A_875 = tpu.memref_squeeze %dma_wait3A_874 : memref<1x40x128xf32, #tpu.memory_space<vmem>> -> memref<40x128xf32, #tpu.memory_space<vmem>>
      tpu.wait_dma2 semaphore(%run_scoped3A_851 : memref<!tpu.dma_semaphore, #tpu.memory_space<semaphore_mem>>) src(%dma_wait3A_875 : memref<40x128xf32, #tpu.memory_space<vmem>>) dst(%dma_wait3A_871 : memref<40x128xf32, #tpu.memory_space<vmem_shared>>)
      tpu.yield
    }) : () -> ()
    %add3A_37 = arith.constant 400 : i32
    %add3A_38 = arith.addi %mul3A_8, %add3A_37 : i32
    %run_scoped3A_39 = arith.constant 0 : i32
    "tpu.region"() ({
      %run_scoped3A_851 = tpu.sem_alloc : memref<!tpu.dma_semaphore, #tpu.memory_space<semaphore_mem>>
      %dma_start3A_852 = arith.constant 0 : i32
      %dma_start3A_853 = arith.constant 0 : i32
      %dma_start3A_854 = tpu.memref_slice %arg15[%run_scoped3A_39, %dma_start3A_852, %dma_start3A_853] : memref<2x40x128xf32, #tpu.memory_space<vmem>> -> memref<1x40x128xf32, #tpu.memory_space<vmem>>
      %dma_start3A_855 = tpu.memref_squeeze %dma_start3A_854 : memref<1x40x128xf32, #tpu.memory_space<vmem>> -> memref<40x128xf32, #tpu.memory_space<vmem>>
      %dma_start3A_856 = arith.constant 0 : i32
      %dma_start3A_857 = tpu.memref_slice %arg9[%add3A_38, %dma_start3A_856] : memref<10000x128xf32, #tpu.memory_space<vmem_shared>> -> memref<40x128xf32, #tpu.memory_space<vmem_shared>>
      %dma_start3A_858 = arith.constant 0 : i32
      %dma_start3A_859 = tpu.memref_slice %arg9[%add3A_38, %dma_start3A_858] : memref<10000x128xf32, #tpu.memory_space<vmem_shared>> -> memref<40x128xf32, #tpu.memory_space<vmem_shared>>
      %dma_start3A_860 = arith.constant 0 : i32
      %dma_start3A_861 = arith.constant 0 : i32
      %dma_start3A_862 = tpu.memref_slice %arg15[%run_scoped3A_39, %dma_start3A_860, %dma_start3A_861] : memref<2x40x128xf32, #tpu.memory_space<vmem>> -> memref<1x40x128xf32, #tpu.memory_space<vmem>>
      %dma_start3A_863 = tpu.memref_squeeze %dma_start3A_862 : memref<1x40x128xf32, #tpu.memory_space<vmem>> -> memref<40x128xf32, #tpu.memory_space<vmem>>
      tpu.enqueue_dma source(%dma_start3A_863 : memref<40x128xf32, #tpu.memory_space<vmem>>) target(%dma_start3A_859 : memref<40x128xf32, #tpu.memory_space<vmem_shared>>) target_semaphore(%run_scoped3A_851 : memref<!tpu.dma_semaphore, #tpu.memory_space<semaphore_mem>>)
      %dma_wait3A_864 = arith.constant 0 : i32
      %dma_wait3A_865 = arith.constant 0 : i32
      %dma_wait3A_866 = tpu.memref_slice %arg15[%run_scoped3A_39, %dma_wait3A_864, %dma_wait3A_865] : memref<2x40x128xf32, #tpu.memory_space<vmem>> -> memref<1x40x128xf32, #tpu.memory_space<vmem>>
      %dma_wait3A_867 = tpu.memref_squeeze %dma_wait3A_866 : memref<1x40x128xf32, #tpu.memory_space<vmem>> -> memref<40x128xf32, #tpu.memory_space<vmem>>
      %dma_wait3A_868 = arith.constant 0 : i32
      %dma_wait3A_869 = tpu.memref_slice %arg9[%add3A_38, %dma_wait3A_868] : memref<10000x128xf32, #tpu.memory_space<vmem_shared>> -> memref<40x128xf32, #tpu.memory_space<vmem_shared>>
      %dma_wait3A_870 = arith.constant 0 : i32
      %dma_wait3A_871 = tpu.memref_slice %arg9[%add3A_38, %dma_wait3A_870] : memref<10000x128xf32, #tpu.memory_space<vmem_shared>> -> memref<40x128xf32, #tpu.memory_space<vmem_shared>>
      %dma_wait3A_872 = arith.constant 0 : i32
      %dma_wait3A_873 = arith.constant 0 : i32
      %dma_wait3A_874 = tpu.memref_slice %arg15[%run_scoped3A_39, %dma_wait3A_872, %dma_wait3A_873] : memref<2x40x128xf32, #tpu.memory_space<vmem>> -> memref<1x40x128xf32, #tpu.memory_space<vmem>>
      %dma_wait3A_875 = tpu.memref_squeeze %dma_wait3A_874 : memref<1x40x128xf32, #tpu.memory_space<vmem>> -> memref<40x128xf32, #tpu.memory_space<vmem>>
      tpu.wait_dma2 semaphore(%run_scoped3A_851 : memref<!tpu.dma_semaphore, #tpu.memory_space<semaphore_mem>>) src(%dma_wait3A_875 : memref<40x128xf32, #tpu.memory_space<vmem>>) dst(%dma_wait3A_871 : memref<40x128xf32, #tpu.memory_space<vmem_shared>>)
      tpu.yield
    }) : () -> ()
    %add3A_40 = arith.constant 440 : i32
    %add3A_41 = arith.addi %mul3A_8, %add3A_40 : i32
    %run_scoped3A_42 = arith.constant 0 : i32
    "tpu.region"() ({
      %run_scoped3A_851 = tpu.sem_alloc : memref<!tpu.dma_semaphore, #tpu.memory_space<semaphore_mem>>
      %dma_start3A_852 = arith.constant 0 : i32
      %dma_start3A_853 = arith.constant 0 : i32
      %dma_start3A_854 = tpu.memref_slice %arg15[%run_scoped3A_42, %dma_start3A_852, %dma_start3A_853] : memref<2x40x128xf32, #tpu.memory_space<vmem>> -> memref<1x40x128xf32, #tpu.memory_space<vmem>>
      %dma_start3A_855 = tpu.memref_squeeze %dma_start3A_854 : memref<1x40x128xf32, #tpu.memory_space<vmem>> -> memref<40x128xf32, #tpu.memory_space<vmem>>
      %dma_start3A_856 = arith.constant 0 : i32
      %dma_start3A_857 = tpu.memref_slice %arg9[%add3A_41, %dma_start3A_856] : memref<10000x128xf32, #tpu.memory_space<vmem_shared>> -> memref<40x128xf32, #tpu.memory_space<vmem_shared>>
      %dma_start3A_858 = arith.constant 0 : i32
      %dma_start3A_859 = tpu.memref_slice %arg9[%add3A_41, %dma_start3A_858] : memref<10000x128xf32, #tpu.memory_space<vmem_shared>> -> memref<40x128xf32, #tpu.memory_space<vmem_shared>>
      %dma_start3A_860 = arith.constant 0 : i32
      %dma_start3A_861 = arith.constant 0 : i32
      %dma_start3A_862 = tpu.memref_slice %arg15[%run_scoped3A_42, %dma_start3A_860, %dma_start3A_861] : memref<2x40x128xf32, #tpu.memory_space<vmem>> -> memref<1x40x128xf32, #tpu.memory_space<vmem>>
      %dma_start3A_863 = tpu.memref_squeeze %dma_start3A_862 : memref<1x40x128xf32, #tpu.memory_space<vmem>> -> memref<40x128xf32, #tpu.memory_space<vmem>>
      tpu.enqueue_dma source(%dma_start3A_863 : memref<40x128xf32, #tpu.memory_space<vmem>>) target(%dma_start3A_859 : memref<40x128xf32, #tpu.memory_space<vmem_shared>>) target_semaphore(%run_scoped3A_851 : memref<!tpu.dma_semaphore, #tpu.memory_space<semaphore_mem>>)
      %dma_wait3A_864 = arith.constant 0 : i32
      %dma_wait3A_865 = arith.constant 0 : i32
      %dma_wait3A_866 = tpu.memref_slice %arg15[%run_scoped3A_42, %dma_wait3A_864, %dma_wait3A_865] : memref<2x40x128xf32, #tpu.memory_space<vmem>> -> memref<1x40x128xf32, #tpu.memory_space<vmem>>
      %dma_wait3A_867 = tpu.memref_squeeze %dma_wait3A_866 : memref<1x40x128xf32, #tpu.memory_space<vmem>> -> memref<40x128xf32, #tpu.memory_space<vmem>>
      %dma_wait3A_868 = arith.constant 0 : i32
      %dma_wait3A_869 = tpu.memref_slice %arg9[%add3A_41, %dma_wait3A_868] : memref<10000x128xf32, #tpu.memory_space<vmem_shared>> -> memref<40x128xf32, #tpu.memory_space<vmem_shared>>
      %dma_wait3A_870 = arith.constant 0 : i32
      %dma_wait3A_871 = tpu.memref_slice %arg9[%add3A_41, %dma_wait3A_870] : memref<10000x128xf32, #tpu.memory_space<vmem_shared>> -> memref<40x128xf32, #tpu.memory_space<vmem_shared>>
      %dma_wait3A_872 = arith.constant 0 : i32
      %dma_wait3A_873 = arith.constant 0 : i32
      %dma_wait3A_874 = tpu.memref_slice %arg15[%run_scoped3A_42, %dma_wait3A_872, %dma_wait3A_873] : memref<2x40x128xf32, #tpu.memory_space<vmem>> -> memref<1x40x128xf32, #tpu.memory_space<vmem>>
      %dma_wait3A_875 = tpu.memref_squeeze %dma_wait3A_874 : memref<1x40x128xf32, #tpu.memory_space<vmem>> -> memref<40x128xf32, #tpu.memory_space<vmem>>
      tpu.wait_dma2 semaphore(%run_scoped3A_851 : memref<!tpu.dma_semaphore, #tpu.memory_space<semaphore_mem>>) src(%dma_wait3A_875 : memref<40x128xf32, #tpu.memory_space<vmem>>) dst(%dma_wait3A_871 : memref<40x128xf32, #tpu.memory_space<vmem_shared>>)
      tpu.yield
    }) : () -> ()
    %add3A_43 = arith.constant 480 : i32
    %add3A_44 = arith.addi %mul3A_8, %add3A_43 : i32
    %run_scoped3A_45 = arith.constant 0 : i32
    "tpu.region"() ({
      %run_scoped3A_851 = tpu.sem_alloc : memref<!tpu.dma_semaphore, #tpu.memory_space<semaphore_mem>>
      %dma_start3A_852 = arith.constant 0 : i32
      %dma_start3A_853 = arith.constant 0 : i32
      %dma_start3A_854 = tpu.memref_slice %arg15[%run_scoped3A_45, %dma_start3A_852, %dma_start3A_853] : memref<2x40x128xf32, #tpu.memory_space<vmem>> -> memref<1x40x128xf32, #tpu.memory_space<vmem>>
      %dma_start3A_855 = tpu.memref_squeeze %dma_start3A_854 : memref<1x40x128xf32, #tpu.memory_space<vmem>> -> memref<40x128xf32, #tpu.memory_space<vmem>>
      %dma_start3A_856 = arith.constant 0 : i32
      %dma_start3A_857 = tpu.memref_slice %arg9[%add3A_44, %dma_start3A_856] : memref<10000x128xf32, #tpu.memory_space<vmem_shared>> -> memref<40x128xf32, #tpu.memory_space<vmem_shared>>
      %dma_start3A_858 = arith.constant 0 : i32
      %dma_start3A_859 = tpu.memref_slice %arg9[%add3A_44, %dma_start3A_858] : memref<10000x128xf32, #tpu.memory_space<vmem_shared>> -> memref<40x128xf32, #tpu.memory_space<vmem_shared>>
      %dma_start3A_860 = arith.constant 0 : i32
      %dma_start3A_861 = arith.constant 0 : i32
      %dma_start3A_862 = tpu.memref_slice %arg15[%run_scoped3A_45, %dma_start3A_860, %dma_start3A_861] : memref<2x40x128xf32, #tpu.memory_space<vmem>> -> memref<1x40x128xf32, #tpu.memory_space<vmem>>
      %dma_start3A_863 = tpu.memref_squeeze %dma_start3A_862 : memref<1x40x128xf32, #tpu.memory_space<vmem>> -> memref<40x128xf32, #tpu.memory_space<vmem>>
      tpu.enqueue_dma source(%dma_start3A_863 : memref<40x128xf32, #tpu.memory_space<vmem>>) target(%dma_start3A_859 : memref<40x128xf32, #tpu.memory_space<vmem_shared>>) target_semaphore(%run_scoped3A_851 : memref<!tpu.dma_semaphore, #tpu.memory_space<semaphore_mem>>)
      %dma_wait3A_864 = arith.constant 0 : i32
      %dma_wait3A_865 = arith.constant 0 : i32
      %dma_wait3A_866 = tpu.memref_slice %arg15[%run_scoped3A_45, %dma_wait3A_864, %dma_wait3A_865] : memref<2x40x128xf32, #tpu.memory_space<vmem>> -> memref<1x40x128xf32, #tpu.memory_space<vmem>>
      %dma_wait3A_867 = tpu.memref_squeeze %dma_wait3A_866 : memref<1x40x128xf32, #tpu.memory_space<vmem>> -> memref<40x128xf32, #tpu.memory_space<vmem>>
      %dma_wait3A_868 = arith.constant 0 : i32
      %dma_wait3A_869 = tpu.memref_slice %arg9[%add3A_44, %dma_wait3A_868] : memref<10000x128xf32, #tpu.memory_space<vmem_shared>> -> memref<40x128xf32, #tpu.memory_space<vmem_shared>>
      %dma_wait3A_870 = arith.constant 0 : i32
      %dma_wait3A_871 = tpu.memref_slice %arg9[%add3A_44, %dma_wait3A_870] : memref<10000x128xf32, #tpu.memory_space<vmem_shared>> -> memref<40x128xf32, #tpu.memory_space<vmem_shared>>
      %dma_wait3A_872 = arith.constant 0 : i32
      %dma_wait3A_873 = arith.constant 0 : i32
      %dma_wait3A_874 = tpu.memref_slice %arg15[%run_scoped3A_45, %dma_wait3A_872, %dma_wait3A_873] : memref<2x40x128xf32, #tpu.memory_space<vmem>> -> memref<1x40x128xf32, #tpu.memory_space<vmem>>
      %dma_wait3A_875 = tpu.memref_squeeze %dma_wait3A_874 : memref<1x40x128xf32, #tpu.memory_space<vmem>> -> memref<40x128xf32, #tpu.memory_space<vmem>>
      tpu.wait_dma2 semaphore(%run_scoped3A_851 : memref<!tpu.dma_semaphore, #tpu.memory_space<semaphore_mem>>) src(%dma_wait3A_875 : memref<40x128xf32, #tpu.memory_space<vmem>>) dst(%dma_wait3A_871 : memref<40x128xf32, #tpu.memory_space<vmem_shared>>)
      tpu.yield
    }) : () -> ()
    %add3A_46 = arith.constant 520 : i32
    %add3A_47 = arith.addi %mul3A_8, %add3A_46 : i32
    %run_scoped3A_48 = arith.constant 0 : i32
    "tpu.region"() ({
      %run_scoped3A_851 = tpu.sem_alloc : memref<!tpu.dma_semaphore, #tpu.memory_space<semaphore_mem>>
      %dma_start3A_852 = arith.constant 0 : i32
      %dma_start3A_853 = arith.constant 0 : i32
      %dma_start3A_854 = tpu.memref_slice %arg15[%run_scoped3A_48, %dma_start3A_852, %dma_start3A_853] : memref<2x40x128xf32, #tpu.memory_space<vmem>> -> memref<1x40x128xf32, #tpu.memory_space<vmem>>
      %dma_start3A_855 = tpu.memref_squeeze %dma_start3A_854 : memref<1x40x128xf32, #tpu.memory_space<vmem>> -> memref<40x128xf32, #tpu.memory_space<vmem>>
      %dma_start3A_856 = arith.constant 0 : i32
      %dma_start3A_857 = tpu.memref_slice %arg9[%add3A_47, %dma_start3A_856] : memref<10000x128xf32, #tpu.memory_space<vmem_shared>> -> memref<40x128xf32, #tpu.memory_space<vmem_shared>>
      %dma_start3A_858 = arith.constant 0 : i32
      %dma_start3A_859 = tpu.memref_slice %arg9[%add3A_47, %dma_start3A_858] : memref<10000x128xf32, #tpu.memory_space<vmem_shared>> -> memref<40x128xf32, #tpu.memory_space<vmem_shared>>
      %dma_start3A_860 = arith.constant 0 : i32
      %dma_start3A_861 = arith.constant 0 : i32
      %dma_start3A_862 = tpu.memref_slice %arg15[%run_scoped3A_48, %dma_start3A_860, %dma_start3A_861] : memref<2x40x128xf32, #tpu.memory_space<vmem>> -> memref<1x40x128xf32, #tpu.memory_space<vmem>>
      %dma_start3A_863 = tpu.memref_squeeze %dma_start3A_862 : memref<1x40x128xf32, #tpu.memory_space<vmem>> -> memref<40x128xf32, #tpu.memory_space<vmem>>
      tpu.enqueue_dma source(%dma_start3A_863 : memref<40x128xf32, #tpu.memory_space<vmem>>) target(%dma_start3A_859 : memref<40x128xf32, #tpu.memory_space<vmem_shared>>) target_semaphore(%run_scoped3A_851 : memref<!tpu.dma_semaphore, #tpu.memory_space<semaphore_mem>>)
      %dma_wait3A_864 = arith.constant 0 : i32
      %dma_wait3A_865 = arith.constant 0 : i32
      %dma_wait3A_866 = tpu.memref_slice %arg15[%run_scoped3A_48, %dma_wait3A_864, %dma_wait3A_865] : memref<2x40x128xf32, #tpu.memory_space<vmem>> -> memref<1x40x128xf32, #tpu.memory_space<vmem>>
      %dma_wait3A_867 = tpu.memref_squeeze %dma_wait3A_866 : memref<1x40x128xf32, #tpu.memory_space<vmem>> -> memref<40x128xf32, #tpu.memory_space<vmem>>
      %dma_wait3A_868 = arith.constant 0 : i32
      %dma_wait3A_869 = tpu.memref_slice %arg9[%add3A_47, %dma_wait3A_868] : memref<10000x128xf32, #tpu.memory_space<vmem_shared>> -> memref<40x128xf32, #tpu.memory_space<vmem_shared>>
      %dma_wait3A_870 = arith.constant 0 : i32
      %dma_wait3A_871 = tpu.memref_slice %arg9[%add3A_47, %dma_wait3A_870] : memref<10000x128xf32, #tpu.memory_space<vmem_shared>> -> memref<40x128xf32, #tpu.memory_space<vmem_shared>>
      %dma_wait3A_872 = arith.constant 0 : i32
      %dma_wait3A_873 = arith.constant 0 : i32
      %dma_wait3A_874 = tpu.memref_slice %arg15[%run_scoped3A_48, %dma_wait3A_872, %dma_wait3A_873] : memref<2x40x128xf32, #tpu.memory_space<vmem>> -> memref<1x40x128xf32, #tpu.memory_space<vmem>>
      %dma_wait3A_875 = tpu.memref_squeeze %dma_wait3A_874 : memref<1x40x128xf32, #tpu.memory_space<vmem>> -> memref<40x128xf32, #tpu.memory_space<vmem>>
      tpu.wait_dma2 semaphore(%run_scoped3A_851 : memref<!tpu.dma_semaphore, #tpu.memory_space<semaphore_mem>>) src(%dma_wait3A_875 : memref<40x128xf32, #tpu.memory_space<vmem>>) dst(%dma_wait3A_871 : memref<40x128xf32, #tpu.memory_space<vmem_shared>>)
      tpu.yield
    }) : () -> ()
    %add3A_49 = arith.constant 560 : i32
    %add3A_50 = arith.addi %mul3A_8, %add3A_49 : i32
    %run_scoped3A_51 = arith.constant 0 : i32
    "tpu.region"() ({
      %run_scoped3A_851 = tpu.sem_alloc : memref<!tpu.dma_semaphore, #tpu.memory_space<semaphore_mem>>
      %dma_start3A_852 = arith.constant 0 : i32
      %dma_start3A_853 = arith.constant 0 : i32
      %dma_start3A_854 = tpu.memref_slice %arg15[%run_scoped3A_51, %dma_start3A_852, %dma_start3A_853] : memref<2x40x128xf32, #tpu.memory_space<vmem>> -> memref<1x40x128xf32, #tpu.memory_space<vmem>>
      %dma_start3A_855 = tpu.memref_squeeze %dma_start3A_854 : memref<1x40x128xf32, #tpu.memory_space<vmem>> -> memref<40x128xf32, #tpu.memory_space<vmem>>
      %dma_start3A_856 = arith.constant 0 : i32
      %dma_start3A_857 = tpu.memref_slice %arg9[%add3A_50, %dma_start3A_856] : memref<10000x128xf32, #tpu.memory_space<vmem_shared>> -> memref<40x128xf32, #tpu.memory_space<vmem_shared>>
      %dma_start3A_858 = arith.constant 0 : i32
      %dma_start3A_859 = tpu.memref_slice %arg9[%add3A_50, %dma_start3A_858] : memref<10000x128xf32, #tpu.memory_space<vmem_shared>> -> memref<40x128xf32, #tpu.memory_space<vmem_shared>>
      %dma_start3A_860 = arith.constant 0 : i32
      %dma_start3A_861 = arith.constant 0 : i32
      %dma_start3A_862 = tpu.memref_slice %arg15[%run_scoped3A_51, %dma_start3A_860, %dma_start3A_861] : memref<2x40x128xf32, #tpu.memory_space<vmem>> -> memref<1x40x128xf32, #tpu.memory_space<vmem>>
      %dma_start3A_863 = tpu.memref_squeeze %dma_start3A_862 : memref<1x40x128xf32, #tpu.memory_space<vmem>> -> memref<40x128xf32, #tpu.memory_space<vmem>>
      tpu.enqueue_dma source(%dma_start3A_863 : memref<40x128xf32, #tpu.memory_space<vmem>>) target(%dma_start3A_859 : memref<40x128xf32, #tpu.memory_space<vmem_shared>>) target_semaphore(%run_scoped3A_851 : memref<!tpu.dma_semaphore, #tpu.memory_space<semaphore_mem>>)
      %dma_wait3A_864 = arith.constant 0 : i32
      %dma_wait3A_865 = arith.constant 0 : i32
      %dma_wait3A_866 = tpu.memref_slice %arg15[%run_scoped3A_51, %dma_wait3A_864, %dma_wait3A_865] : memref<2x40x128xf32, #tpu.memory_space<vmem>> -> memref<1x40x128xf32, #tpu.memory_space<vmem>>
      %dma_wait3A_867 = tpu.memref_squeeze %dma_wait3A_866 : memref<1x40x128xf32, #tpu.memory_space<vmem>> -> memref<40x128xf32, #tpu.memory_space<vmem>>
      %dma_wait3A_868 = arith.constant 0 : i32
      %dma_wait3A_869 = tpu.memref_slice %arg9[%add3A_50, %dma_wait3A_868] : memref<10000x128xf32, #tpu.memory_space<vmem_shared>> -> memref<40x128xf32, #tpu.memory_space<vmem_shared>>
      %dma_wait3A_870 = arith.constant 0 : i32
      %dma_wait3A_871 = tpu.memref_slice %arg9[%add3A_50, %dma_wait3A_870] : memref<10000x128xf32, #tpu.memory_space<vmem_shared>> -> memref<40x128xf32, #tpu.memory_space<vmem_shared>>
      %dma_wait3A_872 = arith.constant 0 : i32
      %dma_wait3A_873 = arith.constant 0 : i32
      %dma_wait3A_874 = tpu.memref_slice %arg15[%run_scoped3A_51, %dma_wait3A_872, %dma_wait3A_873] : memref<2x40x128xf32, #tpu.memory_space<vmem>> -> memref<1x40x128xf32, #tpu.memory_space<vmem>>
      %dma_wait3A_875 = tpu.memref_squeeze %dma_wait3A_874 : memref<1x40x128xf32, #tpu.memory_space<vmem>> -> memref<40x128xf32, #tpu.memory_space<vmem>>
      tpu.wait_dma2 semaphore(%run_scoped3A_851 : memref<!tpu.dma_semaphore, #tpu.memory_space<semaphore_mem>>) src(%dma_wait3A_875 : memref<40x128xf32, #tpu.memory_space<vmem>>) dst(%dma_wait3A_871 : memref<40x128xf32, #tpu.memory_space<vmem_shared>>)
      tpu.yield
    }) : () -> ()
    %add3A_52 = arith.constant 600 : i32
    %add3A_53 = arith.addi %mul3A_8, %add3A_52 : i32
    %run_scoped3A_54 = arith.constant 0 : i32
    "tpu.region"() ({
      %run_scoped3A_851 = tpu.sem_alloc : memref<!tpu.dma_semaphore, #tpu.memory_space<semaphore_mem>>
      %dma_start3A_852 = arith.constant 0 : i32
      %dma_start3A_853 = arith.constant 0 : i32
      %dma_start3A_854 = tpu.memref_slice %arg15[%run_scoped3A_54, %dma_start3A_852, %dma_start3A_853] : memref<2x40x128xf32, #tpu.memory_space<vmem>> -> memref<1x25x128xf32, #tpu.memory_space<vmem>>
      %dma_start3A_855 = tpu.memref_squeeze %dma_start3A_854 : memref<1x25x128xf32, #tpu.memory_space<vmem>> -> memref<25x128xf32, #tpu.memory_space<vmem>>
      %dma_start3A_856 = arith.constant 0 : i32
      %dma_start3A_857 = tpu.memref_slice %arg9[%add3A_53, %dma_start3A_856] : memref<10000x128xf32, #tpu.memory_space<vmem_shared>> -> memref<25x128xf32, #tpu.memory_space<vmem_shared>>
      %dma_start3A_858 = arith.constant 0 : i32
      %dma_start3A_859 = tpu.memref_slice %arg9[%add3A_53, %dma_start3A_858] : memref<10000x128xf32, #tpu.memory_space<vmem_shared>> -> memref<25x128xf32, #tpu.memory_space<vmem_shared>>
      %dma_start3A_860 = arith.constant 0 : i32
      %dma_start3A_861 = arith.constant 0 : i32
      %dma_start3A_862 = tpu.memref_slice %arg15[%run_scoped3A_54, %dma_start3A_860, %dma_start3A_861] : memref<2x40x128xf32, #tpu.memory_space<vmem>> -> memref<1x25x128xf32, #tpu.memory_space<vmem>>
      %dma_start3A_863 = tpu.memref_squeeze %dma_start3A_862 : memref<1x25x128xf32, #tpu.memory_space<vmem>> -> memref<25x128xf32, #tpu.memory_space<vmem>>
      tpu.enqueue_dma source(%dma_start3A_863 : memref<25x128xf32, #tpu.memory_space<vmem>>) target(%dma_start3A_859 : memref<25x128xf32, #tpu.memory_space<vmem_shared>>) target_semaphore(%run_scoped3A_851 : memref<!tpu.dma_semaphore, #tpu.memory_space<semaphore_mem>>)
      %dma_wait3A_864 = arith.constant 0 : i32
      %dma_wait3A_865 = arith.constant 0 : i32
      %dma_wait3A_866 = tpu.memref_slice %arg15[%run_scoped3A_54, %dma_wait3A_864, %dma_wait3A_865] : memref<2x40x128xf32, #tpu.memory_space<vmem>> -> memref<1x25x128xf32, #tpu.memory_space<vmem>>
      %dma_wait3A_867 = tpu.memref_squeeze %dma_wait3A_866 : memref<1x25x128xf32, #tpu.memory_space<vmem>> -> memref<25x128xf32, #tpu.memory_space<vmem>>
      %dma_wait3A_868 = arith.constant 0 : i32
      %dma_wait3A_869 = tpu.memref_slice %arg9[%add3A_53, %dma_wait3A_868] : memref<10000x128xf32, #tpu.memory_space<vmem_shared>> -> memref<25x128xf32, #tpu.memory_space<vmem_shared>>
      %dma_wait3A_870 = arith.constant 0 : i32
      %dma_wait3A_871 = tpu.memref_slice %arg9[%add3A_53, %dma_wait3A_870] : memref<10000x128xf32, #tpu.memory_space<vmem_shared>> -> memref<25x128xf32, #tpu.memory_space<vmem_shared>>
      %dma_wait3A_872 = arith.constant 0 : i32
      %dma_wait3A_873 = arith.constant 0 : i32
      %dma_wait3A_874 = tpu.memref_slice %arg15[%run_scoped3A_54, %dma_wait3A_872, %dma_wait3A_873] : memref<2x40x128xf32, #tpu.memory_space<vmem>> -> memref<1x25x128xf32, #tpu.memory_space<vmem>>
      %dma_wait3A_875 = tpu.memref_squeeze %dma_wait3A_874 : memref<1x25x128xf32, #tpu.memory_space<vmem>> -> memref<25x128xf32, #tpu.memory_space<vmem>>
      tpu.wait_dma2 semaphore(%run_scoped3A_851 : memref<!tpu.dma_semaphore, #tpu.memory_space<semaphore_mem>>) src(%dma_wait3A_875 : memref<25x128xf32, #tpu.memory_space<vmem>>) dst(%dma_wait3A_871 : memref<25x128xf32, #tpu.memory_space<vmem_shared>>)
      tpu.yield
    }) : () -> ()
    %scan3A_55 = arith.constant 0 : i32
    %scan3A_56 = arith.constant 0 : i32
    %scan3A_57 = arith.constant 40 : i32
    %scan3A_58 = arith.addi %scan3A_56, %scan3A_57 : i32
    %scan3A_59 = arith.constant 1 : i32
    scf.for %scan3A_851 = %scan3A_56 to %scan3A_58 step %scan3A_59  : i32 {
      %swap3A = arith.index_cast %scan3A_851 : i32 to index
      %swap3A_852 = arith.constant 0 : index
      %swap3A_853 = tpu.vector_load %arg16[%swap3A, %swap3A_852] {strides = array<i32>} : memref<40x16xf32, #tpu.memory_space<vmem>>, vector<1x16xf32>,
      %swap3A_854 = vector.shape_cast %swap3A_853 : vector<1x16xf32> to vector<16xf32>
      %swap3A_855 = vector.shape_cast %broadcast_in_dim3A_2 : vector<16xf32> to vector<1x16xf32>
      tpu.vector_store %arg16[%swap3A, %swap3A_852], %swap3A_855 {strides = array<i32>} : memref<40x16xf32, #tpu.memory_space<vmem>>, vector<1x16xf32>,
    }
    %scan3A_60 = arith.constant 40 : i32
    %add3A_61 = arith.constant 0 : i32
    %add3A_62 = arith.addi %mul3A_8, %add3A_61 : i32
    "tpu.region"() ({
      %run_scoped3A_851 = tpu.sem_alloc : memref<!tpu.dma_semaphore, #tpu.memory_space<semaphore_mem>>
      %dma_start3A_852 = arith.constant 0 : i32
      %dma_start3A_853 = arith.constant 0 : i32
      %dma_start3A_854 = tpu.memref_slice %arg16[%dma_start3A_852, %dma_start3A_853] : memref<40x16xf32, #tpu.memory_space<vmem>> -> memref<40x16xf32, #tpu.memory_space<vmem>>
      %dma_start3A_855 = arith.constant 0 : i32
      %dma_start3A_856 = tpu.memref_slice %arg10[%add3A_62, %dma_start3A_855] : memref<10000x16xf32, #tpu.memory_space<vmem_shared>> -> memref<40x16xf32, #tpu.memory_space<vmem_shared>>
      %dma_start3A_857 = arith.constant 0 : i32
      %dma_start3A_858 = tpu.memref_slice %arg10[%add3A_62, %dma_start3A_857] : memref<10000x16xf32, #tpu.memory_space<vmem_shared>> -> memref<40x16xf32, #tpu.memory_space<vmem_shared>>
      %dma_start3A_859 = arith.constant 0 : i32
      %dma_start3A_860 = arith.constant 0 : i32
      %dma_start3A_861 = tpu.memref_slice %arg16[%dma_start3A_859, %dma_start3A_860] : memref<40x16xf32, #tpu.memory_space<vmem>> -> memref<40x16xf32, #tpu.memory_space<vmem>>
      tpu.enqueue_dma source(%dma_start3A_861 : memref<40x16xf32, #tpu.memory_space<vmem>>) target(%dma_start3A_858 : memref<40x16xf32, #tpu.memory_space<vmem_shared>>) target_semaphore(%run_scoped3A_851 : memref<!tpu.dma_semaphore, #tpu.memory_space<semaphore_mem>>)
      %dma_wait3A_862 = arith.constant 0 : i32
      %dma_wait3A_863 = arith.constant 0 : i32
      %dma_wait3A_864 = tpu.memref_slice %arg16[%dma_wait3A_862, %dma_wait3A_863] : memref<40x16xf32, #tpu.memory_space<vmem>> -> memref<40x16xf32, #tpu.memory_space<vmem>>
      %dma_wait3A_865 = arith.constant 0 : i32
      %dma_wait3A_866 = tpu.memref_slice %arg10[%add3A_62, %dma_wait3A_865] : memref<10000x16xf32, #tpu.memory_space<vmem_shared>> -> memref<40x16xf32, #tpu.memory_space<vmem_shared>>
      %dma_wait3A_867 = arith.constant 0 : i32
      %dma_wait3A_868 = tpu.memref_slice %arg10[%add3A_62, %dma_wait3A_867] : memref<10000x16xf32, #tpu.memory_space<vmem_shared>> -> memref<40x16xf32, #tpu.memory_space<vmem_shared>>
      %dma_wait3A_869 = arith.constant 0 : i32
      %dma_wait3A_870 = arith.constant 0 : i32
      %dma_wait3A_871 = tpu.memref_slice %arg16[%dma_wait3A_869, %dma_wait3A_870] : memref<40x16xf32, #tpu.memory_space<vmem>> -> memref<40x16xf32, #tpu.memory_space<vmem>>
      tpu.wait_dma2 semaphore(%run_scoped3A_851 : memref<!tpu.dma_semaphore, #tpu.memory_space<semaphore_mem>>) src(%dma_wait3A_871 : memref<40x16xf32, #tpu.memory_space<vmem>>) dst(%dma_wait3A_868 : memref<40x16xf32, #tpu.memory_space<vmem_shared>>)
      tpu.yield
    }) : () -> ()
    %add3A_63 = arith.constant 40 : i32
    %add3A_64 = arith.addi %mul3A_8, %add3A_63 : i32
    "tpu.region"() ({
      %run_scoped3A_851 = tpu.sem_alloc : memref<!tpu.dma_semaphore, #tpu.memory_space<semaphore_mem>>
      %dma_start3A_852 = arith.constant 0 : i32
      %dma_start3A_853 = arith.constant 0 : i32
      %dma_start3A_854 = tpu.memref_slice %arg16[%dma_start3A_852, %dma_start3A_853] : memref<40x16xf32, #tpu.memory_space<vmem>> -> memref<40x16xf32, #tpu.memory_space<vmem>>
      %dma_start3A_855 = arith.constant 0 : i32
      %dma_start3A_856 = tpu.memref_slice %arg10[%add3A_64, %dma_start3A_855] : memref<10000x16xf32, #tpu.memory_space<vmem_shared>> -> memref<40x16xf32, #tpu.memory_space<vmem_shared>>
      %dma_start3A_857 = arith.constant 0 : i32
      %dma_start3A_858 = tpu.memref_slice %arg10[%add3A_64, %dma_start3A_857] : memref<10000x16xf32, #tpu.memory_space<vmem_shared>> -> memref<40x16xf32, #tpu.memory_space<vmem_shared>>
      %dma_start3A_859 = arith.constant 0 : i32
      %dma_start3A_860 = arith.constant 0 : i32
      %dma_start3A_861 = tpu.memref_slice %arg16[%dma_start3A_859, %dma_start3A_860] : memref<40x16xf32, #tpu.memory_space<vmem>> -> memref<40x16xf32, #tpu.memory_space<vmem>>
      tpu.enqueue_dma source(%dma_start3A_861 : memref<40x16xf32, #tpu.memory_space<vmem>>) target(%dma_start3A_858 : memref<40x16xf32, #tpu.memory_space<vmem_shared>>) target_semaphore(%run_scoped3A_851 : memref<!tpu.dma_semaphore, #tpu.memory_space<semaphore_mem>>)
      %dma_wait3A_862 = arith.constant 0 : i32
      %dma_wait3A_863 = arith.constant 0 : i32
      %dma_wait3A_864 = tpu.memref_slice %arg16[%dma_wait3A_862, %dma_wait3A_863] : memref<40x16xf32, #tpu.memory_space<vmem>> -> memref<40x16xf32, #tpu.memory_space<vmem>>
      %dma_wait3A_865 = arith.constant 0 : i32
      %dma_wait3A_866 = tpu.memref_slice %arg10[%add3A_64, %dma_wait3A_865] : memref<10000x16xf32, #tpu.memory_space<vmem_shared>> -> memref<40x16xf32, #tpu.memory_space<vmem_shared>>
      %dma_wait3A_867 = arith.constant 0 : i32
      %dma_wait3A_868 = tpu.memref_slice %arg10[%add3A_64, %dma_wait3A_867] : memref<10000x16xf32, #tpu.memory_space<vmem_shared>> -> memref<40x16xf32, #tpu.memory_space<vmem_shared>>
      %dma_wait3A_869 = arith.constant 0 : i32
      %dma_wait3A_870 = arith.constant 0 : i32
      %dma_wait3A_871 = tpu.memref_slice %arg16[%dma_wait3A_869, %dma_wait3A_870] : memref<40x16xf32, #tpu.memory_space<vmem>> -> memref<40x16xf32, #tpu.memory_space<vmem>>
      tpu.wait_dma2 semaphore(%run_scoped3A_851 : memref<!tpu.dma_semaphore, #tpu.memory_space<semaphore_mem>>) src(%dma_wait3A_871 : memref<40x16xf32, #tpu.memory_space<vmem>>) dst(%dma_wait3A_868 : memref<40x16xf32, #tpu.memory_space<vmem_shared>>)
      tpu.yield
    }) : () -> ()
    %add3A_65 = arith.constant 80 : i32
    %add3A_66 = arith.addi %mul3A_8, %add3A_65 : i32
    "tpu.region"() ({
      %run_scoped3A_851 = tpu.sem_alloc : memref<!tpu.dma_semaphore, #tpu.memory_space<semaphore_mem>>
      %dma_start3A_852 = arith.constant 0 : i32
      %dma_start3A_853 = arith.constant 0 : i32
      %dma_start3A_854 = tpu.memref_slice %arg16[%dma_start3A_852, %dma_start3A_853] : memref<40x16xf32, #tpu.memory_space<vmem>> -> memref<40x16xf32, #tpu.memory_space<vmem>>
      %dma_start3A_855 = arith.constant 0 : i32
      %dma_start3A_856 = tpu.memref_slice %arg10[%add3A_66, %dma_start3A_855] : memref<10000x16xf32, #tpu.memory_space<vmem_shared>> -> memref<40x16xf32, #tpu.memory_space<vmem_shared>>
      %dma_start3A_857 = arith.constant 0 : i32
      %dma_start3A_858 = tpu.memref_slice %arg10[%add3A_66, %dma_start3A_857] : memref<10000x16xf32, #tpu.memory_space<vmem_shared>> -> memref<40x16xf32, #tpu.memory_space<vmem_shared>>
      %dma_start3A_859 = arith.constant 0 : i32
      %dma_start3A_860 = arith.constant 0 : i32
      %dma_start3A_861 = tpu.memref_slice %arg16[%dma_start3A_859, %dma_start3A_860] : memref<40x16xf32, #tpu.memory_space<vmem>> -> memref<40x16xf32, #tpu.memory_space<vmem>>
      tpu.enqueue_dma source(%dma_start3A_861 : memref<40x16xf32, #tpu.memory_space<vmem>>) target(%dma_start3A_858 : memref<40x16xf32, #tpu.memory_space<vmem_shared>>) target_semaphore(%run_scoped3A_851 : memref<!tpu.dma_semaphore, #tpu.memory_space<semaphore_mem>>)
      %dma_wait3A_862 = arith.constant 0 : i32
      %dma_wait3A_863 = arith.constant 0 : i32
      %dma_wait3A_864 = tpu.memref_slice %arg16[%dma_wait3A_862, %dma_wait3A_863] : memref<40x16xf32, #tpu.memory_space<vmem>> -> memref<40x16xf32, #tpu.memory_space<vmem>>
      %dma_wait3A_865 = arith.constant 0 : i32
      %dma_wait3A_866 = tpu.memref_slice %arg10[%add3A_66, %dma_wait3A_865] : memref<10000x16xf32, #tpu.memory_space<vmem_shared>> -> memref<40x16xf32, #tpu.memory_space<vmem_shared>>
      %dma_wait3A_867 = arith.constant 0 : i32
      %dma_wait3A_868 = tpu.memref_slice %arg10[%add3A_66, %dma_wait3A_867] : memref<10000x16xf32, #tpu.memory_space<vmem_shared>> -> memref<40x16xf32, #tpu.memory_space<vmem_shared>>
      %dma_wait3A_869 = arith.constant 0 : i32
      %dma_wait3A_870 = arith.constant 0 : i32
      %dma_wait3A_871 = tpu.memref_slice %arg16[%dma_wait3A_869, %dma_wait3A_870] : memref<40x16xf32, #tpu.memory_space<vmem>> -> memref<40x16xf32, #tpu.memory_space<vmem>>
      tpu.wait_dma2 semaphore(%run_scoped3A_851 : memref<!tpu.dma_semaphore, #tpu.memory_space<semaphore_mem>>) src(%dma_wait3A_871 : memref<40x16xf32, #tpu.memory_space<vmem>>) dst(%dma_wait3A_868 : memref<40x16xf32, #tpu.memory_space<vmem_shared>>)
      tpu.yield
    }) : () -> ()
    %add3A_67 = arith.constant 120 : i32
    %add3A_68 = arith.addi %mul3A_8, %add3A_67 : i32
    "tpu.region"() ({
      %run_scoped3A_851 = tpu.sem_alloc : memref<!tpu.dma_semaphore, #tpu.memory_space<semaphore_mem>>
      %dma_start3A_852 = arith.constant 0 : i32
      %dma_start3A_853 = arith.constant 0 : i32
      %dma_start3A_854 = tpu.memref_slice %arg16[%dma_start3A_852, %dma_start3A_853] : memref<40x16xf32, #tpu.memory_space<vmem>> -> memref<40x16xf32, #tpu.memory_space<vmem>>
      %dma_start3A_855 = arith.constant 0 : i32
      %dma_start3A_856 = tpu.memref_slice %arg10[%add3A_68, %dma_start3A_855] : memref<10000x16xf32, #tpu.memory_space<vmem_shared>> -> memref<40x16xf32, #tpu.memory_space<vmem_shared>>
      %dma_start3A_857 = arith.constant 0 : i32
      %dma_start3A_858 = tpu.memref_slice %arg10[%add3A_68, %dma_start3A_857] : memref<10000x16xf32, #tpu.memory_space<vmem_shared>> -> memref<40x16xf32, #tpu.memory_space<vmem_shared>>
      %dma_start3A_859 = arith.constant 0 : i32
      %dma_start3A_860 = arith.constant 0 : i32
      %dma_start3A_861 = tpu.memref_slice %arg16[%dma_start3A_859, %dma_start3A_860] : memref<40x16xf32, #tpu.memory_space<vmem>> -> memref<40x16xf32, #tpu.memory_space<vmem>>
      tpu.enqueue_dma source(%dma_start3A_861 : memref<40x16xf32, #tpu.memory_space<vmem>>) target(%dma_start3A_858 : memref<40x16xf32, #tpu.memory_space<vmem_shared>>) target_semaphore(%run_scoped3A_851 : memref<!tpu.dma_semaphore, #tpu.memory_space<semaphore_mem>>)
      %dma_wait3A_862 = arith.constant 0 : i32
      %dma_wait3A_863 = arith.constant 0 : i32
      %dma_wait3A_864 = tpu.memref_slice %arg16[%dma_wait3A_862, %dma_wait3A_863] : memref<40x16xf32, #tpu.memory_space<vmem>> -> memref<40x16xf32, #tpu.memory_space<vmem>>
      %dma_wait3A_865 = arith.constant 0 : i32
      %dma_wait3A_866 = tpu.memref_slice %arg10[%add3A_68, %dma_wait3A_865] : memref<10000x16xf32, #tpu.memory_space<vmem_shared>> -> memref<40x16xf32, #tpu.memory_space<vmem_shared>>
      %dma_wait3A_867 = arith.constant 0 : i32
      %dma_wait3A_868 = tpu.memref_slice %arg10[%add3A_68, %dma_wait3A_867] : memref<10000x16xf32, #tpu.memory_space<vmem_shared>> -> memref<40x16xf32, #tpu.memory_space<vmem_shared>>
      %dma_wait3A_869 = arith.constant 0 : i32
      %dma_wait3A_870 = arith.constant 0 : i32
      %dma_wait3A_871 = tpu.memref_slice %arg16[%dma_wait3A_869, %dma_wait3A_870] : memref<40x16xf32, #tpu.memory_space<vmem>> -> memref<40x16xf32, #tpu.memory_space<vmem>>
      tpu.wait_dma2 semaphore(%run_scoped3A_851 : memref<!tpu.dma_semaphore, #tpu.memory_space<semaphore_mem>>) src(%dma_wait3A_871 : memref<40x16xf32, #tpu.memory_space<vmem>>) dst(%dma_wait3A_868 : memref<40x16xf32, #tpu.memory_space<vmem_shared>>)
      tpu.yield
    }) : () -> ()
    %add3A_69 = arith.constant 160 : i32
    %add3A_70 = arith.addi %mul3A_8, %add3A_69 : i32
    "tpu.region"() ({
      %run_scoped3A_851 = tpu.sem_alloc : memref<!tpu.dma_semaphore, #tpu.memory_space<semaphore_mem>>
      %dma_start3A_852 = arith.constant 0 : i32
      %dma_start3A_853 = arith.constant 0 : i32
      %dma_start3A_854 = tpu.memref_slice %arg16[%dma_start3A_852, %dma_start3A_853] : memref<40x16xf32, #tpu.memory_space<vmem>> -> memref<40x16xf32, #tpu.memory_space<vmem>>
      %dma_start3A_855 = arith.constant 0 : i32
      %dma_start3A_856 = tpu.memref_slice %arg10[%add3A_70, %dma_start3A_855] : memref<10000x16xf32, #tpu.memory_space<vmem_shared>> -> memref<40x16xf32, #tpu.memory_space<vmem_shared>>
      %dma_start3A_857 = arith.constant 0 : i32
      %dma_start3A_858 = tpu.memref_slice %arg10[%add3A_70, %dma_start3A_857] : memref<10000x16xf32, #tpu.memory_space<vmem_shared>> -> memref<40x16xf32, #tpu.memory_space<vmem_shared>>
      %dma_start3A_859 = arith.constant 0 : i32
      %dma_start3A_860 = arith.constant 0 : i32
      %dma_start3A_861 = tpu.memref_slice %arg16[%dma_start3A_859, %dma_start3A_860] : memref<40x16xf32, #tpu.memory_space<vmem>> -> memref<40x16xf32, #tpu.memory_space<vmem>>
      tpu.enqueue_dma source(%dma_start3A_861 : memref<40x16xf32, #tpu.memory_space<vmem>>) target(%dma_start3A_858 : memref<40x16xf32, #tpu.memory_space<vmem_shared>>) target_semaphore(%run_scoped3A_851 : memref<!tpu.dma_semaphore, #tpu.memory_space<semaphore_mem>>)
      %dma_wait3A_862 = arith.constant 0 : i32
      %dma_wait3A_863 = arith.constant 0 : i32
      %dma_wait3A_864 = tpu.memref_slice %arg16[%dma_wait3A_862, %dma_wait3A_863] : memref<40x16xf32, #tpu.memory_space<vmem>> -> memref<40x16xf32, #tpu.memory_space<vmem>>
      %dma_wait3A_865 = arith.constant 0 : i32
      %dma_wait3A_866 = tpu.memref_slice %arg10[%add3A_70, %dma_wait3A_865] : memref<10000x16xf32, #tpu.memory_space<vmem_shared>> -> memref<40x16xf32, #tpu.memory_space<vmem_shared>>
      %dma_wait3A_867 = arith.constant 0 : i32
      %dma_wait3A_868 = tpu.memref_slice %arg10[%add3A_70, %dma_wait3A_867] : memref<10000x16xf32, #tpu.memory_space<vmem_shared>> -> memref<40x16xf32, #tpu.memory_space<vmem_shared>>
      %dma_wait3A_869 = arith.constant 0 : i32
      %dma_wait3A_870 = arith.constant 0 : i32
      %dma_wait3A_871 = tpu.memref_slice %arg16[%dma_wait3A_869, %dma_wait3A_870] : memref<40x16xf32, #tpu.memory_space<vmem>> -> memref<40x16xf32, #tpu.memory_space<vmem>>
      tpu.wait_dma2 semaphore(%run_scoped3A_851 : memref<!tpu.dma_semaphore, #tpu.memory_space<semaphore_mem>>) src(%dma_wait3A_871 : memref<40x16xf32, #tpu.memory_space<vmem>>) dst(%dma_wait3A_868 : memref<40x16xf32, #tpu.memory_space<vmem_shared>>)
      tpu.yield
    }) : () -> ()
    %add3A_71 = arith.constant 200 : i32
    %add3A_72 = arith.addi %mul3A_8, %add3A_71 : i32
    "tpu.region"() ({
      %run_scoped3A_851 = tpu.sem_alloc : memref<!tpu.dma_semaphore, #tpu.memory_space<semaphore_mem>>
      %dma_start3A_852 = arith.constant 0 : i32
      %dma_start3A_853 = arith.constant 0 : i32
      %dma_start3A_854 = tpu.memref_slice %arg16[%dma_start3A_852, %dma_start3A_853] : memref<40x16xf32, #tpu.memory_space<vmem>> -> memref<40x16xf32, #tpu.memory_space<vmem>>
      %dma_start3A_855 = arith.constant 0 : i32
      %dma_start3A_856 = tpu.memref_slice %arg10[%add3A_72, %dma_start3A_855] : memref<10000x16xf32, #tpu.memory_space<vmem_shared>> -> memref<40x16xf32, #tpu.memory_space<vmem_shared>>
      %dma_start3A_857 = arith.constant 0 : i32
      %dma_start3A_858 = tpu.memref_slice %arg10[%add3A_72, %dma_start3A_857] : memref<10000x16xf32, #tpu.memory_space<vmem_shared>> -> memref<40x16xf32, #tpu.memory_space<vmem_shared>>
      %dma_start3A_859 = arith.constant 0 : i32
      %dma_start3A_860 = arith.constant 0 : i32
      %dma_start3A_861 = tpu.memref_slice %arg16[%dma_start3A_859, %dma_start3A_860] : memref<40x16xf32, #tpu.memory_space<vmem>> -> memref<40x16xf32, #tpu.memory_space<vmem>>
      tpu.enqueue_dma source(%dma_start3A_861 : memref<40x16xf32, #tpu.memory_space<vmem>>) target(%dma_start3A_858 : memref<40x16xf32, #tpu.memory_space<vmem_shared>>) target_semaphore(%run_scoped3A_851 : memref<!tpu.dma_semaphore, #tpu.memory_space<semaphore_mem>>)
      %dma_wait3A_862 = arith.constant 0 : i32
      %dma_wait3A_863 = arith.constant 0 : i32
      %dma_wait3A_864 = tpu.memref_slice %arg16[%dma_wait3A_862, %dma_wait3A_863] : memref<40x16xf32, #tpu.memory_space<vmem>> -> memref<40x16xf32, #tpu.memory_space<vmem>>
      %dma_wait3A_865 = arith.constant 0 : i32
      %dma_wait3A_866 = tpu.memref_slice %arg10[%add3A_72, %dma_wait3A_865] : memref<10000x16xf32, #tpu.memory_space<vmem_shared>> -> memref<40x16xf32, #tpu.memory_space<vmem_shared>>
      %dma_wait3A_867 = arith.constant 0 : i32
      %dma_wait3A_868 = tpu.memref_slice %arg10[%add3A_72, %dma_wait3A_867] : memref<10000x16xf32, #tpu.memory_space<vmem_shared>> -> memref<40x16xf32, #tpu.memory_space<vmem_shared>>
      %dma_wait3A_869 = arith.constant 0 : i32
      %dma_wait3A_870 = arith.constant 0 : i32
      %dma_wait3A_871 = tpu.memref_slice %arg16[%dma_wait3A_869, %dma_wait3A_870] : memref<40x16xf32, #tpu.memory_space<vmem>> -> memref<40x16xf32, #tpu.memory_space<vmem>>
      tpu.wait_dma2 semaphore(%run_scoped3A_851 : memref<!tpu.dma_semaphore, #tpu.memory_space<semaphore_mem>>) src(%dma_wait3A_871 : memref<40x16xf32, #tpu.memory_space<vmem>>) dst(%dma_wait3A_868 : memref<40x16xf32, #tpu.memory_space<vmem_shared>>)
      tpu.yield
    }) : () -> ()
    %add3A_73 = arith.constant 240 : i32
    %add3A_74 = arith.addi %mul3A_8, %add3A_73 : i32
    "tpu.region"() ({
      %run_scoped3A_851 = tpu.sem_alloc : memref<!tpu.dma_semaphore, #tpu.memory_space<semaphore_mem>>
      %dma_start3A_852 = arith.constant 0 : i32
      %dma_start3A_853 = arith.constant 0 : i32
      %dma_start3A_854 = tpu.memref_slice %arg16[%dma_start3A_852, %dma_start3A_853] : memref<40x16xf32, #tpu.memory_space<vmem>> -> memref<40x16xf32, #tpu.memory_space<vmem>>
      %dma_start3A_855 = arith.constant 0 : i32
      %dma_start3A_856 = tpu.memref_slice %arg10[%add3A_74, %dma_start3A_855] : memref<10000x16xf32, #tpu.memory_space<vmem_shared>> -> memref<40x16xf32, #tpu.memory_space<vmem_shared>>
      %dma_start3A_857 = arith.constant 0 : i32
      %dma_start3A_858 = tpu.memref_slice %arg10[%add3A_74, %dma_start3A_857] : memref<10000x16xf32, #tpu.memory_space<vmem_shared>> -> memref<40x16xf32, #tpu.memory_space<vmem_shared>>
      %dma_start3A_859 = arith.constant 0 : i32
      %dma_start3A_860 = arith.constant 0 : i32
      %dma_start3A_861 = tpu.memref_slice %arg16[%dma_start3A_859, %dma_start3A_860] : memref<40x16xf32, #tpu.memory_space<vmem>> -> memref<40x16xf32, #tpu.memory_space<vmem>>
      tpu.enqueue_dma source(%dma_start3A_861 : memref<40x16xf32, #tpu.memory_space<vmem>>) target(%dma_start3A_858 : memref<40x16xf32, #tpu.memory_space<vmem_shared>>) target_semaphore(%run_scoped3A_851 : memref<!tpu.dma_semaphore, #tpu.memory_space<semaphore_mem>>)
      %dma_wait3A_862 = arith.constant 0 : i32
      %dma_wait3A_863 = arith.constant 0 : i32
      %dma_wait3A_864 = tpu.memref_slice %arg16[%dma_wait3A_862, %dma_wait3A_863] : memref<40x16xf32, #tpu.memory_space<vmem>> -> memref<40x16xf32, #tpu.memory_space<vmem>>
      %dma_wait3A_865 = arith.constant 0 : i32
      %dma_wait3A_866 = tpu.memref_slice %arg10[%add3A_74, %dma_wait3A_865] : memref<10000x16xf32, #tpu.memory_space<vmem_shared>> -> memref<40x16xf32, #tpu.memory_space<vmem_shared>>
      %dma_wait3A_867 = arith.constant 0 : i32
      %dma_wait3A_868 = tpu.memref_slice %arg10[%add3A_74, %dma_wait3A_867] : memref<10000x16xf32, #tpu.memory_space<vmem_shared>> -> memref<40x16xf32, #tpu.memory_space<vmem_shared>>
      %dma_wait3A_869 = arith.constant 0 : i32
      %dma_wait3A_870 = arith.constant 0 : i32
      %dma_wait3A_871 = tpu.memref_slice %arg16[%dma_wait3A_869, %dma_wait3A_870] : memref<40x16xf32, #tpu.memory_space<vmem>> -> memref<40x16xf32, #tpu.memory_space<vmem>>
      tpu.wait_dma2 semaphore(%run_scoped3A_851 : memref<!tpu.dma_semaphore, #tpu.memory_space<semaphore_mem>>) src(%dma_wait3A_871 : memref<40x16xf32, #tpu.memory_space<vmem>>) dst(%dma_wait3A_868 : memref<40x16xf32, #tpu.memory_space<vmem_shared>>)
      tpu.yield
    }) : () -> ()
    %add3A_75 = arith.constant 280 : i32
    %add3A_76 = arith.addi %mul3A_8, %add3A_75 : i32
    "tpu.region"() ({
      %run_scoped3A_851 = tpu.sem_alloc : memref<!tpu.dma_semaphore, #tpu.memory_space<semaphore_mem>>
      %dma_start3A_852 = arith.constant 0 : i32
      %dma_start3A_853 = arith.constant 0 : i32
      %dma_start3A_854 = tpu.memref_slice %arg16[%dma_start3A_852, %dma_start3A_853] : memref<40x16xf32, #tpu.memory_space<vmem>> -> memref<40x16xf32, #tpu.memory_space<vmem>>
      %dma_start3A_855 = arith.constant 0 : i32
      %dma_start3A_856 = tpu.memref_slice %arg10[%add3A_76, %dma_start3A_855] : memref<10000x16xf32, #tpu.memory_space<vmem_shared>> -> memref<40x16xf32, #tpu.memory_space<vmem_shared>>
      %dma_start3A_857 = arith.constant 0 : i32
      %dma_start3A_858 = tpu.memref_slice %arg10[%add3A_76, %dma_start3A_857] : memref<10000x16xf32, #tpu.memory_space<vmem_shared>> -> memref<40x16xf32, #tpu.memory_space<vmem_shared>>
      %dma_start3A_859 = arith.constant 0 : i32
      %dma_start3A_860 = arith.constant 0 : i32
      %dma_start3A_861 = tpu.memref_slice %arg16[%dma_start3A_859, %dma_start3A_860] : memref<40x16xf32, #tpu.memory_space<vmem>> -> memref<40x16xf32, #tpu.memory_space<vmem>>
      tpu.enqueue_dma source(%dma_start3A_861 : memref<40x16xf32, #tpu.memory_space<vmem>>) target(%dma_start3A_858 : memref<40x16xf32, #tpu.memory_space<vmem_shared>>) target_semaphore(%run_scoped3A_851 : memref<!tpu.dma_semaphore, #tpu.memory_space<semaphore_mem>>)
      %dma_wait3A_862 = arith.constant 0 : i32
      %dma_wait3A_863 = arith.constant 0 : i32
      %dma_wait3A_864 = tpu.memref_slice %arg16[%dma_wait3A_862, %dma_wait3A_863] : memref<40x16xf32, #tpu.memory_space<vmem>> -> memref<40x16xf32, #tpu.memory_space<vmem>>
      %dma_wait3A_865 = arith.constant 0 : i32
      %dma_wait3A_866 = tpu.memref_slice %arg10[%add3A_76, %dma_wait3A_865] : memref<10000x16xf32, #tpu.memory_space<vmem_shared>> -> memref<40x16xf32, #tpu.memory_space<vmem_shared>>
      %dma_wait3A_867 = arith.constant 0 : i32
      %dma_wait3A_868 = tpu.memref_slice %arg10[%add3A_76, %dma_wait3A_867] : memref<10000x16xf32, #tpu.memory_space<vmem_shared>> -> memref<40x16xf32, #tpu.memory_space<vmem_shared>>
      %dma_wait3A_869 = arith.constant 0 : i32
      %dma_wait3A_870 = arith.constant 0 : i32
      %dma_wait3A_871 = tpu.memref_slice %arg16[%dma_wait3A_869, %dma_wait3A_870] : memref<40x16xf32, #tpu.memory_space<vmem>> -> memref<40x16xf32, #tpu.memory_space<vmem>>
      tpu.wait_dma2 semaphore(%run_scoped3A_851 : memref<!tpu.dma_semaphore, #tpu.memory_space<semaphore_mem>>) src(%dma_wait3A_871 : memref<40x16xf32, #tpu.memory_space<vmem>>) dst(%dma_wait3A_868 : memref<40x16xf32, #tpu.memory_space<vmem_shared>>)
      tpu.yield
    }) : () -> ()
    %add3A_77 = arith.constant 320 : i32
    %add3A_78 = arith.addi %mul3A_8, %add3A_77 : i32
    "tpu.region"() ({
      %run_scoped3A_851 = tpu.sem_alloc : memref<!tpu.dma_semaphore, #tpu.memory_space<semaphore_mem>>
      %dma_start3A_852 = arith.constant 0 : i32
      %dma_start3A_853 = arith.constant 0 : i32
      %dma_start3A_854 = tpu.memref_slice %arg16[%dma_start3A_852, %dma_start3A_853] : memref<40x16xf32, #tpu.memory_space<vmem>> -> memref<40x16xf32, #tpu.memory_space<vmem>>
      %dma_start3A_855 = arith.constant 0 : i32
      %dma_start3A_856 = tpu.memref_slice %arg10[%add3A_78, %dma_start3A_855] : memref<10000x16xf32, #tpu.memory_space<vmem_shared>> -> memref<40x16xf32, #tpu.memory_space<vmem_shared>>
      %dma_start3A_857 = arith.constant 0 : i32
      %dma_start3A_858 = tpu.memref_slice %arg10[%add3A_78, %dma_start3A_857] : memref<10000x16xf32, #tpu.memory_space<vmem_shared>> -> memref<40x16xf32, #tpu.memory_space<vmem_shared>>
      %dma_start3A_859 = arith.constant 0 : i32
      %dma_start3A_860 = arith.constant 0 : i32
      %dma_start3A_861 = tpu.memref_slice %arg16[%dma_start3A_859, %dma_start3A_860] : memref<40x16xf32, #tpu.memory_space<vmem>> -> memref<40x16xf32, #tpu.memory_space<vmem>>
      tpu.enqueue_dma source(%dma_start3A_861 : memref<40x16xf32, #tpu.memory_space<vmem>>) target(%dma_start3A_858 : memref<40x16xf32, #tpu.memory_space<vmem_shared>>) target_semaphore(%run_scoped3A_851 : memref<!tpu.dma_semaphore, #tpu.memory_space<semaphore_mem>>)
      %dma_wait3A_862 = arith.constant 0 : i32
      %dma_wait3A_863 = arith.constant 0 : i32
      %dma_wait3A_864 = tpu.memref_slice %arg16[%dma_wait3A_862, %dma_wait3A_863] : memref<40x16xf32, #tpu.memory_space<vmem>> -> memref<40x16xf32, #tpu.memory_space<vmem>>
      %dma_wait3A_865 = arith.constant 0 : i32
      %dma_wait3A_866 = tpu.memref_slice %arg10[%add3A_78, %dma_wait3A_865] : memref<10000x16xf32, #tpu.memory_space<vmem_shared>> -> memref<40x16xf32, #tpu.memory_space<vmem_shared>>
      %dma_wait3A_867 = arith.constant 0 : i32
      %dma_wait3A_868 = tpu.memref_slice %arg10[%add3A_78, %dma_wait3A_867] : memref<10000x16xf32, #tpu.memory_space<vmem_shared>> -> memref<40x16xf32, #tpu.memory_space<vmem_shared>>
      %dma_wait3A_869 = arith.constant 0 : i32
      %dma_wait3A_870 = arith.constant 0 : i32
      %dma_wait3A_871 = tpu.memref_slice %arg16[%dma_wait3A_869, %dma_wait3A_870] : memref<40x16xf32, #tpu.memory_space<vmem>> -> memref<40x16xf32, #tpu.memory_space<vmem>>
      tpu.wait_dma2 semaphore(%run_scoped3A_851 : memref<!tpu.dma_semaphore, #tpu.memory_space<semaphore_mem>>) src(%dma_wait3A_871 : memref<40x16xf32, #tpu.memory_space<vmem>>) dst(%dma_wait3A_868 : memref<40x16xf32, #tpu.memory_space<vmem_shared>>)
      tpu.yield
    }) : () -> ()
    %add3A_79 = arith.constant 360 : i32
    %add3A_80 = arith.addi %mul3A_8, %add3A_79 : i32
    "tpu.region"() ({
      %run_scoped3A_851 = tpu.sem_alloc : memref<!tpu.dma_semaphore, #tpu.memory_space<semaphore_mem>>
      %dma_start3A_852 = arith.constant 0 : i32
      %dma_start3A_853 = arith.constant 0 : i32
      %dma_start3A_854 = tpu.memref_slice %arg16[%dma_start3A_852, %dma_start3A_853] : memref<40x16xf32, #tpu.memory_space<vmem>> -> memref<40x16xf32, #tpu.memory_space<vmem>>
      %dma_start3A_855 = arith.constant 0 : i32
      %dma_start3A_856 = tpu.memref_slice %arg10[%add3A_80, %dma_start3A_855] : memref<10000x16xf32, #tpu.memory_space<vmem_shared>> -> memref<40x16xf32, #tpu.memory_space<vmem_shared>>
      %dma_start3A_857 = arith.constant 0 : i32
      %dma_start3A_858 = tpu.memref_slice %arg10[%add3A_80, %dma_start3A_857] : memref<10000x16xf32, #tpu.memory_space<vmem_shared>> -> memref<40x16xf32, #tpu.memory_space<vmem_shared>>
      %dma_start3A_859 = arith.constant 0 : i32
      %dma_start3A_860 = arith.constant 0 : i32
      %dma_start3A_861 = tpu.memref_slice %arg16[%dma_start3A_859, %dma_start3A_860] : memref<40x16xf32, #tpu.memory_space<vmem>> -> memref<40x16xf32, #tpu.memory_space<vmem>>
      tpu.enqueue_dma source(%dma_start3A_861 : memref<40x16xf32, #tpu.memory_space<vmem>>) target(%dma_start3A_858 : memref<40x16xf32, #tpu.memory_space<vmem_shared>>) target_semaphore(%run_scoped3A_851 : memref<!tpu.dma_semaphore, #tpu.memory_space<semaphore_mem>>)
      %dma_wait3A_862 = arith.constant 0 : i32
      %dma_wait3A_863 = arith.constant 0 : i32
      %dma_wait3A_864 = tpu.memref_slice %arg16[%dma_wait3A_862, %dma_wait3A_863] : memref<40x16xf32, #tpu.memory_space<vmem>> -> memref<40x16xf32, #tpu.memory_space<vmem>>
      %dma_wait3A_865 = arith.constant 0 : i32
      %dma_wait3A_866 = tpu.memref_slice %arg10[%add3A_80, %dma_wait3A_865] : memref<10000x16xf32, #tpu.memory_space<vmem_shared>> -> memref<40x16xf32, #tpu.memory_space<vmem_shared>>
      %dma_wait3A_867 = arith.constant 0 : i32
      %dma_wait3A_868 = tpu.memref_slice %arg10[%add3A_80, %dma_wait3A_867] : memref<10000x16xf32, #tpu.memory_space<vmem_shared>> -> memref<40x16xf32, #tpu.memory_space<vmem_shared>>
      %dma_wait3A_869 = arith.constant 0 : i32
      %dma_wait3A_870 = arith.constant 0 : i32
      %dma_wait3A_871 = tpu.memref_slice %arg16[%dma_wait3A_869, %dma_wait3A_870] : memref<40x16xf32, #tpu.memory_space<vmem>> -> memref<40x16xf32, #tpu.memory_space<vmem>>
      tpu.wait_dma2 semaphore(%run_scoped3A_851 : memref<!tpu.dma_semaphore, #tpu.memory_space<semaphore_mem>>) src(%dma_wait3A_871 : memref<40x16xf32, #tpu.memory_space<vmem>>) dst(%dma_wait3A_868 : memref<40x16xf32, #tpu.memory_space<vmem_shared>>)
      tpu.yield
    }) : () -> ()
    %add3A_81 = arith.constant 400 : i32
    %add3A_82 = arith.addi %mul3A_8, %add3A_81 : i32
    "tpu.region"() ({
      %run_scoped3A_851 = tpu.sem_alloc : memref<!tpu.dma_semaphore, #tpu.memory_space<semaphore_mem>>
      %dma_start3A_852 = arith.constant 0 : i32
      %dma_start3A_853 = arith.constant 0 : i32
      %dma_start3A_854 = tpu.memref_slice %arg16[%dma_start3A_852, %dma_start3A_853] : memref<40x16xf32, #tpu.memory_space<vmem>> -> memref<40x16xf32, #tpu.memory_space<vmem>>
      %dma_start3A_855 = arith.constant 0 : i32
      %dma_start3A_856 = tpu.memref_slice %arg10[%add3A_82, %dma_start3A_855] : memref<10000x16xf32, #tpu.memory_space<vmem_shared>> -> memref<40x16xf32, #tpu.memory_space<vmem_shared>>
      %dma_start3A_857 = arith.constant 0 : i32
      %dma_start3A_858 = tpu.memref_slice %arg10[%add3A_82, %dma_start3A_857] : memref<10000x16xf32, #tpu.memory_space<vmem_shared>> -> memref<40x16xf32, #tpu.memory_space<vmem_shared>>
      %dma_start3A_859 = arith.constant 0 : i32
      %dma_start3A_860 = arith.constant 0 : i32
      %dma_start3A_861 = tpu.memref_slice %arg16[%dma_start3A_859, %dma_start3A_860] : memref<40x16xf32, #tpu.memory_space<vmem>> -> memref<40x16xf32, #tpu.memory_space<vmem>>
      tpu.enqueue_dma source(%dma_start3A_861 : memref<40x16xf32, #tpu.memory_space<vmem>>) target(%dma_start3A_858 : memref<40x16xf32, #tpu.memory_space<vmem_shared>>) target_semaphore(%run_scoped3A_851 : memref<!tpu.dma_semaphore, #tpu.memory_space<semaphore_mem>>)
      %dma_wait3A_862 = arith.constant 0 : i32
      %dma_wait3A_863 = arith.constant 0 : i32
      %dma_wait3A_864 = tpu.memref_slice %arg16[%dma_wait3A_862, %dma_wait3A_863] : memref<40x16xf32, #tpu.memory_space<vmem>> -> memref<40x16xf32, #tpu.memory_space<vmem>>
      %dma_wait3A_865 = arith.constant 0 : i32
      %dma_wait3A_866 = tpu.memref_slice %arg10[%add3A_82, %dma_wait3A_865] : memref<10000x16xf32, #tpu.memory_space<vmem_shared>> -> memref<40x16xf32, #tpu.memory_space<vmem_shared>>
      %dma_wait3A_867 = arith.constant 0 : i32
      %dma_wait3A_868 = tpu.memref_slice %arg10[%add3A_82, %dma_wait3A_867] : memref<10000x16xf32, #tpu.memory_space<vmem_shared>> -> memref<40x16xf32, #tpu.memory_space<vmem_shared>>
      %dma_wait3A_869 = arith.constant 0 : i32
      %dma_wait3A_870 = arith.constant 0 : i32
      %dma_wait3A_871 = tpu.memref_slice %arg16[%dma_wait3A_869, %dma_wait3A_870] : memref<40x16xf32, #tpu.memory_space<vmem>> -> memref<40x16xf32, #tpu.memory_space<vmem>>
      tpu.wait_dma2 semaphore(%run_scoped3A_851 : memref<!tpu.dma_semaphore, #tpu.memory_space<semaphore_mem>>) src(%dma_wait3A_871 : memref<40x16xf32, #tpu.memory_space<vmem>>) dst(%dma_wait3A_868 : memref<40x16xf32, #tpu.memory_space<vmem_shared>>)
      tpu.yield
    }) : () -> ()
    %add3A_83 = arith.constant 440 : i32
    %add3A_84 = arith.addi %mul3A_8, %add3A_83 : i32
    "tpu.region"() ({
      %run_scoped3A_851 = tpu.sem_alloc : memref<!tpu.dma_semaphore, #tpu.memory_space<semaphore_mem>>
      %dma_start3A_852 = arith.constant 0 : i32
      %dma_start3A_853 = arith.constant 0 : i32
      %dma_start3A_854 = tpu.memref_slice %arg16[%dma_start3A_852, %dma_start3A_853] : memref<40x16xf32, #tpu.memory_space<vmem>> -> memref<40x16xf32, #tpu.memory_space<vmem>>
      %dma_start3A_855 = arith.constant 0 : i32
      %dma_start3A_856 = tpu.memref_slice %arg10[%add3A_84, %dma_start3A_855] : memref<10000x16xf32, #tpu.memory_space<vmem_shared>> -> memref<40x16xf32, #tpu.memory_space<vmem_shared>>
      %dma_start3A_857 = arith.constant 0 : i32
      %dma_start3A_858 = tpu.memref_slice %arg10[%add3A_84, %dma_start3A_857] : memref<10000x16xf32, #tpu.memory_space<vmem_shared>> -> memref<40x16xf32, #tpu.memory_space<vmem_shared>>
      %dma_start3A_859 = arith.constant 0 : i32
      %dma_start3A_860 = arith.constant 0 : i32
      %dma_start3A_861 = tpu.memref_slice %arg16[%dma_start3A_859, %dma_start3A_860] : memref<40x16xf32, #tpu.memory_space<vmem>> -> memref<40x16xf32, #tpu.memory_space<vmem>>
      tpu.enqueue_dma source(%dma_start3A_861 : memref<40x16xf32, #tpu.memory_space<vmem>>) target(%dma_start3A_858 : memref<40x16xf32, #tpu.memory_space<vmem_shared>>) target_semaphore(%run_scoped3A_851 : memref<!tpu.dma_semaphore, #tpu.memory_space<semaphore_mem>>)
      %dma_wait3A_862 = arith.constant 0 : i32
      %dma_wait3A_863 = arith.constant 0 : i32
      %dma_wait3A_864 = tpu.memref_slice %arg16[%dma_wait3A_862, %dma_wait3A_863] : memref<40x16xf32, #tpu.memory_space<vmem>> -> memref<40x16xf32, #tpu.memory_space<vmem>>
      %dma_wait3A_865 = arith.constant 0 : i32
      %dma_wait3A_866 = tpu.memref_slice %arg10[%add3A_84, %dma_wait3A_865] : memref<10000x16xf32, #tpu.memory_space<vmem_shared>> -> memref<40x16xf32, #tpu.memory_space<vmem_shared>>
      %dma_wait3A_867 = arith.constant 0 : i32
      %dma_wait3A_868 = tpu.memref_slice %arg10[%add3A_84, %dma_wait3A_867] : memref<10000x16xf32, #tpu.memory_space<vmem_shared>> -> memref<40x16xf32, #tpu.memory_space<vmem_shared>>
      %dma_wait3A_869 = arith.constant 0 : i32
      %dma_wait3A_870 = arith.constant 0 : i32
      %dma_wait3A_871 = tpu.memref_slice %arg16[%dma_wait3A_869, %dma_wait3A_870] : memref<40x16xf32, #tpu.memory_space<vmem>> -> memref<40x16xf32, #tpu.memory_space<vmem>>
      tpu.wait_dma2 semaphore(%run_scoped3A_851 : memref<!tpu.dma_semaphore, #tpu.memory_space<semaphore_mem>>) src(%dma_wait3A_871 : memref<40x16xf32, #tpu.memory_space<vmem>>) dst(%dma_wait3A_868 : memref<40x16xf32, #tpu.memory_space<vmem_shared>>)
      tpu.yield
    }) : () -> ()
    %add3A_85 = arith.constant 480 : i32
    %add3A_86 = arith.addi %mul3A_8, %add3A_85 : i32
    "tpu.region"() ({
      %run_scoped3A_851 = tpu.sem_alloc : memref<!tpu.dma_semaphore, #tpu.memory_space<semaphore_mem>>
      %dma_start3A_852 = arith.constant 0 : i32
      %dma_start3A_853 = arith.constant 0 : i32
      %dma_start3A_854 = tpu.memref_slice %arg16[%dma_start3A_852, %dma_start3A_853] : memref<40x16xf32, #tpu.memory_space<vmem>> -> memref<40x16xf32, #tpu.memory_space<vmem>>
      %dma_start3A_855 = arith.constant 0 : i32
      %dma_start3A_856 = tpu.memref_slice %arg10[%add3A_86, %dma_start3A_855] : memref<10000x16xf32, #tpu.memory_space<vmem_shared>> -> memref<40x16xf32, #tpu.memory_space<vmem_shared>>
      %dma_start3A_857 = arith.constant 0 : i32
      %dma_start3A_858 = tpu.memref_slice %arg10[%add3A_86, %dma_start3A_857] : memref<10000x16xf32, #tpu.memory_space<vmem_shared>> -> memref<40x16xf32, #tpu.memory_space<vmem_shared>>
      %dma_start3A_859 = arith.constant 0 : i32
      %dma_start3A_860 = arith.constant 0 : i32
      %dma_start3A_861 = tpu.memref_slice %arg16[%dma_start3A_859, %dma_start3A_860] : memref<40x16xf32, #tpu.memory_space<vmem>> -> memref<40x16xf32, #tpu.memory_space<vmem>>
      tpu.enqueue_dma source(%dma_start3A_861 : memref<40x16xf32, #tpu.memory_space<vmem>>) target(%dma_start3A_858 : memref<40x16xf32, #tpu.memory_space<vmem_shared>>) target_semaphore(%run_scoped3A_851 : memref<!tpu.dma_semaphore, #tpu.memory_space<semaphore_mem>>)
      %dma_wait3A_862 = arith.constant 0 : i32
      %dma_wait3A_863 = arith.constant 0 : i32
      %dma_wait3A_864 = tpu.memref_slice %arg16[%dma_wait3A_862, %dma_wait3A_863] : memref<40x16xf32, #tpu.memory_space<vmem>> -> memref<40x16xf32, #tpu.memory_space<vmem>>
      %dma_wait3A_865 = arith.constant 0 : i32
      %dma_wait3A_866 = tpu.memref_slice %arg10[%add3A_86, %dma_wait3A_865] : memref<10000x16xf32, #tpu.memory_space<vmem_shared>> -> memref<40x16xf32, #tpu.memory_space<vmem_shared>>
      %dma_wait3A_867 = arith.constant 0 : i32
      %dma_wait3A_868 = tpu.memref_slice %arg10[%add3A_86, %dma_wait3A_867] : memref<10000x16xf32, #tpu.memory_space<vmem_shared>> -> memref<40x16xf32, #tpu.memory_space<vmem_shared>>
      %dma_wait3A_869 = arith.constant 0 : i32
      %dma_wait3A_870 = arith.constant 0 : i32
      %dma_wait3A_871 = tpu.memref_slice %arg16[%dma_wait3A_869, %dma_wait3A_870] : memref<40x16xf32, #tpu.memory_space<vmem>> -> memref<40x16xf32, #tpu.memory_space<vmem>>
      tpu.wait_dma2 semaphore(%run_scoped3A_851 : memref<!tpu.dma_semaphore, #tpu.memory_space<semaphore_mem>>) src(%dma_wait3A_871 : memref<40x16xf32, #tpu.memory_space<vmem>>) dst(%dma_wait3A_868 : memref<40x16xf32, #tpu.memory_space<vmem_shared>>)
      tpu.yield
    }) : () -> ()
    %add3A_87 = arith.constant 520 : i32
    %add3A_88 = arith.addi %mul3A_8, %add3A_87 : i32
    "tpu.region"() ({
      %run_scoped3A_851 = tpu.sem_alloc : memref<!tpu.dma_semaphore, #tpu.memory_space<semaphore_mem>>
      %dma_start3A_852 = arith.constant 0 : i32
      %dma_start3A_853 = arith.constant 0 : i32
      %dma_start3A_854 = tpu.memref_slice %arg16[%dma_start3A_852, %dma_start3A_853] : memref<40x16xf32, #tpu.memory_space<vmem>> -> memref<40x16xf32, #tpu.memory_space<vmem>>
      %dma_start3A_855 = arith.constant 0 : i32
      %dma_start3A_856 = tpu.memref_slice %arg10[%add3A_88, %dma_start3A_855] : memref<10000x16xf32, #tpu.memory_space<vmem_shared>> -> memref<40x16xf32, #tpu.memory_space<vmem_shared>>
      %dma_start3A_857 = arith.constant 0 : i32
      %dma_start3A_858 = tpu.memref_slice %arg10[%add3A_88, %dma_start3A_857] : memref<10000x16xf32, #tpu.memory_space<vmem_shared>> -> memref<40x16xf32, #tpu.memory_space<vmem_shared>>
      %dma_start3A_859 = arith.constant 0 : i32
      %dma_start3A_860 = arith.constant 0 : i32
      %dma_start3A_861 = tpu.memref_slice %arg16[%dma_start3A_859, %dma_start3A_860] : memref<40x16xf32, #tpu.memory_space<vmem>> -> memref<40x16xf32, #tpu.memory_space<vmem>>
      tpu.enqueue_dma source(%dma_start3A_861 : memref<40x16xf32, #tpu.memory_space<vmem>>) target(%dma_start3A_858 : memref<40x16xf32, #tpu.memory_space<vmem_shared>>) target_semaphore(%run_scoped3A_851 : memref<!tpu.dma_semaphore, #tpu.memory_space<semaphore_mem>>)
      %dma_wait3A_862 = arith.constant 0 : i32
      %dma_wait3A_863 = arith.constant 0 : i32
      %dma_wait3A_864 = tpu.memref_slice %arg16[%dma_wait3A_862, %dma_wait3A_863] : memref<40x16xf32, #tpu.memory_space<vmem>> -> memref<40x16xf32, #tpu.memory_space<vmem>>
      %dma_wait3A_865 = arith.constant 0 : i32
      %dma_wait3A_866 = tpu.memref_slice %arg10[%add3A_88, %dma_wait3A_865] : memref<10000x16xf32, #tpu.memory_space<vmem_shared>> -> memref<40x16xf32, #tpu.memory_space<vmem_shared>>
      %dma_wait3A_867 = arith.constant 0 : i32
      %dma_wait3A_868 = tpu.memref_slice %arg10[%add3A_88, %dma_wait3A_867] : memref<10000x16xf32, #tpu.memory_space<vmem_shared>> -> memref<40x16xf32, #tpu.memory_space<vmem_shared>>
      %dma_wait3A_869 = arith.constant 0 : i32
      %dma_wait3A_870 = arith.constant 0 : i32
      %dma_wait3A_871 = tpu.memref_slice %arg16[%dma_wait3A_869, %dma_wait3A_870] : memref<40x16xf32, #tpu.memory_space<vmem>> -> memref<40x16xf32, #tpu.memory_space<vmem>>
      tpu.wait_dma2 semaphore(%run_scoped3A_851 : memref<!tpu.dma_semaphore, #tpu.memory_space<semaphore_mem>>) src(%dma_wait3A_871 : memref<40x16xf32, #tpu.memory_space<vmem>>) dst(%dma_wait3A_868 : memref<40x16xf32, #tpu.memory_space<vmem_shared>>)
      tpu.yield
    }) : () -> ()
    %add3A_89 = arith.constant 560 : i32
    %add3A_90 = arith.addi %mul3A_8, %add3A_89 : i32
    "tpu.region"() ({
      %run_scoped3A_851 = tpu.sem_alloc : memref<!tpu.dma_semaphore, #tpu.memory_space<semaphore_mem>>
      %dma_start3A_852 = arith.constant 0 : i32
      %dma_start3A_853 = arith.constant 0 : i32
      %dma_start3A_854 = tpu.memref_slice %arg16[%dma_start3A_852, %dma_start3A_853] : memref<40x16xf32, #tpu.memory_space<vmem>> -> memref<40x16xf32, #tpu.memory_space<vmem>>
      %dma_start3A_855 = arith.constant 0 : i32
      %dma_start3A_856 = tpu.memref_slice %arg10[%add3A_90, %dma_start3A_855] : memref<10000x16xf32, #tpu.memory_space<vmem_shared>> -> memref<40x16xf32, #tpu.memory_space<vmem_shared>>
      %dma_start3A_857 = arith.constant 0 : i32
      %dma_start3A_858 = tpu.memref_slice %arg10[%add3A_90, %dma_start3A_857] : memref<10000x16xf32, #tpu.memory_space<vmem_shared>> -> memref<40x16xf32, #tpu.memory_space<vmem_shared>>
      %dma_start3A_859 = arith.constant 0 : i32
      %dma_start3A_860 = arith.constant 0 : i32
      %dma_start3A_861 = tpu.memref_slice %arg16[%dma_start3A_859, %dma_start3A_860] : memref<40x16xf32, #tpu.memory_space<vmem>> -> memref<40x16xf32, #tpu.memory_space<vmem>>
      tpu.enqueue_dma source(%dma_start3A_861 : memref<40x16xf32, #tpu.memory_space<vmem>>) target(%dma_start3A_858 : memref<40x16xf32, #tpu.memory_space<vmem_shared>>) target_semaphore(%run_scoped3A_851 : memref<!tpu.dma_semaphore, #tpu.memory_space<semaphore_mem>>)
      %dma_wait3A_862 = arith.constant 0 : i32
      %dma_wait3A_863 = arith.constant 0 : i32
      %dma_wait3A_864 = tpu.memref_slice %arg16[%dma_wait3A_862, %dma_wait3A_863] : memref<40x16xf32, #tpu.memory_space<vmem>> -> memref<40x16xf32, #tpu.memory_space<vmem>>
      %dma_wait3A_865 = arith.constant 0 : i32
      %dma_wait3A_866 = tpu.memref_slice %arg10[%add3A_90, %dma_wait3A_865] : memref<10000x16xf32, #tpu.memory_space<vmem_shared>> -> memref<40x16xf32, #tpu.memory_space<vmem_shared>>
      %dma_wait3A_867 = arith.constant 0 : i32
      %dma_wait3A_868 = tpu.memref_slice %arg10[%add3A_90, %dma_wait3A_867] : memref<10000x16xf32, #tpu.memory_space<vmem_shared>> -> memref<40x16xf32, #tpu.memory_space<vmem_shared>>
      %dma_wait3A_869 = arith.constant 0 : i32
      %dma_wait3A_870 = arith.constant 0 : i32
      %dma_wait3A_871 = tpu.memref_slice %arg16[%dma_wait3A_869, %dma_wait3A_870] : memref<40x16xf32, #tpu.memory_space<vmem>> -> memref<40x16xf32, #tpu.memory_space<vmem>>
      tpu.wait_dma2 semaphore(%run_scoped3A_851 : memref<!tpu.dma_semaphore, #tpu.memory_space<semaphore_mem>>) src(%dma_wait3A_871 : memref<40x16xf32, #tpu.memory_space<vmem>>) dst(%dma_wait3A_868 : memref<40x16xf32, #tpu.memory_space<vmem_shared>>)
      tpu.yield
    }) : () -> ()
    %add3A_91 = arith.constant 600 : i32
    %add3A_92 = arith.addi %mul3A_8, %add3A_91 : i32
    "tpu.region"() ({
      %run_scoped3A_851 = tpu.sem_alloc : memref<!tpu.dma_semaphore, #tpu.memory_space<semaphore_mem>>
      %dma_start3A_852 = arith.constant 0 : i32
      %dma_start3A_853 = arith.constant 0 : i32
      %dma_start3A_854 = tpu.memref_slice %arg16[%dma_start3A_852, %dma_start3A_853] : memref<40x16xf32, #tpu.memory_space<vmem>> -> memref<25x16xf32, #tpu.memory_space<vmem>>
      %dma_start3A_855 = arith.constant 0 : i32
      %dma_start3A_856 = tpu.memref_slice %arg10[%add3A_92, %dma_start3A_855] : memref<10000x16xf32, #tpu.memory_space<vmem_shared>> -> memref<25x16xf32, #tpu.memory_space<vmem_shared>>
      %dma_start3A_857 = arith.constant 0 : i32
      %dma_start3A_858 = tpu.memref_slice %arg10[%add3A_92, %dma_start3A_857] : memref<10000x16xf32, #tpu.memory_space<vmem_shared>> -> memref<25x16xf32, #tpu.memory_space<vmem_shared>>
      %dma_start3A_859 = arith.constant 0 : i32
      %dma_start3A_860 = arith.constant 0 : i32
      %dma_start3A_861 = tpu.memref_slice %arg16[%dma_start3A_859, %dma_start3A_860] : memref<40x16xf32, #tpu.memory_space<vmem>> -> memref<25x16xf32, #tpu.memory_space<vmem>>
      tpu.enqueue_dma source(%dma_start3A_861 : memref<25x16xf32, #tpu.memory_space<vmem>>) target(%dma_start3A_858 : memref<25x16xf32, #tpu.memory_space<vmem_shared>>) target_semaphore(%run_scoped3A_851 : memref<!tpu.dma_semaphore, #tpu.memory_space<semaphore_mem>>)
      %dma_wait3A_862 = arith.constant 0 : i32
      %dma_wait3A_863 = arith.constant 0 : i32
      %dma_wait3A_864 = tpu.memref_slice %arg16[%dma_wait3A_862, %dma_wait3A_863] : memref<40x16xf32, #tpu.memory_space<vmem>> -> memref<25x16xf32, #tpu.memory_space<vmem>>
      %dma_wait3A_865 = arith.constant 0 : i32
      %dma_wait3A_866 = tpu.memref_slice %arg10[%add3A_92, %dma_wait3A_865] : memref<10000x16xf32, #tpu.memory_space<vmem_shared>> -> memref<25x16xf32, #tpu.memory_space<vmem_shared>>
      %dma_wait3A_867 = arith.constant 0 : i32
      %dma_wait3A_868 = tpu.memref_slice %arg10[%add3A_92, %dma_wait3A_867] : memref<10000x16xf32, #tpu.memory_space<vmem_shared>> -> memref<25x16xf32, #tpu.memory_space<vmem_shared>>
      %dma_wait3A_869 = arith.constant 0 : i32
      %dma_wait3A_870 = arith.constant 0 : i32
      %dma_wait3A_871 = tpu.memref_slice %arg16[%dma_wait3A_869, %dma_wait3A_870] : memref<40x16xf32, #tpu.memory_space<vmem>> -> memref<25x16xf32, #tpu.memory_space<vmem>>
      tpu.wait_dma2 semaphore(%run_scoped3A_851 : memref<!tpu.dma_semaphore, #tpu.memory_space<semaphore_mem>>) src(%dma_wait3A_871 : memref<25x16xf32, #tpu.memory_space<vmem>>) dst(%dma_wait3A_868 : memref<25x16xf32, #tpu.memory_space<vmem_shared>>)
      tpu.yield
    }) : () -> ()
    %broadcast_in_dim3A_93 = arith.constant 1.000000e+00 : f32
    %broadcast_in_dim3A_94 = vector.broadcast %broadcast_in_dim3A_93 : f32 to vector<16xf32>
    %scan3A_95 = arith.constant 0 : i32
    %scan3A_96 = arith.constant 0 : i32
    %scan3A_97 = arith.constant 40 : i32
    %scan3A_98 = arith.addi %scan3A_96, %scan3A_97 : i32
    %scan3A_99 = arith.constant 1 : i32
    scf.for %scan3A_851 = %scan3A_96 to %scan3A_98 step %scan3A_99  : i32 {
      %swap3A = arith.index_cast %scan3A_851 : i32 to index
      %swap3A_852 = arith.constant 0 : index
      %swap3A_853 = tpu.vector_load %arg16[%swap3A, %swap3A_852] {strides = array<i32>} : memref<40x16xf32, #tpu.memory_space<vmem>>, vector<1x16xf32>,
      %swap3A_854 = vector.shape_cast %swap3A_853 : vector<1x16xf32> to vector<16xf32>
      %swap3A_855 = vector.shape_cast %broadcast_in_dim3A_94 : vector<16xf32> to vector<1x16xf32>
      tpu.vector_store %arg16[%swap3A, %swap3A_852], %swap3A_855 {strides = array<i32>} : memref<40x16xf32, #tpu.memory_space<vmem>>, vector<1x16xf32>,
    }
    %scan3A_100 = arith.constant 40 : i32
    %barrier3A = arith.constant 0 : index
    tpu.barrier barrier_id(%barrier3A)
    %rem3A = arith.constant 0 : i32
    %rem3A_101 = arith.constant 4 : i32
    %rem3A_102 = arith.remsi %rem3A, %rem3A_101 : i32
    %dma_start3A = arith.constant 0 : i32
    %dma_start3A_103 = arith.constant 0 : i32
    %dma_start3A_104 = arith.constant 0 : i32
    %dma_start3A_105 = tpu.memref_slice %arg12[%rem3A_102, %dma_start3A_103, %dma_start3A_104] : memref<4x3x40xi32, #tpu.memory_space<vmem>> -> memref<1x1x40xi32, #tpu.memory_space<vmem>>
    %dma_start3A_106 = tpu.memref_squeeze %dma_start3A_105 : memref<1x1x40xi32, #tpu.memory_space<vmem>> -> memref<40xi32, #tpu.memory_space<vmem>>
    %dma_start3A_107 = arith.constant 0 : i32
    %dma_start3A_108 = tpu.memref_slice %arg4[%arg0, %arg1, %dma_start3A, %dma_start3A_107] : memref<2x16x250x40xi32, #tpu.memory_space<hbm>> -> memref<1x1x1x40xi32, #tpu.memory_space<hbm>>
    %dma_start3A_109 = tpu.memref_squeeze %dma_start3A_108 : memref<1x1x1x40xi32, #tpu.memory_space<hbm>> -> memref<40xi32, #tpu.memory_space<hbm>>
    %dma_start3A_110 = tpu.memref_slice %arg17[%rem3A_102] : memref<4x!tpu.dma_semaphore, #tpu.memory_space<semaphore_mem>> -> memref<1x!tpu.dma_semaphore, #tpu.memory_space<semaphore_mem>>
    %dma_start3A_111 = tpu.memref_squeeze %dma_start3A_110 : memref<1x!tpu.dma_semaphore, #tpu.memory_space<semaphore_mem>> -> memref<!tpu.dma_semaphore, #tpu.memory_space<semaphore_mem>>
    %dma_start3A_112 = arith.constant 0 : i32
    %dma_start3A_113 = tpu.memref_slice %arg12[%rem3A_102, %dma_start3A_103, %dma_start3A_112] : memref<4x3x40xi32, #tpu.memory_space<vmem>> -> memref<1x1x40xi32, #tpu.memory_space<vmem>>
    %dma_start3A_114 = tpu.memref_squeeze %dma_start3A_113 : memref<1x1x40xi32, #tpu.memory_space<vmem>> -> memref<40xi32, #tpu.memory_space<vmem>>
    %dma_start3A_115 = arith.constant 0 : i32
    %dma_start3A_116 = tpu.memref_slice %arg4[%arg0, %arg1, %dma_start3A, %dma_start3A_115] : memref<2x16x250x40xi32, #tpu.memory_space<hbm>> -> memref<1x1x1x40xi32, #tpu.memory_space<hbm>>
    %dma_start3A_117 = tpu.memref_squeeze %dma_start3A_116 : memref<1x1x1x40xi32, #tpu.memory_space<hbm>> -> memref<40xi32, #tpu.memory_space<hbm>>
    tpu.enqueue_dma source(%dma_start3A_117 : memref<40xi32, #tpu.memory_space<hbm>>) target(%dma_start3A_114 : memref<40xi32, #tpu.memory_space<vmem>>) target_semaphore(%dma_start3A_111 : memref<!tpu.dma_semaphore, #tpu.memory_space<semaphore_mem>>)
    %dma_start3A_118 = arith.constant 0 : i32
    %dma_start3A_119 = arith.constant 1 : i32
    %dma_start3A_120 = arith.constant 0 : i32
    %dma_start3A_121 = tpu.memref_slice %arg12[%rem3A_102, %dma_start3A_119, %dma_start3A_120] : memref<4x3x40xi32, #tpu.memory_space<vmem>> -> memref<1x1x40xi32, #tpu.memory_space<vmem>>
    %dma_start3A_122 = tpu.memref_squeeze %dma_start3A_121 : memref<1x1x40xi32, #tpu.memory_space<vmem>> -> memref<40xi32, #tpu.memory_space<vmem>>
    %dma_start3A_123 = arith.constant 0 : i32
    %dma_start3A_124 = tpu.memref_slice %arg5[%arg0, %arg1, %dma_start3A_118, %dma_start3A_123] : memref<2x16x250x40xi32, #tpu.memory_space<hbm>> -> memref<1x1x1x40xi32, #tpu.memory_space<hbm>>
    %dma_start3A_125 = tpu.memref_squeeze %dma_start3A_124 : memref<1x1x1x40xi32, #tpu.memory_space<hbm>> -> memref<40xi32, #tpu.memory_space<hbm>>
    %dma_start3A_126 = tpu.memref_slice %arg17[%rem3A_102] : memref<4x!tpu.dma_semaphore, #tpu.memory_space<semaphore_mem>> -> memref<1x!tpu.dma_semaphore, #tpu.memory_space<semaphore_mem>>
    %dma_start3A_127 = tpu.memref_squeeze %dma_start3A_126 : memref<1x!tpu.dma_semaphore, #tpu.memory_space<semaphore_mem>> -> memref<!tpu.dma_semaphore, #tpu.memory_space<semaphore_mem>>
    %dma_start3A_128 = arith.constant 0 : i32
    %dma_start3A_129 = tpu.memref_slice %arg12[%rem3A_102, %dma_start3A_119, %dma_start3A_128] : memref<4x3x40xi32, #tpu.memory_space<vmem>> -> memref<1x1x40xi32, #tpu.memory_space<vmem>>
    %dma_start3A_130 = tpu.memref_squeeze %dma_start3A_129 : memref<1x1x40xi32, #tpu.memory_space<vmem>> -> memref<40xi32, #tpu.memory_space<vmem>>
    %dma_start3A_131 = arith.constant 0 : i32
    %dma_start3A_132 = tpu.memref_slice %arg5[%arg0, %arg1, %dma_start3A_118, %dma_start3A_131] : memref<2x16x250x40xi32, #tpu.memory_space<hbm>> -> memref<1x1x1x40xi32, #tpu.memory_space<hbm>>
    %dma_start3A_133 = tpu.memref_squeeze %dma_start3A_132 : memref<1x1x1x40xi32, #tpu.memory_space<hbm>> -> memref<40xi32, #tpu.memory_space<hbm>>
    tpu.enqueue_dma source(%dma_start3A_133 : memref<40xi32, #tpu.memory_space<hbm>>) target(%dma_start3A_130 : memref<40xi32, #tpu.memory_space<vmem>>) target_semaphore(%dma_start3A_127 : memref<!tpu.dma_semaphore, #tpu.memory_space<semaphore_mem>>)
    %dma_start3A_134 = arith.constant 0 : i32
    %dma_start3A_135 = arith.constant 2 : i32
    %dma_start3A_136 = arith.constant 0 : i32
    %dma_start3A_137 = tpu.memref_slice %arg12[%rem3A_102, %dma_start3A_135, %dma_start3A_136] : memref<4x3x40xi32, #tpu.memory_space<vmem>> -> memref<1x1x40xi32, #tpu.memory_space<vmem>>
    %dma_start3A_138 = tpu.memref_squeeze %dma_start3A_137 : memref<1x1x40xi32, #tpu.memory_space<vmem>> -> memref<40xi32, #tpu.memory_space<vmem>>
    %dma_start3A_139 = arith.constant 0 : i32
    %dma_start3A_140 = tpu.memref_slice %arg6[%arg0, %arg1, %dma_start3A_134, %dma_start3A_139] : memref<2x16x250x40xi32, #tpu.memory_space<hbm>> -> memref<1x1x1x40xi32, #tpu.memory_space<hbm>>
    %dma_start3A_141 = tpu.memref_squeeze %dma_start3A_140 : memref<1x1x1x40xi32, #tpu.memory_space<hbm>> -> memref<40xi32, #tpu.memory_space<hbm>>
    %dma_start3A_142 = tpu.memref_slice %arg17[%rem3A_102] : memref<4x!tpu.dma_semaphore, #tpu.memory_space<semaphore_mem>> -> memref<1x!tpu.dma_semaphore, #tpu.memory_space<semaphore_mem>>
    %dma_start3A_143 = tpu.memref_squeeze %dma_start3A_142 : memref<1x!tpu.dma_semaphore, #tpu.memory_space<semaphore_mem>> -> memref<!tpu.dma_semaphore, #tpu.memory_space<semaphore_mem>>
    %dma_start3A_144 = arith.constant 0 : i32
    %dma_start3A_145 = tpu.memref_slice %arg12[%rem3A_102, %dma_start3A_135, %dma_start3A_144] : memref<4x3x40xi32, #tpu.memory_space<vmem>> -> memref<1x1x40xi32, #tpu.memory_space<vmem>>
    %dma_start3A_146 = tpu.memref_squeeze %dma_start3A_145 : memref<1x1x40xi32, #tpu.memory_space<vmem>> -> memref<40xi32, #tpu.memory_space<vmem>>
    %dma_start3A_147 = arith.constant 0 : i32
    %dma_start3A_148 = tpu.memref_slice %arg6[%arg0, %arg1, %dma_start3A_134, %dma_start3A_147] : memref<2x16x250x40xi32, #tpu.memory_space<hbm>> -> memref<1x1x1x40xi32, #tpu.memory_space<hbm>>
    %dma_start3A_149 = tpu.memref_squeeze %dma_start3A_148 : memref<1x1x1x40xi32, #tpu.memory_space<hbm>> -> memref<40xi32, #tpu.memory_space<hbm>>
    tpu.enqueue_dma source(%dma_start3A_149 : memref<40xi32, #tpu.memory_space<hbm>>) target(%dma_start3A_146 : memref<40xi32, #tpu.memory_space<vmem>>) target_semaphore(%dma_start3A_143 : memref<!tpu.dma_semaphore, #tpu.memory_space<semaphore_mem>>)
    %rem3A_150 = arith.constant 1 : i32
    %rem3A_151 = arith.constant 4 : i32
    %rem3A_152 = arith.remsi %rem3A_150, %rem3A_151 : i32
    %dma_start3A_153 = arith.constant 1 : i32
    %dma_start3A_154 = arith.constant 0 : i32
    %dma_start3A_155 = arith.constant 0 : i32
    %dma_start3A_156 = tpu.memref_slice %arg12[%rem3A_152, %dma_start3A_154, %dma_start3A_155] : memref<4x3x40xi32, #tpu.memory_space<vmem>> -> memref<1x1x40xi32, #tpu.memory_space<vmem>>
    %dma_start3A_157 = tpu.memref_squeeze %dma_start3A_156 : memref<1x1x40xi32, #tpu.memory_space<vmem>> -> memref<40xi32, #tpu.memory_space<vmem>>
    %dma_start3A_158 = arith.constant 0 : i32
    %dma_start3A_159 = tpu.memref_slice %arg4[%arg0, %arg1, %dma_start3A_153, %dma_start3A_158] : memref<2x16x250x40xi32, #tpu.memory_space<hbm>> -> memref<1x1x1x40xi32, #tpu.memory_space<hbm>>
    %dma_start3A_160 = tpu.memref_squeeze %dma_start3A_159 : memref<1x1x1x40xi32, #tpu.memory_space<hbm>> -> memref<40xi32, #tpu.memory_space<hbm>>
    %dma_start3A_161 = tpu.memref_slice %arg17[%rem3A_152] : memref<4x!tpu.dma_semaphore, #tpu.memory_space<semaphore_mem>> -> memref<1x!tpu.dma_semaphore, #tpu.memory_space<semaphore_mem>>
    %dma_start3A_162 = tpu.memref_squeeze %dma_start3A_161 : memref<1x!tpu.dma_semaphore, #tpu.memory_space<semaphore_mem>> -> memref<!tpu.dma_semaphore, #tpu.memory_space<semaphore_mem>>
    %dma_start3A_163 = arith.constant 0 : i32
    %dma_start3A_164 = tpu.memref_slice %arg12[%rem3A_152, %dma_start3A_154, %dma_start3A_163] : memref<4x3x40xi32, #tpu.memory_space<vmem>> -> memref<1x1x40xi32, #tpu.memory_space<vmem>>
    %dma_start3A_165 = tpu.memref_squeeze %dma_start3A_164 : memref<1x1x40xi32, #tpu.memory_space<vmem>> -> memref<40xi32, #tpu.memory_space<vmem>>
    %dma_start3A_166 = arith.constant 0 : i32
    %dma_start3A_167 = tpu.memref_slice %arg4[%arg0, %arg1, %dma_start3A_153, %dma_start3A_166] : memref<2x16x250x40xi32, #tpu.memory_space<hbm>> -> memref<1x1x1x40xi32, #tpu.memory_space<hbm>>
    %dma_start3A_168 = tpu.memref_squeeze %dma_start3A_167 : memref<1x1x1x40xi32, #tpu.memory_space<hbm>> -> memref<40xi32, #tpu.memory_space<hbm>>
    tpu.enqueue_dma source(%dma_start3A_168 : memref<40xi32, #tpu.memory_space<hbm>>) target(%dma_start3A_165 : memref<40xi32, #tpu.memory_space<vmem>>) target_semaphore(%dma_start3A_162 : memref<!tpu.dma_semaphore, #tpu.memory_space<semaphore_mem>>)
    %dma_start3A_169 = arith.constant 1 : i32
    %dma_start3A_170 = arith.constant 1 : i32
    %dma_start3A_171 = arith.constant 0 : i32
    %dma_start3A_172 = tpu.memref_slice %arg12[%rem3A_152, %dma_start3A_170, %dma_start3A_171] : memref<4x3x40xi32, #tpu.memory_space<vmem>> -> memref<1x1x40xi32, #tpu.memory_space<vmem>>
    %dma_start3A_173 = tpu.memref_squeeze %dma_start3A_172 : memref<1x1x40xi32, #tpu.memory_space<vmem>> -> memref<40xi32, #tpu.memory_space<vmem>>
    %dma_start3A_174 = arith.constant 0 : i32
    %dma_start3A_175 = tpu.memref_slice %arg5[%arg0, %arg1, %dma_start3A_169, %dma_start3A_174] : memref<2x16x250x40xi32, #tpu.memory_space<hbm>> -> memref<1x1x1x40xi32, #tpu.memory_space<hbm>>
    %dma_start3A_176 = tpu.memref_squeeze %dma_start3A_175 : memref<1x1x1x40xi32, #tpu.memory_space<hbm>> -> memref<40xi32, #tpu.memory_space<hbm>>
    %dma_start3A_177 = tpu.memref_slice %arg17[%rem3A_152] : memref<4x!tpu.dma_semaphore, #tpu.memory_space<semaphore_mem>> -> memref<1x!tpu.dma_semaphore, #tpu.memory_space<semaphore_mem>>
    %dma_start3A_178 = tpu.memref_squeeze %dma_start3A_177 : memref<1x!tpu.dma_semaphore, #tpu.memory_space<semaphore_mem>> -> memref<!tpu.dma_semaphore, #tpu.memory_space<semaphore_mem>>
    %dma_start3A_179 = arith.constant 0 : i32
    %dma_start3A_180 = tpu.memref_slice %arg12[%rem3A_152, %dma_start3A_170, %dma_start3A_179] : memref<4x3x40xi32, #tpu.memory_space<vmem>> -> memref<1x1x40xi32, #tpu.memory_space<vmem>>
    %dma_start3A_181 = tpu.memref_squeeze %dma_start3A_180 : memref<1x1x40xi32, #tpu.memory_space<vmem>> -> memref<40xi32, #tpu.memory_space<vmem>>
    %dma_start3A_182 = arith.constant 0 : i32
    %dma_start3A_183 = tpu.memref_slice %arg5[%arg0, %arg1, %dma_start3A_169, %dma_start3A_182] : memref<2x16x250x40xi32, #tpu.memory_space<hbm>> -> memref<1x1x1x40xi32, #tpu.memory_space<hbm>>
    %dma_start3A_184 = tpu.memref_squeeze %dma_start3A_183 : memref<1x1x1x40xi32, #tpu.memory_space<hbm>> -> memref<40xi32, #tpu.memory_space<hbm>>
    tpu.enqueue_dma source(%dma_start3A_184 : memref<40xi32, #tpu.memory_space<hbm>>) target(%dma_start3A_181 : memref<40xi32, #tpu.memory_space<vmem>>) target_semaphore(%dma_start3A_178 : memref<!tpu.dma_semaphore, #tpu.memory_space<semaphore_mem>>)
    %dma_start3A_185 = arith.constant 1 : i32
    %dma_start3A_186 = arith.constant 2 : i32
    %dma_start3A_187 = arith.constant 0 : i32
    %dma_start3A_188 = tpu.memref_slice %arg12[%rem3A_152, %dma_start3A_186, %dma_start3A_187] : memref<4x3x40xi32, #tpu.memory_space<vmem>> -> memref<1x1x40xi32, #tpu.memory_space<vmem>>
    %dma_start3A_189 = tpu.memref_squeeze %dma_start3A_188 : memref<1x1x40xi32, #tpu.memory_space<vmem>> -> memref<40xi32, #tpu.memory_space<vmem>>
    %dma_start3A_190 = arith.constant 0 : i32
    %dma_start3A_191 = tpu.memref_slice %arg6[%arg0, %arg1, %dma_start3A_185, %dma_start3A_190] : memref<2x16x250x40xi32, #tpu.memory_space<hbm>> -> memref<1x1x1x40xi32, #tpu.memory_space<hbm>>
    %dma_start3A_192 = tpu.memref_squeeze %dma_start3A_191 : memref<1x1x1x40xi32, #tpu.memory_space<hbm>> -> memref<40xi32, #tpu.memory_space<hbm>>
    %dma_start3A_193 = tpu.memref_slice %arg17[%rem3A_152] : memref<4x!tpu.dma_semaphore, #tpu.memory_space<semaphore_mem>> -> memref<1x!tpu.dma_semaphore, #tpu.memory_space<semaphore_mem>>
    %dma_start3A_194 = tpu.memref_squeeze %dma_start3A_193 : memref<1x!tpu.dma_semaphore, #tpu.memory_space<semaphore_mem>> -> memref<!tpu.dma_semaphore, #tpu.memory_space<semaphore_mem>>
    %dma_start3A_195 = arith.constant 0 : i32
    %dma_start3A_196 = tpu.memref_slice %arg12[%rem3A_152, %dma_start3A_186, %dma_start3A_195] : memref<4x3x40xi32, #tpu.memory_space<vmem>> -> memref<1x1x40xi32, #tpu.memory_space<vmem>>
    %dma_start3A_197 = tpu.memref_squeeze %dma_start3A_196 : memref<1x1x40xi32, #tpu.memory_space<vmem>> -> memref<40xi32, #tpu.memory_space<vmem>>
    %dma_start3A_198 = arith.constant 0 : i32
    %dma_start3A_199 = tpu.memref_slice %arg6[%arg0, %arg1, %dma_start3A_185, %dma_start3A_198] : memref<2x16x250x40xi32, #tpu.memory_space<hbm>> -> memref<1x1x1x40xi32, #tpu.memory_space<hbm>>
    %dma_start3A_200 = tpu.memref_squeeze %dma_start3A_199 : memref<1x1x1x40xi32, #tpu.memory_space<hbm>> -> memref<40xi32, #tpu.memory_space<hbm>>
    tpu.enqueue_dma source(%dma_start3A_200 : memref<40xi32, #tpu.memory_space<hbm>>) target(%dma_start3A_197 : memref<40xi32, #tpu.memory_space<vmem>>) target_semaphore(%dma_start3A_194 : memref<!tpu.dma_semaphore, #tpu.memory_space<semaphore_mem>>)
    %rem3A_201 = arith.constant 0 : i32
    %rem3A_202 = arith.constant 4 : i32
    %rem3A_203 = arith.remsi %rem3A_201, %rem3A_202 : i32
    %dma_wait3A = arith.constant 0 : i32
    %dma_wait3A_204 = arith.constant 0 : i32
    %dma_wait3A_205 = arith.constant 0 : i32
    %dma_wait3A_206 = tpu.memref_slice %arg12[%rem3A_203, %dma_wait3A_204, %dma_wait3A_205] : memref<4x3x40xi32, #tpu.memory_space<vmem>> -> memref<1x1x40xi32, #tpu.memory_space<vmem>>
    %dma_wait3A_207 = tpu.memref_squeeze %dma_wait3A_206 : memref<1x1x40xi32, #tpu.memory_space<vmem>> -> memref<40xi32, #tpu.memory_space<vmem>>
    %dma_wait3A_208 = arith.constant 0 : i32
    %dma_wait3A_209 = tpu.memref_slice %arg4[%arg0, %arg1, %dma_wait3A, %dma_wait3A_208] : memref<2x16x250x40xi32, #tpu.memory_space<hbm>> -> memref<1x1x1x40xi32, #tpu.memory_space<hbm>>
    %dma_wait3A_210 = tpu.memref_squeeze %dma_wait3A_209 : memref<1x1x1x40xi32, #tpu.memory_space<hbm>> -> memref<40xi32, #tpu.memory_space<hbm>>
    %dma_wait3A_211 = tpu.memref_slice %arg17[%rem3A_203] : memref<4x!tpu.dma_semaphore, #tpu.memory_space<semaphore_mem>> -> memref<1x!tpu.dma_semaphore, #tpu.memory_space<semaphore_mem>>
    %dma_wait3A_212 = tpu.memref_squeeze %dma_wait3A_211 : memref<1x!tpu.dma_semaphore, #tpu.memory_space<semaphore_mem>> -> memref<!tpu.dma_semaphore, #tpu.memory_space<semaphore_mem>>
    %dma_wait3A_213 = arith.constant 0 : i32
    %dma_wait3A_214 = tpu.memref_slice %arg12[%rem3A_203, %dma_wait3A_204, %dma_wait3A_213] : memref<4x3x40xi32, #tpu.memory_space<vmem>> -> memref<1x1x40xi32, #tpu.memory_space<vmem>>
    %dma_wait3A_215 = tpu.memref_squeeze %dma_wait3A_214 : memref<1x1x40xi32, #tpu.memory_space<vmem>> -> memref<40xi32, #tpu.memory_space<vmem>>
    %dma_wait3A_216 = arith.constant 0 : i32
    %dma_wait3A_217 = tpu.memref_slice %arg4[%arg0, %arg1, %dma_wait3A, %dma_wait3A_216] : memref<2x16x250x40xi32, #tpu.memory_space<hbm>> -> memref<1x1x1x40xi32, #tpu.memory_space<hbm>>
    %dma_wait3A_218 = tpu.memref_squeeze %dma_wait3A_217 : memref<1x1x1x40xi32, #tpu.memory_space<hbm>> -> memref<40xi32, #tpu.memory_space<hbm>>
    tpu.wait_dma2 semaphore(%dma_wait3A_212 : memref<!tpu.dma_semaphore, #tpu.memory_space<semaphore_mem>>) src(%dma_wait3A_218 : memref<40xi32, #tpu.memory_space<hbm>>) dst(%dma_wait3A_215 : memref<40xi32, #tpu.memory_space<vmem>>)
    %dma_wait3A_219 = arith.constant 0 : i32
    %dma_wait3A_220 = arith.constant 1 : i32
    %dma_wait3A_221 = arith.constant 0 : i32
    %dma_wait3A_222 = tpu.memref_slice %arg12[%rem3A_203, %dma_wait3A_220, %dma_wait3A_221] : memref<4x3x40xi32, #tpu.memory_space<vmem>> -> memref<1x1x40xi32, #tpu.memory_space<vmem>>
    %dma_wait3A_223 = tpu.memref_squeeze %dma_wait3A_222 : memref<1x1x40xi32, #tpu.memory_space<vmem>> -> memref<40xi32, #tpu.memory_space<vmem>>
    %dma_wait3A_224 = arith.constant 0 : i32
    %dma_wait3A_225 = tpu.memref_slice %arg4[%arg0, %arg1, %dma_wait3A_219, %dma_wait3A_224] : memref<2x16x250x40xi32, #tpu.memory_space<hbm>> -> memref<1x1x1x40xi32, #tpu.memory_space<hbm>>
    %dma_wait3A_226 = tpu.memref_squeeze %dma_wait3A_225 : memref<1x1x1x40xi32, #tpu.memory_space<hbm>> -> memref<40xi32, #tpu.memory_space<hbm>>
    %dma_wait3A_227 = tpu.memref_slice %arg17[%rem3A_203] : memref<4x!tpu.dma_semaphore, #tpu.memory_space<semaphore_mem>> -> memref<1x!tpu.dma_semaphore, #tpu.memory_space<semaphore_mem>>
    %dma_wait3A_228 = tpu.memref_squeeze %dma_wait3A_227 : memref<1x!tpu.dma_semaphore, #tpu.memory_space<semaphore_mem>> -> memref<!tpu.dma_semaphore, #tpu.memory_space<semaphore_mem>>
    %dma_wait3A_229 = arith.constant 0 : i32
    %dma_wait3A_230 = tpu.memref_slice %arg12[%rem3A_203, %dma_wait3A_220, %dma_wait3A_229] : memref<4x3x40xi32, #tpu.memory_space<vmem>> -> memref<1x1x40xi32, #tpu.memory_space<vmem>>
    %dma_wait3A_231 = tpu.memref_squeeze %dma_wait3A_230 : memref<1x1x40xi32, #tpu.memory_space<vmem>> -> memref<40xi32, #tpu.memory_space<vmem>>
    %dma_wait3A_232 = arith.constant 0 : i32
    %dma_wait3A_233 = tpu.memref_slice %arg4[%arg0, %arg1, %dma_wait3A_219, %dma_wait3A_232] : memref<2x16x250x40xi32, #tpu.memory_space<hbm>> -> memref<1x1x1x40xi32, #tpu.memory_space<hbm>>
    %dma_wait3A_234 = tpu.memref_squeeze %dma_wait3A_233 : memref<1x1x1x40xi32, #tpu.memory_space<hbm>> -> memref<40xi32, #tpu.memory_space<hbm>>
    tpu.wait_dma2 semaphore(%dma_wait3A_228 : memref<!tpu.dma_semaphore, #tpu.memory_space<semaphore_mem>>) src(%dma_wait3A_234 : memref<40xi32, #tpu.memory_space<hbm>>) dst(%dma_wait3A_231 : memref<40xi32, #tpu.memory_space<vmem>>)
    %dma_wait3A_235 = arith.constant 0 : i32
    %dma_wait3A_236 = arith.constant 2 : i32
    %dma_wait3A_237 = arith.constant 0 : i32
    %dma_wait3A_238 = tpu.memref_slice %arg12[%rem3A_203, %dma_wait3A_236, %dma_wait3A_237] : memref<4x3x40xi32, #tpu.memory_space<vmem>> -> memref<1x1x40xi32, #tpu.memory_space<vmem>>
    %dma_wait3A_239 = tpu.memref_squeeze %dma_wait3A_238 : memref<1x1x40xi32, #tpu.memory_space<vmem>> -> memref<40xi32, #tpu.memory_space<vmem>>
    %dma_wait3A_240 = arith.constant 0 : i32
    %dma_wait3A_241 = tpu.memref_slice %arg4[%arg0, %arg1, %dma_wait3A_235, %dma_wait3A_240] : memref<2x16x250x40xi32, #tpu.memory_space<hbm>> -> memref<1x1x1x40xi32, #tpu.memory_space<hbm>>
    %dma_wait3A_242 = tpu.memref_squeeze %dma_wait3A_241 : memref<1x1x1x40xi32, #tpu.memory_space<hbm>> -> memref<40xi32, #tpu.memory_space<hbm>>
    %dma_wait3A_243 = tpu.memref_slice %arg17[%rem3A_203] : memref<4x!tpu.dma_semaphore, #tpu.memory_space<semaphore_mem>> -> memref<1x!tpu.dma_semaphore, #tpu.memory_space<semaphore_mem>>
    %dma_wait3A_244 = tpu.memref_squeeze %dma_wait3A_243 : memref<1x!tpu.dma_semaphore, #tpu.memory_space<semaphore_mem>> -> memref<!tpu.dma_semaphore, #tpu.memory_space<semaphore_mem>>
    %dma_wait3A_245 = arith.constant 0 : i32
    %dma_wait3A_246 = tpu.memref_slice %arg12[%rem3A_203, %dma_wait3A_236, %dma_wait3A_245] : memref<4x3x40xi32, #tpu.memory_space<vmem>> -> memref<1x1x40xi32, #tpu.memory_space<vmem>>
    %dma_wait3A_247 = tpu.memref_squeeze %dma_wait3A_246 : memref<1x1x40xi32, #tpu.memory_space<vmem>> -> memref<40xi32, #tpu.memory_space<vmem>>
    %dma_wait3A_248 = arith.constant 0 : i32
    %dma_wait3A_249 = tpu.memref_slice %arg4[%arg0, %arg1, %dma_wait3A_235, %dma_wait3A_248] : memref<2x16x250x40xi32, #tpu.memory_space<hbm>> -> memref<1x1x1x40xi32, #tpu.memory_space<hbm>>
    %dma_wait3A_250 = tpu.memref_squeeze %dma_wait3A_249 : memref<1x1x1x40xi32, #tpu.memory_space<hbm>> -> memref<40xi32, #tpu.memory_space<hbm>>
    tpu.wait_dma2 semaphore(%dma_wait3A_244 : memref<!tpu.dma_semaphore, #tpu.memory_space<semaphore_mem>>) src(%dma_wait3A_250 : memref<40xi32, #tpu.memory_space<hbm>>) dst(%dma_wait3A_247 : memref<40xi32, #tpu.memory_space<vmem>>)
    %rem3A_251 = arith.constant 0 : i32
    %rem3A_252 = arith.constant 4 : i32
    %rem3A_253 = arith.remsi %rem3A_251, %rem3A_252 : i32
    %dma_start3A_254 = arith.constant 1 : i32
    %dma_start3A_255 = arith.constant 0 : i32
    %dma_start3A_256 = arith.constant 0 : i32
    %dma_start3A_257 = arith.constant 0 : i32
    %dma_start3A_258 = arith.constant 0 : i32
    %dma_start3A_259 = tpu.memref_slice %arg13[%dma_start3A_255, %dma_start3A_257, %dma_start3A_258] : memref<2x40x128xf32, #tpu.memory_space<vmem>> -> memref<1x40x128xf32, #tpu.memory_space<vmem>>
    %dma_start3A_260 = tpu.memref_squeeze %dma_start3A_259 : memref<1x40x128xf32, #tpu.memory_space<vmem>> -> memref<40x128xf32, #tpu.memory_space<vmem>>
    %dma_start3A_261 = arith.constant 0 : i32
    %dma_start3A_262 = tpu.memref_slice %arg12[%rem3A_253, %dma_start3A_254, %dma_start3A_261] : memref<4x3x40xi32, #tpu.memory_space<vmem>> -> memref<1x1x40xi32, #tpu.memory_space<vmem>>
    %dma_start3A_263 = tpu.memref_squeeze %dma_start3A_262 : memref<1x1x40xi32, #tpu.memory_space<vmem>> -> memref<40xi32, #tpu.memory_space<vmem>>
    %dma_start3A_264 = arith.constant 0 : i32
    %dma_start3A_265 = arith.constant 0 : i32
    %dma_start3A_266 = tpu.memref_slice %arg2[%dma_start3A_264, %dma_start3A_265] : memref<10000x128xf32, #tpu.memory_space<hbm>> -> memref<10000x128xf32, #tpu.memory_space<hbm>>
    %dma_start3A_267 = tpu.memref_slice %arg18[%dma_start3A_256] : memref<2x!tpu.dma_semaphore, #tpu.memory_space<semaphore_mem>> -> memref<1x!tpu.dma_semaphore, #tpu.memory_space<semaphore_mem>>
    %dma_start3A_268 = tpu.memref_squeeze %dma_start3A_267 : memref<1x!tpu.dma_semaphore, #tpu.memory_space<semaphore_mem>> -> memref<!tpu.dma_semaphore, #tpu.memory_space<semaphore_mem>>
    tpu.enqueue_indirect_dma source(%dma_start3A_266 : memref<10000x128xf32, #tpu.memory_space<hbm>>) target(%dma_start3A_260 : memref<40x128xf32, #tpu.memory_space<vmem>>) offsets(%dma_start3A_263 : memref<40xi32, #tpu.memory_space<vmem>>) semaphore(%dma_start3A_268 : memref<!tpu.dma_semaphore, #tpu.memory_space<semaphore_mem>>)
    %dma_start3A_269 = arith.constant 2 : i32
    %dma_start3A_270 = arith.constant 0 : i32
    %dma_start3A_271 = arith.constant 0 : i32
    %dma_start3A_272 = arith.constant 0 : i32
    %dma_start3A_273 = arith.constant 0 : i32
    %dma_start3A_274 = tpu.memref_slice %arg14[%dma_start3A_270, %dma_start3A_272, %dma_start3A_273] : memref<2x40x128xf32, #tpu.memory_space<vmem>> -> memref<1x40x128xf32, #tpu.memory_space<vmem>>
    %dma_start3A_275 = tpu.memref_squeeze %dma_start3A_274 : memref<1x40x128xf32, #tpu.memory_space<vmem>> -> memref<40x128xf32, #tpu.memory_space<vmem>>
    %dma_start3A_276 = arith.constant 0 : i32
    %dma_start3A_277 = tpu.memref_slice %arg12[%rem3A_253, %dma_start3A_269, %dma_start3A_276] : memref<4x3x40xi32, #tpu.memory_space<vmem>> -> memref<1x1x40xi32, #tpu.memory_space<vmem>>
    %dma_start3A_278 = tpu.memref_squeeze %dma_start3A_277 : memref<1x1x40xi32, #tpu.memory_space<vmem>> -> memref<40xi32, #tpu.memory_space<vmem>>
    %dma_start3A_279 = arith.constant 0 : i32
    %dma_start3A_280 = arith.constant 0 : i32
    %dma_start3A_281 = tpu.memref_slice %arg11[%dma_start3A_279, %dma_start3A_280] : memref<401x128xf32, #tpu.memory_space<vmem_shared>> -> memref<401x128xf32, #tpu.memory_space<vmem_shared>>
    %dma_start3A_282 = tpu.memref_slice %arg19[%dma_start3A_271] : memref<2x!tpu.dma_semaphore, #tpu.memory_space<semaphore_mem>> -> memref<1x!tpu.dma_semaphore, #tpu.memory_space<semaphore_mem>>
    %dma_start3A_283 = tpu.memref_squeeze %dma_start3A_282 : memref<1x!tpu.dma_semaphore, #tpu.memory_space<semaphore_mem>> -> memref<!tpu.dma_semaphore, #tpu.memory_space<semaphore_mem>>
    tpu.enqueue_indirect_dma source(%dma_start3A_281 : memref<401x128xf32, #tpu.memory_space<vmem_shared>>) target(%dma_start3A_275 : memref<40x128xf32, #tpu.memory_space<vmem>>) offsets(%dma_start3A_278 : memref<40xi32, #tpu.memory_space<vmem>>) semaphore(%dma_start3A_283 : memref<!tpu.dma_semaphore, #tpu.memory_space<semaphore_mem>>)
    %rem3A_284 = arith.constant 2 : i32
    %rem3A_285 = arith.constant 4 : i32
    %rem3A_286 = arith.remsi %rem3A_284, %rem3A_285 : i32
    %dma_start3A_287 = arith.constant 2 : i32
    %dma_start3A_288 = arith.constant 0 : i32
    %dma_start3A_289 = arith.constant 0 : i32
    %dma_start3A_290 = tpu.memref_slice %arg12[%rem3A_286, %dma_start3A_288, %dma_start3A_289] : memref<4x3x40xi32, #tpu.memory_space<vmem>> -> memref<1x1x40xi32, #tpu.memory_space<vmem>>
    %dma_start3A_291 = tpu.memref_squeeze %dma_start3A_290 : memref<1x1x40xi32, #tpu.memory_space<vmem>> -> memref<40xi32, #tpu.memory_space<vmem>>
    %dma_start3A_292 = arith.constant 0 : i32
    %dma_start3A_293 = tpu.memref_slice %arg4[%arg0, %arg1, %dma_start3A_287, %dma_start3A_292] : memref<2x16x250x40xi32, #tpu.memory_space<hbm>> -> memref<1x1x1x40xi32, #tpu.memory_space<hbm>>
    %dma_start3A_294 = tpu.memref_squeeze %dma_start3A_293 : memref<1x1x1x40xi32, #tpu.memory_space<hbm>> -> memref<40xi32, #tpu.memory_space<hbm>>
    %dma_start3A_295 = tpu.memref_slice %arg17[%rem3A_286] : memref<4x!tpu.dma_semaphore, #tpu.memory_space<semaphore_mem>> -> memref<1x!tpu.dma_semaphore, #tpu.memory_space<semaphore_mem>>
    %dma_start3A_296 = tpu.memref_squeeze %dma_start3A_295 : memref<1x!tpu.dma_semaphore, #tpu.memory_space<semaphore_mem>> -> memref<!tpu.dma_semaphore, #tpu.memory_space<semaphore_mem>>
    %dma_start3A_297 = arith.constant 0 : i32
    %dma_start3A_298 = tpu.memref_slice %arg12[%rem3A_286, %dma_start3A_288, %dma_start3A_297] : memref<4x3x40xi32, #tpu.memory_space<vmem>> -> memref<1x1x40xi32, #tpu.memory_space<vmem>>
    %dma_start3A_299 = tpu.memref_squeeze %dma_start3A_298 : memref<1x1x40xi32, #tpu.memory_space<vmem>> -> memref<40xi32, #tpu.memory_space<vmem>>
    %dma_start3A_300 = arith.constant 0 : i32
    %dma_start3A_301 = tpu.memref_slice %arg4[%arg0, %arg1, %dma_start3A_287, %dma_start3A_300] : memref<2x16x250x40xi32, #tpu.memory_space<hbm>> -> memref<1x1x1x40xi32, #tpu.memory_space<hbm>>
    %dma_start3A_302 = tpu.memref_squeeze %dma_start3A_301 : memref<1x1x1x40xi32, #tpu.memory_space<hbm>> -> memref<40xi32, #tpu.memory_space<hbm>>
    tpu.enqueue_dma source(%dma_start3A_302 : memref<40xi32, #tpu.memory_space<hbm>>) target(%dma_start3A_299 : memref<40xi32, #tpu.memory_space<vmem>>) target_semaphore(%dma_start3A_296 : memref<!tpu.dma_semaphore, #tpu.memory_space<semaphore_mem>>)
    %dma_start3A_303 = arith.constant 2 : i32
    %dma_start3A_304 = arith.constant 1 : i32
    %dma_start3A_305 = arith.constant 0 : i32
    %dma_start3A_306 = tpu.memref_slice %arg12[%rem3A_286, %dma_start3A_304, %dma_start3A_305] : memref<4x3x40xi32, #tpu.memory_space<vmem>> -> memref<1x1x40xi32, #tpu.memory_space<vmem>>
    %dma_start3A_307 = tpu.memref_squeeze %dma_start3A_306 : memref<1x1x40xi32, #tpu.memory_space<vmem>> -> memref<40xi32, #tpu.memory_space<vmem>>
    %dma_start3A_308 = arith.constant 0 : i32
    %dma_start3A_309 = tpu.memref_slice %arg5[%arg0, %arg1, %dma_start3A_303, %dma_start3A_308] : memref<2x16x250x40xi32, #tpu.memory_space<hbm>> -> memref<1x1x1x40xi32, #tpu.memory_space<hbm>>
    %dma_start3A_310 = tpu.memref_squeeze %dma_start3A_309 : memref<1x1x1x40xi32, #tpu.memory_space<hbm>> -> memref<40xi32, #tpu.memory_space<hbm>>
    %dma_start3A_311 = tpu.memref_slice %arg17[%rem3A_286] : memref<4x!tpu.dma_semaphore, #tpu.memory_space<semaphore_mem>> -> memref<1x!tpu.dma_semaphore, #tpu.memory_space<semaphore_mem>>
    %dma_start3A_312 = tpu.memref_squeeze %dma_start3A_311 : memref<1x!tpu.dma_semaphore, #tpu.memory_space<semaphore_mem>> -> memref<!tpu.dma_semaphore, #tpu.memory_space<semaphore_mem>>
    %dma_start3A_313 = arith.constant 0 : i32
    %dma_start3A_314 = tpu.memref_slice %arg12[%rem3A_286, %dma_start3A_304, %dma_start3A_313] : memref<4x3x40xi32, #tpu.memory_space<vmem>> -> memref<1x1x40xi32, #tpu.memory_space<vmem>>
    %dma_start3A_315 = tpu.memref_squeeze %dma_start3A_314 : memref<1x1x40xi32, #tpu.memory_space<vmem>> -> memref<40xi32, #tpu.memory_space<vmem>>
    %dma_start3A_316 = arith.constant 0 : i32
    %dma_start3A_317 = tpu.memref_slice %arg5[%arg0, %arg1, %dma_start3A_303, %dma_start3A_316] : memref<2x16x250x40xi32, #tpu.memory_space<hbm>> -> memref<1x1x1x40xi32, #tpu.memory_space<hbm>>
    %dma_start3A_318 = tpu.memref_squeeze %dma_start3A_317 : memref<1x1x1x40xi32, #tpu.memory_space<hbm>> -> memref<40xi32, #tpu.memory_space<hbm>>
    tpu.enqueue_dma source(%dma_start3A_318 : memref<40xi32, #tpu.memory_space<hbm>>) target(%dma_start3A_315 : memref<40xi32, #tpu.memory_space<vmem>>) target_semaphore(%dma_start3A_312 : memref<!tpu.dma_semaphore, #tpu.memory_space<semaphore_mem>>)
    %dma_start3A_319 = arith.constant 2 : i32
    %dma_start3A_320 = arith.constant 2 : i32
    %dma_start3A_321 = arith.constant 0 : i32
    %dma_start3A_322 = tpu.memref_slice %arg12[%rem3A_286, %dma_start3A_320, %dma_start3A_321] : memref<4x3x40xi32, #tpu.memory_space<vmem>> -> memref<1x1x40xi32, #tpu.memory_space<vmem>>
    %dma_start3A_323 = tpu.memref_squeeze %dma_start3A_322 : memref<1x1x40xi32, #tpu.memory_space<vmem>> -> memref<40xi32, #tpu.memory_space<vmem>>
    %dma_start3A_324 = arith.constant 0 : i32
    %dma_start3A_325 = tpu.memref_slice %arg6[%arg0, %arg1, %dma_start3A_319, %dma_start3A_324] : memref<2x16x250x40xi32, #tpu.memory_space<hbm>> -> memref<1x1x1x40xi32, #tpu.memory_space<hbm>>
    %dma_start3A_326 = tpu.memref_squeeze %dma_start3A_325 : memref<1x1x1x40xi32, #tpu.memory_space<hbm>> -> memref<40xi32, #tpu.memory_space<hbm>>
    %dma_start3A_327 = tpu.memref_slice %arg17[%rem3A_286] : memref<4x!tpu.dma_semaphore, #tpu.memory_space<semaphore_mem>> -> memref<1x!tpu.dma_semaphore, #tpu.memory_space<semaphore_mem>>
    %dma_start3A_328 = tpu.memref_squeeze %dma_start3A_327 : memref<1x!tpu.dma_semaphore, #tpu.memory_space<semaphore_mem>> -> memref<!tpu.dma_semaphore, #tpu.memory_space<semaphore_mem>>
    %dma_start3A_329 = arith.constant 0 : i32
    %dma_start3A_330 = tpu.memref_slice %arg12[%rem3A_286, %dma_start3A_320, %dma_start3A_329] : memref<4x3x40xi32, #tpu.memory_space<vmem>> -> memref<1x1x40xi32, #tpu.memory_space<vmem>>
    %dma_start3A_331 = tpu.memref_squeeze %dma_start3A_330 : memref<1x1x40xi32, #tpu.memory_space<vmem>> -> memref<40xi32, #tpu.memory_space<vmem>>
    %dma_start3A_332 = arith.constant 0 : i32
    %dma_start3A_333 = tpu.memref_slice %arg6[%arg0, %arg1, %dma_start3A_319, %dma_start3A_332] : memref<2x16x250x40xi32, #tpu.memory_space<hbm>> -> memref<1x1x1x40xi32, #tpu.memory_space<hbm>>
    %dma_start3A_334 = tpu.memref_squeeze %dma_start3A_333 : memref<1x1x1x40xi32, #tpu.memory_space<hbm>> -> memref<40xi32, #tpu.memory_space<hbm>>
    tpu.enqueue_dma source(%dma_start3A_334 : memref<40xi32, #tpu.memory_space<hbm>>) target(%dma_start3A_331 : memref<40xi32, #tpu.memory_space<vmem>>) target_semaphore(%dma_start3A_328 : memref<!tpu.dma_semaphore, #tpu.memory_space<semaphore_mem>>)
    %rem3A_335 = arith.constant 1 : i32
    %rem3A_336 = arith.constant 4 : i32
    %rem3A_337 = arith.remsi %rem3A_335, %rem3A_336 : i32
    %dma_wait3A_338 = arith.constant 0 : i32
    %dma_wait3A_339 = arith.constant 0 : i32
    %dma_wait3A_340 = arith.constant 0 : i32
    %dma_wait3A_341 = tpu.memref_slice %arg12[%rem3A_337, %dma_wait3A_339, %dma_wait3A_340] : memref<4x3x40xi32, #tpu.memory_space<vmem>> -> memref<1x1x40xi32, #tpu.memory_space<vmem>>
    %dma_wait3A_342 = tpu.memref_squeeze %dma_wait3A_341 : memref<1x1x40xi32, #tpu.memory_space<vmem>> -> memref<40xi32, #tpu.memory_space<vmem>>
    %dma_wait3A_343 = arith.constant 0 : i32
    %dma_wait3A_344 = tpu.memref_slice %arg4[%arg0, %arg1, %dma_wait3A_338, %dma_wait3A_343] : memref<2x16x250x40xi32, #tpu.memory_space<hbm>> -> memref<1x1x1x40xi32, #tpu.memory_space<hbm>>
    %dma_wait3A_345 = tpu.memref_squeeze %dma_wait3A_344 : memref<1x1x1x40xi32, #tpu.memory_space<hbm>> -> memref<40xi32, #tpu.memory_space<hbm>>
    %dma_wait3A_346 = tpu.memref_slice %arg17[%rem3A_337] : memref<4x!tpu.dma_semaphore, #tpu.memory_space<semaphore_mem>> -> memref<1x!tpu.dma_semaphore, #tpu.memory_space<semaphore_mem>>
    %dma_wait3A_347 = tpu.memref_squeeze %dma_wait3A_346 : memref<1x!tpu.dma_semaphore, #tpu.memory_space<semaphore_mem>> -> memref<!tpu.dma_semaphore, #tpu.memory_space<semaphore_mem>>
    %dma_wait3A_348 = arith.constant 0 : i32
    %dma_wait3A_349 = tpu.memref_slice %arg12[%rem3A_337, %dma_wait3A_339, %dma_wait3A_348] : memref<4x3x40xi32, #tpu.memory_space<vmem>> -> memref<1x1x40xi32, #tpu.memory_space<vmem>>
    %dma_wait3A_350 = tpu.memref_squeeze %dma_wait3A_349 : memref<1x1x40xi32, #tpu.memory_space<vmem>> -> memref<40xi32, #tpu.memory_space<vmem>>
    %dma_wait3A_351 = arith.constant 0 : i32
    %dma_wait3A_352 = tpu.memref_slice %arg4[%arg0, %arg1, %dma_wait3A_338, %dma_wait3A_351] : memref<2x16x250x40xi32, #tpu.memory_space<hbm>> -> memref<1x1x1x40xi32, #tpu.memory_space<hbm>>
    %dma_wait3A_353 = tpu.memref_squeeze %dma_wait3A_352 : memref<1x1x1x40xi32, #tpu.memory_space<hbm>> -> memref<40xi32, #tpu.memory_space<hbm>>
    tpu.wait_dma2 semaphore(%dma_wait3A_347 : memref<!tpu.dma_semaphore, #tpu.memory_space<semaphore_mem>>) src(%dma_wait3A_353 : memref<40xi32, #tpu.memory_space<hbm>>) dst(%dma_wait3A_350 : memref<40xi32, #tpu.memory_space<vmem>>)
    %dma_wait3A_354 = arith.constant 0 : i32
    %dma_wait3A_355 = arith.constant 1 : i32
    %dma_wait3A_356 = arith.constant 0 : i32
    %dma_wait3A_357 = tpu.memref_slice %arg12[%rem3A_337, %dma_wait3A_355, %dma_wait3A_356] : memref<4x3x40xi32, #tpu.memory_space<vmem>> -> memref<1x1x40xi32, #tpu.memory_space<vmem>>
    %dma_wait3A_358 = tpu.memref_squeeze %dma_wait3A_357 : memref<1x1x40xi32, #tpu.memory_space<vmem>> -> memref<40xi32, #tpu.memory_space<vmem>>
    %dma_wait3A_359 = arith.constant 0 : i32
    %dma_wait3A_360 = tpu.memref_slice %arg4[%arg0, %arg1, %dma_wait3A_354, %dma_wait3A_359] : memref<2x16x250x40xi32, #tpu.memory_space<hbm>> -> memref<1x1x1x40xi32, #tpu.memory_space<hbm>>
    %dma_wait3A_361 = tpu.memref_squeeze %dma_wait3A_360 : memref<1x1x1x40xi32, #tpu.memory_space<hbm>> -> memref<40xi32, #tpu.memory_space<hbm>>
    %dma_wait3A_362 = tpu.memref_slice %arg17[%rem3A_337] : memref<4x!tpu.dma_semaphore, #tpu.memory_space<semaphore_mem>> -> memref<1x!tpu.dma_semaphore, #tpu.memory_space<semaphore_mem>>
    %dma_wait3A_363 = tpu.memref_squeeze %dma_wait3A_362 : memref<1x!tpu.dma_semaphore, #tpu.memory_space<semaphore_mem>> -> memref<!tpu.dma_semaphore, #tpu.memory_space<semaphore_mem>>
    %dma_wait3A_364 = arith.constant 0 : i32
    %dma_wait3A_365 = tpu.memref_slice %arg12[%rem3A_337, %dma_wait3A_355, %dma_wait3A_364] : memref<4x3x40xi32, #tpu.memory_space<vmem>> -> memref<1x1x40xi32, #tpu.memory_space<vmem>>
    %dma_wait3A_366 = tpu.memref_squeeze %dma_wait3A_365 : memref<1x1x40xi32, #tpu.memory_space<vmem>> -> memref<40xi32, #tpu.memory_space<vmem>>
    %dma_wait3A_367 = arith.constant 0 : i32
    %dma_wait3A_368 = tpu.memref_slice %arg4[%arg0, %arg1, %dma_wait3A_354, %dma_wait3A_367] : memref<2x16x250x40xi32, #tpu.memory_space<hbm>> -> memref<1x1x1x40xi32, #tpu.memory_space<hbm>>
    %dma_wait3A_369 = tpu.memref_squeeze %dma_wait3A_368 : memref<1x1x1x40xi32, #tpu.memory_space<hbm>> -> memref<40xi32, #tpu.memory_space<hbm>>
    tpu.wait_dma2 semaphore(%dma_wait3A_363 : memref<!tpu.dma_semaphore, #tpu.memory_space<semaphore_mem>>) src(%dma_wait3A_369 : memref<40xi32, #tpu.memory_space<hbm>>) dst(%dma_wait3A_366 : memref<40xi32, #tpu.memory_space<vmem>>)
    %dma_wait3A_370 = arith.constant 0 : i32
    %dma_wait3A_371 = arith.constant 2 : i32
    %dma_wait3A_372 = arith.constant 0 : i32
    %dma_wait3A_373 = tpu.memref_slice %arg12[%rem3A_337, %dma_wait3A_371, %dma_wait3A_372] : memref<4x3x40xi32, #tpu.memory_space<vmem>> -> memref<1x1x40xi32, #tpu.memory_space<vmem>>
    %dma_wait3A_374 = tpu.memref_squeeze %dma_wait3A_373 : memref<1x1x40xi32, #tpu.memory_space<vmem>> -> memref<40xi32, #tpu.memory_space<vmem>>
    %dma_wait3A_375 = arith.constant 0 : i32
    %dma_wait3A_376 = tpu.memref_slice %arg4[%arg0, %arg1, %dma_wait3A_370, %dma_wait3A_375] : memref<2x16x250x40xi32, #tpu.memory_space<hbm>> -> memref<1x1x1x40xi32, #tpu.memory_space<hbm>>
    %dma_wait3A_377 = tpu.memref_squeeze %dma_wait3A_376 : memref<1x1x1x40xi32, #tpu.memory_space<hbm>> -> memref<40xi32, #tpu.memory_space<hbm>>
    %dma_wait3A_378 = tpu.memref_slice %arg17[%rem3A_337] : memref<4x!tpu.dma_semaphore, #tpu.memory_space<semaphore_mem>> -> memref<1x!tpu.dma_semaphore, #tpu.memory_space<semaphore_mem>>
    %dma_wait3A_379 = tpu.memref_squeeze %dma_wait3A_378 : memref<1x!tpu.dma_semaphore, #tpu.memory_space<semaphore_mem>> -> memref<!tpu.dma_semaphore, #tpu.memory_space<semaphore_mem>>
    %dma_wait3A_380 = arith.constant 0 : i32
    %dma_wait3A_381 = tpu.memref_slice %arg12[%rem3A_337, %dma_wait3A_371, %dma_wait3A_380] : memref<4x3x40xi32, #tpu.memory_space<vmem>> -> memref<1x1x40xi32, #tpu.memory_space<vmem>>
    %dma_wait3A_382 = tpu.memref_squeeze %dma_wait3A_381 : memref<1x1x40xi32, #tpu.memory_space<vmem>> -> memref<40xi32, #tpu.memory_space<vmem>>
    %dma_wait3A_383 = arith.constant 0 : i32
    %dma_wait3A_384 = tpu.memref_slice %arg4[%arg0, %arg1, %dma_wait3A_370, %dma_wait3A_383] : memref<2x16x250x40xi32, #tpu.memory_space<hbm>> -> memref<1x1x1x40xi32, #tpu.memory_space<hbm>>
    %dma_wait3A_385 = tpu.memref_squeeze %dma_wait3A_384 : memref<1x1x1x40xi32, #tpu.memory_space<hbm>> -> memref<40xi32, #tpu.memory_space<hbm>>
    tpu.wait_dma2 semaphore(%dma_wait3A_379 : memref<!tpu.dma_semaphore, #tpu.memory_space<semaphore_mem>>) src(%dma_wait3A_385 : memref<40xi32, #tpu.memory_space<hbm>>) dst(%dma_wait3A_382 : memref<40xi32, #tpu.memory_space<vmem>>)
    %rem3A_386 = arith.constant 1 : i32
    %rem3A_387 = arith.constant 4 : i32
    %rem3A_388 = arith.remsi %rem3A_386, %rem3A_387 : i32
    %dma_start3A_389 = arith.constant 1 : i32
    %dma_start3A_390 = arith.constant 1 : i32
    %dma_start3A_391 = arith.constant 1 : i32
    %dma_start3A_392 = arith.constant 0 : i32
    %dma_start3A_393 = arith.constant 0 : i32
    %dma_start3A_394 = tpu.memref_slice %arg13[%dma_start3A_390, %dma_start3A_392, %dma_start3A_393] : memref<2x40x128xf32, #tpu.memory_space<vmem>> -> memref<1x40x128xf32, #tpu.memory_space<vmem>>
    %dma_start3A_395 = tpu.memref_squeeze %dma_start3A_394 : memref<1x40x128xf32, #tpu.memory_space<vmem>> -> memref<40x128xf32, #tpu.memory_space<vmem>>
    %dma_start3A_396 = arith.constant 0 : i32
    %dma_start3A_397 = tpu.memref_slice %arg12[%rem3A_388, %dma_start3A_389, %dma_start3A_396] : memref<4x3x40xi32, #tpu.memory_space<vmem>> -> memref<1x1x40xi32, #tpu.memory_space<vmem>>
    %dma_start3A_398 = tpu.memref_squeeze %dma_start3A_397 : memref<1x1x40xi32, #tpu.memory_space<vmem>> -> memref<40xi32, #tpu.memory_space<vmem>>
    %dma_start3A_399 = arith.constant 0 : i32
    %dma_start3A_400 = arith.constant 0 : i32
    %dma_start3A_401 = tpu.memref_slice %arg2[%dma_start3A_399, %dma_start3A_400] : memref<10000x128xf32, #tpu.memory_space<hbm>> -> memref<10000x128xf32, #tpu.memory_space<hbm>>
    %dma_start3A_402 = tpu.memref_slice %arg18[%dma_start3A_391] : memref<2x!tpu.dma_semaphore, #tpu.memory_space<semaphore_mem>> -> memref<1x!tpu.dma_semaphore, #tpu.memory_space<semaphore_mem>>
    %dma_start3A_403 = tpu.memref_squeeze %dma_start3A_402 : memref<1x!tpu.dma_semaphore, #tpu.memory_space<semaphore_mem>> -> memref<!tpu.dma_semaphore, #tpu.memory_space<semaphore_mem>>
    tpu.enqueue_indirect_dma source(%dma_start3A_401 : memref<10000x128xf32, #tpu.memory_space<hbm>>) target(%dma_start3A_395 : memref<40x128xf32, #tpu.memory_space<vmem>>) offsets(%dma_start3A_398 : memref<40xi32, #tpu.memory_space<vmem>>) semaphore(%dma_start3A_403 : memref<!tpu.dma_semaphore, #tpu.memory_space<semaphore_mem>>)
    %dma_start3A_404 = arith.constant 2 : i32
    %dma_start3A_405 = arith.constant 1 : i32
    %dma_start3A_406 = arith.constant 1 : i32
    %dma_start3A_407 = arith.constant 0 : i32
    %dma_start3A_408 = arith.constant 0 : i32
    %dma_start3A_409 = tpu.memref_slice %arg14[%dma_start3A_405, %dma_start3A_407, %dma_start3A_408] : memref<2x40x128xf32, #tpu.memory_space<vmem>> -> memref<1x40x128xf32, #tpu.memory_space<vmem>>
    %dma_start3A_410 = tpu.memref_squeeze %dma_start3A_409 : memref<1x40x128xf32, #tpu.memory_space<vmem>> -> memref<40x128xf32, #tpu.memory_space<vmem>>
    %dma_start3A_411 = arith.constant 0 : i32
    %dma_start3A_412 = tpu.memref_slice %arg12[%rem3A_388, %dma_start3A_404, %dma_start3A_411] : memref<4x3x40xi32, #tpu.memory_space<vmem>> -> memref<1x1x40xi32, #tpu.memory_space<vmem>>
    %dma_start3A_413 = tpu.memref_squeeze %dma_start3A_412 : memref<1x1x40xi32, #tpu.memory_space<vmem>> -> memref<40xi32, #tpu.memory_space<vmem>>
    %dma_start3A_414 = arith.constant 0 : i32
    %dma_start3A_415 = arith.constant 0 : i32
    %dma_start3A_416 = tpu.memref_slice %arg11[%dma_start3A_414, %dma_start3A_415] : memref<401x128xf32, #tpu.memory_space<vmem_shared>> -> memref<401x128xf32, #tpu.memory_space<vmem_shared>>
    %dma_start3A_417 = tpu.memref_slice %arg19[%dma_start3A_406] : memref<2x!tpu.dma_semaphore, #tpu.memory_space<semaphore_mem>> -> memref<1x!tpu.dma_semaphore, #tpu.memory_space<semaphore_mem>>
    %dma_start3A_418 = tpu.memref_squeeze %dma_start3A_417 : memref<1x!tpu.dma_semaphore, #tpu.memory_space<semaphore_mem>> -> memref<!tpu.dma_semaphore, #tpu.memory_space<semaphore_mem>>
    tpu.enqueue_indirect_dma source(%dma_start3A_416 : memref<401x128xf32, #tpu.memory_space<vmem_shared>>) target(%dma_start3A_410 : memref<40x128xf32, #tpu.memory_space<vmem>>) offsets(%dma_start3A_413 : memref<40xi32, #tpu.memory_space<vmem>>) semaphore(%dma_start3A_418 : memref<!tpu.dma_semaphore, #tpu.memory_space<semaphore_mem>>)
    %rem3A_419 = arith.constant 3 : i32
    %rem3A_420 = arith.constant 4 : i32
    %rem3A_421 = arith.remsi %rem3A_419, %rem3A_420 : i32
    %dma_start3A_422 = arith.constant 3 : i32
    %dma_start3A_423 = arith.constant 0 : i32
    %dma_start3A_424 = arith.constant 0 : i32
    %dma_start3A_425 = tpu.memref_slice %arg12[%rem3A_421, %dma_start3A_423, %dma_start3A_424] : memref<4x3x40xi32, #tpu.memory_space<vmem>> -> memref<1x1x40xi32, #tpu.memory_space<vmem>>
    %dma_start3A_426 = tpu.memref_squeeze %dma_start3A_425 : memref<1x1x40xi32, #tpu.memory_space<vmem>> -> memref<40xi32, #tpu.memory_space<vmem>>
    %dma_start3A_427 = arith.constant 0 : i32
    %dma_start3A_428 = tpu.memref_slice %arg4[%arg0, %arg1, %dma_start3A_422, %dma_start3A_427] : memref<2x16x250x40xi32, #tpu.memory_space<hbm>> -> memref<1x1x1x40xi32, #tpu.memory_space<hbm>>
    %dma_start3A_429 = tpu.memref_squeeze %dma_start3A_428 : memref<1x1x1x40xi32, #tpu.memory_space<hbm>> -> memref<40xi32, #tpu.memory_space<hbm>>
    %dma_start3A_430 = tpu.memref_slice %arg17[%rem3A_421] : memref<4x!tpu.dma_semaphore, #tpu.memory_space<semaphore_mem>> -> memref<1x!tpu.dma_semaphore, #tpu.memory_space<semaphore_mem>>
    %dma_start3A_431 = tpu.memref_squeeze %dma_start3A_430 : memref<1x!tpu.dma_semaphore, #tpu.memory_space<semaphore_mem>> -> memref<!tpu.dma_semaphore, #tpu.memory_space<semaphore_mem>>
    %dma_start3A_432 = arith.constant 0 : i32
    %dma_start3A_433 = tpu.memref_slice %arg12[%rem3A_421, %dma_start3A_423, %dma_start3A_432] : memref<4x3x40xi32, #tpu.memory_space<vmem>> -> memref<1x1x40xi32, #tpu.memory_space<vmem>>
    %dma_start3A_434 = tpu.memref_squeeze %dma_start3A_433 : memref<1x1x40xi32, #tpu.memory_space<vmem>> -> memref<40xi32, #tpu.memory_space<vmem>>
    %dma_start3A_435 = arith.constant 0 : i32
    %dma_start3A_436 = tpu.memref_slice %arg4[%arg0, %arg1, %dma_start3A_422, %dma_start3A_435] : memref<2x16x250x40xi32, #tpu.memory_space<hbm>> -> memref<1x1x1x40xi32, #tpu.memory_space<hbm>>
    %dma_start3A_437 = tpu.memref_squeeze %dma_start3A_436 : memref<1x1x1x40xi32, #tpu.memory_space<hbm>> -> memref<40xi32, #tpu.memory_space<hbm>>
    tpu.enqueue_dma source(%dma_start3A_437 : memref<40xi32, #tpu.memory_space<hbm>>) target(%dma_start3A_434 : memref<40xi32, #tpu.memory_space<vmem>>) target_semaphore(%dma_start3A_431 : memref<!tpu.dma_semaphore, #tpu.memory_space<semaphore_mem>>)
    %dma_start3A_438 = arith.constant 3 : i32
    %dma_start3A_439 = arith.constant 1 : i32
    %dma_start3A_440 = arith.constant 0 : i32
    %dma_start3A_441 = tpu.memref_slice %arg12[%rem3A_421, %dma_start3A_439, %dma_start3A_440] : memref<4x3x40xi32, #tpu.memory_space<vmem>> -> memref<1x1x40xi32, #tpu.memory_space<vmem>>
    %dma_start3A_442 = tpu.memref_squeeze %dma_start3A_441 : memref<1x1x40xi32, #tpu.memory_space<vmem>> -> memref<40xi32, #tpu.memory_space<vmem>>
    %dma_start3A_443 = arith.constant 0 : i32
    %dma_start3A_444 = tpu.memref_slice %arg5[%arg0, %arg1, %dma_start3A_438, %dma_start3A_443] : memref<2x16x250x40xi32, #tpu.memory_space<hbm>> -> memref<1x1x1x40xi32, #tpu.memory_space<hbm>>
    %dma_start3A_445 = tpu.memref_squeeze %dma_start3A_444 : memref<1x1x1x40xi32, #tpu.memory_space<hbm>> -> memref<40xi32, #tpu.memory_space<hbm>>
    %dma_start3A_446 = tpu.memref_slice %arg17[%rem3A_421] : memref<4x!tpu.dma_semaphore, #tpu.memory_space<semaphore_mem>> -> memref<1x!tpu.dma_semaphore, #tpu.memory_space<semaphore_mem>>
    %dma_start3A_447 = tpu.memref_squeeze %dma_start3A_446 : memref<1x!tpu.dma_semaphore, #tpu.memory_space<semaphore_mem>> -> memref<!tpu.dma_semaphore, #tpu.memory_space<semaphore_mem>>
    %dma_start3A_448 = arith.constant 0 : i32
    %dma_start3A_449 = tpu.memref_slice %arg12[%rem3A_421, %dma_start3A_439, %dma_start3A_448] : memref<4x3x40xi32, #tpu.memory_space<vmem>> -> memref<1x1x40xi32, #tpu.memory_space<vmem>>
    %dma_start3A_450 = tpu.memref_squeeze %dma_start3A_449 : memref<1x1x40xi32, #tpu.memory_space<vmem>> -> memref<40xi32, #tpu.memory_space<vmem>>
    %dma_start3A_451 = arith.constant 0 : i32
    %dma_start3A_452 = tpu.memref_slice %arg5[%arg0, %arg1, %dma_start3A_438, %dma_start3A_451] : memref<2x16x250x40xi32, #tpu.memory_space<hbm>> -> memref<1x1x1x40xi32, #tpu.memory_space<hbm>>
    %dma_start3A_453 = tpu.memref_squeeze %dma_start3A_452 : memref<1x1x1x40xi32, #tpu.memory_space<hbm>> -> memref<40xi32, #tpu.memory_space<hbm>>
    tpu.enqueue_dma source(%dma_start3A_453 : memref<40xi32, #tpu.memory_space<hbm>>) target(%dma_start3A_450 : memref<40xi32, #tpu.memory_space<vmem>>) target_semaphore(%dma_start3A_447 : memref<!tpu.dma_semaphore, #tpu.memory_space<semaphore_mem>>)
    %dma_start3A_454 = arith.constant 3 : i32
    %dma_start3A_455 = arith.constant 2 : i32
    %dma_start3A_456 = arith.constant 0 : i32
    %dma_start3A_457 = tpu.memref_slice %arg12[%rem3A_421, %dma_start3A_455, %dma_start3A_456] : memref<4x3x40xi32, #tpu.memory_space<vmem>> -> memref<1x1x40xi32, #tpu.memory_space<vmem>>
    %dma_start3A_458 = tpu.memref_squeeze %dma_start3A_457 : memref<1x1x40xi32, #tpu.memory_space<vmem>> -> memref<40xi32, #tpu.memory_space<vmem>>
    %dma_start3A_459 = arith.constant 0 : i32
    %dma_start3A_460 = tpu.memref_slice %arg6[%arg0, %arg1, %dma_start3A_454, %dma_start3A_459] : memref<2x16x250x40xi32, #tpu.memory_space<hbm>> -> memref<1x1x1x40xi32, #tpu.memory_space<hbm>>
    %dma_start3A_461 = tpu.memref_squeeze %dma_start3A_460 : memref<1x1x1x40xi32, #tpu.memory_space<hbm>> -> memref<40xi32, #tpu.memory_space<hbm>>
    %dma_start3A_462 = tpu.memref_slice %arg17[%rem3A_421] : memref<4x!tpu.dma_semaphore, #tpu.memory_space<semaphore_mem>> -> memref<1x!tpu.dma_semaphore, #tpu.memory_space<semaphore_mem>>
    %dma_start3A_463 = tpu.memref_squeeze %dma_start3A_462 : memref<1x!tpu.dma_semaphore, #tpu.memory_space<semaphore_mem>> -> memref<!tpu.dma_semaphore, #tpu.memory_space<semaphore_mem>>
    %dma_start3A_464 = arith.constant 0 : i32
    %dma_start3A_465 = tpu.memref_slice %arg12[%rem3A_421, %dma_start3A_455, %dma_start3A_464] : memref<4x3x40xi32, #tpu.memory_space<vmem>> -> memref<1x1x40xi32, #tpu.memory_space<vmem>>
    %dma_start3A_466 = tpu.memref_squeeze %dma_start3A_465 : memref<1x1x40xi32, #tpu.memory_space<vmem>> -> memref<40xi32, #tpu.memory_space<vmem>>
    %dma_start3A_467 = arith.constant 0 : i32
    %dma_start3A_468 = tpu.memref_slice %arg6[%arg0, %arg1, %dma_start3A_454, %dma_start3A_467] : memref<2x16x250x40xi32, #tpu.memory_space<hbm>> -> memref<1x1x1x40xi32, #tpu.memory_space<hbm>>
    %dma_start3A_469 = tpu.memref_squeeze %dma_start3A_468 : memref<1x1x1x40xi32, #tpu.memory_space<hbm>> -> memref<40xi32, #tpu.memory_space<hbm>>
    tpu.enqueue_dma source(%dma_start3A_469 : memref<40xi32, #tpu.memory_space<hbm>>) target(%dma_start3A_466 : memref<40xi32, #tpu.memory_space<vmem>>) target_semaphore(%dma_start3A_463 : memref<!tpu.dma_semaphore, #tpu.memory_space<semaphore_mem>>)
    %dma_wait3A_470 = arith.constant 0 : i32
    %dma_wait3A_471 = arith.constant 1 : i32
    %dma_wait3A_472 = arith.constant 0 : i32
    %dma_wait3A_473 = arith.constant 0 : i32
    %dma_wait3A_474 = arith.constant 0 : i32
    %dma_wait3A_475 = arith.constant 0 : i32
    %dma_wait3A_476 = tpu.memref_slice %arg13[%dma_wait3A_472, %dma_wait3A_474, %dma_wait3A_475] : memref<2x40x128xf32, #tpu.memory_space<vmem>> -> memref<1x40x128xf32, #tpu.memory_space<vmem>>
    %dma_wait3A_477 = tpu.memref_squeeze %dma_wait3A_476 : memref<1x40x128xf32, #tpu.memory_space<vmem>> -> memref<40x128xf32, #tpu.memory_space<vmem>>
    %dma_wait3A_478 = arith.constant 0 : i32
    %dma_wait3A_479 = tpu.memref_slice %arg12[%dma_wait3A_470, %dma_wait3A_471, %dma_wait3A_478] : memref<4x3x40xi32, #tpu.memory_space<vmem>> -> memref<1x1x40xi32, #tpu.memory_space<vmem>>
    %dma_wait3A_480 = tpu.memref_squeeze %dma_wait3A_479 : memref<1x1x40xi32, #tpu.memory_space<vmem>> -> memref<40xi32, #tpu.memory_space<vmem>>
    %dma_wait3A_481 = arith.constant 0 : i32
    %dma_wait3A_482 = arith.constant 0 : i32
    %dma_wait3A_483 = tpu.memref_slice %arg2[%dma_wait3A_481, %dma_wait3A_482] : memref<10000x128xf32, #tpu.memory_space<hbm>> -> memref<10000x128xf32, #tpu.memory_space<hbm>>
    %dma_wait3A_484 = tpu.memref_slice %arg18[%dma_wait3A_473] : memref<2x!tpu.dma_semaphore, #tpu.memory_space<semaphore_mem>> -> memref<1x!tpu.dma_semaphore, #tpu.memory_space<semaphore_mem>>
    %dma_wait3A_485 = tpu.memref_squeeze %dma_wait3A_484 : memref<1x!tpu.dma_semaphore, #tpu.memory_space<semaphore_mem>> -> memref<!tpu.dma_semaphore, #tpu.memory_space<semaphore_mem>>
    tpu.wait_indirect_dma semaphore(%dma_wait3A_485 : memref<!tpu.dma_semaphore, #tpu.memory_space<semaphore_mem>>) src(%dma_wait3A_483 : memref<10000x128xf32, #tpu.memory_space<hbm>>) dst(%dma_wait3A_477 : memref<40x128xf32, #tpu.memory_space<vmem>>)
    %dma_wait3A_486 = arith.constant 0 : i32
    %dma_wait3A_487 = arith.constant 2 : i32
    %dma_wait3A_488 = arith.constant 0 : i32
    %dma_wait3A_489 = arith.constant 0 : i32
    %dma_wait3A_490 = arith.constant 0 : i32
    %dma_wait3A_491 = arith.constant 0 : i32
    %dma_wait3A_492 = tpu.memref_slice %arg14[%dma_wait3A_488, %dma_wait3A_490, %dma_wait3A_491] : memref<2x40x128xf32, #tpu.memory_space<vmem>> -> memref<1x40x128xf32, #tpu.memory_space<vmem>>
    %dma_wait3A_493 = tpu.memref_squeeze %dma_wait3A_492 : memref<1x40x128xf32, #tpu.memory_space<vmem>> -> memref<40x128xf32, #tpu.memory_space<vmem>>
    %dma_wait3A_494 = arith.constant 0 : i32
    %dma_wait3A_495 = tpu.memref_slice %arg12[%dma_wait3A_486, %dma_wait3A_487, %dma_wait3A_494] : memref<4x3x40xi32, #tpu.memory_space<vmem>> -> memref<1x1x40xi32, #tpu.memory_space<vmem>>
    %dma_wait3A_496 = tpu.memref_squeeze %dma_wait3A_495 : memref<1x1x40xi32, #tpu.memory_space<vmem>> -> memref<40xi32, #tpu.memory_space<vmem>>
    %dma_wait3A_497 = arith.constant 0 : i32
    %dma_wait3A_498 = arith.constant 0 : i32
    %dma_wait3A_499 = tpu.memref_slice %arg11[%dma_wait3A_497, %dma_wait3A_498] : memref<401x128xf32, #tpu.memory_space<vmem_shared>> -> memref<401x128xf32, #tpu.memory_space<vmem_shared>>
    %dma_wait3A_500 = tpu.memref_slice %arg19[%dma_wait3A_489] : memref<2x!tpu.dma_semaphore, #tpu.memory_space<semaphore_mem>> -> memref<1x!tpu.dma_semaphore, #tpu.memory_space<semaphore_mem>>
    %dma_wait3A_501 = tpu.memref_squeeze %dma_wait3A_500 : memref<1x!tpu.dma_semaphore, #tpu.memory_space<semaphore_mem>> -> memref<!tpu.dma_semaphore, #tpu.memory_space<semaphore_mem>>
    tpu.wait_indirect_dma semaphore(%dma_wait3A_501 : memref<!tpu.dma_semaphore, #tpu.memory_space<semaphore_mem>>) src(%dma_wait3A_499 : memref<401x128xf32, #tpu.memory_space<vmem_shared>>) dst(%dma_wait3A_493 : memref<40x128xf32, #tpu.memory_space<vmem>>)
    %scan3A_502 = arith.constant 0 : i32
    %scan3A_503 = arith.constant 0 : i32
    %scan3A_504 = arith.constant 40 : i32
    %scan3A_505 = arith.addi %scan3A_503, %scan3A_504 : i32
    %scan3A_506 = arith.constant 1 : i32
    scf.for %scan3A_851 = %scan3A_503 to %scan3A_505 step %scan3A_506  : i32 {
      %get3A = arith.constant 0 : i32
      %get3A_852 = arith.index_cast %get3A : i32 to index
      %get3A_853 = arith.index_cast %scan3A_851 : i32 to index
      %get3A_854 = arith.constant 0 : index
      %get3A_855 = tpu.vector_load %arg13[%get3A_852, %get3A_853, %get3A_854] {strides = array<i32>} : memref<2x40x128xf32, #tpu.memory_space<vmem>>, vector<1x1x16xf32>,
      %get3A_856 = vector.shape_cast %get3A_855 : vector<1x1x16xf32> to vector<16xf32>
      %get3A_857 = arith.constant 0 : i32
      %get3A_858 = arith.index_cast %get3A_857 : i32 to index
      %get3A_859 = arith.index_cast %scan3A_851 : i32 to index
      %get3A_860 = arith.constant 0 : index
      %get3A_861 = tpu.vector_load %arg14[%get3A_858, %get3A_859, %get3A_860] {strides = array<i32>} : memref<2x40x128xf32, #tpu.memory_space<vmem>>, vector<1x1x16xf32>,
      %get3A_862 = vector.shape_cast %get3A_861 : vector<1x1x16xf32> to vector<16xf32>
      %mul3A_863 = arith.mulf %get3A_856, %get3A_862 : vector<16xf32>
      %swap3A = arith.constant 0 : i32
      %swap3A_864 = arith.index_cast %swap3A : i32 to index
      %swap3A_865 = arith.index_cast %scan3A_851 : i32 to index
      %swap3A_866 = arith.constant 0 : index
      %swap3A_867 = tpu.vector_load %arg15[%swap3A_864, %swap3A_865, %swap3A_866] {strides = array<i32>} : memref<2x40x128xf32, #tpu.memory_space<vmem>>, vector<1x1x16xf32>,
      %swap3A_868 = vector.shape_cast %swap3A_867 : vector<1x1x16xf32> to vector<16xf32>
      %swap3A_869 = vector.shape_cast %mul3A_863 : vector<16xf32> to vector<1x1x16xf32>
      tpu.vector_store %arg15[%swap3A_864, %swap3A_865, %swap3A_866], %swap3A_869 {strides = array<i32>} : memref<2x40x128xf32, #tpu.memory_space<vmem>>, vector<1x1x16xf32>,
      %get3A_870 = arith.constant 0 : i32
      %get3A_871 = arith.index_cast %get3A_870 : i32 to index
      %get3A_872 = arith.index_cast %scan3A_851 : i32 to index
      %get3A_873 = arith.constant 16 : index
      %get3A_874 = tpu.vector_load %arg13[%get3A_871, %get3A_872, %get3A_873] {strides = array<i32>} : memref<2x40x128xf32, #tpu.memory_space<vmem>>, vector<1x1x16xf32>,
      %get3A_875 = vector.shape_cast %get3A_874 : vector<1x1x16xf32> to vector<16xf32>
      %get3A_876 = arith.constant 0 : i32
      %get3A_877 = arith.index_cast %get3A_876 : i32 to index
      %get3A_878 = arith.index_cast %scan3A_851 : i32 to index
      %get3A_879 = arith.constant 16 : index
      %get3A_880 = tpu.vector_load %arg14[%get3A_877, %get3A_878, %get3A_879] {strides = array<i32>} : memref<2x40x128xf32, #tpu.memory_space<vmem>>, vector<1x1x16xf32>,
      %get3A_881 = vector.shape_cast %get3A_880 : vector<1x1x16xf32> to vector<16xf32>
      %mul3A_882 = arith.mulf %get3A_875, %get3A_881 : vector<16xf32>
      %swap3A_883 = arith.constant 0 : i32
      %swap3A_884 = arith.index_cast %swap3A_883 : i32 to index
      %swap3A_885 = arith.index_cast %scan3A_851 : i32 to index
      %swap3A_886 = arith.constant 16 : index
      %swap3A_887 = tpu.vector_load %arg15[%swap3A_884, %swap3A_885, %swap3A_886] {strides = array<i32>} : memref<2x40x128xf32, #tpu.memory_space<vmem>>, vector<1x1x16xf32>,
      %swap3A_888 = vector.shape_cast %swap3A_887 : vector<1x1x16xf32> to vector<16xf32>
      %swap3A_889 = vector.shape_cast %mul3A_882 : vector<16xf32> to vector<1x1x16xf32>
      tpu.vector_store %arg15[%swap3A_884, %swap3A_885, %swap3A_886], %swap3A_889 {strides = array<i32>} : memref<2x40x128xf32, #tpu.memory_space<vmem>>, vector<1x1x16xf32>,
      %get3A_890 = arith.constant 0 : i32
      %get3A_891 = arith.index_cast %get3A_890 : i32 to index
      %get3A_892 = arith.index_cast %scan3A_851 : i32 to index
      %get3A_893 = arith.constant 32 : index
      %get3A_894 = tpu.vector_load %arg13[%get3A_891, %get3A_892, %get3A_893] {strides = array<i32>} : memref<2x40x128xf32, #tpu.memory_space<vmem>>, vector<1x1x16xf32>,
      %get3A_895 = vector.shape_cast %get3A_894 : vector<1x1x16xf32> to vector<16xf32>
      %get3A_896 = arith.constant 0 : i32
      %get3A_897 = arith.index_cast %get3A_896 : i32 to index
      %get3A_898 = arith.index_cast %scan3A_851 : i32 to index
      %get3A_899 = arith.constant 32 : index
      %get3A_900 = tpu.vector_load %arg14[%get3A_897, %get3A_898, %get3A_899] {strides = array<i32>} : memref<2x40x128xf32, #tpu.memory_space<vmem>>, vector<1x1x16xf32>,
      %get3A_901 = vector.shape_cast %get3A_900 : vector<1x1x16xf32> to vector<16xf32>
      %mul3A_902 = arith.mulf %get3A_895, %get3A_901 : vector<16xf32>
      %swap3A_903 = arith.constant 0 : i32
      %swap3A_904 = arith.index_cast %swap3A_903 : i32 to index
      %swap3A_905 = arith.index_cast %scan3A_851 : i32 to index
      %swap3A_906 = arith.constant 32 : index
      %swap3A_907 = tpu.vector_load %arg15[%swap3A_904, %swap3A_905, %swap3A_906] {strides = array<i32>} : memref<2x40x128xf32, #tpu.memory_space<vmem>>, vector<1x1x16xf32>,
      %swap3A_908 = vector.shape_cast %swap3A_907 : vector<1x1x16xf32> to vector<16xf32>
      %swap3A_909 = vector.shape_cast %mul3A_902 : vector<16xf32> to vector<1x1x16xf32>
      tpu.vector_store %arg15[%swap3A_904, %swap3A_905, %swap3A_906], %swap3A_909 {strides = array<i32>} : memref<2x40x128xf32, #tpu.memory_space<vmem>>, vector<1x1x16xf32>,
      %get3A_910 = arith.constant 0 : i32
      %get3A_911 = arith.index_cast %get3A_910 : i32 to index
      %get3A_912 = arith.index_cast %scan3A_851 : i32 to index
      %get3A_913 = arith.constant 48 : index
      %get3A_914 = tpu.vector_load %arg13[%get3A_911, %get3A_912, %get3A_913] {strides = array<i32>} : memref<2x40x128xf32, #tpu.memory_space<vmem>>, vector<1x1x16xf32>,
      %get3A_915 = vector.shape_cast %get3A_914 : vector<1x1x16xf32> to vector<16xf32>
      %get3A_916 = arith.constant 0 : i32
      %get3A_917 = arith.index_cast %get3A_916 : i32 to index
      %get3A_918 = arith.index_cast %scan3A_851 : i32 to index
      %get3A_919 = arith.constant 48 : index
      %get3A_920 = tpu.vector_load %arg14[%get3A_917, %get3A_918, %get3A_919] {strides = array<i32>} : memref<2x40x128xf32, #tpu.memory_space<vmem>>, vector<1x1x16xf32>,
      %get3A_921 = vector.shape_cast %get3A_920 : vector<1x1x16xf32> to vector<16xf32>
      %mul3A_922 = arith.mulf %get3A_915, %get3A_921 : vector<16xf32>
      %swap3A_923 = arith.constant 0 : i32
      %swap3A_924 = arith.index_cast %swap3A_923 : i32 to index
      %swap3A_925 = arith.index_cast %scan3A_851 : i32 to index
      %swap3A_926 = arith.constant 48 : index
      %swap3A_927 = tpu.vector_load %arg15[%swap3A_924, %swap3A_925, %swap3A_926] {strides = array<i32>} : memref<2x40x128xf32, #tpu.memory_space<vmem>>, vector<1x1x16xf32>,
      %swap3A_928 = vector.shape_cast %swap3A_927 : vector<1x1x16xf32> to vector<16xf32>
      %swap3A_929 = vector.shape_cast %mul3A_922 : vector<16xf32> to vector<1x1x16xf32>
      tpu.vector_store %arg15[%swap3A_924, %swap3A_925, %swap3A_926], %swap3A_929 {strides = array<i32>} : memref<2x40x128xf32, #tpu.memory_space<vmem>>, vector<1x1x16xf32>,
      %get3A_930 = arith.constant 0 : i32
      %get3A_931 = arith.index_cast %get3A_930 : i32 to index
      %get3A_932 = arith.index_cast %scan3A_851 : i32 to index
      %get3A_933 = arith.constant 64 : index
      %get3A_934 = tpu.vector_load %arg13[%get3A_931, %get3A_932, %get3A_933] {strides = array<i32>} : memref<2x40x128xf32, #tpu.memory_space<vmem>>, vector<1x1x16xf32>,
      %get3A_935 = vector.shape_cast %get3A_934 : vector<1x1x16xf32> to vector<16xf32>
      %get3A_936 = arith.constant 0 : i32
      %get3A_937 = arith.index_cast %get3A_936 : i32 to index
      %get3A_938 = arith.index_cast %scan3A_851 : i32 to index
      %get3A_939 = arith.constant 64 : index
      %get3A_940 = tpu.vector_load %arg14[%get3A_937, %get3A_938, %get3A_939] {strides = array<i32>} : memref<2x40x128xf32, #tpu.memory_space<vmem>>, vector<1x1x16xf32>,
      %get3A_941 = vector.shape_cast %get3A_940 : vector<1x1x16xf32> to vector<16xf32>
      %mul3A_942 = arith.mulf %get3A_935, %get3A_941 : vector<16xf32>
      %swap3A_943 = arith.constant 0 : i32
      %swap3A_944 = arith.index_cast %swap3A_943 : i32 to index
      %swap3A_945 = arith.index_cast %scan3A_851 : i32 to index
      %swap3A_946 = arith.constant 64 : index
      %swap3A_947 = tpu.vector_load %arg15[%swap3A_944, %swap3A_945, %swap3A_946] {strides = array<i32>} : memref<2x40x128xf32, #tpu.memory_space<vmem>>, vector<1x1x16xf32>,
      %swap3A_948 = vector.shape_cast %swap3A_947 : vector<1x1x16xf32> to vector<16xf32>
      %swap3A_949 = vector.shape_cast %mul3A_942 : vector<16xf32> to vector<1x1x16xf32>
      tpu.vector_store %arg15[%swap3A_944, %swap3A_945, %swap3A_946], %swap3A_949 {strides = array<i32>} : memref<2x40x128xf32, #tpu.memory_space<vmem>>, vector<1x1x16xf32>,
      %get3A_950 = arith.constant 0 : i32
      %get3A_951 = arith.index_cast %get3A_950 : i32 to index
      %get3A_952 = arith.index_cast %scan3A_851 : i32 to index
      %get3A_953 = arith.constant 80 : index
      %get3A_954 = tpu.vector_load %arg13[%get3A_951, %get3A_952, %get3A_953] {strides = array<i32>} : memref<2x40x128xf32, #tpu.memory_space<vmem>>, vector<1x1x16xf32>,
      %get3A_955 = vector.shape_cast %get3A_954 : vector<1x1x16xf32> to vector<16xf32>
      %get3A_956 = arith.constant 0 : i32
      %get3A_957 = arith.index_cast %get3A_956 : i32 to index
      %get3A_958 = arith.index_cast %scan3A_851 : i32 to index
      %get3A_959 = arith.constant 80 : index
      %get3A_960 = tpu.vector_load %arg14[%get3A_957, %get3A_958, %get3A_959] {strides = array<i32>} : memref<2x40x128xf32, #tpu.memory_space<vmem>>, vector<1x1x16xf32>,
      %get3A_961 = vector.shape_cast %get3A_960 : vector<1x1x16xf32> to vector<16xf32>
      %mul3A_962 = arith.mulf %get3A_955, %get3A_961 : vector<16xf32>
      %swap3A_963 = arith.constant 0 : i32
      %swap3A_964 = arith.index_cast %swap3A_963 : i32 to index
      %swap3A_965 = arith.index_cast %scan3A_851 : i32 to index
      %swap3A_966 = arith.constant 80 : index
      %swap3A_967 = tpu.vector_load %arg15[%swap3A_964, %swap3A_965, %swap3A_966] {strides = array<i32>} : memref<2x40x128xf32, #tpu.memory_space<vmem>>, vector<1x1x16xf32>,
      %swap3A_968 = vector.shape_cast %swap3A_967 : vector<1x1x16xf32> to vector<16xf32>
      %swap3A_969 = vector.shape_cast %mul3A_962 : vector<16xf32> to vector<1x1x16xf32>
      tpu.vector_store %arg15[%swap3A_964, %swap3A_965, %swap3A_966], %swap3A_969 {strides = array<i32>} : memref<2x40x128xf32, #tpu.memory_space<vmem>>, vector<1x1x16xf32>,
      %get3A_970 = arith.constant 0 : i32
      %get3A_971 = arith.index_cast %get3A_970 : i32 to index
      %get3A_972 = arith.index_cast %scan3A_851 : i32 to index
      %get3A_973 = arith.constant 96 : index
      %get3A_974 = tpu.vector_load %arg13[%get3A_971, %get3A_972, %get3A_973] {strides = array<i32>} : memref<2x40x128xf32, #tpu.memory_space<vmem>>, vector<1x1x16xf32>,
      %get3A_975 = vector.shape_cast %get3A_974 : vector<1x1x16xf32> to vector<16xf32>
      %get3A_976 = arith.constant 0 : i32
      %get3A_977 = arith.index_cast %get3A_976 : i32 to index
      %get3A_978 = arith.index_cast %scan3A_851 : i32 to index
      %get3A_979 = arith.constant 96 : index
      %get3A_980 = tpu.vector_load %arg14[%get3A_977, %get3A_978, %get3A_979] {strides = array<i32>} : memref<2x40x128xf32, #tpu.memory_space<vmem>>, vector<1x1x16xf32>,
      %get3A_981 = vector.shape_cast %get3A_980 : vector<1x1x16xf32> to vector<16xf32>
      %mul3A_982 = arith.mulf %get3A_975, %get3A_981 : vector<16xf32>
      %swap3A_983 = arith.constant 0 : i32
      %swap3A_984 = arith.index_cast %swap3A_983 : i32 to index
      %swap3A_985 = arith.index_cast %scan3A_851 : i32 to index
      %swap3A_986 = arith.constant 96 : index
      %swap3A_987 = tpu.vector_load %arg15[%swap3A_984, %swap3A_985, %swap3A_986] {strides = array<i32>} : memref<2x40x128xf32, #tpu.memory_space<vmem>>, vector<1x1x16xf32>,
      %swap3A_988 = vector.shape_cast %swap3A_987 : vector<1x1x16xf32> to vector<16xf32>
      %swap3A_989 = vector.shape_cast %mul3A_982 : vector<16xf32> to vector<1x1x16xf32>
      tpu.vector_store %arg15[%swap3A_984, %swap3A_985, %swap3A_986], %swap3A_989 {strides = array<i32>} : memref<2x40x128xf32, #tpu.memory_space<vmem>>, vector<1x1x16xf32>,
      %get3A_990 = arith.constant 0 : i32
      %get3A_991 = arith.index_cast %get3A_990 : i32 to index
      %get3A_992 = arith.index_cast %scan3A_851 : i32 to index
      %get3A_993 = arith.constant 112 : index
      %get3A_994 = tpu.vector_load %arg13[%get3A_991, %get3A_992, %get3A_993] {strides = array<i32>} : memref<2x40x128xf32, #tpu.memory_space<vmem>>, vector<1x1x16xf32>,
      %get3A_995 = vector.shape_cast %get3A_994 : vector<1x1x16xf32> to vector<16xf32>
      %get3A_996 = arith.constant 0 : i32
      %get3A_997 = arith.index_cast %get3A_996 : i32 to index
      %get3A_998 = arith.index_cast %scan3A_851 : i32 to index
      %get3A_999 = arith.constant 112 : index
      %get3A_1000 = tpu.vector_load %arg14[%get3A_997, %get3A_998, %get3A_999] {strides = array<i32>} : memref<2x40x128xf32, #tpu.memory_space<vmem>>, vector<1x1x16xf32>,
      %get3A_1001 = vector.shape_cast %get3A_1000 : vector<1x1x16xf32> to vector<16xf32>
      %mul3A_1002 = arith.mulf %get3A_995, %get3A_1001 : vector<16xf32>
      %swap3A_1003 = arith.constant 0 : i32
      %swap3A_1004 = arith.index_cast %swap3A_1003 : i32 to index
      %swap3A_1005 = arith.index_cast %scan3A_851 : i32 to index
      %swap3A_1006 = arith.constant 112 : index
      %swap3A_1007 = tpu.vector_load %arg15[%swap3A_1004, %swap3A_1005, %swap3A_1006] {strides = array<i32>} : memref<2x40x128xf32, #tpu.memory_space<vmem>>, vector<1x1x16xf32>,
      %swap3A_1008 = vector.shape_cast %swap3A_1007 : vector<1x1x16xf32> to vector<16xf32>
      %swap3A_1009 = vector.shape_cast %mul3A_1002 : vector<16xf32> to vector<1x1x16xf32>
      tpu.vector_store %arg15[%swap3A_1004, %swap3A_1005, %swap3A_1006], %swap3A_1009 {strides = array<i32>} : memref<2x40x128xf32, #tpu.memory_space<vmem>>, vector<1x1x16xf32>,
    }
    %scan3A_507 = arith.constant 40 : i32
    %rem3A_508 = arith.constant 0 : i32
    %rem3A_509 = arith.constant 4 : i32
    %rem3A_510 = arith.remsi %rem3A_508, %rem3A_509 : i32
    %dma_start3A_511 = arith.constant 0 : i32
    %dma_start3A_512 = arith.constant 0 : i32
    %dma_start3A_513 = arith.constant 0 : i32
    %dma_start3A_514 = arith.constant 0 : i32
    %dma_start3A_515 = arith.constant 0 : i32
    %dma_start3A_516 = tpu.memref_slice %arg15[%dma_start3A_511, %dma_start3A_514, %dma_start3A_515] : memref<2x40x128xf32, #tpu.memory_space<vmem>> -> memref<1x40x128xf32, #tpu.memory_space<vmem>>
    %dma_start3A_517 = tpu.memref_squeeze %dma_start3A_516 : memref<1x40x128xf32, #tpu.memory_space<vmem>> -> memref<40x128xf32, #tpu.memory_space<vmem>>
    %dma_start3A_518 = arith.constant 0 : i32
    %dma_start3A_519 = tpu.memref_slice %arg12[%rem3A_510, %dma_start3A_512, %dma_start3A_518] : memref<4x3x40xi32, #tpu.memory_space<vmem>> -> memref<1x1x40xi32, #tpu.memory_space<vmem>>
    %dma_start3A_520 = tpu.memref_squeeze %dma_start3A_519 : memref<1x1x40xi32, #tpu.memory_space<vmem>> -> memref<40xi32, #tpu.memory_space<vmem>>
    %dma_start3A_521 = arith.constant 0 : i32
    %dma_start3A_522 = arith.constant 0 : i32
    %dma_start3A_523 = tpu.memref_slice %arg9[%dma_start3A_521, %dma_start3A_522] : memref<10000x128xf32, #tpu.memory_space<vmem_shared>> -> memref<10000x128xf32, #tpu.memory_space<vmem_shared>>
    %dma_start3A_524 = tpu.memref_slice %arg20[%dma_start3A_513] : memref<2x!tpu.dma_semaphore, #tpu.memory_space<semaphore_mem>> -> memref<1x!tpu.dma_semaphore, #tpu.memory_space<semaphore_mem>>
    %dma_start3A_525 = tpu.memref_squeeze %dma_start3A_524 : memref<1x!tpu.dma_semaphore, #tpu.memory_space<semaphore_mem>> -> memref<!tpu.dma_semaphore, #tpu.memory_space<semaphore_mem>>
    tpu.enqueue_indirect_dma source(%dma_start3A_517 : memref<40x128xf32, #tpu.memory_space<vmem>>) target(%dma_start3A_523 : memref<10000x128xf32, #tpu.memory_space<vmem_shared>>) offsets(%dma_start3A_520 : memref<40xi32, #tpu.memory_space<vmem>>) semaphore(%dma_start3A_525 : memref<!tpu.dma_semaphore, #tpu.memory_space<semaphore_mem>>) {add = true}
    %dma_start3A_526 = arith.constant 0 : i32
    %dma_start3A_527 = arith.constant 0 : i32
    %dma_start3A_528 = arith.constant 0 : i32
    %dma_start3A_529 = arith.constant 0 : i32
    %dma_start3A_530 = tpu.memref_slice %arg16[%dma_start3A_528, %dma_start3A_529] : memref<40x16xf32, #tpu.memory_space<vmem>> -> memref<40x16xf32, #tpu.memory_space<vmem>>
    %dma_start3A_531 = arith.constant 0 : i32
    %dma_start3A_532 = tpu.memref_slice %arg12[%rem3A_510, %dma_start3A_526, %dma_start3A_531] : memref<4x3x40xi32, #tpu.memory_space<vmem>> -> memref<1x1x40xi32, #tpu.memory_space<vmem>>
    %dma_start3A_533 = tpu.memref_squeeze %dma_start3A_532 : memref<1x1x40xi32, #tpu.memory_space<vmem>> -> memref<40xi32, #tpu.memory_space<vmem>>
    %dma_start3A_534 = arith.constant 0 : i32
    %dma_start3A_535 = arith.constant 0 : i32
    %dma_start3A_536 = tpu.memref_slice %arg10[%dma_start3A_534, %dma_start3A_535] : memref<10000x16xf32, #tpu.memory_space<vmem_shared>> -> memref<10000x16xf32, #tpu.memory_space<vmem_shared>>
    %dma_start3A_537 = tpu.memref_slice %arg21[%dma_start3A_527] : memref<2x!tpu.dma_semaphore, #tpu.memory_space<semaphore_mem>> -> memref<1x!tpu.dma_semaphore, #tpu.memory_space<semaphore_mem>>
    %dma_start3A_538 = tpu.memref_squeeze %dma_start3A_537 : memref<1x!tpu.dma_semaphore, #tpu.memory_space<semaphore_mem>> -> memref<!tpu.dma_semaphore, #tpu.memory_space<semaphore_mem>>
    tpu.enqueue_indirect_dma source(%dma_start3A_530 : memref<40x16xf32, #tpu.memory_space<vmem>>) target(%dma_start3A_536 : memref<10000x16xf32, #tpu.memory_space<vmem_shared>>) offsets(%dma_start3A_533 : memref<40xi32, #tpu.memory_space<vmem>>) semaphore(%dma_start3A_538 : memref<!tpu.dma_semaphore, #tpu.memory_space<semaphore_mem>>) {add = true}
    %rem3A_539 = arith.constant 2 : i32
    %rem3A_540 = arith.constant 4 : i32
    %rem3A_541 = arith.remsi %rem3A_539, %rem3A_540 : i32
    %dma_wait3A_542 = arith.constant 0 : i32
    %dma_wait3A_543 = arith.constant 0 : i32
    %dma_wait3A_544 = arith.constant 0 : i32
    %dma_wait3A_545 = tpu.memref_slice %arg12[%rem3A_541, %dma_wait3A_543, %dma_wait3A_544] : memref<4x3x40xi32, #tpu.memory_space<vmem>> -> memref<1x1x40xi32, #tpu.memory_space<vmem>>
    %dma_wait3A_546 = tpu.memref_squeeze %dma_wait3A_545 : memref<1x1x40xi32, #tpu.memory_space<vmem>> -> memref<40xi32, #tpu.memory_space<vmem>>
    %dma_wait3A_547 = arith.constant 0 : i32
    %dma_wait3A_548 = tpu.memref_slice %arg4[%arg0, %arg1, %dma_wait3A_542, %dma_wait3A_547] : memref<2x16x250x40xi32, #tpu.memory_space<hbm>> -> memref<1x1x1x40xi32, #tpu.memory_space<hbm>>
    %dma_wait3A_549 = tpu.memref_squeeze %dma_wait3A_548 : memref<1x1x1x40xi32, #tpu.memory_space<hbm>> -> memref<40xi32, #tpu.memory_space<hbm>>
    %dma_wait3A_550 = tpu.memref_slice %arg17[%rem3A_541] : memref<4x!tpu.dma_semaphore, #tpu.memory_space<semaphore_mem>> -> memref<1x!tpu.dma_semaphore, #tpu.memory_space<semaphore_mem>>
    %dma_wait3A_551 = tpu.memref_squeeze %dma_wait3A_550 : memref<1x!tpu.dma_semaphore, #tpu.memory_space<semaphore_mem>> -> memref<!tpu.dma_semaphore, #tpu.memory_space<semaphore_mem>>
    %dma_wait3A_552 = arith.constant 0 : i32
    %dma_wait3A_553 = tpu.memref_slice %arg12[%rem3A_541, %dma_wait3A_543, %dma_wait3A_552] : memref<4x3x40xi32, #tpu.memory_space<vmem>> -> memref<1x1x40xi32, #tpu.memory_space<vmem>>
    %dma_wait3A_554 = tpu.memref_squeeze %dma_wait3A_553 : memref<1x1x40xi32, #tpu.memory_space<vmem>> -> memref<40xi32, #tpu.memory_space<vmem>>
    %dma_wait3A_555 = arith.constant 0 : i32
    %dma_wait3A_556 = tpu.memref_slice %arg4[%arg0, %arg1, %dma_wait3A_542, %dma_wait3A_555] : memref<2x16x250x40xi32, #tpu.memory_space<hbm>> -> memref<1x1x1x40xi32, #tpu.memory_space<hbm>>
    %dma_wait3A_557 = tpu.memref_squeeze %dma_wait3A_556 : memref<1x1x1x40xi32, #tpu.memory_space<hbm>> -> memref<40xi32, #tpu.memory_space<hbm>>
    tpu.wait_dma2 semaphore(%dma_wait3A_551 : memref<!tpu.dma_semaphore, #tpu.memory_space<semaphore_mem>>) src(%dma_wait3A_557 : memref<40xi32, #tpu.memory_space<hbm>>) dst(%dma_wait3A_554 : memref<40xi32, #tpu.memory_space<vmem>>)
    %dma_wait3A_558 = arith.constant 0 : i32
    %dma_wait3A_559 = arith.constant 1 : i32
    %dma_wait3A_560 = arith.constant 0 : i32
    %dma_wait3A_561 = tpu.memref_slice %arg12[%rem3A_541, %dma_wait3A_559, %dma_wait3A_560] : memref<4x3x40xi32, #tpu.memory_space<vmem>> -> memref<1x1x40xi32, #tpu.memory_space<vmem>>
    %dma_wait3A_562 = tpu.memref_squeeze %dma_wait3A_561 : memref<1x1x40xi32, #tpu.memory_space<vmem>> -> memref<40xi32, #tpu.memory_space<vmem>>
    %dma_wait3A_563 = arith.constant 0 : i32
    %dma_wait3A_564 = tpu.memref_slice %arg4[%arg0, %arg1, %dma_wait3A_558, %dma_wait3A_563] : memref<2x16x250x40xi32, #tpu.memory_space<hbm>> -> memref<1x1x1x40xi32, #tpu.memory_space<hbm>>
    %dma_wait3A_565 = tpu.memref_squeeze %dma_wait3A_564 : memref<1x1x1x40xi32, #tpu.memory_space<hbm>> -> memref<40xi32, #tpu.memory_space<hbm>>
    %dma_wait3A_566 = tpu.memref_slice %arg17[%rem3A_541] : memref<4x!tpu.dma_semaphore, #tpu.memory_space<semaphore_mem>> -> memref<1x!tpu.dma_semaphore, #tpu.memory_space<semaphore_mem>>
    %dma_wait3A_567 = tpu.memref_squeeze %dma_wait3A_566 : memref<1x!tpu.dma_semaphore, #tpu.memory_space<semaphore_mem>> -> memref<!tpu.dma_semaphore, #tpu.memory_space<semaphore_mem>>
    %dma_wait3A_568 = arith.constant 0 : i32
    %dma_wait3A_569 = tpu.memref_slice %arg12[%rem3A_541, %dma_wait3A_559, %dma_wait3A_568] : memref<4x3x40xi32, #tpu.memory_space<vmem>> -> memref<1x1x40xi32, #tpu.memory_space<vmem>>
    %dma_wait3A_570 = tpu.memref_squeeze %dma_wait3A_569 : memref<1x1x40xi32, #tpu.memory_space<vmem>> -> memref<40xi32, #tpu.memory_space<vmem>>
    %dma_wait3A_571 = arith.constant 0 : i32
    %dma_wait3A_572 = tpu.memref_slice %arg4[%arg0, %arg1, %dma_wait3A_558, %dma_wait3A_571] : memref<2x16x250x40xi32, #tpu.memory_space<hbm>> -> memref<1x1x1x40xi32, #tpu.memory_space<hbm>>
    %dma_wait3A_573 = tpu.memref_squeeze %dma_wait3A_572 : memref<1x1x1x40xi32, #tpu.memory_space<hbm>> -> memref<40xi32, #tpu.memory_space<hbm>>
    tpu.wait_dma2 semaphore(%dma_wait3A_567 : memref<!tpu.dma_semaphore, #tpu.memory_space<semaphore_mem>>) src(%dma_wait3A_573 : memref<40xi32, #tpu.memory_space<hbm>>) dst(%dma_wait3A_570 : memref<40xi32, #tpu.memory_space<vmem>>)
    %dma_wait3A_574 = arith.constant 0 : i32
    %dma_wait3A_575 = arith.constant 2 : i32
    %dma_wait3A_576 = arith.constant 0 : i32
    %dma_wait3A_577 = tpu.memref_slice %arg12[%rem3A_541, %dma_wait3A_575, %dma_wait3A_576] : memref<4x3x40xi32, #tpu.memory_space<vmem>> -> memref<1x1x40xi32, #tpu.memory_space<vmem>>
    %dma_wait3A_578 = tpu.memref_squeeze %dma_wait3A_577 : memref<1x1x40xi32, #tpu.memory_space<vmem>> -> memref<40xi32, #tpu.memory_space<vmem>>
    %dma_wait3A_579 = arith.constant 0 : i32
    %dma_wait3A_580 = tpu.memref_slice %arg4[%arg0, %arg1, %dma_wait3A_574, %dma_wait3A_579] : memref<2x16x250x40xi32, #tpu.memory_space<hbm>> -> memref<1x1x1x40xi32, #tpu.memory_space<hbm>>
    %dma_wait3A_581 = tpu.memref_squeeze %dma_wait3A_580 : memref<1x1x1x40xi32, #tpu.memory_space<hbm>> -> memref<40xi32, #tpu.memory_space<hbm>>
    %dma_wait3A_582 = tpu.memref_slice %arg17[%rem3A_541] : memref<4x!tpu.dma_semaphore, #tpu.memory_space<semaphore_mem>> -> memref<1x!tpu.dma_semaphore, #tpu.memory_space<semaphore_mem>>
    %dma_wait3A_583 = tpu.memref_squeeze %dma_wait3A_582 : memref<1x!tpu.dma_semaphore, #tpu.memory_space<semaphore_mem>> -> memref<!tpu.dma_semaphore, #tpu.memory_space<semaphore_mem>>
    %dma_wait3A_584 = arith.constant 0 : i32
    %dma_wait3A_585 = tpu.memref_slice %arg12[%rem3A_541, %dma_wait3A_575, %dma_wait3A_584] : memref<4x3x40xi32, #tpu.memory_space<vmem>> -> memref<1x1x40xi32, #tpu.memory_space<vmem>>
    %dma_wait3A_586 = tpu.memref_squeeze %dma_wait3A_585 : memref<1x1x40xi32, #tpu.memory_space<vmem>> -> memref<40xi32, #tpu.memory_space<vmem>>
    %dma_wait3A_587 = arith.constant 0 : i32
    %dma_wait3A_588 = tpu.memref_slice %arg4[%arg0, %arg1, %dma_wait3A_574, %dma_wait3A_587] : memref<2x16x250x40xi32, #tpu.memory_space<hbm>> -> memref<1x1x1x40xi32, #tpu.memory_space<hbm>>
    %dma_wait3A_589 = tpu.memref_squeeze %dma_wait3A_588 : memref<1x1x1x40xi32, #tpu.memory_space<hbm>> -> memref<40xi32, #tpu.memory_space<hbm>>
    tpu.wait_dma2 semaphore(%dma_wait3A_583 : memref<!tpu.dma_semaphore, #tpu.memory_space<semaphore_mem>>) src(%dma_wait3A_589 : memref<40xi32, #tpu.memory_space<hbm>>) dst(%dma_wait3A_586 : memref<40xi32, #tpu.memory_space<vmem>>)
    %rem3A_590 = arith.constant 2 : i32
    %rem3A_591 = arith.constant 4 : i32
    %rem3A_592 = arith.remsi %rem3A_590, %rem3A_591 : i32
    %dma_start3A_593 = arith.constant 1 : i32
    %dma_start3A_594 = arith.constant 0 : i32
    %dma_start3A_595 = arith.constant 0 : i32
    %dma_start3A_596 = arith.constant 0 : i32
    %dma_start3A_597 = arith.constant 0 : i32
    %dma_start3A_598 = tpu.memref_slice %arg13[%dma_start3A_594, %dma_start3A_596, %dma_start3A_597] : memref<2x40x128xf32, #tpu.memory_space<vmem>> -> memref<1x40x128xf32, #tpu.memory_space<vmem>>
    %dma_start3A_599 = tpu.memref_squeeze %dma_start3A_598 : memref<1x40x128xf32, #tpu.memory_space<vmem>> -> memref<40x128xf32, #tpu.memory_space<vmem>>
    %dma_start3A_600 = arith.constant 0 : i32
    %dma_start3A_601 = tpu.memref_slice %arg12[%rem3A_592, %dma_start3A_593, %dma_start3A_600] : memref<4x3x40xi32, #tpu.memory_space<vmem>> -> memref<1x1x40xi32, #tpu.memory_space<vmem>>
    %dma_start3A_602 = tpu.memref_squeeze %dma_start3A_601 : memref<1x1x40xi32, #tpu.memory_space<vmem>> -> memref<40xi32, #tpu.memory_space<vmem>>
    %dma_start3A_603 = arith.constant 0 : i32
    %dma_start3A_604 = arith.constant 0 : i32
    %dma_start3A_605 = tpu.memref_slice %arg2[%dma_start3A_603, %dma_start3A_604] : memref<10000x128xf32, #tpu.memory_space<hbm>> -> memref<10000x128xf32, #tpu.memory_space<hbm>>
    %dma_start3A_606 = tpu.memref_slice %arg18[%dma_start3A_595] : memref<2x!tpu.dma_semaphore, #tpu.memory_space<semaphore_mem>> -> memref<1x!tpu.dma_semaphore, #tpu.memory_space<semaphore_mem>>
    %dma_start3A_607 = tpu.memref_squeeze %dma_start3A_606 : memref<1x!tpu.dma_semaphore, #tpu.memory_space<semaphore_mem>> -> memref<!tpu.dma_semaphore, #tpu.memory_space<semaphore_mem>>
    tpu.enqueue_indirect_dma source(%dma_start3A_605 : memref<10000x128xf32, #tpu.memory_space<hbm>>) target(%dma_start3A_599 : memref<40x128xf32, #tpu.memory_space<vmem>>) offsets(%dma_start3A_602 : memref<40xi32, #tpu.memory_space<vmem>>) semaphore(%dma_start3A_607 : memref<!tpu.dma_semaphore, #tpu.memory_space<semaphore_mem>>)
    %dma_start3A_608 = arith.constant 2 : i32
    %dma_start3A_609 = arith.constant 0 : i32
    %dma_start3A_610 = arith.constant 0 : i32
    %dma_start3A_611 = arith.constant 0 : i32
    %dma_start3A_612 = arith.constant 0 : i32
    %dma_start3A_613 = tpu.memref_slice %arg14[%dma_start3A_609, %dma_start3A_611, %dma_start3A_612] : memref<2x40x128xf32, #tpu.memory_space<vmem>> -> memref<1x40x128xf32, #tpu.memory_space<vmem>>
    %dma_start3A_614 = tpu.memref_squeeze %dma_start3A_613 : memref<1x40x128xf32, #tpu.memory_space<vmem>> -> memref<40x128xf32, #tpu.memory_space<vmem>>
    %dma_start3A_615 = arith.constant 0 : i32
    %dma_start3A_616 = tpu.memref_slice %arg12[%rem3A_592, %dma_start3A_608, %dma_start3A_615] : memref<4x3x40xi32, #tpu.memory_space<vmem>> -> memref<1x1x40xi32, #tpu.memory_space<vmem>>
    %dma_start3A_617 = tpu.memref_squeeze %dma_start3A_616 : memref<1x1x40xi32, #tpu.memory_space<vmem>> -> memref<40xi32, #tpu.memory_space<vmem>>
    %dma_start3A_618 = arith.constant 0 : i32
    %dma_start3A_619 = arith.constant 0 : i32
    %dma_start3A_620 = tpu.memref_slice %arg11[%dma_start3A_618, %dma_start3A_619] : memref<401x128xf32, #tpu.memory_space<vmem_shared>> -> memref<401x128xf32, #tpu.memory_space<vmem_shared>>
    %dma_start3A_621 = tpu.memref_slice %arg19[%dma_start3A_610] : memref<2x!tpu.dma_semaphore, #tpu.memory_space<semaphore_mem>> -> memref<1x!tpu.dma_semaphore, #tpu.memory_space<semaphore_mem>>
    %dma_start3A_622 = tpu.memref_squeeze %dma_start3A_621 : memref<1x!tpu.dma_semaphore, #tpu.memory_space<semaphore_mem>> -> memref<!tpu.dma_semaphore, #tpu.memory_space<semaphore_mem>>
    tpu.enqueue_indirect_dma source(%dma_start3A_620 : memref<401x128xf32, #tpu.memory_space<vmem_shared>>) target(%dma_start3A_614 : memref<40x128xf32, #tpu.memory_space<vmem>>) offsets(%dma_start3A_617 : memref<40xi32, #tpu.memory_space<vmem>>) semaphore(%dma_start3A_622 : memref<!tpu.dma_semaphore, #tpu.memory_space<semaphore_mem>>)
    %dma_wait3A_623 = arith.constant 0 : i32
    %dma_wait3A_624 = arith.constant 1 : i32
    %dma_wait3A_625 = arith.constant 1 : i32
    %dma_wait3A_626 = arith.constant 1 : i32
    %dma_wait3A_627 = arith.constant 0 : i32
    %dma_wait3A_628 = arith.constant 0 : i32
    %dma_wait3A_629 = tpu.memref_slice %arg13[%dma_wait3A_625, %dma_wait3A_627, %dma_wait3A_628] : memref<2x40x128xf32, #tpu.memory_space<vmem>> -> memref<1x40x128xf32, #tpu.memory_space<vmem>>
    %dma_wait3A_630 = tpu.memref_squeeze %dma_wait3A_629 : memref<1x40x128xf32, #tpu.memory_space<vmem>> -> memref<40x128xf32, #tpu.memory_space<vmem>>
    %dma_wait3A_631 = arith.constant 0 : i32
    %dma_wait3A_632 = tpu.memref_slice %arg12[%dma_wait3A_623, %dma_wait3A_624, %dma_wait3A_631] : memref<4x3x40xi32, #tpu.memory_space<vmem>> -> memref<1x1x40xi32, #tpu.memory_space<vmem>>
    %dma_wait3A_633 = tpu.memref_squeeze %dma_wait3A_632 : memref<1x1x40xi32, #tpu.memory_space<vmem>> -> memref<40xi32, #tpu.memory_space<vmem>>
    %dma_wait3A_634 = arith.constant 0 : i32
    %dma_wait3A_635 = arith.constant 0 : i32
    %dma_wait3A_636 = tpu.memref_slice %arg2[%dma_wait3A_634, %dma_wait3A_635] : memref<10000x128xf32, #tpu.memory_space<hbm>> -> memref<10000x128xf32, #tpu.memory_space<hbm>>
    %dma_wait3A_637 = tpu.memref_slice %arg18[%dma_wait3A_626] : memref<2x!tpu.dma_semaphore, #tpu.memory_space<semaphore_mem>> -> memref<1x!tpu.dma_semaphore, #tpu.memory_space<semaphore_mem>>
    %dma_wait3A_638 = tpu.memref_squeeze %dma_wait3A_637 : memref<1x!tpu.dma_semaphore, #tpu.memory_space<semaphore_mem>> -> memref<!tpu.dma_semaphore, #tpu.memory_space<semaphore_mem>>
    tpu.wait_indirect_dma semaphore(%dma_wait3A_638 : memref<!tpu.dma_semaphore, #tpu.memory_space<semaphore_mem>>) src(%dma_wait3A_636 : memref<10000x128xf32, #tpu.memory_space<hbm>>) dst(%dma_wait3A_630 : memref<40x128xf32, #tpu.memory_space<vmem>>)
    %dma_wait3A_639 = arith.constant 0 : i32
    %dma_wait3A_640 = arith.constant 2 : i32
    %dma_wait3A_641 = arith.constant 1 : i32
    %dma_wait3A_642 = arith.constant 1 : i32
    %dma_wait3A_643 = arith.constant 0 : i32
    %dma_wait3A_644 = arith.constant 0 : i32
    %dma_wait3A_645 = tpu.memref_slice %arg14[%dma_wait3A_641, %dma_wait3A_643, %dma_wait3A_644] : memref<2x40x128xf32, #tpu.memory_space<vmem>> -> memref<1x40x128xf32, #tpu.memory_space<vmem>>
    %dma_wait3A_646 = tpu.memref_squeeze %dma_wait3A_645 : memref<1x40x128xf32, #tpu.memory_space<vmem>> -> memref<40x128xf32, #tpu.memory_space<vmem>>
    %dma_wait3A_647 = arith.constant 0 : i32
    %dma_wait3A_648 = tpu.memref_slice %arg12[%dma_wait3A_639, %dma_wait3A_640, %dma_wait3A_647] : memref<4x3x40xi32, #tpu.memory_space<vmem>> -> memref<1x1x40xi32, #tpu.memory_space<vmem>>
    %dma_wait3A_649 = tpu.memref_squeeze %dma_wait3A_648 : memref<1x1x40xi32, #tpu.memory_space<vmem>> -> memref<40xi32, #tpu.memory_space<vmem>>
    %dma_wait3A_650 = arith.constant 0 : i32
    %dma_wait3A_651 = arith.constant 0 : i32
    %dma_wait3A_652 = tpu.memref_slice %arg11[%dma_wait3A_650, %dma_wait3A_651] : memref<401x128xf32, #tpu.memory_space<vmem_shared>> -> memref<401x128xf32, #tpu.memory_space<vmem_shared>>
    %dma_wait3A_653 = tpu.memref_slice %arg19[%dma_wait3A_642] : memref<2x!tpu.dma_semaphore, #tpu.memory_space<semaphore_mem>> -> memref<1x!tpu.dma_semaphore, #tpu.memory_space<semaphore_mem>>
    %dma_wait3A_654 = tpu.memref_squeeze %dma_wait3A_653 : memref<1x!tpu.dma_semaphore, #tpu.memory_space<semaphore_mem>> -> memref<!tpu.dma_semaphore, #tpu.memory_space<semaphore_mem>>
    tpu.wait_indirect_dma semaphore(%dma_wait3A_654 : memref<!tpu.dma_semaphore, #tpu.memory_space<semaphore_mem>>) src(%dma_wait3A_652 : memref<401x128xf32, #tpu.memory_space<vmem_shared>>) dst(%dma_wait3A_646 : memref<40x128xf32, #tpu.memory_space<vmem>>)
    %scan3A_655 = arith.constant 0 : i32
    %scan3A_656 = arith.constant 0 : i32
    %scan3A_657 = arith.constant 40 : i32
    %scan3A_658 = arith.addi %scan3A_656, %scan3A_657 : i32
    %scan3A_659 = arith.constant 1 : i32
    scf.for %scan3A_851 = %scan3A_656 to %scan3A_658 step %scan3A_659  : i32 {
      %get3A = arith.constant 1 : i32
      %get3A_852 = arith.index_cast %get3A : i32 to index
      %get3A_853 = arith.index_cast %scan3A_851 : i32 to index
      %get3A_854 = arith.constant 0 : index
      %get3A_855 = tpu.vector_load %arg13[%get3A_852, %get3A_853, %get3A_854] {strides = array<i32>} : memref<2x40x128xf32, #tpu.memory_space<vmem>>, vector<1x1x16xf32>,
      %get3A_856 = vector.shape_cast %get3A_855 : vector<1x1x16xf32> to vector<16xf32>
      %get3A_857 = arith.constant 1 : i32
      %get3A_858 = arith.index_cast %get3A_857 : i32 to index
      %get3A_859 = arith.index_cast %scan3A_851 : i32 to index
      %get3A_860 = arith.constant 0 : index
      %get3A_861 = tpu.vector_load %arg14[%get3A_858, %get3A_859, %get3A_860] {strides = array<i32>} : memref<2x40x128xf32, #tpu.memory_space<vmem>>, vector<1x1x16xf32>,
      %get3A_862 = vector.shape_cast %get3A_861 : vector<1x1x16xf32> to vector<16xf32>
      %mul3A_863 = arith.mulf %get3A_856, %get3A_862 : vector<16xf32>
      %swap3A = arith.constant 1 : i32
      %swap3A_864 = arith.index_cast %swap3A : i32 to index
      %swap3A_865 = arith.index_cast %scan3A_851 : i32 to index
      %swap3A_866 = arith.constant 0 : index
      %swap3A_867 = tpu.vector_load %arg15[%swap3A_864, %swap3A_865, %swap3A_866] {strides = array<i32>} : memref<2x40x128xf32, #tpu.memory_space<vmem>>, vector<1x1x16xf32>,
      %swap3A_868 = vector.shape_cast %swap3A_867 : vector<1x1x16xf32> to vector<16xf32>
      %swap3A_869 = vector.shape_cast %mul3A_863 : vector<16xf32> to vector<1x1x16xf32>
      tpu.vector_store %arg15[%swap3A_864, %swap3A_865, %swap3A_866], %swap3A_869 {strides = array<i32>} : memref<2x40x128xf32, #tpu.memory_space<vmem>>, vector<1x1x16xf32>,
      %get3A_870 = arith.constant 1 : i32
      %get3A_871 = arith.index_cast %get3A_870 : i32 to index
      %get3A_872 = arith.index_cast %scan3A_851 : i32 to index
      %get3A_873 = arith.constant 16 : index
      %get3A_874 = tpu.vector_load %arg13[%get3A_871, %get3A_872, %get3A_873] {strides = array<i32>} : memref<2x40x128xf32, #tpu.memory_space<vmem>>, vector<1x1x16xf32>,
      %get3A_875 = vector.shape_cast %get3A_874 : vector<1x1x16xf32> to vector<16xf32>
      %get3A_876 = arith.constant 1 : i32
      %get3A_877 = arith.index_cast %get3A_876 : i32 to index
      %get3A_878 = arith.index_cast %scan3A_851 : i32 to index
      %get3A_879 = arith.constant 16 : index
      %get3A_880 = tpu.vector_load %arg14[%get3A_877, %get3A_878, %get3A_879] {strides = array<i32>} : memref<2x40x128xf32, #tpu.memory_space<vmem>>, vector<1x1x16xf32>,
      %get3A_881 = vector.shape_cast %get3A_880 : vector<1x1x16xf32> to vector<16xf32>
      %mul3A_882 = arith.mulf %get3A_875, %get3A_881 : vector<16xf32>
      %swap3A_883 = arith.constant 1 : i32
      %swap3A_884 = arith.index_cast %swap3A_883 : i32 to index
      %swap3A_885 = arith.index_cast %scan3A_851 : i32 to index
      %swap3A_886 = arith.constant 16 : index
      %swap3A_887 = tpu.vector_load %arg15[%swap3A_884, %swap3A_885, %swap3A_886] {strides = array<i32>} : memref<2x40x128xf32, #tpu.memory_space<vmem>>, vector<1x1x16xf32>,
      %swap3A_888 = vector.shape_cast %swap3A_887 : vector<1x1x16xf32> to vector<16xf32>
      %swap3A_889 = vector.shape_cast %mul3A_882 : vector<16xf32> to vector<1x1x16xf32>
      tpu.vector_store %arg15[%swap3A_884, %swap3A_885, %swap3A_886], %swap3A_889 {strides = array<i32>} : memref<2x40x128xf32, #tpu.memory_space<vmem>>, vector<1x1x16xf32>,
      %get3A_890 = arith.constant 1 : i32
      %get3A_891 = arith.index_cast %get3A_890 : i32 to index
      %get3A_892 = arith.index_cast %scan3A_851 : i32 to index
      %get3A_893 = arith.constant 32 : index
      %get3A_894 = tpu.vector_load %arg13[%get3A_891, %get3A_892, %get3A_893] {strides = array<i32>} : memref<2x40x128xf32, #tpu.memory_space<vmem>>, vector<1x1x16xf32>,
      %get3A_895 = vector.shape_cast %get3A_894 : vector<1x1x16xf32> to vector<16xf32>
      %get3A_896 = arith.constant 1 : i32
      %get3A_897 = arith.index_cast %get3A_896 : i32 to index
      %get3A_898 = arith.index_cast %scan3A_851 : i32 to index
      %get3A_899 = arith.constant 32 : index
      %get3A_900 = tpu.vector_load %arg14[%get3A_897, %get3A_898, %get3A_899] {strides = array<i32>} : memref<2x40x128xf32, #tpu.memory_space<vmem>>, vector<1x1x16xf32>,
      %get3A_901 = vector.shape_cast %get3A_900 : vector<1x1x16xf32> to vector<16xf32>
      %mul3A_902 = arith.mulf %get3A_895, %get3A_901 : vector<16xf32>
      %swap3A_903 = arith.constant 1 : i32
      %swap3A_904 = arith.index_cast %swap3A_903 : i32 to index
      %swap3A_905 = arith.index_cast %scan3A_851 : i32 to index
      %swap3A_906 = arith.constant 32 : index
      %swap3A_907 = tpu.vector_load %arg15[%swap3A_904, %swap3A_905, %swap3A_906] {strides = array<i32>} : memref<2x40x128xf32, #tpu.memory_space<vmem>>, vector<1x1x16xf32>,
      %swap3A_908 = vector.shape_cast %swap3A_907 : vector<1x1x16xf32> to vector<16xf32>
      %swap3A_909 = vector.shape_cast %mul3A_902 : vector<16xf32> to vector<1x1x16xf32>
      tpu.vector_store %arg15[%swap3A_904, %swap3A_905, %swap3A_906], %swap3A_909 {strides = array<i32>} : memref<2x40x128xf32, #tpu.memory_space<vmem>>, vector<1x1x16xf32>,
      %get3A_910 = arith.constant 1 : i32
      %get3A_911 = arith.index_cast %get3A_910 : i32 to index
      %get3A_912 = arith.index_cast %scan3A_851 : i32 to index
      %get3A_913 = arith.constant 48 : index
      %get3A_914 = tpu.vector_load %arg13[%get3A_911, %get3A_912, %get3A_913] {strides = array<i32>} : memref<2x40x128xf32, #tpu.memory_space<vmem>>, vector<1x1x16xf32>,
      %get3A_915 = vector.shape_cast %get3A_914 : vector<1x1x16xf32> to vector<16xf32>
      %get3A_916 = arith.constant 1 : i32
      %get3A_917 = arith.index_cast %get3A_916 : i32 to index
      %get3A_918 = arith.index_cast %scan3A_851 : i32 to index
      %get3A_919 = arith.constant 48 : index
      %get3A_920 = tpu.vector_load %arg14[%get3A_917, %get3A_918, %get3A_919] {strides = array<i32>} : memref<2x40x128xf32, #tpu.memory_space<vmem>>, vector<1x1x16xf32>,
      %get3A_921 = vector.shape_cast %get3A_920 : vector<1x1x16xf32> to vector<16xf32>
      %mul3A_922 = arith.mulf %get3A_915, %get3A_921 : vector<16xf32>
      %swap3A_923 = arith.constant 1 : i32
      %swap3A_924 = arith.index_cast %swap3A_923 : i32 to index
      %swap3A_925 = arith.index_cast %scan3A_851 : i32 to index
      %swap3A_926 = arith.constant 48 : index
      %swap3A_927 = tpu.vector_load %arg15[%swap3A_924, %swap3A_925, %swap3A_926] {strides = array<i32>} : memref<2x40x128xf32, #tpu.memory_space<vmem>>, vector<1x1x16xf32>,
      %swap3A_928 = vector.shape_cast %swap3A_927 : vector<1x1x16xf32> to vector<16xf32>
      %swap3A_929 = vector.shape_cast %mul3A_922 : vector<16xf32> to vector<1x1x16xf32>
      tpu.vector_store %arg15[%swap3A_924, %swap3A_925, %swap3A_926], %swap3A_929 {strides = array<i32>} : memref<2x40x128xf32, #tpu.memory_space<vmem>>, vector<1x1x16xf32>,
      %get3A_930 = arith.constant 1 : i32
      %get3A_931 = arith.index_cast %get3A_930 : i32 to index
      %get3A_932 = arith.index_cast %scan3A_851 : i32 to index
      %get3A_933 = arith.constant 64 : index
      %get3A_934 = tpu.vector_load %arg13[%get3A_931, %get3A_932, %get3A_933] {strides = array<i32>} : memref<2x40x128xf32, #tpu.memory_space<vmem>>, vector<1x1x16xf32>,
      %get3A_935 = vector.shape_cast %get3A_934 : vector<1x1x16xf32> to vector<16xf32>
      %get3A_936 = arith.constant 1 : i32
      %get3A_937 = arith.index_cast %get3A_936 : i32 to index
      %get3A_938 = arith.index_cast %scan3A_851 : i32 to index
      %get3A_939 = arith.constant 64 : index
      %get3A_940 = tpu.vector_load %arg14[%get3A_937, %get3A_938, %get3A_939] {strides = array<i32>} : memref<2x40x128xf32, #tpu.memory_space<vmem>>, vector<1x1x16xf32>,
      %get3A_941 = vector.shape_cast %get3A_940 : vector<1x1x16xf32> to vector<16xf32>
      %mul3A_942 = arith.mulf %get3A_935, %get3A_941 : vector<16xf32>
      %swap3A_943 = arith.constant 1 : i32
      %swap3A_944 = arith.index_cast %swap3A_943 : i32 to index
      %swap3A_945 = arith.index_cast %scan3A_851 : i32 to index
      %swap3A_946 = arith.constant 64 : index
      %swap3A_947 = tpu.vector_load %arg15[%swap3A_944, %swap3A_945, %swap3A_946] {strides = array<i32>} : memref<2x40x128xf32, #tpu.memory_space<vmem>>, vector<1x1x16xf32>,
      %swap3A_948 = vector.shape_cast %swap3A_947 : vector<1x1x16xf32> to vector<16xf32>
      %swap3A_949 = vector.shape_cast %mul3A_942 : vector<16xf32> to vector<1x1x16xf32>
      tpu.vector_store %arg15[%swap3A_944, %swap3A_945, %swap3A_946], %swap3A_949 {strides = array<i32>} : memref<2x40x128xf32, #tpu.memory_space<vmem>>, vector<1x1x16xf32>,
      %get3A_950 = arith.constant 1 : i32
      %get3A_951 = arith.index_cast %get3A_950 : i32 to index
      %get3A_952 = arith.index_cast %scan3A_851 : i32 to index
      %get3A_953 = arith.constant 80 : index
      %get3A_954 = tpu.vector_load %arg13[%get3A_951, %get3A_952, %get3A_953] {strides = array<i32>} : memref<2x40x128xf32, #tpu.memory_space<vmem>>, vector<1x1x16xf32>,
      %get3A_955 = vector.shape_cast %get3A_954 : vector<1x1x16xf32> to vector<16xf32>
      %get3A_956 = arith.constant 1 : i32
      %get3A_957 = arith.index_cast %get3A_956 : i32 to index
      %get3A_958 = arith.index_cast %scan3A_851 : i32 to index
      %get3A_959 = arith.constant 80 : index
      %get3A_960 = tpu.vector_load %arg14[%get3A_957, %get3A_958, %get3A_959] {strides = array<i32>} : memref<2x40x128xf32, #tpu.memory_space<vmem>>, vector<1x1x16xf32>,
      %get3A_961 = vector.shape_cast %get3A_960 : vector<1x1x16xf32> to vector<16xf32>
      %mul3A_962 = arith.mulf %get3A_955, %get3A_961 : vector<16xf32>
      %swap3A_963 = arith.constant 1 : i32
      %swap3A_964 = arith.index_cast %swap3A_963 : i32 to index
      %swap3A_965 = arith.index_cast %scan3A_851 : i32 to index
      %swap3A_966 = arith.constant 80 : index
      %swap3A_967 = tpu.vector_load %arg15[%swap3A_964, %swap3A_965, %swap3A_966] {strides = array<i32>} : memref<2x40x128xf32, #tpu.memory_space<vmem>>, vector<1x1x16xf32>,
      %swap3A_968 = vector.shape_cast %swap3A_967 : vector<1x1x16xf32> to vector<16xf32>
      %swap3A_969 = vector.shape_cast %mul3A_962 : vector<16xf32> to vector<1x1x16xf32>
      tpu.vector_store %arg15[%swap3A_964, %swap3A_965, %swap3A_966], %swap3A_969 {strides = array<i32>} : memref<2x40x128xf32, #tpu.memory_space<vmem>>, vector<1x1x16xf32>,
      %get3A_970 = arith.constant 1 : i32
      %get3A_971 = arith.index_cast %get3A_970 : i32 to index
      %get3A_972 = arith.index_cast %scan3A_851 : i32 to index
      %get3A_973 = arith.constant 96 : index
      %get3A_974 = tpu.vector_load %arg13[%get3A_971, %get3A_972, %get3A_973] {strides = array<i32>} : memref<2x40x128xf32, #tpu.memory_space<vmem>>, vector<1x1x16xf32>,
      %get3A_975 = vector.shape_cast %get3A_974 : vector<1x1x16xf32> to vector<16xf32>
      %get3A_976 = arith.constant 1 : i32
      %get3A_977 = arith.index_cast %get3A_976 : i32 to index
      %get3A_978 = arith.index_cast %scan3A_851 : i32 to index
      %get3A_979 = arith.constant 96 : index
      %get3A_980 = tpu.vector_load %arg14[%get3A_977, %get3A_978, %get3A_979] {strides = array<i32>} : memref<2x40x128xf32, #tpu.memory_space<vmem>>, vector<1x1x16xf32>,
      %get3A_981 = vector.shape_cast %get3A_980 : vector<1x1x16xf32> to vector<16xf32>
      %mul3A_982 = arith.mulf %get3A_975, %get3A_981 : vector<16xf32>
      %swap3A_983 = arith.constant 1 : i32
      %swap3A_984 = arith.index_cast %swap3A_983 : i32 to index
      %swap3A_985 = arith.index_cast %scan3A_851 : i32 to index
      %swap3A_986 = arith.constant 96 : index
      %swap3A_987 = tpu.vector_load %arg15[%swap3A_984, %swap3A_985, %swap3A_986] {strides = array<i32>} : memref<2x40x128xf32, #tpu.memory_space<vmem>>, vector<1x1x16xf32>,
      %swap3A_988 = vector.shape_cast %swap3A_987 : vector<1x1x16xf32> to vector<16xf32>
      %swap3A_989 = vector.shape_cast %mul3A_982 : vector<16xf32> to vector<1x1x16xf32>
      tpu.vector_store %arg15[%swap3A_984, %swap3A_985, %swap3A_986], %swap3A_989 {strides = array<i32>} : memref<2x40x128xf32, #tpu.memory_space<vmem>>, vector<1x1x16xf32>,
      %get3A_990 = arith.constant 1 : i32
      %get3A_991 = arith.index_cast %get3A_990 : i32 to index
      %get3A_992 = arith.index_cast %scan3A_851 : i32 to index
      %get3A_993 = arith.constant 112 : index
      %get3A_994 = tpu.vector_load %arg13[%get3A_991, %get3A_992, %get3A_993] {strides = array<i32>} : memref<2x40x128xf32, #tpu.memory_space<vmem>>, vector<1x1x16xf32>,
      %get3A_995 = vector.shape_cast %get3A_994 : vector<1x1x16xf32> to vector<16xf32>
      %get3A_996 = arith.constant 1 : i32
      %get3A_997 = arith.index_cast %get3A_996 : i32 to index
      %get3A_998 = arith.index_cast %scan3A_851 : i32 to index
      %get3A_999 = arith.constant 112 : index
      %get3A_1000 = tpu.vector_load %arg14[%get3A_997, %get3A_998, %get3A_999] {strides = array<i32>} : memref<2x40x128xf32, #tpu.memory_space<vmem>>, vector<1x1x16xf32>,
      %get3A_1001 = vector.shape_cast %get3A_1000 : vector<1x1x16xf32> to vector<16xf32>
      %mul3A_1002 = arith.mulf %get3A_995, %get3A_1001 : vector<16xf32>
      %swap3A_1003 = arith.constant 1 : i32
      %swap3A_1004 = arith.index_cast %swap3A_1003 : i32 to index
      %swap3A_1005 = arith.index_cast %scan3A_851 : i32 to index
      %swap3A_1006 = arith.constant 112 : index
      %swap3A_1007 = tpu.vector_load %arg15[%swap3A_1004, %swap3A_1005, %swap3A_1006] {strides = array<i32>} : memref<2x40x128xf32, #tpu.memory_space<vmem>>, vector<1x1x16xf32>,
      %swap3A_1008 = vector.shape_cast %swap3A_1007 : vector<1x1x16xf32> to vector<16xf32>
      %swap3A_1009 = vector.shape_cast %mul3A_1002 : vector<16xf32> to vector<1x1x16xf32>
      tpu.vector_store %arg15[%swap3A_1004, %swap3A_1005, %swap3A_1006], %swap3A_1009 {strides = array<i32>} : memref<2x40x128xf32, #tpu.memory_space<vmem>>, vector<1x1x16xf32>,
    }
    %scan3A_660 = arith.constant 40 : i32
    %rem3A_661 = arith.constant 1 : i32
    %rem3A_662 = arith.constant 4 : i32
    %rem3A_663 = arith.remsi %rem3A_661, %rem3A_662 : i32
    %dma_start3A_664 = arith.constant 1 : i32
    %dma_start3A_665 = arith.constant 0 : i32
    %dma_start3A_666 = arith.constant 1 : i32
    %dma_start3A_667 = arith.constant 0 : i32
    %dma_start3A_668 = arith.constant 0 : i32
    %dma_start3A_669 = tpu.memref_slice %arg15[%dma_start3A_664, %dma_start3A_667, %dma_start3A_668] : memref<2x40x128xf32, #tpu.memory_space<vmem>> -> memref<1x40x128xf32, #tpu.memory_space<vmem>>
    %dma_start3A_670 = tpu.memref_squeeze %dma_start3A_669 : memref<1x40x128xf32, #tpu.memory_space<vmem>> -> memref<40x128xf32, #tpu.memory_space<vmem>>
    %dma_start3A_671 = arith.constant 0 : i32
    %dma_start3A_672 = tpu.memref_slice %arg12[%rem3A_663, %dma_start3A_665, %dma_start3A_671] : memref<4x3x40xi32, #tpu.memory_space<vmem>> -> memref<1x1x40xi32, #tpu.memory_space<vmem>>
    %dma_start3A_673 = tpu.memref_squeeze %dma_start3A_672 : memref<1x1x40xi32, #tpu.memory_space<vmem>> -> memref<40xi32, #tpu.memory_space<vmem>>
    %dma_start3A_674 = arith.constant 0 : i32
    %dma_start3A_675 = arith.constant 0 : i32
    %dma_start3A_676 = tpu.memref_slice %arg9[%dma_start3A_674, %dma_start3A_675] : memref<10000x128xf32, #tpu.memory_space<vmem_shared>> -> memref<10000x128xf32, #tpu.memory_space<vmem_shared>>
    %dma_start3A_677 = tpu.memref_slice %arg20[%dma_start3A_666] : memref<2x!tpu.dma_semaphore, #tpu.memory_space<semaphore_mem>> -> memref<1x!tpu.dma_semaphore, #tpu.memory_space<semaphore_mem>>
    %dma_start3A_678 = tpu.memref_squeeze %dma_start3A_677 : memref<1x!tpu.dma_semaphore, #tpu.memory_space<semaphore_mem>> -> memref<!tpu.dma_semaphore, #tpu.memory_space<semaphore_mem>>
    tpu.enqueue_indirect_dma source(%dma_start3A_670 : memref<40x128xf32, #tpu.memory_space<vmem>>) target(%dma_start3A_676 : memref<10000x128xf32, #tpu.memory_space<vmem_shared>>) offsets(%dma_start3A_673 : memref<40xi32, #tpu.memory_space<vmem>>) semaphore(%dma_start3A_678 : memref<!tpu.dma_semaphore, #tpu.memory_space<semaphore_mem>>) {add = true}
    %dma_start3A_679 = arith.constant 0 : i32
    %dma_start3A_680 = arith.constant 1 : i32
    %dma_start3A_681 = arith.constant 0 : i32
    %dma_start3A_682 = arith.constant 0 : i32
    %dma_start3A_683 = tpu.memref_slice %arg16[%dma_start3A_681, %dma_start3A_682] : memref<40x16xf32, #tpu.memory_space<vmem>> -> memref<40x16xf32, #tpu.memory_space<vmem>>
    %dma_start3A_684 = arith.constant 0 : i32
    %dma_start3A_685 = tpu.memref_slice %arg12[%rem3A_663, %dma_start3A_679, %dma_start3A_684] : memref<4x3x40xi32, #tpu.memory_space<vmem>> -> memref<1x1x40xi32, #tpu.memory_space<vmem>>
    %dma_start3A_686 = tpu.memref_squeeze %dma_start3A_685 : memref<1x1x40xi32, #tpu.memory_space<vmem>> -> memref<40xi32, #tpu.memory_space<vmem>>
    %dma_start3A_687 = arith.constant 0 : i32
    %dma_start3A_688 = arith.constant 0 : i32
    %dma_start3A_689 = tpu.memref_slice %arg10[%dma_start3A_687, %dma_start3A_688] : memref<10000x16xf32, #tpu.memory_space<vmem_shared>> -> memref<10000x16xf32, #tpu.memory_space<vmem_shared>>
    %dma_start3A_690 = tpu.memref_slice %arg21[%dma_start3A_680] : memref<2x!tpu.dma_semaphore, #tpu.memory_space<semaphore_mem>> -> memref<1x!tpu.dma_semaphore, #tpu.memory_space<semaphore_mem>>
    %dma_start3A_691 = tpu.memref_squeeze %dma_start3A_690 : memref<1x!tpu.dma_semaphore, #tpu.memory_space<semaphore_mem>> -> memref<!tpu.dma_semaphore, #tpu.memory_space<semaphore_mem>>
    tpu.enqueue_indirect_dma source(%dma_start3A_683 : memref<40x16xf32, #tpu.memory_space<vmem>>) target(%dma_start3A_689 : memref<10000x16xf32, #tpu.memory_space<vmem_shared>>) offsets(%dma_start3A_686 : memref<40xi32, #tpu.memory_space<vmem>>) semaphore(%dma_start3A_691 : memref<!tpu.dma_semaphore, #tpu.memory_space<semaphore_mem>>) {add = true}
    %rem3A_692 = arith.constant 3 : i32
    %rem3A_693 = arith.constant 4 : i32
    %rem3A_694 = arith.remsi %rem3A_692, %rem3A_693 : i32
    %dma_wait3A_695 = arith.constant 0 : i32
    %dma_wait3A_696 = arith.constant 0 : i32
    %dma_wait3A_697 = arith.constant 0 : i32
    %dma_wait3A_698 = tpu.memref_slice %arg12[%rem3A_694, %dma_wait3A_696, %dma_wait3A_697] : memref<4x3x40xi32, #tpu.memory_space<vmem>> -> memref<1x1x40xi32, #tpu.memory_space<vmem>>
    %dma_wait3A_699 = tpu.memref_squeeze %dma_wait3A_698 : memref<1x1x40xi32, #tpu.memory_space<vmem>> -> memref<40xi32, #tpu.memory_space<vmem>>
    %dma_wait3A_700 = arith.constant 0 : i32
    %dma_wait3A_701 = tpu.memref_slice %arg4[%arg0, %arg1, %dma_wait3A_695, %dma_wait3A_700] : memref<2x16x250x40xi32, #tpu.memory_space<hbm>> -> memref<1x1x1x40xi32, #tpu.memory_space<hbm>>
    %dma_wait3A_702 = tpu.memref_squeeze %dma_wait3A_701 : memref<1x1x1x40xi32, #tpu.memory_space<hbm>> -> memref<40xi32, #tpu.memory_space<hbm>>
    %dma_wait3A_703 = tpu.memref_slice %arg17[%rem3A_694] : memref<4x!tpu.dma_semaphore, #tpu.memory_space<semaphore_mem>> -> memref<1x!tpu.dma_semaphore, #tpu.memory_space<semaphore_mem>>
    %dma_wait3A_704 = tpu.memref_squeeze %dma_wait3A_703 : memref<1x!tpu.dma_semaphore, #tpu.memory_space<semaphore_mem>> -> memref<!tpu.dma_semaphore, #tpu.memory_space<semaphore_mem>>
    %dma_wait3A_705 = arith.constant 0 : i32
    %dma_wait3A_706 = tpu.memref_slice %arg12[%rem3A_694, %dma_wait3A_696, %dma_wait3A_705] : memref<4x3x40xi32, #tpu.memory_space<vmem>> -> memref<1x1x40xi32, #tpu.memory_space<vmem>>
    %dma_wait3A_707 = tpu.memref_squeeze %dma_wait3A_706 : memref<1x1x40xi32, #tpu.memory_space<vmem>> -> memref<40xi32, #tpu.memory_space<vmem>>
    %dma_wait3A_708 = arith.constant 0 : i32
    %dma_wait3A_709 = tpu.memref_slice %arg4[%arg0, %arg1, %dma_wait3A_695, %dma_wait3A_708] : memref<2x16x250x40xi32, #tpu.memory_space<hbm>> -> memref<1x1x1x40xi32, #tpu.memory_space<hbm>>
    %dma_wait3A_710 = tpu.memref_squeeze %dma_wait3A_709 : memref<1x1x1x40xi32, #tpu.memory_space<hbm>> -> memref<40xi32, #tpu.memory_space<hbm>>
    tpu.wait_dma2 semaphore(%dma_wait3A_704 : memref<!tpu.dma_semaphore, #tpu.memory_space<semaphore_mem>>) src(%dma_wait3A_710 : memref<40xi32, #tpu.memory_space<hbm>>) dst(%dma_wait3A_707 : memref<40xi32, #tpu.memory_space<vmem>>)
    %dma_wait3A_711 = arith.constant 0 : i32
    %dma_wait3A_712 = arith.constant 1 : i32
    %dma_wait3A_713 = arith.constant 0 : i32
    %dma_wait3A_714 = tpu.memref_slice %arg12[%rem3A_694, %dma_wait3A_712, %dma_wait3A_713] : memref<4x3x40xi32, #tpu.memory_space<vmem>> -> memref<1x1x40xi32, #tpu.memory_space<vmem>>
    %dma_wait3A_715 = tpu.memref_squeeze %dma_wait3A_714 : memref<1x1x40xi32, #tpu.memory_space<vmem>> -> memref<40xi32, #tpu.memory_space<vmem>>
    %dma_wait3A_716 = arith.constant 0 : i32
    %dma_wait3A_717 = tpu.memref_slice %arg4[%arg0, %arg1, %dma_wait3A_711, %dma_wait3A_716] : memref<2x16x250x40xi32, #tpu.memory_space<hbm>> -> memref<1x1x1x40xi32, #tpu.memory_space<hbm>>
    %dma_wait3A_718 = tpu.memref_squeeze %dma_wait3A_717 : memref<1x1x1x40xi32, #tpu.memory_space<hbm>> -> memref<40xi32, #tpu.memory_space<hbm>>
    %dma_wait3A_719 = tpu.memref_slice %arg17[%rem3A_694] : memref<4x!tpu.dma_semaphore, #tpu.memory_space<semaphore_mem>> -> memref<1x!tpu.dma_semaphore, #tpu.memory_space<semaphore_mem>>
    %dma_wait3A_720 = tpu.memref_squeeze %dma_wait3A_719 : memref<1x!tpu.dma_semaphore, #tpu.memory_space<semaphore_mem>> -> memref<!tpu.dma_semaphore, #tpu.memory_space<semaphore_mem>>
    %dma_wait3A_721 = arith.constant 0 : i32
    %dma_wait3A_722 = tpu.memref_slice %arg12[%rem3A_694, %dma_wait3A_712, %dma_wait3A_721] : memref<4x3x40xi32, #tpu.memory_space<vmem>> -> memref<1x1x40xi32, #tpu.memory_space<vmem>>
    %dma_wait3A_723 = tpu.memref_squeeze %dma_wait3A_722 : memref<1x1x40xi32, #tpu.memory_space<vmem>> -> memref<40xi32, #tpu.memory_space<vmem>>
    %dma_wait3A_724 = arith.constant 0 : i32
    %dma_wait3A_725 = tpu.memref_slice %arg4[%arg0, %arg1, %dma_wait3A_711, %dma_wait3A_724] : memref<2x16x250x40xi32, #tpu.memory_space<hbm>> -> memref<1x1x1x40xi32, #tpu.memory_space<hbm>>
    %dma_wait3A_726 = tpu.memref_squeeze %dma_wait3A_725 : memref<1x1x1x40xi32, #tpu.memory_space<hbm>> -> memref<40xi32, #tpu.memory_space<hbm>>
    tpu.wait_dma2 semaphore(%dma_wait3A_720 : memref<!tpu.dma_semaphore, #tpu.memory_space<semaphore_mem>>) src(%dma_wait3A_726 : memref<40xi32, #tpu.memory_space<hbm>>) dst(%dma_wait3A_723 : memref<40xi32, #tpu.memory_space<vmem>>)
    %dma_wait3A_727 = arith.constant 0 : i32
    %dma_wait3A_728 = arith.constant 2 : i32
    %dma_wait3A_729 = arith.constant 0 : i32
    %dma_wait3A_730 = tpu.memref_slice %arg12[%rem3A_694, %dma_wait3A_728, %dma_wait3A_729] : memref<4x3x40xi32, #tpu.memory_space<vmem>> -> memref<1x1x40xi32, #tpu.memory_space<vmem>>
    %dma_wait3A_731 = tpu.memref_squeeze %dma_wait3A_730 : memref<1x1x40xi32, #tpu.memory_space<vmem>> -> memref<40xi32, #tpu.memory_space<vmem>>
    %dma_wait3A_732 = arith.constant 0 : i32
    %dma_wait3A_733 = tpu.memref_slice %arg4[%arg0, %arg1, %dma_wait3A_727, %dma_wait3A_732] : memref<2x16x250x40xi32, #tpu.memory_space<hbm>> -> memref<1x1x1x40xi32, #tpu.memory_space<hbm>>
    %dma_wait3A_734 = tpu.memref_squeeze %dma_wait3A_733 : memref<1x1x1x40xi32, #tpu.memory_space<hbm>> -> memref<40xi32, #tpu.memory_space<hbm>>
    %dma_wait3A_735 = tpu.memref_slice %arg17[%rem3A_694] : memref<4x!tpu.dma_semaphore, #tpu.memory_space<semaphore_mem>> -> memref<1x!tpu.dma_semaphore, #tpu.memory_space<semaphore_mem>>
    %dma_wait3A_736 = tpu.memref_squeeze %dma_wait3A_735 : memref<1x!tpu.dma_semaphore, #tpu.memory_space<semaphore_mem>> -> memref<!tpu.dma_semaphore, #tpu.memory_space<semaphore_mem>>
    %dma_wait3A_737 = arith.constant 0 : i32
    %dma_wait3A_738 = tpu.memref_slice %arg12[%rem3A_694, %dma_wait3A_728, %dma_wait3A_737] : memref<4x3x40xi32, #tpu.memory_space<vmem>> -> memref<1x1x40xi32, #tpu.memory_space<vmem>>
    %dma_wait3A_739 = tpu.memref_squeeze %dma_wait3A_738 : memref<1x1x40xi32, #tpu.memory_space<vmem>> -> memref<40xi32, #tpu.memory_space<vmem>>
    %dma_wait3A_740 = arith.constant 0 : i32
    %dma_wait3A_741 = tpu.memref_slice %arg4[%arg0, %arg1, %dma_wait3A_727, %dma_wait3A_740] : memref<2x16x250x40xi32, #tpu.memory_space<hbm>> -> memref<1x1x1x40xi32, #tpu.memory_space<hbm>>
    %dma_wait3A_742 = tpu.memref_squeeze %dma_wait3A_741 : memref<1x1x1x40xi32, #tpu.memory_space<hbm>> -> memref<40xi32, #tpu.memory_space<hbm>>
    tpu.wait_dma2 semaphore(%dma_wait3A_736 : memref<!tpu.dma_semaphore, #tpu.memory_space<semaphore_mem>>) src(%dma_wait3A_742 : memref<40xi32, #tpu.memory_space<hbm>>) dst(%dma_wait3A_739 : memref<40xi32, #tpu.memory_space<vmem>>)
    %rem3A_743 = arith.constant 3 : i32
    %rem3A_744 = arith.constant 4 : i32
    %rem3A_745 = arith.remsi %rem3A_743, %rem3A_744 : i32
    %dma_start3A_746 = arith.constant 1 : i32
    %dma_start3A_747 = arith.constant 1 : i32
    %dma_start3A_748 = arith.constant 1 : i32
    %dma_start3A_749 = arith.constant 0 : i32
    %dma_start3A_750 = arith.constant 0 : i32
    %dma_start3A_751 = tpu.memref_slice %arg13[%dma_start3A_747, %dma_start3A_749, %dma_start3A_750] : memref<2x40x128xf32, #tpu.memory_space<vmem>> -> memref<1x40x128xf32, #tpu.memory_space<vmem>>
    %dma_start3A_752 = tpu.memref_squeeze %dma_start3A_751 : memref<1x40x128xf32, #tpu.memory_space<vmem>> -> memref<40x128xf32, #tpu.memory_space<vmem>>
    %dma_start3A_753 = arith.constant 0 : i32
    %dma_start3A_754 = tpu.memref_slice %arg12[%rem3A_745, %dma_start3A_746, %dma_start3A_753] : memref<4x3x40xi32, #tpu.memory_space<vmem>> -> memref<1x1x40xi32, #tpu.memory_space<vmem>>
    %dma_start3A_755 = tpu.memref_squeeze %dma_start3A_754 : memref<1x1x40xi32, #tpu.memory_space<vmem>> -> memref<40xi32, #tpu.memory_space<vmem>>
    %dma_start3A_756 = arith.constant 0 : i32
    %dma_start3A_757 = arith.constant 0 : i32
    %dma_start3A_758 = tpu.memref_slice %arg2[%dma_start3A_756, %dma_start3A_757] : memref<10000x128xf32, #tpu.memory_space<hbm>> -> memref<10000x128xf32, #tpu.memory_space<hbm>>
    %dma_start3A_759 = tpu.memref_slice %arg18[%dma_start3A_748] : memref<2x!tpu.dma_semaphore, #tpu.memory_space<semaphore_mem>> -> memref<1x!tpu.dma_semaphore, #tpu.memory_space<semaphore_mem>>
    %dma_start3A_760 = tpu.memref_squeeze %dma_start3A_759 : memref<1x!tpu.dma_semaphore, #tpu.memory_space<semaphore_mem>> -> memref<!tpu.dma_semaphore, #tpu.memory_space<semaphore_mem>>
    tpu.enqueue_indirect_dma source(%dma_start3A_758 : memref<10000x128xf32, #tpu.memory_space<hbm>>) target(%dma_start3A_752 : memref<40x128xf32, #tpu.memory_space<vmem>>) offsets(%dma_start3A_755 : memref<40xi32, #tpu.memory_space<vmem>>) semaphore(%dma_start3A_760 : memref<!tpu.dma_semaphore, #tpu.memory_space<semaphore_mem>>)
    %dma_start3A_761 = arith.constant 2 : i32
    %dma_start3A_762 = arith.constant 1 : i32
    %dma_start3A_763 = arith.constant 1 : i32
    %dma_start3A_764 = arith.constant 0 : i32
    %dma_start3A_765 = arith.constant 0 : i32
    %dma_start3A_766 = tpu.memref_slice %arg14[%dma_start3A_762, %dma_start3A_764, %dma_start3A_765] : memref<2x40x128xf32, #tpu.memory_space<vmem>> -> memref<1x40x128xf32, #tpu.memory_space<vmem>>
    %dma_start3A_767 = tpu.memref_squeeze %dma_start3A_766 : memref<1x40x128xf32, #tpu.memory_space<vmem>> -> memref<40x128xf32, #tpu.memory_space<vmem>>
    %dma_start3A_768 = arith.constant 0 : i32
    %dma_start3A_769 = tpu.memref_slice %arg12[%rem3A_745, %dma_start3A_761, %dma_start3A_768] : memref<4x3x40xi32, #tpu.memory_space<vmem>> -> memref<1x1x40xi32, #tpu.memory_space<vmem>>
    %dma_start3A_770 = tpu.memref_squeeze %dma_start3A_769 : memref<1x1x40xi32, #tpu.memory_space<vmem>> -> memref<40xi32, #tpu.memory_space<vmem>>
    %dma_start3A_771 = arith.constant 0 : i32
    %dma_start3A_772 = arith.constant 0 : i32
    %dma_start3A_773 = tpu.memref_slice %arg11[%dma_start3A_771, %dma_start3A_772] : memref<401x128xf32, #tpu.memory_space<vmem_shared>> -> memref<401x128xf32, #tpu.memory_space<vmem_shared>>
    %dma_start3A_774 = tpu.memref_slice %arg19[%dma_start3A_763] : memref<2x!tpu.dma_semaphore, #tpu.memory_space<semaphore_mem>> -> memref<1x!tpu.dma_semaphore, #tpu.memory_space<semaphore_mem>>
    %dma_start3A_775 = tpu.memref_squeeze %dma_start3A_774 : memref<1x!tpu.dma_semaphore, #tpu.memory_space<semaphore_mem>> -> memref<!tpu.dma_semaphore, #tpu.memory_space<semaphore_mem>>
    tpu.enqueue_indirect_dma source(%dma_start3A_773 : memref<401x128xf32, #tpu.memory_space<vmem_shared>>) target(%dma_start3A_767 : memref<40x128xf32, #tpu.memory_space<vmem>>) offsets(%dma_start3A_770 : memref<40xi32, #tpu.memory_space<vmem>>) semaphore(%dma_start3A_775 : memref<!tpu.dma_semaphore, #tpu.memory_space<semaphore_mem>>)
    %scan3A_776 = arith.constant 0 : i32
    %scan3A_777 = arith.constant 1 : i32
    %scan3A_778 = arith.constant 124 : i32
    %scan3A_779 = arith.addi %scan3A_777, %scan3A_778 : i32
    %scan3A_780 = arith.constant 1 : i32
    scf.for %scan3A_851 = %scan3A_777 to %scan3A_779 step %scan3A_780  : i32 {
      %mul3A_852 = arith.constant 2 : i32
      %mul3A_853 = arith.muli %mul3A_852, %scan3A_851 : i32
      %add3A_854 = arith.constant 0 : i32
      %add3A_855 = arith.addi %mul3A_853, %add3A_854 : i32
      %dma_wait3A_856 = arith.constant 0 : i32
      %dma_wait3A_857 = arith.constant 0 : i32
      %dma_wait3A_858 = arith.constant 0 : i32
      %dma_wait3A_859 = arith.constant 0 : i32
      %dma_wait3A_860 = arith.constant 0 : i32
      %dma_wait3A_861 = arith.constant 0 : i32
      %dma_wait3A_862 = tpu.memref_slice %arg15[%dma_wait3A_856, %dma_wait3A_860, %dma_wait3A_861] : memref<2x40x128xf32, #tpu.memory_space<vmem>> -> memref<1x40x128xf32, #tpu.memory_space<vmem>>
      %dma_wait3A_863 = tpu.memref_squeeze %dma_wait3A_862 : memref<1x40x128xf32, #tpu.memory_space<vmem>> -> memref<40x128xf32, #tpu.memory_space<vmem>>
      %dma_wait3A_864 = arith.constant 0 : i32
      %dma_wait3A_865 = tpu.memref_slice %arg12[%dma_wait3A_857, %dma_wait3A_858, %dma_wait3A_864] : memref<4x3x40xi32, #tpu.memory_space<vmem>> -> memref<1x1x40xi32, #tpu.memory_space<vmem>>
      %dma_wait3A_866 = tpu.memref_squeeze %dma_wait3A_865 : memref<1x1x40xi32, #tpu.memory_space<vmem>> -> memref<40xi32, #tpu.memory_space<vmem>>
      %dma_wait3A_867 = arith.constant 0 : i32
      %dma_wait3A_868 = arith.constant 0 : i32
      %dma_wait3A_869 = tpu.memref_slice %arg9[%dma_wait3A_867, %dma_wait3A_868] : memref<10000x128xf32, #tpu.memory_space<vmem_shared>> -> memref<10000x128xf32, #tpu.memory_space<vmem_shared>>
      %dma_wait3A_870 = tpu.memref_slice %arg20[%dma_wait3A_859] : memref<2x!tpu.dma_semaphore, #tpu.memory_space<semaphore_mem>> -> memref<1x!tpu.dma_semaphore, #tpu.memory_space<semaphore_mem>>
      %dma_wait3A_871 = tpu.memref_squeeze %dma_wait3A_870 : memref<1x!tpu.dma_semaphore, #tpu.memory_space<semaphore_mem>> -> memref<!tpu.dma_semaphore, #tpu.memory_space<semaphore_mem>>
      tpu.wait_indirect_dma semaphore(%dma_wait3A_871 : memref<!tpu.dma_semaphore, #tpu.memory_space<semaphore_mem>>) src(%dma_wait3A_863 : memref<40x128xf32, #tpu.memory_space<vmem>>) dst(%dma_wait3A_869 : memref<10000x128xf32, #tpu.memory_space<vmem_shared>>)
      %dma_wait3A_872 = arith.constant 0 : i32
      %dma_wait3A_873 = arith.constant 0 : i32
      %dma_wait3A_874 = arith.constant 0 : i32
      %dma_wait3A_875 = arith.constant 0 : i32
      %dma_wait3A_876 = arith.constant 0 : i32
      %dma_wait3A_877 = tpu.memref_slice %arg16[%dma_wait3A_875, %dma_wait3A_876] : memref<40x16xf32, #tpu.memory_space<vmem>> -> memref<40x16xf32, #tpu.memory_space<vmem>>
      %dma_wait3A_878 = arith.constant 0 : i32
      %dma_wait3A_879 = tpu.memref_slice %arg12[%dma_wait3A_872, %dma_wait3A_873, %dma_wait3A_878] : memref<4x3x40xi32, #tpu.memory_space<vmem>> -> memref<1x1x40xi32, #tpu.memory_space<vmem>>
      %dma_wait3A_880 = tpu.memref_squeeze %dma_wait3A_879 : memref<1x1x40xi32, #tpu.memory_space<vmem>> -> memref<40xi32, #tpu.memory_space<vmem>>
      %dma_wait3A_881 = arith.constant 0 : i32
      %dma_wait3A_882 = arith.constant 0 : i32
      %dma_wait3A_883 = tpu.memref_slice %arg10[%dma_wait3A_881, %dma_wait3A_882] : memref<10000x16xf32, #tpu.memory_space<vmem_shared>> -> memref<10000x16xf32, #tpu.memory_space<vmem_shared>>
      %dma_wait3A_884 = tpu.memref_slice %arg21[%dma_wait3A_874] : memref<2x!tpu.dma_semaphore, #tpu.memory_space<semaphore_mem>> -> memref<1x!tpu.dma_semaphore, #tpu.memory_space<semaphore_mem>>
      %dma_wait3A_885 = tpu.memref_squeeze %dma_wait3A_884 : memref<1x!tpu.dma_semaphore, #tpu.memory_space<semaphore_mem>> -> memref<!tpu.dma_semaphore, #tpu.memory_space<semaphore_mem>>
      tpu.wait_indirect_dma semaphore(%dma_wait3A_885 : memref<!tpu.dma_semaphore, #tpu.memory_space<semaphore_mem>>) src(%dma_wait3A_877 : memref<40x16xf32, #tpu.memory_space<vmem>>) dst(%dma_wait3A_883 : memref<10000x16xf32, #tpu.memory_space<vmem_shared>>)
      %add3A_886 = arith.constant 2 : i32
      %add3A_887 = arith.addi %add3A_855, %add3A_886 : i32
      %lt3A = arith.constant 250 : i32
      %lt3A_888 = arith.cmpi slt, %add3A_887, %lt3A : i32
      %convert_element_type3A_889 = arith.extui %lt3A_888 : i1 to i32
      %cond3A_890 = arith.constant 0 : i32
      %cond3A_891 = arith.cmpi ne, %convert_element_type3A_889, %cond3A_890 : i32
      scf.if %cond3A_891 {
        %add3A_1083 = arith.constant 2 : i32
        %add3A_1084 = arith.addi %add3A_855, %add3A_1083 : i32
        %rem3A_1085 = arith.constant 4 : i32
        %rem3A_1086 = arith.remsi %add3A_1084, %rem3A_1085 : i32
        %dma_start3A_1087 = arith.constant 0 : i32
        %dma_start3A_1088 = arith.constant 0 : i32
        %dma_start3A_1089 = tpu.memref_slice %arg12[%rem3A_1086, %dma_start3A_1087, %dma_start3A_1088] : memref<4x3x40xi32, #tpu.memory_space<vmem>> -> memref<1x1x40xi32, #tpu.memory_space<vmem>>
        %dma_start3A_1090 = tpu.memref_squeeze %dma_start3A_1089 : memref<1x1x40xi32, #tpu.memory_space<vmem>> -> memref<40xi32, #tpu.memory_space<vmem>>
        %dma_start3A_1091 = arith.constant 0 : i32
        %dma_start3A_1092 = tpu.memref_slice %arg4[%arg0, %arg1, %add3A_1084, %dma_start3A_1091] : memref<2x16x250x40xi32, #tpu.memory_space<hbm>> -> memref<1x1x1x40xi32, #tpu.memory_space<hbm>>
        %dma_start3A_1093 = tpu.memref_squeeze %dma_start3A_1092 : memref<1x1x1x40xi32, #tpu.memory_space<hbm>> -> memref<40xi32, #tpu.memory_space<hbm>>
        %dma_start3A_1094 = tpu.memref_slice %arg17[%rem3A_1086] : memref<4x!tpu.dma_semaphore, #tpu.memory_space<semaphore_mem>> -> memref<1x!tpu.dma_semaphore, #tpu.memory_space<semaphore_mem>>
        %dma_start3A_1095 = tpu.memref_squeeze %dma_start3A_1094 : memref<1x!tpu.dma_semaphore, #tpu.memory_space<semaphore_mem>> -> memref<!tpu.dma_semaphore, #tpu.memory_space<semaphore_mem>>
        %dma_start3A_1096 = arith.constant 0 : i32
        %dma_start3A_1097 = tpu.memref_slice %arg12[%rem3A_1086, %dma_start3A_1087, %dma_start3A_1096] : memref<4x3x40xi32, #tpu.memory_space<vmem>> -> memref<1x1x40xi32, #tpu.memory_space<vmem>>
        %dma_start3A_1098 = tpu.memref_squeeze %dma_start3A_1097 : memref<1x1x40xi32, #tpu.memory_space<vmem>> -> memref<40xi32, #tpu.memory_space<vmem>>
        %dma_start3A_1099 = arith.constant 0 : i32
        %dma_start3A_1100 = tpu.memref_slice %arg4[%arg0, %arg1, %add3A_1084, %dma_start3A_1099] : memref<2x16x250x40xi32, #tpu.memory_space<hbm>> -> memref<1x1x1x40xi32, #tpu.memory_space<hbm>>
        %dma_start3A_1101 = tpu.memref_squeeze %dma_start3A_1100 : memref<1x1x1x40xi32, #tpu.memory_space<hbm>> -> memref<40xi32, #tpu.memory_space<hbm>>
        tpu.enqueue_dma source(%dma_start3A_1101 : memref<40xi32, #tpu.memory_space<hbm>>) target(%dma_start3A_1098 : memref<40xi32, #tpu.memory_space<vmem>>) target_semaphore(%dma_start3A_1095 : memref<!tpu.dma_semaphore, #tpu.memory_space<semaphore_mem>>)
        %dma_start3A_1102 = arith.constant 1 : i32
        %dma_start3A_1103 = arith.constant 0 : i32
        %dma_start3A_1104 = tpu.memref_slice %arg12[%rem3A_1086, %dma_start3A_1102, %dma_start3A_1103] : memref<4x3x40xi32, #tpu.memory_space<vmem>> -> memref<1x1x40xi32, #tpu.memory_space<vmem>>
        %dma_start3A_1105 = tpu.memref_squeeze %dma_start3A_1104 : memref<1x1x40xi32, #tpu.memory_space<vmem>> -> memref<40xi32, #tpu.memory_space<vmem>>
        %dma_start3A_1106 = arith.constant 0 : i32
        %dma_start3A_1107 = tpu.memref_slice %arg5[%arg0, %arg1, %add3A_1084, %dma_start3A_1106] : memref<2x16x250x40xi32, #tpu.memory_space<hbm>> -> memref<1x1x1x40xi32, #tpu.memory_space<hbm>>
        %dma_start3A_1108 = tpu.memref_squeeze %dma_start3A_1107 : memref<1x1x1x40xi32, #tpu.memory_space<hbm>> -> memref<40xi32, #tpu.memory_space<hbm>>
        %dma_start3A_1109 = tpu.memref_slice %arg17[%rem3A_1086] : memref<4x!tpu.dma_semaphore, #tpu.memory_space<semaphore_mem>> -> memref<1x!tpu.dma_semaphore, #tpu.memory_space<semaphore_mem>>
        %dma_start3A_1110 = tpu.memref_squeeze %dma_start3A_1109 : memref<1x!tpu.dma_semaphore, #tpu.memory_space<semaphore_mem>> -> memref<!tpu.dma_semaphore, #tpu.memory_space<semaphore_mem>>
        %dma_start3A_1111 = arith.constant 0 : i32
        %dma_start3A_1112 = tpu.memref_slice %arg12[%rem3A_1086, %dma_start3A_1102, %dma_start3A_1111] : memref<4x3x40xi32, #tpu.memory_space<vmem>> -> memref<1x1x40xi32, #tpu.memory_space<vmem>>
        %dma_start3A_1113 = tpu.memref_squeeze %dma_start3A_1112 : memref<1x1x40xi32, #tpu.memory_space<vmem>> -> memref<40xi32, #tpu.memory_space<vmem>>
        %dma_start3A_1114 = arith.constant 0 : i32
        %dma_start3A_1115 = tpu.memref_slice %arg5[%arg0, %arg1, %add3A_1084, %dma_start3A_1114] : memref<2x16x250x40xi32, #tpu.memory_space<hbm>> -> memref<1x1x1x40xi32, #tpu.memory_space<hbm>>
        %dma_start3A_1116 = tpu.memref_squeeze %dma_start3A_1115 : memref<1x1x1x40xi32, #tpu.memory_space<hbm>> -> memref<40xi32, #tpu.memory_space<hbm>>
        tpu.enqueue_dma source(%dma_start3A_1116 : memref<40xi32, #tpu.memory_space<hbm>>) target(%dma_start3A_1113 : memref<40xi32, #tpu.memory_space<vmem>>) target_semaphore(%dma_start3A_1110 : memref<!tpu.dma_semaphore, #tpu.memory_space<semaphore_mem>>)
        %dma_start3A_1117 = arith.constant 2 : i32
        %dma_start3A_1118 = arith.constant 0 : i32
        %dma_start3A_1119 = tpu.memref_slice %arg12[%rem3A_1086, %dma_start3A_1117, %dma_start3A_1118] : memref<4x3x40xi32, #tpu.memory_space<vmem>> -> memref<1x1x40xi32, #tpu.memory_space<vmem>>
        %dma_start3A_1120 = tpu.memref_squeeze %dma_start3A_1119 : memref<1x1x40xi32, #tpu.memory_space<vmem>> -> memref<40xi32, #tpu.memory_space<vmem>>
        %dma_start3A_1121 = arith.constant 0 : i32
        %dma_start3A_1122 = tpu.memref_slice %arg6[%arg0, %arg1, %add3A_1084, %dma_start3A_1121] : memref<2x16x250x40xi32, #tpu.memory_space<hbm>> -> memref<1x1x1x40xi32, #tpu.memory_space<hbm>>
        %dma_start3A_1123 = tpu.memref_squeeze %dma_start3A_1122 : memref<1x1x1x40xi32, #tpu.memory_space<hbm>> -> memref<40xi32, #tpu.memory_space<hbm>>
        %dma_start3A_1124 = tpu.memref_slice %arg17[%rem3A_1086] : memref<4x!tpu.dma_semaphore, #tpu.memory_space<semaphore_mem>> -> memref<1x!tpu.dma_semaphore, #tpu.memory_space<semaphore_mem>>
        %dma_start3A_1125 = tpu.memref_squeeze %dma_start3A_1124 : memref<1x!tpu.dma_semaphore, #tpu.memory_space<semaphore_mem>> -> memref<!tpu.dma_semaphore, #tpu.memory_space<semaphore_mem>>
        %dma_start3A_1126 = arith.constant 0 : i32
        %dma_start3A_1127 = tpu.memref_slice %arg12[%rem3A_1086, %dma_start3A_1117, %dma_start3A_1126] : memref<4x3x40xi32, #tpu.memory_space<vmem>> -> memref<1x1x40xi32, #tpu.memory_space<vmem>>
        %dma_start3A_1128 = tpu.memref_squeeze %dma_start3A_1127 : memref<1x1x40xi32, #tpu.memory_space<vmem>> -> memref<40xi32, #tpu.memory_space<vmem>>
        %dma_start3A_1129 = arith.constant 0 : i32
        %dma_start3A_1130 = tpu.memref_slice %arg6[%arg0, %arg1, %add3A_1084, %dma_start3A_1129] : memref<2x16x250x40xi32, #tpu.memory_space<hbm>> -> memref<1x1x1x40xi32, #tpu.memory_space<hbm>>
        %dma_start3A_1131 = tpu.memref_squeeze %dma_start3A_1130 : memref<1x1x1x40xi32, #tpu.memory_space<hbm>> -> memref<40xi32, #tpu.memory_space<hbm>>
        tpu.enqueue_dma source(%dma_start3A_1131 : memref<40xi32, #tpu.memory_space<hbm>>) target(%dma_start3A_1128 : memref<40xi32, #tpu.memory_space<vmem>>) target_semaphore(%dma_start3A_1125 : memref<!tpu.dma_semaphore, #tpu.memory_space<semaphore_mem>>)
      } else {
      }
      %dma_wait3A_892 = arith.constant 0 : i32
      %dma_wait3A_893 = arith.constant 1 : i32
      %dma_wait3A_894 = arith.constant 0 : i32
      %dma_wait3A_895 = arith.constant 0 : i32
      %dma_wait3A_896 = arith.constant 0 : i32
      %dma_wait3A_897 = arith.constant 0 : i32
      %dma_wait3A_898 = tpu.memref_slice %arg13[%dma_wait3A_894, %dma_wait3A_896, %dma_wait3A_897] : memref<2x40x128xf32, #tpu.memory_space<vmem>> -> memref<1x40x128xf32, #tpu.memory_space<vmem>>
      %dma_wait3A_899 = tpu.memref_squeeze %dma_wait3A_898 : memref<1x40x128xf32, #tpu.memory_space<vmem>> -> memref<40x128xf32, #tpu.memory_space<vmem>>
      %dma_wait3A_900 = arith.constant 0 : i32
      %dma_wait3A_901 = tpu.memref_slice %arg12[%dma_wait3A_892, %dma_wait3A_893, %dma_wait3A_900] : memref<4x3x40xi32, #tpu.memory_space<vmem>> -> memref<1x1x40xi32, #tpu.memory_space<vmem>>
      %dma_wait3A_902 = tpu.memref_squeeze %dma_wait3A_901 : memref<1x1x40xi32, #tpu.memory_space<vmem>> -> memref<40xi32, #tpu.memory_space<vmem>>
      %dma_wait3A_903 = arith.constant 0 : i32
      %dma_wait3A_904 = arith.constant 0 : i32
      %dma_wait3A_905 = tpu.memref_slice %arg2[%dma_wait3A_903, %dma_wait3A_904] : memref<10000x128xf32, #tpu.memory_space<hbm>> -> memref<10000x128xf32, #tpu.memory_space<hbm>>
      %dma_wait3A_906 = tpu.memref_slice %arg18[%dma_wait3A_895] : memref<2x!tpu.dma_semaphore, #tpu.memory_space<semaphore_mem>> -> memref<1x!tpu.dma_semaphore, #tpu.memory_space<semaphore_mem>>
      %dma_wait3A_907 = tpu.memref_squeeze %dma_wait3A_906 : memref<1x!tpu.dma_semaphore, #tpu.memory_space<semaphore_mem>> -> memref<!tpu.dma_semaphore, #tpu.memory_space<semaphore_mem>>
      tpu.wait_indirect_dma semaphore(%dma_wait3A_907 : memref<!tpu.dma_semaphore, #tpu.memory_space<semaphore_mem>>) src(%dma_wait3A_905 : memref<10000x128xf32, #tpu.memory_space<hbm>>) dst(%dma_wait3A_899 : memref<40x128xf32, #tpu.memory_space<vmem>>)
      %dma_wait3A_908 = arith.constant 0 : i32
      %dma_wait3A_909 = arith.constant 2 : i32
      %dma_wait3A_910 = arith.constant 0 : i32
      %dma_wait3A_911 = arith.constant 0 : i32
      %dma_wait3A_912 = arith.constant 0 : i32
      %dma_wait3A_913 = arith.constant 0 : i32
      %dma_wait3A_914 = tpu.memref_slice %arg14[%dma_wait3A_910, %dma_wait3A_912, %dma_wait3A_913] : memref<2x40x128xf32, #tpu.memory_space<vmem>> -> memref<1x40x128xf32, #tpu.memory_space<vmem>>
      %dma_wait3A_915 = tpu.memref_squeeze %dma_wait3A_914 : memref<1x40x128xf32, #tpu.memory_space<vmem>> -> memref<40x128xf32, #tpu.memory_space<vmem>>
      %dma_wait3A_916 = arith.constant 0 : i32
      %dma_wait3A_917 = tpu.memref_slice %arg12[%dma_wait3A_908, %dma_wait3A_909, %dma_wait3A_916] : memref<4x3x40xi32, #tpu.memory_space<vmem>> -> memref<1x1x40xi32, #tpu.memory_space<vmem>>
      %dma_wait3A_918 = tpu.memref_squeeze %dma_wait3A_917 : memref<1x1x40xi32, #tpu.memory_space<vmem>> -> memref<40xi32, #tpu.memory_space<vmem>>
      %dma_wait3A_919 = arith.constant 0 : i32
      %dma_wait3A_920 = arith.constant 0 : i32
      %dma_wait3A_921 = tpu.memref_slice %arg11[%dma_wait3A_919, %dma_wait3A_920] : memref<401x128xf32, #tpu.memory_space<vmem_shared>> -> memref<401x128xf32, #tpu.memory_space<vmem_shared>>
      %dma_wait3A_922 = tpu.memref_slice %arg19[%dma_wait3A_911] : memref<2x!tpu.dma_semaphore, #tpu.memory_space<semaphore_mem>> -> memref<1x!tpu.dma_semaphore, #tpu.memory_space<semaphore_mem>>
      %dma_wait3A_923 = tpu.memref_squeeze %dma_wait3A_922 : memref<1x!tpu.dma_semaphore, #tpu.memory_space<semaphore_mem>> -> memref<!tpu.dma_semaphore, #tpu.memory_space<semaphore_mem>>
      tpu.wait_indirect_dma semaphore(%dma_wait3A_923 : memref<!tpu.dma_semaphore, #tpu.memory_space<semaphore_mem>>) src(%dma_wait3A_921 : memref<401x128xf32, #tpu.memory_space<vmem_shared>>) dst(%dma_wait3A_915 : memref<40x128xf32, #tpu.memory_space<vmem>>)
      %scan3A_924 = arith.constant 0 : i32
      %scan3A_925 = arith.constant 0 : i32
      %scan3A_926 = arith.constant 40 : i32
      %scan3A_927 = arith.addi %scan3A_925, %scan3A_926 : i32
      %scan3A_928 = arith.constant 1 : i32
      scf.for %scan3A_1083 = %scan3A_925 to %scan3A_927 step %scan3A_928  : i32 {
        %get3A = arith.constant 0 : i32
        %get3A_1084 = arith.index_cast %get3A : i32 to index
        %get3A_1085 = arith.index_cast %scan3A_1083 : i32 to index
        %get3A_1086 = arith.constant 0 : index
        %get3A_1087 = tpu.vector_load %arg13[%get3A_1084, %get3A_1085, %get3A_1086] {strides = array<i32>} : memref<2x40x128xf32, #tpu.memory_space<vmem>>, vector<1x1x16xf32>,
        %get3A_1088 = vector.shape_cast %get3A_1087 : vector<1x1x16xf32> to vector<16xf32>
        %get3A_1089 = arith.constant 0 : i32
        %get3A_1090 = arith.index_cast %get3A_1089 : i32 to index
        %get3A_1091 = arith.index_cast %scan3A_1083 : i32 to index
        %get3A_1092 = arith.constant 0 : index
        %get3A_1093 = tpu.vector_load %arg14[%get3A_1090, %get3A_1091, %get3A_1092] {strides = array<i32>} : memref<2x40x128xf32, #tpu.memory_space<vmem>>, vector<1x1x16xf32>,
        %get3A_1094 = vector.shape_cast %get3A_1093 : vector<1x1x16xf32> to vector<16xf32>
        %mul3A_1095 = arith.mulf %get3A_1088, %get3A_1094 : vector<16xf32>
        %swap3A = arith.constant 0 : i32
        %swap3A_1096 = arith.index_cast %swap3A : i32 to index
        %swap3A_1097 = arith.index_cast %scan3A_1083 : i32 to index
        %swap3A_1098 = arith.constant 0 : index
        %swap3A_1099 = tpu.vector_load %arg15[%swap3A_1096, %swap3A_1097, %swap3A_1098] {strides = array<i32>} : memref<2x40x128xf32, #tpu.memory_space<vmem>>, vector<1x1x16xf32>,
        %swap3A_1100 = vector.shape_cast %swap3A_1099 : vector<1x1x16xf32> to vector<16xf32>
        %swap3A_1101 = vector.shape_cast %mul3A_1095 : vector<16xf32> to vector<1x1x16xf32>
        tpu.vector_store %arg15[%swap3A_1096, %swap3A_1097, %swap3A_1098], %swap3A_1101 {strides = array<i32>} : memref<2x40x128xf32, #tpu.memory_space<vmem>>, vector<1x1x16xf32>,
        %get3A_1102 = arith.constant 0 : i32
        %get3A_1103 = arith.index_cast %get3A_1102 : i32 to index
        %get3A_1104 = arith.index_cast %scan3A_1083 : i32 to index
        %get3A_1105 = arith.constant 16 : index
        %get3A_1106 = tpu.vector_load %arg13[%get3A_1103, %get3A_1104, %get3A_1105] {strides = array<i32>} : memref<2x40x128xf32, #tpu.memory_space<vmem>>, vector<1x1x16xf32>,
        %get3A_1107 = vector.shape_cast %get3A_1106 : vector<1x1x16xf32> to vector<16xf32>
        %get3A_1108 = arith.constant 0 : i32
        %get3A_1109 = arith.index_cast %get3A_1108 : i32 to index
        %get3A_1110 = arith.index_cast %scan3A_1083 : i32 to index
        %get3A_1111 = arith.constant 16 : index
        %get3A_1112 = tpu.vector_load %arg14[%get3A_1109, %get3A_1110, %get3A_1111] {strides = array<i32>} : memref<2x40x128xf32, #tpu.memory_space<vmem>>, vector<1x1x16xf32>,
        %get3A_1113 = vector.shape_cast %get3A_1112 : vector<1x1x16xf32> to vector<16xf32>
        %mul3A_1114 = arith.mulf %get3A_1107, %get3A_1113 : vector<16xf32>
        %swap3A_1115 = arith.constant 0 : i32
        %swap3A_1116 = arith.index_cast %swap3A_1115 : i32 to index
        %swap3A_1117 = arith.index_cast %scan3A_1083 : i32 to index
        %swap3A_1118 = arith.constant 16 : index
        %swap3A_1119 = tpu.vector_load %arg15[%swap3A_1116, %swap3A_1117, %swap3A_1118] {strides = array<i32>} : memref<2x40x128xf32, #tpu.memory_space<vmem>>, vector<1x1x16xf32>,
        %swap3A_1120 = vector.shape_cast %swap3A_1119 : vector<1x1x16xf32> to vector<16xf32>
        %swap3A_1121 = vector.shape_cast %mul3A_1114 : vector<16xf32> to vector<1x1x16xf32>
        tpu.vector_store %arg15[%swap3A_1116, %swap3A_1117, %swap3A_1118], %swap3A_1121 {strides = array<i32>} : memref<2x40x128xf32, #tpu.memory_space<vmem>>, vector<1x1x16xf32>,
        %get3A_1122 = arith.constant 0 : i32
        %get3A_1123 = arith.index_cast %get3A_1122 : i32 to index
        %get3A_1124 = arith.index_cast %scan3A_1083 : i32 to index
        %get3A_1125 = arith.constant 32 : index
        %get3A_1126 = tpu.vector_load %arg13[%get3A_1123, %get3A_1124, %get3A_1125] {strides = array<i32>} : memref<2x40x128xf32, #tpu.memory_space<vmem>>, vector<1x1x16xf32>,
        %get3A_1127 = vector.shape_cast %get3A_1126 : vector<1x1x16xf32> to vector<16xf32>
        %get3A_1128 = arith.constant 0 : i32
        %get3A_1129 = arith.index_cast %get3A_1128 : i32 to index
        %get3A_1130 = arith.index_cast %scan3A_1083 : i32 to index
        %get3A_1131 = arith.constant 32 : index
        %get3A_1132 = tpu.vector_load %arg14[%get3A_1129, %get3A_1130, %get3A_1131] {strides = array<i32>} : memref<2x40x128xf32, #tpu.memory_space<vmem>>, vector<1x1x16xf32>,
        %get3A_1133 = vector.shape_cast %get3A_1132 : vector<1x1x16xf32> to vector<16xf32>
        %mul3A_1134 = arith.mulf %get3A_1127, %get3A_1133 : vector<16xf32>
        %swap3A_1135 = arith.constant 0 : i32
        %swap3A_1136 = arith.index_cast %swap3A_1135 : i32 to index
        %swap3A_1137 = arith.index_cast %scan3A_1083 : i32 to index
        %swap3A_1138 = arith.constant 32 : index
        %swap3A_1139 = tpu.vector_load %arg15[%swap3A_1136, %swap3A_1137, %swap3A_1138] {strides = array<i32>} : memref<2x40x128xf32, #tpu.memory_space<vmem>>, vector<1x1x16xf32>,
        %swap3A_1140 = vector.shape_cast %swap3A_1139 : vector<1x1x16xf32> to vector<16xf32>
        %swap3A_1141 = vector.shape_cast %mul3A_1134 : vector<16xf32> to vector<1x1x16xf32>
        tpu.vector_store %arg15[%swap3A_1136, %swap3A_1137, %swap3A_1138], %swap3A_1141 {strides = array<i32>} : memref<2x40x128xf32, #tpu.memory_space<vmem>>, vector<1x1x16xf32>,
        %get3A_1142 = arith.constant 0 : i32
        %get3A_1143 = arith.index_cast %get3A_1142 : i32 to index
        %get3A_1144 = arith.index_cast %scan3A_1083 : i32 to index
        %get3A_1145 = arith.constant 48 : index
        %get3A_1146 = tpu.vector_load %arg13[%get3A_1143, %get3A_1144, %get3A_1145] {strides = array<i32>} : memref<2x40x128xf32, #tpu.memory_space<vmem>>, vector<1x1x16xf32>,
        %get3A_1147 = vector.shape_cast %get3A_1146 : vector<1x1x16xf32> to vector<16xf32>
        %get3A_1148 = arith.constant 0 : i32
        %get3A_1149 = arith.index_cast %get3A_1148 : i32 to index
        %get3A_1150 = arith.index_cast %scan3A_1083 : i32 to index
        %get3A_1151 = arith.constant 48 : index
        %get3A_1152 = tpu.vector_load %arg14[%get3A_1149, %get3A_1150, %get3A_1151] {strides = array<i32>} : memref<2x40x128xf32, #tpu.memory_space<vmem>>, vector<1x1x16xf32>,
        %get3A_1153 = vector.shape_cast %get3A_1152 : vector<1x1x16xf32> to vector<16xf32>
        %mul3A_1154 = arith.mulf %get3A_1147, %get3A_1153 : vector<16xf32>
        %swap3A_1155 = arith.constant 0 : i32
        %swap3A_1156 = arith.index_cast %swap3A_1155 : i32 to index
        %swap3A_1157 = arith.index_cast %scan3A_1083 : i32 to index
        %swap3A_1158 = arith.constant 48 : index
        %swap3A_1159 = tpu.vector_load %arg15[%swap3A_1156, %swap3A_1157, %swap3A_1158] {strides = array<i32>} : memref<2x40x128xf32, #tpu.memory_space<vmem>>, vector<1x1x16xf32>,
        %swap3A_1160 = vector.shape_cast %swap3A_1159 : vector<1x1x16xf32> to vector<16xf32>
        %swap3A_1161 = vector.shape_cast %mul3A_1154 : vector<16xf32> to vector<1x1x16xf32>
        tpu.vector_store %arg15[%swap3A_1156, %swap3A_1157, %swap3A_1158], %swap3A_1161 {strides = array<i32>} : memref<2x40x128xf32, #tpu.memory_space<vmem>>, vector<1x1x16xf32>,
        %get3A_1162 = arith.constant 0 : i32
        %get3A_1163 = arith.index_cast %get3A_1162 : i32 to index
        %get3A_1164 = arith.index_cast %scan3A_1083 : i32 to index
        %get3A_1165 = arith.constant 64 : index
        %get3A_1166 = tpu.vector_load %arg13[%get3A_1163, %get3A_1164, %get3A_1165] {strides = array<i32>} : memref<2x40x128xf32, #tpu.memory_space<vmem>>, vector<1x1x16xf32>,
        %get3A_1167 = vector.shape_cast %get3A_1166 : vector<1x1x16xf32> to vector<16xf32>
        %get3A_1168 = arith.constant 0 : i32
        %get3A_1169 = arith.index_cast %get3A_1168 : i32 to index
        %get3A_1170 = arith.index_cast %scan3A_1083 : i32 to index
        %get3A_1171 = arith.constant 64 : index
        %get3A_1172 = tpu.vector_load %arg14[%get3A_1169, %get3A_1170, %get3A_1171] {strides = array<i32>} : memref<2x40x128xf32, #tpu.memory_space<vmem>>, vector<1x1x16xf32>,
        %get3A_1173 = vector.shape_cast %get3A_1172 : vector<1x1x16xf32> to vector<16xf32>
        %mul3A_1174 = arith.mulf %get3A_1167, %get3A_1173 : vector<16xf32>
        %swap3A_1175 = arith.constant 0 : i32
        %swap3A_1176 = arith.index_cast %swap3A_1175 : i32 to index
        %swap3A_1177 = arith.index_cast %scan3A_1083 : i32 to index
        %swap3A_1178 = arith.constant 64 : index
        %swap3A_1179 = tpu.vector_load %arg15[%swap3A_1176, %swap3A_1177, %swap3A_1178] {strides = array<i32>} : memref<2x40x128xf32, #tpu.memory_space<vmem>>, vector<1x1x16xf32>,
        %swap3A_1180 = vector.shape_cast %swap3A_1179 : vector<1x1x16xf32> to vector<16xf32>
        %swap3A_1181 = vector.shape_cast %mul3A_1174 : vector<16xf32> to vector<1x1x16xf32>
        tpu.vector_store %arg15[%swap3A_1176, %swap3A_1177, %swap3A_1178], %swap3A_1181 {strides = array<i32>} : memref<2x40x128xf32, #tpu.memory_space<vmem>>, vector<1x1x16xf32>,
        %get3A_1182 = arith.constant 0 : i32
        %get3A_1183 = arith.index_cast %get3A_1182 : i32 to index
        %get3A_1184 = arith.index_cast %scan3A_1083 : i32 to index
        %get3A_1185 = arith.constant 80 : index
        %get3A_1186 = tpu.vector_load %arg13[%get3A_1183, %get3A_1184, %get3A_1185] {strides = array<i32>} : memref<2x40x128xf32, #tpu.memory_space<vmem>>, vector<1x1x16xf32>,
        %get3A_1187 = vector.shape_cast %get3A_1186 : vector<1x1x16xf32> to vector<16xf32>
        %get3A_1188 = arith.constant 0 : i32
        %get3A_1189 = arith.index_cast %get3A_1188 : i32 to index
        %get3A_1190 = arith.index_cast %scan3A_1083 : i32 to index
        %get3A_1191 = arith.constant 80 : index
        %get3A_1192 = tpu.vector_load %arg14[%get3A_1189, %get3A_1190, %get3A_1191] {strides = array<i32>} : memref<2x40x128xf32, #tpu.memory_space<vmem>>, vector<1x1x16xf32>,
        %get3A_1193 = vector.shape_cast %get3A_1192 : vector<1x1x16xf32> to vector<16xf32>
        %mul3A_1194 = arith.mulf %get3A_1187, %get3A_1193 : vector<16xf32>
        %swap3A_1195 = arith.constant 0 : i32
        %swap3A_1196 = arith.index_cast %swap3A_1195 : i32 to index
        %swap3A_1197 = arith.index_cast %scan3A_1083 : i32 to index
        %swap3A_1198 = arith.constant 80 : index
        %swap3A_1199 = tpu.vector_load %arg15[%swap3A_1196, %swap3A_1197, %swap3A_1198] {strides = array<i32>} : memref<2x40x128xf32, #tpu.memory_space<vmem>>, vector<1x1x16xf32>,
        %swap3A_1200 = vector.shape_cast %swap3A_1199 : vector<1x1x16xf32> to vector<16xf32>
        %swap3A_1201 = vector.shape_cast %mul3A_1194 : vector<16xf32> to vector<1x1x16xf32>
        tpu.vector_store %arg15[%swap3A_1196, %swap3A_1197, %swap3A_1198], %swap3A_1201 {strides = array<i32>} : memref<2x40x128xf32, #tpu.memory_space<vmem>>, vector<1x1x16xf32>,
        %get3A_1202 = arith.constant 0 : i32
        %get3A_1203 = arith.index_cast %get3A_1202 : i32 to index
        %get3A_1204 = arith.index_cast %scan3A_1083 : i32 to index
        %get3A_1205 = arith.constant 96 : index
        %get3A_1206 = tpu.vector_load %arg13[%get3A_1203, %get3A_1204, %get3A_1205] {strides = array<i32>} : memref<2x40x128xf32, #tpu.memory_space<vmem>>, vector<1x1x16xf32>,
        %get3A_1207 = vector.shape_cast %get3A_1206 : vector<1x1x16xf32> to vector<16xf32>
        %get3A_1208 = arith.constant 0 : i32
        %get3A_1209 = arith.index_cast %get3A_1208 : i32 to index
        %get3A_1210 = arith.index_cast %scan3A_1083 : i32 to index
        %get3A_1211 = arith.constant 96 : index
        %get3A_1212 = tpu.vector_load %arg14[%get3A_1209, %get3A_1210, %get3A_1211] {strides = array<i32>} : memref<2x40x128xf32, #tpu.memory_space<vmem>>, vector<1x1x16xf32>,
        %get3A_1213 = vector.shape_cast %get3A_1212 : vector<1x1x16xf32> to vector<16xf32>
        %mul3A_1214 = arith.mulf %get3A_1207, %get3A_1213 : vector<16xf32>
        %swap3A_1215 = arith.constant 0 : i32
        %swap3A_1216 = arith.index_cast %swap3A_1215 : i32 to index
        %swap3A_1217 = arith.index_cast %scan3A_1083 : i32 to index
        %swap3A_1218 = arith.constant 96 : index
        %swap3A_1219 = tpu.vector_load %arg15[%swap3A_1216, %swap3A_1217, %swap3A_1218] {strides = array<i32>} : memref<2x40x128xf32, #tpu.memory_space<vmem>>, vector<1x1x16xf32>,
        %swap3A_1220 = vector.shape_cast %swap3A_1219 : vector<1x1x16xf32> to vector<16xf32>
        %swap3A_1221 = vector.shape_cast %mul3A_1214 : vector<16xf32> to vector<1x1x16xf32>
        tpu.vector_store %arg15[%swap3A_1216, %swap3A_1217, %swap3A_1218], %swap3A_1221 {strides = array<i32>} : memref<2x40x128xf32, #tpu.memory_space<vmem>>, vector<1x1x16xf32>,
        %get3A_1222 = arith.constant 0 : i32
        %get3A_1223 = arith.index_cast %get3A_1222 : i32 to index
        %get3A_1224 = arith.index_cast %scan3A_1083 : i32 to index
        %get3A_1225 = arith.constant 112 : index
        %get3A_1226 = tpu.vector_load %arg13[%get3A_1223, %get3A_1224, %get3A_1225] {strides = array<i32>} : memref<2x40x128xf32, #tpu.memory_space<vmem>>, vector<1x1x16xf32>,
        %get3A_1227 = vector.shape_cast %get3A_1226 : vector<1x1x16xf32> to vector<16xf32>
        %get3A_1228 = arith.constant 0 : i32
        %get3A_1229 = arith.index_cast %get3A_1228 : i32 to index
        %get3A_1230 = arith.index_cast %scan3A_1083 : i32 to index
        %get3A_1231 = arith.constant 112 : index
        %get3A_1232 = tpu.vector_load %arg14[%get3A_1229, %get3A_1230, %get3A_1231] {strides = array<i32>} : memref<2x40x128xf32, #tpu.memory_space<vmem>>, vector<1x1x16xf32>,
        %get3A_1233 = vector.shape_cast %get3A_1232 : vector<1x1x16xf32> to vector<16xf32>
        %mul3A_1234 = arith.mulf %get3A_1227, %get3A_1233 : vector<16xf32>
        %swap3A_1235 = arith.constant 0 : i32
        %swap3A_1236 = arith.index_cast %swap3A_1235 : i32 to index
        %swap3A_1237 = arith.index_cast %scan3A_1083 : i32 to index
        %swap3A_1238 = arith.constant 112 : index
        %swap3A_1239 = tpu.vector_load %arg15[%swap3A_1236, %swap3A_1237, %swap3A_1238] {strides = array<i32>} : memref<2x40x128xf32, #tpu.memory_space<vmem>>, vector<1x1x16xf32>,
        %swap3A_1240 = vector.shape_cast %swap3A_1239 : vector<1x1x16xf32> to vector<16xf32>
        %swap3A_1241 = vector.shape_cast %mul3A_1234 : vector<16xf32> to vector<1x1x16xf32>
        tpu.vector_store %arg15[%swap3A_1236, %swap3A_1237, %swap3A_1238], %swap3A_1241 {strides = array<i32>} : memref<2x40x128xf32, #tpu.memory_space<vmem>>, vector<1x1x16xf32>,
      }
      %scan3A_929 = arith.constant 40 : i32
      %rem3A_930 = arith.constant 4 : i32
      %rem3A_931 = arith.remsi %add3A_855, %rem3A_930 : i32
      %dma_start3A_932 = arith.constant 0 : i32
      %dma_start3A_933 = arith.constant 0 : i32
      %dma_start3A_934 = arith.constant 0 : i32
      %dma_start3A_935 = arith.constant 0 : i32
      %dma_start3A_936 = arith.constant 0 : i32
      %dma_start3A_937 = tpu.memref_slice %arg15[%dma_start3A_932, %dma_start3A_935, %dma_start3A_936] : memref<2x40x128xf32, #tpu.memory_space<vmem>> -> memref<1x40x128xf32, #tpu.memory_space<vmem>>
      %dma_start3A_938 = tpu.memref_squeeze %dma_start3A_937 : memref<1x40x128xf32, #tpu.memory_space<vmem>> -> memref<40x128xf32, #tpu.memory_space<vmem>>
      %dma_start3A_939 = arith.constant 0 : i32
      %dma_start3A_940 = tpu.memref_slice %arg12[%rem3A_931, %dma_start3A_933, %dma_start3A_939] : memref<4x3x40xi32, #tpu.memory_space<vmem>> -> memref<1x1x40xi32, #tpu.memory_space<vmem>>
      %dma_start3A_941 = tpu.memref_squeeze %dma_start3A_940 : memref<1x1x40xi32, #tpu.memory_space<vmem>> -> memref<40xi32, #tpu.memory_space<vmem>>
      %dma_start3A_942 = arith.constant 0 : i32
      %dma_start3A_943 = arith.constant 0 : i32
      %dma_start3A_944 = tpu.memref_slice %arg9[%dma_start3A_942, %dma_start3A_943] : memref<10000x128xf32, #tpu.memory_space<vmem_shared>> -> memref<10000x128xf32, #tpu.memory_space<vmem_shared>>
      %dma_start3A_945 = tpu.memref_slice %arg20[%dma_start3A_934] : memref<2x!tpu.dma_semaphore, #tpu.memory_space<semaphore_mem>> -> memref<1x!tpu.dma_semaphore, #tpu.memory_space<semaphore_mem>>
      %dma_start3A_946 = tpu.memref_squeeze %dma_start3A_945 : memref<1x!tpu.dma_semaphore, #tpu.memory_space<semaphore_mem>> -> memref<!tpu.dma_semaphore, #tpu.memory_space<semaphore_mem>>
      tpu.enqueue_indirect_dma source(%dma_start3A_938 : memref<40x128xf32, #tpu.memory_space<vmem>>) target(%dma_start3A_944 : memref<10000x128xf32, #tpu.memory_space<vmem_shared>>) offsets(%dma_start3A_941 : memref<40xi32, #tpu.memory_space<vmem>>) semaphore(%dma_start3A_946 : memref<!tpu.dma_semaphore, #tpu.memory_space<semaphore_mem>>) {add = true}
      %dma_start3A_947 = arith.constant 0 : i32
      %dma_start3A_948 = arith.constant 0 : i32
      %dma_start3A_949 = arith.constant 0 : i32
      %dma_start3A_950 = arith.constant 0 : i32
      %dma_start3A_951 = tpu.memref_slice %arg16[%dma_start3A_949, %dma_start3A_950] : memref<40x16xf32, #tpu.memory_space<vmem>> -> memref<40x16xf32, #tpu.memory_space<vmem>>
      %dma_start3A_952 = arith.constant 0 : i32
      %dma_start3A_953 = tpu.memref_slice %arg12[%rem3A_931, %dma_start3A_947, %dma_start3A_952] : memref<4x3x40xi32, #tpu.memory_space<vmem>> -> memref<1x1x40xi32, #tpu.memory_space<vmem>>
      %dma_start3A_954 = tpu.memref_squeeze %dma_start3A_953 : memref<1x1x40xi32, #tpu.memory_space<vmem>> -> memref<40xi32, #tpu.memory_space<vmem>>
      %dma_start3A_955 = arith.constant 0 : i32
      %dma_start3A_956 = arith.constant 0 : i32
      %dma_start3A_957 = tpu.memref_slice %arg10[%dma_start3A_955, %dma_start3A_956] : memref<10000x16xf32, #tpu.memory_space<vmem_shared>> -> memref<10000x16xf32, #tpu.memory_space<vmem_shared>>
      %dma_start3A_958 = tpu.memref_slice %arg21[%dma_start3A_948] : memref<2x!tpu.dma_semaphore, #tpu.memory_space<semaphore_mem>> -> memref<1x!tpu.dma_semaphore, #tpu.memory_space<semaphore_mem>>
      %dma_start3A_959 = tpu.memref_squeeze %dma_start3A_958 : memref<1x!tpu.dma_semaphore, #tpu.memory_space<semaphore_mem>> -> memref<!tpu.dma_semaphore, #tpu.memory_space<semaphore_mem>>
      tpu.enqueue_indirect_dma source(%dma_start3A_951 : memref<40x16xf32, #tpu.memory_space<vmem>>) target(%dma_start3A_957 : memref<10000x16xf32, #tpu.memory_space<vmem_shared>>) offsets(%dma_start3A_954 : memref<40xi32, #tpu.memory_space<vmem>>) semaphore(%dma_start3A_959 : memref<!tpu.dma_semaphore, #tpu.memory_space<semaphore_mem>>) {add = true}
      %add3A_960 = arith.constant 2 : i32
      %add3A_961 = arith.addi %add3A_855, %add3A_960 : i32
      %lt3A_962 = arith.constant 250 : i32
      %lt3A_963 = arith.cmpi slt, %add3A_961, %lt3A_962 : i32
      %convert_element_type3A_964 = arith.extui %lt3A_963 : i1 to i32
      %cond3A_965 = arith.constant 0 : i32
      %cond3A_966 = arith.cmpi ne, %convert_element_type3A_964, %cond3A_965 : i32
      scf.if %cond3A_966 {
        %add3A_1083 = arith.constant 2 : i32
        %add3A_1084 = arith.addi %add3A_855, %add3A_1083 : i32
        %rem3A_1085 = arith.constant 4 : i32
        %rem3A_1086 = arith.remsi %add3A_1084, %rem3A_1085 : i32
        %dma_wait3A_1087 = arith.constant 0 : i32
        %dma_wait3A_1088 = arith.constant 0 : i32
        %dma_wait3A_1089 = arith.constant 0 : i32
        %dma_wait3A_1090 = tpu.memref_slice %arg12[%rem3A_1086, %dma_wait3A_1088, %dma_wait3A_1089] : memref<4x3x40xi32, #tpu.memory_space<vmem>> -> memref<1x1x40xi32, #tpu.memory_space<vmem>>
        %dma_wait3A_1091 = tpu.memref_squeeze %dma_wait3A_1090 : memref<1x1x40xi32, #tpu.memory_space<vmem>> -> memref<40xi32, #tpu.memory_space<vmem>>
        %dma_wait3A_1092 = arith.constant 0 : i32
        %dma_wait3A_1093 = tpu.memref_slice %arg4[%arg0, %arg1, %dma_wait3A_1087, %dma_wait3A_1092] : memref<2x16x250x40xi32, #tpu.memory_space<hbm>> -> memref<1x1x1x40xi32, #tpu.memory_space<hbm>>
        %dma_wait3A_1094 = tpu.memref_squeeze %dma_wait3A_1093 : memref<1x1x1x40xi32, #tpu.memory_space<hbm>> -> memref<40xi32, #tpu.memory_space<hbm>>
        %dma_wait3A_1095 = tpu.memref_slice %arg17[%rem3A_1086] : memref<4x!tpu.dma_semaphore, #tpu.memory_space<semaphore_mem>> -> memref<1x!tpu.dma_semaphore, #tpu.memory_space<semaphore_mem>>
        %dma_wait3A_1096 = tpu.memref_squeeze %dma_wait3A_1095 : memref<1x!tpu.dma_semaphore, #tpu.memory_space<semaphore_mem>> -> memref<!tpu.dma_semaphore, #tpu.memory_space<semaphore_mem>>
        %dma_wait3A_1097 = arith.constant 0 : i32
        %dma_wait3A_1098 = tpu.memref_slice %arg12[%rem3A_1086, %dma_wait3A_1088, %dma_wait3A_1097] : memref<4x3x40xi32, #tpu.memory_space<vmem>> -> memref<1x1x40xi32, #tpu.memory_space<vmem>>
        %dma_wait3A_1099 = tpu.memref_squeeze %dma_wait3A_1098 : memref<1x1x40xi32, #tpu.memory_space<vmem>> -> memref<40xi32, #tpu.memory_space<vmem>>
        %dma_wait3A_1100 = arith.constant 0 : i32
        %dma_wait3A_1101 = tpu.memref_slice %arg4[%arg0, %arg1, %dma_wait3A_1087, %dma_wait3A_1100] : memref<2x16x250x40xi32, #tpu.memory_space<hbm>> -> memref<1x1x1x40xi32, #tpu.memory_space<hbm>>
        %dma_wait3A_1102 = tpu.memref_squeeze %dma_wait3A_1101 : memref<1x1x1x40xi32, #tpu.memory_space<hbm>> -> memref<40xi32, #tpu.memory_space<hbm>>
        tpu.wait_dma2 semaphore(%dma_wait3A_1096 : memref<!tpu.dma_semaphore, #tpu.memory_space<semaphore_mem>>) src(%dma_wait3A_1102 : memref<40xi32, #tpu.memory_space<hbm>>) dst(%dma_wait3A_1099 : memref<40xi32, #tpu.memory_space<vmem>>)
        %dma_wait3A_1103 = arith.constant 0 : i32
        %dma_wait3A_1104 = arith.constant 1 : i32
        %dma_wait3A_1105 = arith.constant 0 : i32
        %dma_wait3A_1106 = tpu.memref_slice %arg12[%rem3A_1086, %dma_wait3A_1104, %dma_wait3A_1105] : memref<4x3x40xi32, #tpu.memory_space<vmem>> -> memref<1x1x40xi32, #tpu.memory_space<vmem>>
        %dma_wait3A_1107 = tpu.memref_squeeze %dma_wait3A_1106 : memref<1x1x40xi32, #tpu.memory_space<vmem>> -> memref<40xi32, #tpu.memory_space<vmem>>
        %dma_wait3A_1108 = arith.constant 0 : i32
        %dma_wait3A_1109 = tpu.memref_slice %arg4[%arg0, %arg1, %dma_wait3A_1103, %dma_wait3A_1108] : memref<2x16x250x40xi32, #tpu.memory_space<hbm>> -> memref<1x1x1x40xi32, #tpu.memory_space<hbm>>
        %dma_wait3A_1110 = tpu.memref_squeeze %dma_wait3A_1109 : memref<1x1x1x40xi32, #tpu.memory_space<hbm>> -> memref<40xi32, #tpu.memory_space<hbm>>
        %dma_wait3A_1111 = tpu.memref_slice %arg17[%rem3A_1086] : memref<4x!tpu.dma_semaphore, #tpu.memory_space<semaphore_mem>> -> memref<1x!tpu.dma_semaphore, #tpu.memory_space<semaphore_mem>>
        %dma_wait3A_1112 = tpu.memref_squeeze %dma_wait3A_1111 : memref<1x!tpu.dma_semaphore, #tpu.memory_space<semaphore_mem>> -> memref<!tpu.dma_semaphore, #tpu.memory_space<semaphore_mem>>
        %dma_wait3A_1113 = arith.constant 0 : i32
        %dma_wait3A_1114 = tpu.memref_slice %arg12[%rem3A_1086, %dma_wait3A_1104, %dma_wait3A_1113] : memref<4x3x40xi32, #tpu.memory_space<vmem>> -> memref<1x1x40xi32, #tpu.memory_space<vmem>>
        %dma_wait3A_1115 = tpu.memref_squeeze %dma_wait3A_1114 : memref<1x1x40xi32, #tpu.memory_space<vmem>> -> memref<40xi32, #tpu.memory_space<vmem>>
        %dma_wait3A_1116 = arith.constant 0 : i32
        %dma_wait3A_1117 = tpu.memref_slice %arg4[%arg0, %arg1, %dma_wait3A_1103, %dma_wait3A_1116] : memref<2x16x250x40xi32, #tpu.memory_space<hbm>> -> memref<1x1x1x40xi32, #tpu.memory_space<hbm>>
        %dma_wait3A_1118 = tpu.memref_squeeze %dma_wait3A_1117 : memref<1x1x1x40xi32, #tpu.memory_space<hbm>> -> memref<40xi32, #tpu.memory_space<hbm>>
        tpu.wait_dma2 semaphore(%dma_wait3A_1112 : memref<!tpu.dma_semaphore, #tpu.memory_space<semaphore_mem>>) src(%dma_wait3A_1118 : memref<40xi32, #tpu.memory_space<hbm>>) dst(%dma_wait3A_1115 : memref<40xi32, #tpu.memory_space<vmem>>)
        %dma_wait3A_1119 = arith.constant 0 : i32
        %dma_wait3A_1120 = arith.constant 2 : i32
        %dma_wait3A_1121 = arith.constant 0 : i32
        %dma_wait3A_1122 = tpu.memref_slice %arg12[%rem3A_1086, %dma_wait3A_1120, %dma_wait3A_1121] : memref<4x3x40xi32, #tpu.memory_space<vmem>> -> memref<1x1x40xi32, #tpu.memory_space<vmem>>
        %dma_wait3A_1123 = tpu.memref_squeeze %dma_wait3A_1122 : memref<1x1x40xi32, #tpu.memory_space<vmem>> -> memref<40xi32, #tpu.memory_space<vmem>>
        %dma_wait3A_1124 = arith.constant 0 : i32
        %dma_wait3A_1125 = tpu.memref_slice %arg4[%arg0, %arg1, %dma_wait3A_1119, %dma_wait3A_1124] : memref<2x16x250x40xi32, #tpu.memory_space<hbm>> -> memref<1x1x1x40xi32, #tpu.memory_space<hbm>>
        %dma_wait3A_1126 = tpu.memref_squeeze %dma_wait3A_1125 : memref<1x1x1x40xi32, #tpu.memory_space<hbm>> -> memref<40xi32, #tpu.memory_space<hbm>>
        %dma_wait3A_1127 = tpu.memref_slice %arg17[%rem3A_1086] : memref<4x!tpu.dma_semaphore, #tpu.memory_space<semaphore_mem>> -> memref<1x!tpu.dma_semaphore, #tpu.memory_space<semaphore_mem>>
        %dma_wait3A_1128 = tpu.memref_squeeze %dma_wait3A_1127 : memref<1x!tpu.dma_semaphore, #tpu.memory_space<semaphore_mem>> -> memref<!tpu.dma_semaphore, #tpu.memory_space<semaphore_mem>>
        %dma_wait3A_1129 = arith.constant 0 : i32
        %dma_wait3A_1130 = tpu.memref_slice %arg12[%rem3A_1086, %dma_wait3A_1120, %dma_wait3A_1129] : memref<4x3x40xi32, #tpu.memory_space<vmem>> -> memref<1x1x40xi32, #tpu.memory_space<vmem>>
        %dma_wait3A_1131 = tpu.memref_squeeze %dma_wait3A_1130 : memref<1x1x40xi32, #tpu.memory_space<vmem>> -> memref<40xi32, #tpu.memory_space<vmem>>
        %dma_wait3A_1132 = arith.constant 0 : i32
        %dma_wait3A_1133 = tpu.memref_slice %arg4[%arg0, %arg1, %dma_wait3A_1119, %dma_wait3A_1132] : memref<2x16x250x40xi32, #tpu.memory_space<hbm>> -> memref<1x1x1x40xi32, #tpu.memory_space<hbm>>
        %dma_wait3A_1134 = tpu.memref_squeeze %dma_wait3A_1133 : memref<1x1x1x40xi32, #tpu.memory_space<hbm>> -> memref<40xi32, #tpu.memory_space<hbm>>
        tpu.wait_dma2 semaphore(%dma_wait3A_1128 : memref<!tpu.dma_semaphore, #tpu.memory_space<semaphore_mem>>) src(%dma_wait3A_1134 : memref<40xi32, #tpu.memory_space<hbm>>) dst(%dma_wait3A_1131 : memref<40xi32, #tpu.memory_space<vmem>>)
        %add3A_1135 = arith.constant 2 : i32
        %add3A_1136 = arith.addi %add3A_855, %add3A_1135 : i32
        %rem3A_1137 = arith.constant 4 : i32
        %rem3A_1138 = arith.remsi %add3A_1136, %rem3A_1137 : i32
        %dma_start3A_1139 = arith.constant 1 : i32
        %dma_start3A_1140 = arith.constant 0 : i32
        %dma_start3A_1141 = arith.constant 0 : i32
        %dma_start3A_1142 = arith.constant 0 : i32
        %dma_start3A_1143 = arith.constant 0 : i32
        %dma_start3A_1144 = tpu.memref_slice %arg13[%dma_start3A_1140, %dma_start3A_1142, %dma_start3A_1143] : memref<2x40x128xf32, #tpu.memory_space<vmem>> -> memref<1x40x128xf32, #tpu.memory_space<vmem>>
        %dma_start3A_1145 = tpu.memref_squeeze %dma_start3A_1144 : memref<1x40x128xf32, #tpu.memory_space<vmem>> -> memref<40x128xf32, #tpu.memory_space<vmem>>
        %dma_start3A_1146 = arith.constant 0 : i32
        %dma_start3A_1147 = tpu.memref_slice %arg12[%rem3A_1138, %dma_start3A_1139, %dma_start3A_1146] : memref<4x3x40xi32, #tpu.memory_space<vmem>> -> memref<1x1x40xi32, #tpu.memory_space<vmem>>
        %dma_start3A_1148 = tpu.memref_squeeze %dma_start3A_1147 : memref<1x1x40xi32, #tpu.memory_space<vmem>> -> memref<40xi32, #tpu.memory_space<vmem>>
        %dma_start3A_1149 = arith.constant 0 : i32
        %dma_start3A_1150 = arith.constant 0 : i32
        %dma_start3A_1151 = tpu.memref_slice %arg2[%dma_start3A_1149, %dma_start3A_1150] : memref<10000x128xf32, #tpu.memory_space<hbm>> -> memref<10000x128xf32, #tpu.memory_space<hbm>>
        %dma_start3A_1152 = tpu.memref_slice %arg18[%dma_start3A_1141] : memref<2x!tpu.dma_semaphore, #tpu.memory_space<semaphore_mem>> -> memref<1x!tpu.dma_semaphore, #tpu.memory_space<semaphore_mem>>
        %dma_start3A_1153 = tpu.memref_squeeze %dma_start3A_1152 : memref<1x!tpu.dma_semaphore, #tpu.memory_space<semaphore_mem>> -> memref<!tpu.dma_semaphore, #tpu.memory_space<semaphore_mem>>
        tpu.enqueue_indirect_dma source(%dma_start3A_1151 : memref<10000x128xf32, #tpu.memory_space<hbm>>) target(%dma_start3A_1145 : memref<40x128xf32, #tpu.memory_space<vmem>>) offsets(%dma_start3A_1148 : memref<40xi32, #tpu.memory_space<vmem>>) semaphore(%dma_start3A_1153 : memref<!tpu.dma_semaphore, #tpu.memory_space<semaphore_mem>>)
        %dma_start3A_1154 = arith.constant 2 : i32
        %dma_start3A_1155 = arith.constant 0 : i32
        %dma_start3A_1156 = arith.constant 0 : i32
        %dma_start3A_1157 = arith.constant 0 : i32
        %dma_start3A_1158 = arith.constant 0 : i32
        %dma_start3A_1159 = tpu.memref_slice %arg14[%dma_start3A_1155, %dma_start3A_1157, %dma_start3A_1158] : memref<2x40x128xf32, #tpu.memory_space<vmem>> -> memref<1x40x128xf32, #tpu.memory_space<vmem>>
        %dma_start3A_1160 = tpu.memref_squeeze %dma_start3A_1159 : memref<1x40x128xf32, #tpu.memory_space<vmem>> -> memref<40x128xf32, #tpu.memory_space<vmem>>
        %dma_start3A_1161 = arith.constant 0 : i32
        %dma_start3A_1162 = tpu.memref_slice %arg12[%rem3A_1138, %dma_start3A_1154, %dma_start3A_1161] : memref<4x3x40xi32, #tpu.memory_space<vmem>> -> memref<1x1x40xi32, #tpu.memory_space<vmem>>
        %dma_start3A_1163 = tpu.memref_squeeze %dma_start3A_1162 : memref<1x1x40xi32, #tpu.memory_space<vmem>> -> memref<40xi32, #tpu.memory_space<vmem>>
        %dma_start3A_1164 = arith.constant 0 : i32
        %dma_start3A_1165 = arith.constant 0 : i32
        %dma_start3A_1166 = tpu.memref_slice %arg11[%dma_start3A_1164, %dma_start3A_1165] : memref<401x128xf32, #tpu.memory_space<vmem_shared>> -> memref<401x128xf32, #tpu.memory_space<vmem_shared>>
        %dma_start3A_1167 = tpu.memref_slice %arg19[%dma_start3A_1156] : memref<2x!tpu.dma_semaphore, #tpu.memory_space<semaphore_mem>> -> memref<1x!tpu.dma_semaphore, #tpu.memory_space<semaphore_mem>>
        %dma_start3A_1168 = tpu.memref_squeeze %dma_start3A_1167 : memref<1x!tpu.dma_semaphore, #tpu.memory_space<semaphore_mem>> -> memref<!tpu.dma_semaphore, #tpu.memory_space<semaphore_mem>>
        tpu.enqueue_indirect_dma source(%dma_start3A_1166 : memref<401x128xf32, #tpu.memory_space<vmem_shared>>) target(%dma_start3A_1160 : memref<40x128xf32, #tpu.memory_space<vmem>>) offsets(%dma_start3A_1163 : memref<40xi32, #tpu.memory_space<vmem>>) semaphore(%dma_start3A_1168 : memref<!tpu.dma_semaphore, #tpu.memory_space<semaphore_mem>>)
      } else {
      }
      %mul3A_967 = arith.constant 2 : i32
      %mul3A_968 = arith.muli %mul3A_967, %scan3A_851 : i32
      %add3A_969 = arith.constant 1 : i32
      %add3A_970 = arith.addi %mul3A_968, %add3A_969 : i32
      %dma_wait3A_971 = arith.constant 1 : i32
      %dma_wait3A_972 = arith.constant 0 : i32
      %dma_wait3A_973 = arith.constant 0 : i32
      %dma_wait3A_974 = arith.constant 1 : i32
      %dma_wait3A_975 = arith.constant 0 : i32
      %dma_wait3A_976 = arith.constant 0 : i32
      %dma_wait3A_977 = tpu.memref_slice %arg15[%dma_wait3A_971, %dma_wait3A_975, %dma_wait3A_976] : memref<2x40x128xf32, #tpu.memory_space<vmem>> -> memref<1x40x128xf32, #tpu.memory_space<vmem>>
      %dma_wait3A_978 = tpu.memref_squeeze %dma_wait3A_977 : memref<1x40x128xf32, #tpu.memory_space<vmem>> -> memref<40x128xf32, #tpu.memory_space<vmem>>
      %dma_wait3A_979 = arith.constant 0 : i32
      %dma_wait3A_980 = tpu.memref_slice %arg12[%dma_wait3A_972, %dma_wait3A_973, %dma_wait3A_979] : memref<4x3x40xi32, #tpu.memory_space<vmem>> -> memref<1x1x40xi32, #tpu.memory_space<vmem>>
      %dma_wait3A_981 = tpu.memref_squeeze %dma_wait3A_980 : memref<1x1x40xi32, #tpu.memory_space<vmem>> -> memref<40xi32, #tpu.memory_space<vmem>>
      %dma_wait3A_982 = arith.constant 0 : i32
      %dma_wait3A_983 = arith.constant 0 : i32
      %dma_wait3A_984 = tpu.memref_slice %arg9[%dma_wait3A_982, %dma_wait3A_983] : memref<10000x128xf32, #tpu.memory_space<vmem_shared>> -> memref<10000x128xf32, #tpu.memory_space<vmem_shared>>
      %dma_wait3A_985 = tpu.memref_slice %arg20[%dma_wait3A_974] : memref<2x!tpu.dma_semaphore, #tpu.memory_space<semaphore_mem>> -> memref<1x!tpu.dma_semaphore, #tpu.memory_space<semaphore_mem>>
      %dma_wait3A_986 = tpu.memref_squeeze %dma_wait3A_985 : memref<1x!tpu.dma_semaphore, #tpu.memory_space<semaphore_mem>> -> memref<!tpu.dma_semaphore, #tpu.memory_space<semaphore_mem>>
      tpu.wait_indirect_dma semaphore(%dma_wait3A_986 : memref<!tpu.dma_semaphore, #tpu.memory_space<semaphore_mem>>) src(%dma_wait3A_978 : memref<40x128xf32, #tpu.memory_space<vmem>>) dst(%dma_wait3A_984 : memref<10000x128xf32, #tpu.memory_space<vmem_shared>>)
      %dma_wait3A_987 = arith.constant 0 : i32
      %dma_wait3A_988 = arith.constant 0 : i32
      %dma_wait3A_989 = arith.constant 1 : i32
      %dma_wait3A_990 = arith.constant 0 : i32
      %dma_wait3A_991 = arith.constant 0 : i32
      %dma_wait3A_992 = tpu.memref_slice %arg16[%dma_wait3A_990, %dma_wait3A_991] : memref<40x16xf32, #tpu.memory_space<vmem>> -> memref<40x16xf32, #tpu.memory_space<vmem>>
      %dma_wait3A_993 = arith.constant 0 : i32
      %dma_wait3A_994 = tpu.memref_slice %arg12[%dma_wait3A_987, %dma_wait3A_988, %dma_wait3A_993] : memref<4x3x40xi32, #tpu.memory_space<vmem>> -> memref<1x1x40xi32, #tpu.memory_space<vmem>>
      %dma_wait3A_995 = tpu.memref_squeeze %dma_wait3A_994 : memref<1x1x40xi32, #tpu.memory_space<vmem>> -> memref<40xi32, #tpu.memory_space<vmem>>
      %dma_wait3A_996 = arith.constant 0 : i32
      %dma_wait3A_997 = arith.constant 0 : i32
      %dma_wait3A_998 = tpu.memref_slice %arg10[%dma_wait3A_996, %dma_wait3A_997] : memref<10000x16xf32, #tpu.memory_space<vmem_shared>> -> memref<10000x16xf32, #tpu.memory_space<vmem_shared>>
      %dma_wait3A_999 = tpu.memref_slice %arg21[%dma_wait3A_989] : memref<2x!tpu.dma_semaphore, #tpu.memory_space<semaphore_mem>> -> memref<1x!tpu.dma_semaphore, #tpu.memory_space<semaphore_mem>>
      %dma_wait3A_1000 = tpu.memref_squeeze %dma_wait3A_999 : memref<1x!tpu.dma_semaphore, #tpu.memory_space<semaphore_mem>> -> memref<!tpu.dma_semaphore, #tpu.memory_space<semaphore_mem>>
      tpu.wait_indirect_dma semaphore(%dma_wait3A_1000 : memref<!tpu.dma_semaphore, #tpu.memory_space<semaphore_mem>>) src(%dma_wait3A_992 : memref<40x16xf32, #tpu.memory_space<vmem>>) dst(%dma_wait3A_998 : memref<10000x16xf32, #tpu.memory_space<vmem_shared>>)
      %add3A_1001 = arith.constant 2 : i32
      %add3A_1002 = arith.addi %add3A_970, %add3A_1001 : i32
      %lt3A_1003 = arith.constant 250 : i32
      %lt3A_1004 = arith.cmpi slt, %add3A_1002, %lt3A_1003 : i32
      %convert_element_type3A_1005 = arith.extui %lt3A_1004 : i1 to i32
      %cond3A_1006 = arith.constant 0 : i32
      %cond3A_1007 = arith.cmpi ne, %convert_element_type3A_1005, %cond3A_1006 : i32
      scf.if %cond3A_1007 {
        %add3A_1083 = arith.constant 2 : i32
        %add3A_1084 = arith.addi %add3A_970, %add3A_1083 : i32
        %rem3A_1085 = arith.constant 4 : i32
        %rem3A_1086 = arith.remsi %add3A_1084, %rem3A_1085 : i32
        %dma_start3A_1087 = arith.constant 0 : i32
        %dma_start3A_1088 = arith.constant 0 : i32
        %dma_start3A_1089 = tpu.memref_slice %arg12[%rem3A_1086, %dma_start3A_1087, %dma_start3A_1088] : memref<4x3x40xi32, #tpu.memory_space<vmem>> -> memref<1x1x40xi32, #tpu.memory_space<vmem>>
        %dma_start3A_1090 = tpu.memref_squeeze %dma_start3A_1089 : memref<1x1x40xi32, #tpu.memory_space<vmem>> -> memref<40xi32, #tpu.memory_space<vmem>>
        %dma_start3A_1091 = arith.constant 0 : i32
        %dma_start3A_1092 = tpu.memref_slice %arg4[%arg0, %arg1, %add3A_1084, %dma_start3A_1091] : memref<2x16x250x40xi32, #tpu.memory_space<hbm>> -> memref<1x1x1x40xi32, #tpu.memory_space<hbm>>
        %dma_start3A_1093 = tpu.memref_squeeze %dma_start3A_1092 : memref<1x1x1x40xi32, #tpu.memory_space<hbm>> -> memref<40xi32, #tpu.memory_space<hbm>>
        %dma_start3A_1094 = tpu.memref_slice %arg17[%rem3A_1086] : memref<4x!tpu.dma_semaphore, #tpu.memory_space<semaphore_mem>> -> memref<1x!tpu.dma_semaphore, #tpu.memory_space<semaphore_mem>>
        %dma_start3A_1095 = tpu.memref_squeeze %dma_start3A_1094 : memref<1x!tpu.dma_semaphore, #tpu.memory_space<semaphore_mem>> -> memref<!tpu.dma_semaphore, #tpu.memory_space<semaphore_mem>>
        %dma_start3A_1096 = arith.constant 0 : i32
        %dma_start3A_1097 = tpu.memref_slice %arg12[%rem3A_1086, %dma_start3A_1087, %dma_start3A_1096] : memref<4x3x40xi32, #tpu.memory_space<vmem>> -> memref<1x1x40xi32, #tpu.memory_space<vmem>>
        %dma_start3A_1098 = tpu.memref_squeeze %dma_start3A_1097 : memref<1x1x40xi32, #tpu.memory_space<vmem>> -> memref<40xi32, #tpu.memory_space<vmem>>
        %dma_start3A_1099 = arith.constant 0 : i32
        %dma_start3A_1100 = tpu.memref_slice %arg4[%arg0, %arg1, %add3A_1084, %dma_start3A_1099] : memref<2x16x250x40xi32, #tpu.memory_space<hbm>> -> memref<1x1x1x40xi32, #tpu.memory_space<hbm>>
        %dma_start3A_1101 = tpu.memref_squeeze %dma_start3A_1100 : memref<1x1x1x40xi32, #tpu.memory_space<hbm>> -> memref<40xi32, #tpu.memory_space<hbm>>
        tpu.enqueue_dma source(%dma_start3A_1101 : memref<40xi32, #tpu.memory_space<hbm>>) target(%dma_start3A_1098 : memref<40xi32, #tpu.memory_space<vmem>>) target_semaphore(%dma_start3A_1095 : memref<!tpu.dma_semaphore, #tpu.memory_space<semaphore_mem>>)
        %dma_start3A_1102 = arith.constant 1 : i32
        %dma_start3A_1103 = arith.constant 0 : i32
        %dma_start3A_1104 = tpu.memref_slice %arg12[%rem3A_1086, %dma_start3A_1102, %dma_start3A_1103] : memref<4x3x40xi32, #tpu.memory_space<vmem>> -> memref<1x1x40xi32, #tpu.memory_space<vmem>>
        %dma_start3A_1105 = tpu.memref_squeeze %dma_start3A_1104 : memref<1x1x40xi32, #tpu.memory_space<vmem>> -> memref<40xi32, #tpu.memory_space<vmem>>
        %dma_start3A_1106 = arith.constant 0 : i32
        %dma_start3A_1107 = tpu.memref_slice %arg5[%arg0, %arg1, %add3A_1084, %dma_start3A_1106] : memref<2x16x250x40xi32, #tpu.memory_space<hbm>> -> memref<1x1x1x40xi32, #tpu.memory_space<hbm>>
        %dma_start3A_1108 = tpu.memref_squeeze %dma_start3A_1107 : memref<1x1x1x40xi32, #tpu.memory_space<hbm>> -> memref<40xi32, #tpu.memory_space<hbm>>
        %dma_start3A_1109 = tpu.memref_slice %arg17[%rem3A_1086] : memref<4x!tpu.dma_semaphore, #tpu.memory_space<semaphore_mem>> -> memref<1x!tpu.dma_semaphore, #tpu.memory_space<semaphore_mem>>
        %dma_start3A_1110 = tpu.memref_squeeze %dma_start3A_1109 : memref<1x!tpu.dma_semaphore, #tpu.memory_space<semaphore_mem>> -> memref<!tpu.dma_semaphore, #tpu.memory_space<semaphore_mem>>
        %dma_start3A_1111 = arith.constant 0 : i32
        %dma_start3A_1112 = tpu.memref_slice %arg12[%rem3A_1086, %dma_start3A_1102, %dma_start3A_1111] : memref<4x3x40xi32, #tpu.memory_space<vmem>> -> memref<1x1x40xi32, #tpu.memory_space<vmem>>
        %dma_start3A_1113 = tpu.memref_squeeze %dma_start3A_1112 : memref<1x1x40xi32, #tpu.memory_space<vmem>> -> memref<40xi32, #tpu.memory_space<vmem>>
        %dma_start3A_1114 = arith.constant 0 : i32
        %dma_start3A_1115 = tpu.memref_slice %arg5[%arg0, %arg1, %add3A_1084, %dma_start3A_1114] : memref<2x16x250x40xi32, #tpu.memory_space<hbm>> -> memref<1x1x1x40xi32, #tpu.memory_space<hbm>>
        %dma_start3A_1116 = tpu.memref_squeeze %dma_start3A_1115 : memref<1x1x1x40xi32, #tpu.memory_space<hbm>> -> memref<40xi32, #tpu.memory_space<hbm>>
        tpu.enqueue_dma source(%dma_start3A_1116 : memref<40xi32, #tpu.memory_space<hbm>>) target(%dma_start3A_1113 : memref<40xi32, #tpu.memory_space<vmem>>) target_semaphore(%dma_start3A_1110 : memref<!tpu.dma_semaphore, #tpu.memory_space<semaphore_mem>>)
        %dma_start3A_1117 = arith.constant 2 : i32
        %dma_start3A_1118 = arith.constant 0 : i32
        %dma_start3A_1119 = tpu.memref_slice %arg12[%rem3A_1086, %dma_start3A_1117, %dma_start3A_1118] : memref<4x3x40xi32, #tpu.memory_space<vmem>> -> memref<1x1x40xi32, #tpu.memory_space<vmem>>
        %dma_start3A_1120 = tpu.memref_squeeze %dma_start3A_1119 : memref<1x1x40xi32, #tpu.memory_space<vmem>> -> memref<40xi32, #tpu.memory_space<vmem>>
        %dma_start3A_1121 = arith.constant 0 : i32
        %dma_start3A_1122 = tpu.memref_slice %arg6[%arg0, %arg1, %add3A_1084, %dma_start3A_1121] : memref<2x16x250x40xi32, #tpu.memory_space<hbm>> -> memref<1x1x1x40xi32, #tpu.memory_space<hbm>>
        %dma_start3A_1123 = tpu.memref_squeeze %dma_start3A_1122 : memref<1x1x1x40xi32, #tpu.memory_space<hbm>> -> memref<40xi32, #tpu.memory_space<hbm>>
        %dma_start3A_1124 = tpu.memref_slice %arg17[%rem3A_1086] : memref<4x!tpu.dma_semaphore, #tpu.memory_space<semaphore_mem>> -> memref<1x!tpu.dma_semaphore, #tpu.memory_space<semaphore_mem>>
        %dma_start3A_1125 = tpu.memref_squeeze %dma_start3A_1124 : memref<1x!tpu.dma_semaphore, #tpu.memory_space<semaphore_mem>> -> memref<!tpu.dma_semaphore, #tpu.memory_space<semaphore_mem>>
        %dma_start3A_1126 = arith.constant 0 : i32
        %dma_start3A_1127 = tpu.memref_slice %arg12[%rem3A_1086, %dma_start3A_1117, %dma_start3A_1126] : memref<4x3x40xi32, #tpu.memory_space<vmem>> -> memref<1x1x40xi32, #tpu.memory_space<vmem>>
        %dma_start3A_1128 = tpu.memref_squeeze %dma_start3A_1127 : memref<1x1x40xi32, #tpu.memory_space<vmem>> -> memref<40xi32, #tpu.memory_space<vmem>>
        %dma_start3A_1129 = arith.constant 0 : i32
        %dma_start3A_1130 = tpu.memref_slice %arg6[%arg0, %arg1, %add3A_1084, %dma_start3A_1129] : memref<2x16x250x40xi32, #tpu.memory_space<hbm>> -> memref<1x1x1x40xi32, #tpu.memory_space<hbm>>
        %dma_start3A_1131 = tpu.memref_squeeze %dma_start3A_1130 : memref<1x1x1x40xi32, #tpu.memory_space<hbm>> -> memref<40xi32, #tpu.memory_space<hbm>>
        tpu.enqueue_dma source(%dma_start3A_1131 : memref<40xi32, #tpu.memory_space<hbm>>) target(%dma_start3A_1128 : memref<40xi32, #tpu.memory_space<vmem>>) target_semaphore(%dma_start3A_1125 : memref<!tpu.dma_semaphore, #tpu.memory_space<semaphore_mem>>)
      } else {
      }
      %dma_wait3A_1008 = arith.constant 0 : i32
      %dma_wait3A_1009 = arith.constant 1 : i32
      %dma_wait3A_1010 = arith.constant 1 : i32
      %dma_wait3A_1011 = arith.constant 1 : i32
      %dma_wait3A_1012 = arith.constant 0 : i32
      %dma_wait3A_1013 = arith.constant 0 : i32
      %dma_wait3A_1014 = tpu.memref_slice %arg13[%dma_wait3A_1010, %dma_wait3A_1012, %dma_wait3A_1013] : memref<2x40x128xf32, #tpu.memory_space<vmem>> -> memref<1x40x128xf32, #tpu.memory_space<vmem>>
      %dma_wait3A_1015 = tpu.memref_squeeze %dma_wait3A_1014 : memref<1x40x128xf32, #tpu.memory_space<vmem>> -> memref<40x128xf32, #tpu.memory_space<vmem>>
      %dma_wait3A_1016 = arith.constant 0 : i32
      %dma_wait3A_1017 = tpu.memref_slice %arg12[%dma_wait3A_1008, %dma_wait3A_1009, %dma_wait3A_1016] : memref<4x3x40xi32, #tpu.memory_space<vmem>> -> memref<1x1x40xi32, #tpu.memory_space<vmem>>
      %dma_wait3A_1018 = tpu.memref_squeeze %dma_wait3A_1017 : memref<1x1x40xi32, #tpu.memory_space<vmem>> -> memref<40xi32, #tpu.memory_space<vmem>>
      %dma_wait3A_1019 = arith.constant 0 : i32
      %dma_wait3A_1020 = arith.constant 0 : i32
      %dma_wait3A_1021 = tpu.memref_slice %arg2[%dma_wait3A_1019, %dma_wait3A_1020] : memref<10000x128xf32, #tpu.memory_space<hbm>> -> memref<10000x128xf32, #tpu.memory_space<hbm>>
      %dma_wait3A_1022 = tpu.memref_slice %arg18[%dma_wait3A_1011] : memref<2x!tpu.dma_semaphore, #tpu.memory_space<semaphore_mem>> -> memref<1x!tpu.dma_semaphore, #tpu.memory_space<semaphore_mem>>
      %dma_wait3A_1023 = tpu.memref_squeeze %dma_wait3A_1022 : memref<1x!tpu.dma_semaphore, #tpu.memory_space<semaphore_mem>> -> memref<!tpu.dma_semaphore, #tpu.memory_space<semaphore_mem>>
      tpu.wait_indirect_dma semaphore(%dma_wait3A_1023 : memref<!tpu.dma_semaphore, #tpu.memory_space<semaphore_mem>>) src(%dma_wait3A_1021 : memref<10000x128xf32, #tpu.memory_space<hbm>>) dst(%dma_wait3A_1015 : memref<40x128xf32, #tpu.memory_space<vmem>>)
      %dma_wait3A_1024 = arith.constant 0 : i32
      %dma_wait3A_1025 = arith.constant 2 : i32
      %dma_wait3A_1026 = arith.constant 1 : i32
      %dma_wait3A_1027 = arith.constant 1 : i32
      %dma_wait3A_1028 = arith.constant 0 : i32
      %dma_wait3A_1029 = arith.constant 0 : i32
      %dma_wait3A_1030 = tpu.memref_slice %arg14[%dma_wait3A_1026, %dma_wait3A_1028, %dma_wait3A_1029] : memref<2x40x128xf32, #tpu.memory_space<vmem>> -> memref<1x40x128xf32, #tpu.memory_space<vmem>>
      %dma_wait3A_1031 = tpu.memref_squeeze %dma_wait3A_1030 : memref<1x40x128xf32, #tpu.memory_space<vmem>> -> memref<40x128xf32, #tpu.memory_space<vmem>>
      %dma_wait3A_1032 = arith.constant 0 : i32
      %dma_wait3A_1033 = tpu.memref_slice %arg12[%dma_wait3A_1024, %dma_wait3A_1025, %dma_wait3A_1032] : memref<4x3x40xi32, #tpu.memory_space<vmem>> -> memref<1x1x40xi32, #tpu.memory_space<vmem>>
      %dma_wait3A_1034 = tpu.memref_squeeze %dma_wait3A_1033 : memref<1x1x40xi32, #tpu.memory_space<vmem>> -> memref<40xi32, #tpu.memory_space<vmem>>
      %dma_wait3A_1035 = arith.constant 0 : i32
      %dma_wait3A_1036 = arith.constant 0 : i32
      %dma_wait3A_1037 = tpu.memref_slice %arg11[%dma_wait3A_1035, %dma_wait3A_1036] : memref<401x128xf32, #tpu.memory_space<vmem_shared>> -> memref<401x128xf32, #tpu.memory_space<vmem_shared>>
      %dma_wait3A_1038 = tpu.memref_slice %arg19[%dma_wait3A_1027] : memref<2x!tpu.dma_semaphore, #tpu.memory_space<semaphore_mem>> -> memref<1x!tpu.dma_semaphore, #tpu.memory_space<semaphore_mem>>
      %dma_wait3A_1039 = tpu.memref_squeeze %dma_wait3A_1038 : memref<1x!tpu.dma_semaphore, #tpu.memory_space<semaphore_mem>> -> memref<!tpu.dma_semaphore, #tpu.memory_space<semaphore_mem>>
      tpu.wait_indirect_dma semaphore(%dma_wait3A_1039 : memref<!tpu.dma_semaphore, #tpu.memory_space<semaphore_mem>>) src(%dma_wait3A_1037 : memref<401x128xf32, #tpu.memory_space<vmem_shared>>) dst(%dma_wait3A_1031 : memref<40x128xf32, #tpu.memory_space<vmem>>)
      %scan3A_1040 = arith.constant 0 : i32
      %scan3A_1041 = arith.constant 0 : i32
      %scan3A_1042 = arith.constant 40 : i32
      %scan3A_1043 = arith.addi %scan3A_1041, %scan3A_1042 : i32
      %scan3A_1044 = arith.constant 1 : i32
      scf.for %scan3A_1083 = %scan3A_1041 to %scan3A_1043 step %scan3A_1044  : i32 {
        %get3A = arith.constant 1 : i32
        %get3A_1084 = arith.index_cast %get3A : i32 to index
        %get3A_1085 = arith.index_cast %scan3A_1083 : i32 to index
        %get3A_1086 = arith.constant 0 : index
        %get3A_1087 = tpu.vector_load %arg13[%get3A_1084, %get3A_1085, %get3A_1086] {strides = array<i32>} : memref<2x40x128xf32, #tpu.memory_space<vmem>>, vector<1x1x16xf32>,
        %get3A_1088 = vector.shape_cast %get3A_1087 : vector<1x1x16xf32> to vector<16xf32>
        %get3A_1089 = arith.constant 1 : i32
        %get3A_1090 = arith.index_cast %get3A_1089 : i32 to index
        %get3A_1091 = arith.index_cast %scan3A_1083 : i32 to index
        %get3A_1092 = arith.constant 0 : index
        %get3A_1093 = tpu.vector_load %arg14[%get3A_1090, %get3A_1091, %get3A_1092] {strides = array<i32>} : memref<2x40x128xf32, #tpu.memory_space<vmem>>, vector<1x1x16xf32>,
        %get3A_1094 = vector.shape_cast %get3A_1093 : vector<1x1x16xf32> to vector<16xf32>
        %mul3A_1095 = arith.mulf %get3A_1088, %get3A_1094 : vector<16xf32>
        %swap3A = arith.constant 1 : i32
        %swap3A_1096 = arith.index_cast %swap3A : i32 to index
        %swap3A_1097 = arith.index_cast %scan3A_1083 : i32 to index
        %swap3A_1098 = arith.constant 0 : index
        %swap3A_1099 = tpu.vector_load %arg15[%swap3A_1096, %swap3A_1097, %swap3A_1098] {strides = array<i32>} : memref<2x40x128xf32, #tpu.memory_space<vmem>>, vector<1x1x16xf32>,
        %swap3A_1100 = vector.shape_cast %swap3A_1099 : vector<1x1x16xf32> to vector<16xf32>
        %swap3A_1101 = vector.shape_cast %mul3A_1095 : vector<16xf32> to vector<1x1x16xf32>
        tpu.vector_store %arg15[%swap3A_1096, %swap3A_1097, %swap3A_1098], %swap3A_1101 {strides = array<i32>} : memref<2x40x128xf32, #tpu.memory_space<vmem>>, vector<1x1x16xf32>,
        %get3A_1102 = arith.constant 1 : i32
        %get3A_1103 = arith.index_cast %get3A_1102 : i32 to index
        %get3A_1104 = arith.index_cast %scan3A_1083 : i32 to index
        %get3A_1105 = arith.constant 16 : index
        %get3A_1106 = tpu.vector_load %arg13[%get3A_1103, %get3A_1104, %get3A_1105] {strides = array<i32>} : memref<2x40x128xf32, #tpu.memory_space<vmem>>, vector<1x1x16xf32>,
        %get3A_1107 = vector.shape_cast %get3A_1106 : vector<1x1x16xf32> to vector<16xf32>
        %get3A_1108 = arith.constant 1 : i32
        %get3A_1109 = arith.index_cast %get3A_1108 : i32 to index
        %get3A_1110 = arith.index_cast %scan3A_1083 : i32 to index
        %get3A_1111 = arith.constant 16 : index
        %get3A_1112 = tpu.vector_load %arg14[%get3A_1109, %get3A_1110, %get3A_1111] {strides = array<i32>} : memref<2x40x128xf32, #tpu.memory_space<vmem>>, vector<1x1x16xf32>,
        %get3A_1113 = vector.shape_cast %get3A_1112 : vector<1x1x16xf32> to vector<16xf32>
        %mul3A_1114 = arith.mulf %get3A_1107, %get3A_1113 : vector<16xf32>
        %swap3A_1115 = arith.constant 1 : i32
        %swap3A_1116 = arith.index_cast %swap3A_1115 : i32 to index
        %swap3A_1117 = arith.index_cast %scan3A_1083 : i32 to index
        %swap3A_1118 = arith.constant 16 : index
        %swap3A_1119 = tpu.vector_load %arg15[%swap3A_1116, %swap3A_1117, %swap3A_1118] {strides = array<i32>} : memref<2x40x128xf32, #tpu.memory_space<vmem>>, vector<1x1x16xf32>,
        %swap3A_1120 = vector.shape_cast %swap3A_1119 : vector<1x1x16xf32> to vector<16xf32>
        %swap3A_1121 = vector.shape_cast %mul3A_1114 : vector<16xf32> to vector<1x1x16xf32>
        tpu.vector_store %arg15[%swap3A_1116, %swap3A_1117, %swap3A_1118], %swap3A_1121 {strides = array<i32>} : memref<2x40x128xf32, #tpu.memory_space<vmem>>, vector<1x1x16xf32>,
        %get3A_1122 = arith.constant 1 : i32
        %get3A_1123 = arith.index_cast %get3A_1122 : i32 to index
        %get3A_1124 = arith.index_cast %scan3A_1083 : i32 to index
        %get3A_1125 = arith.constant 32 : index
        %get3A_1126 = tpu.vector_load %arg13[%get3A_1123, %get3A_1124, %get3A_1125] {strides = array<i32>} : memref<2x40x128xf32, #tpu.memory_space<vmem>>, vector<1x1x16xf32>,
        %get3A_1127 = vector.shape_cast %get3A_1126 : vector<1x1x16xf32> to vector<16xf32>
        %get3A_1128 = arith.constant 1 : i32
        %get3A_1129 = arith.index_cast %get3A_1128 : i32 to index
        %get3A_1130 = arith.index_cast %scan3A_1083 : i32 to index
        %get3A_1131 = arith.constant 32 : index
        %get3A_1132 = tpu.vector_load %arg14[%get3A_1129, %get3A_1130, %get3A_1131] {strides = array<i32>} : memref<2x40x128xf32, #tpu.memory_space<vmem>>, vector<1x1x16xf32>,
        %get3A_1133 = vector.shape_cast %get3A_1132 : vector<1x1x16xf32> to vector<16xf32>
        %mul3A_1134 = arith.mulf %get3A_1127, %get3A_1133 : vector<16xf32>
        %swap3A_1135 = arith.constant 1 : i32
        %swap3A_1136 = arith.index_cast %swap3A_1135 : i32 to index
        %swap3A_1137 = arith.index_cast %scan3A_1083 : i32 to index
        %swap3A_1138 = arith.constant 32 : index
        %swap3A_1139 = tpu.vector_load %arg15[%swap3A_1136, %swap3A_1137, %swap3A_1138] {strides = array<i32>} : memref<2x40x128xf32, #tpu.memory_space<vmem>>, vector<1x1x16xf32>,
        %swap3A_1140 = vector.shape_cast %swap3A_1139 : vector<1x1x16xf32> to vector<16xf32>
        %swap3A_1141 = vector.shape_cast %mul3A_1134 : vector<16xf32> to vector<1x1x16xf32>
        tpu.vector_store %arg15[%swap3A_1136, %swap3A_1137, %swap3A_1138], %swap3A_1141 {strides = array<i32>} : memref<2x40x128xf32, #tpu.memory_space<vmem>>, vector<1x1x16xf32>,
        %get3A_1142 = arith.constant 1 : i32
        %get3A_1143 = arith.index_cast %get3A_1142 : i32 to index
        %get3A_1144 = arith.index_cast %scan3A_1083 : i32 to index
        %get3A_1145 = arith.constant 48 : index
        %get3A_1146 = tpu.vector_load %arg13[%get3A_1143, %get3A_1144, %get3A_1145] {strides = array<i32>} : memref<2x40x128xf32, #tpu.memory_space<vmem>>, vector<1x1x16xf32>,
        %get3A_1147 = vector.shape_cast %get3A_1146 : vector<1x1x16xf32> to vector<16xf32>
        %get3A_1148 = arith.constant 1 : i32
        %get3A_1149 = arith.index_cast %get3A_1148 : i32 to index
        %get3A_1150 = arith.index_cast %scan3A_1083 : i32 to index
        %get3A_1151 = arith.constant 48 : index
        %get3A_1152 = tpu.vector_load %arg14[%get3A_1149, %get3A_1150, %get3A_1151] {strides = array<i32>} : memref<2x40x128xf32, #tpu.memory_space<vmem>>, vector<1x1x16xf32>,
        %get3A_1153 = vector.shape_cast %get3A_1152 : vector<1x1x16xf32> to vector<16xf32>
        %mul3A_1154 = arith.mulf %get3A_1147, %get3A_1153 : vector<16xf32>
        %swap3A_1155 = arith.constant 1 : i32
        %swap3A_1156 = arith.index_cast %swap3A_1155 : i32 to index
        %swap3A_1157 = arith.index_cast %scan3A_1083 : i32 to index
        %swap3A_1158 = arith.constant 48 : index
        %swap3A_1159 = tpu.vector_load %arg15[%swap3A_1156, %swap3A_1157, %swap3A_1158] {strides = array<i32>} : memref<2x40x128xf32, #tpu.memory_space<vmem>>, vector<1x1x16xf32>,
        %swap3A_1160 = vector.shape_cast %swap3A_1159 : vector<1x1x16xf32> to vector<16xf32>
        %swap3A_1161 = vector.shape_cast %mul3A_1154 : vector<16xf32> to vector<1x1x16xf32>
        tpu.vector_store %arg15[%swap3A_1156, %swap3A_1157, %swap3A_1158], %swap3A_1161 {strides = array<i32>} : memref<2x40x128xf32, #tpu.memory_space<vmem>>, vector<1x1x16xf32>,
        %get3A_1162 = arith.constant 1 : i32
        %get3A_1163 = arith.index_cast %get3A_1162 : i32 to index
        %get3A_1164 = arith.index_cast %scan3A_1083 : i32 to index
        %get3A_1165 = arith.constant 64 : index
        %get3A_1166 = tpu.vector_load %arg13[%get3A_1163, %get3A_1164, %get3A_1165] {strides = array<i32>} : memref<2x40x128xf32, #tpu.memory_space<vmem>>, vector<1x1x16xf32>,
        %get3A_1167 = vector.shape_cast %get3A_1166 : vector<1x1x16xf32> to vector<16xf32>
        %get3A_1168 = arith.constant 1 : i32
        %get3A_1169 = arith.index_cast %get3A_1168 : i32 to index
        %get3A_1170 = arith.index_cast %scan3A_1083 : i32 to index
        %get3A_1171 = arith.constant 64 : index
        %get3A_1172 = tpu.vector_load %arg14[%get3A_1169, %get3A_1170, %get3A_1171] {strides = array<i32>} : memref<2x40x128xf32, #tpu.memory_space<vmem>>, vector<1x1x16xf32>,
        %get3A_1173 = vector.shape_cast %get3A_1172 : vector<1x1x16xf32> to vector<16xf32>
        %mul3A_1174 = arith.mulf %get3A_1167, %get3A_1173 : vector<16xf32>
        %swap3A_1175 = arith.constant 1 : i32
        %swap3A_1176 = arith.index_cast %swap3A_1175 : i32 to index
        %swap3A_1177 = arith.index_cast %scan3A_1083 : i32 to index
        %swap3A_1178 = arith.constant 64 : index
        %swap3A_1179 = tpu.vector_load %arg15[%swap3A_1176, %swap3A_1177, %swap3A_1178] {strides = array<i32>} : memref<2x40x128xf32, #tpu.memory_space<vmem>>, vector<1x1x16xf32>,
        %swap3A_1180 = vector.shape_cast %swap3A_1179 : vector<1x1x16xf32> to vector<16xf32>
        %swap3A_1181 = vector.shape_cast %mul3A_1174 : vector<16xf32> to vector<1x1x16xf32>
        tpu.vector_store %arg15[%swap3A_1176, %swap3A_1177, %swap3A_1178], %swap3A_1181 {strides = array<i32>} : memref<2x40x128xf32, #tpu.memory_space<vmem>>, vector<1x1x16xf32>,
        %get3A_1182 = arith.constant 1 : i32
        %get3A_1183 = arith.index_cast %get3A_1182 : i32 to index
        %get3A_1184 = arith.index_cast %scan3A_1083 : i32 to index
        %get3A_1185 = arith.constant 80 : index
        %get3A_1186 = tpu.vector_load %arg13[%get3A_1183, %get3A_1184, %get3A_1185] {strides = array<i32>} : memref<2x40x128xf32, #tpu.memory_space<vmem>>, vector<1x1x16xf32>,
        %get3A_1187 = vector.shape_cast %get3A_1186 : vector<1x1x16xf32> to vector<16xf32>
        %get3A_1188 = arith.constant 1 : i32
        %get3A_1189 = arith.index_cast %get3A_1188 : i32 to index
        %get3A_1190 = arith.index_cast %scan3A_1083 : i32 to index
        %get3A_1191 = arith.constant 80 : index
        %get3A_1192 = tpu.vector_load %arg14[%get3A_1189, %get3A_1190, %get3A_1191] {strides = array<i32>} : memref<2x40x128xf32, #tpu.memory_space<vmem>>, vector<1x1x16xf32>,
        %get3A_1193 = vector.shape_cast %get3A_1192 : vector<1x1x16xf32> to vector<16xf32>
        %mul3A_1194 = arith.mulf %get3A_1187, %get3A_1193 : vector<16xf32>
        %swap3A_1195 = arith.constant 1 : i32
        %swap3A_1196 = arith.index_cast %swap3A_1195 : i32 to index
        %swap3A_1197 = arith.index_cast %scan3A_1083 : i32 to index
        %swap3A_1198 = arith.constant 80 : index
        %swap3A_1199 = tpu.vector_load %arg15[%swap3A_1196, %swap3A_1197, %swap3A_1198] {strides = array<i32>} : memref<2x40x128xf32, #tpu.memory_space<vmem>>, vector<1x1x16xf32>,
        %swap3A_1200 = vector.shape_cast %swap3A_1199 : vector<1x1x16xf32> to vector<16xf32>
        %swap3A_1201 = vector.shape_cast %mul3A_1194 : vector<16xf32> to vector<1x1x16xf32>
        tpu.vector_store %arg15[%swap3A_1196, %swap3A_1197, %swap3A_1198], %swap3A_1201 {strides = array<i32>} : memref<2x40x128xf32, #tpu.memory_space<vmem>>, vector<1x1x16xf32>,
        %get3A_1202 = arith.constant 1 : i32
        %get3A_1203 = arith.index_cast %get3A_1202 : i32 to index
        %get3A_1204 = arith.index_cast %scan3A_1083 : i32 to index
        %get3A_1205 = arith.constant 96 : index
        %get3A_1206 = tpu.vector_load %arg13[%get3A_1203, %get3A_1204, %get3A_1205] {strides = array<i32>} : memref<2x40x128xf32, #tpu.memory_space<vmem>>, vector<1x1x16xf32>,
        %get3A_1207 = vector.shape_cast %get3A_1206 : vector<1x1x16xf32> to vector<16xf32>
        %get3A_1208 = arith.constant 1 : i32
        %get3A_1209 = arith.index_cast %get3A_1208 : i32 to index
        %get3A_1210 = arith.index_cast %scan3A_1083 : i32 to index
        %get3A_1211 = arith.constant 96 : index
        %get3A_1212 = tpu.vector_load %arg14[%get3A_1209, %get3A_1210, %get3A_1211] {strides = array<i32>} : memref<2x40x128xf32, #tpu.memory_space<vmem>>, vector<1x1x16xf32>,
        %get3A_1213 = vector.shape_cast %get3A_1212 : vector<1x1x16xf32> to vector<16xf32>
        %mul3A_1214 = arith.mulf %get3A_1207, %get3A_1213 : vector<16xf32>
        %swap3A_1215 = arith.constant 1 : i32
        %swap3A_1216 = arith.index_cast %swap3A_1215 : i32 to index
        %swap3A_1217 = arith.index_cast %scan3A_1083 : i32 to index
        %swap3A_1218 = arith.constant 96 : index
        %swap3A_1219 = tpu.vector_load %arg15[%swap3A_1216, %swap3A_1217, %swap3A_1218] {strides = array<i32>} : memref<2x40x128xf32, #tpu.memory_space<vmem>>, vector<1x1x16xf32>,
        %swap3A_1220 = vector.shape_cast %swap3A_1219 : vector<1x1x16xf32> to vector<16xf32>
        %swap3A_1221 = vector.shape_cast %mul3A_1214 : vector<16xf32> to vector<1x1x16xf32>
        tpu.vector_store %arg15[%swap3A_1216, %swap3A_1217, %swap3A_1218], %swap3A_1221 {strides = array<i32>} : memref<2x40x128xf32, #tpu.memory_space<vmem>>, vector<1x1x16xf32>,
        %get3A_1222 = arith.constant 1 : i32
        %get3A_1223 = arith.index_cast %get3A_1222 : i32 to index
        %get3A_1224 = arith.index_cast %scan3A_1083 : i32 to index
        %get3A_1225 = arith.constant 112 : index
        %get3A_1226 = tpu.vector_load %arg13[%get3A_1223, %get3A_1224, %get3A_1225] {strides = array<i32>} : memref<2x40x128xf32, #tpu.memory_space<vmem>>, vector<1x1x16xf32>,
        %get3A_1227 = vector.shape_cast %get3A_1226 : vector<1x1x16xf32> to vector<16xf32>
        %get3A_1228 = arith.constant 1 : i32
        %get3A_1229 = arith.index_cast %get3A_1228 : i32 to index
        %get3A_1230 = arith.index_cast %scan3A_1083 : i32 to index
        %get3A_1231 = arith.constant 112 : index
        %get3A_1232 = tpu.vector_load %arg14[%get3A_1229, %get3A_1230, %get3A_1231] {strides = array<i32>} : memref<2x40x128xf32, #tpu.memory_space<vmem>>, vector<1x1x16xf32>,
        %get3A_1233 = vector.shape_cast %get3A_1232 : vector<1x1x16xf32> to vector<16xf32>
        %mul3A_1234 = arith.mulf %get3A_1227, %get3A_1233 : vector<16xf32>
        %swap3A_1235 = arith.constant 1 : i32
        %swap3A_1236 = arith.index_cast %swap3A_1235 : i32 to index
        %swap3A_1237 = arith.index_cast %scan3A_1083 : i32 to index
        %swap3A_1238 = arith.constant 112 : index
        %swap3A_1239 = tpu.vector_load %arg15[%swap3A_1236, %swap3A_1237, %swap3A_1238] {strides = array<i32>} : memref<2x40x128xf32, #tpu.memory_space<vmem>>, vector<1x1x16xf32>,
        %swap3A_1240 = vector.shape_cast %swap3A_1239 : vector<1x1x16xf32> to vector<16xf32>
        %swap3A_1241 = vector.shape_cast %mul3A_1234 : vector<16xf32> to vector<1x1x16xf32>
        tpu.vector_store %arg15[%swap3A_1236, %swap3A_1237, %swap3A_1238], %swap3A_1241 {strides = array<i32>} : memref<2x40x128xf32, #tpu.memory_space<vmem>>, vector<1x1x16xf32>,
      }
      %scan3A_1045 = arith.constant 40 : i32
      %rem3A_1046 = arith.constant 4 : i32
      %rem3A_1047 = arith.remsi %add3A_970, %rem3A_1046 : i32
      %dma_start3A_1048 = arith.constant 1 : i32
      %dma_start3A_1049 = arith.constant 0 : i32
      %dma_start3A_1050 = arith.constant 1 : i32
      %dma_start3A_1051 = arith.constant 0 : i32
      %dma_start3A_1052 = arith.constant 0 : i32
      %dma_start3A_1053 = tpu.memref_slice %arg15[%dma_start3A_1048, %dma_start3A_1051, %dma_start3A_1052] : memref<2x40x128xf32, #tpu.memory_space<vmem>> -> memref<1x40x128xf32, #tpu.memory_space<vmem>>
      %dma_start3A_1054 = tpu.memref_squeeze %dma_start3A_1053 : memref<1x40x128xf32, #tpu.memory_space<vmem>> -> memref<40x128xf32, #tpu.memory_space<vmem>>
      %dma_start3A_1055 = arith.constant 0 : i32
      %dma_start3A_1056 = tpu.memref_slice %arg12[%rem3A_1047, %dma_start3A_1049, %dma_start3A_1055] : memref<4x3x40xi32, #tpu.memory_space<vmem>> -> memref<1x1x40xi32, #tpu.memory_space<vmem>>
      %dma_start3A_1057 = tpu.memref_squeeze %dma_start3A_1056 : memref<1x1x40xi32, #tpu.memory_space<vmem>> -> memref<40xi32, #tpu.memory_space<vmem>>
      %dma_start3A_1058 = arith.constant 0 : i32
      %dma_start3A_1059 = arith.constant 0 : i32
      %dma_start3A_1060 = tpu.memref_slice %arg9[%dma_start3A_1058, %dma_start3A_1059] : memref<10000x128xf32, #tpu.memory_space<vmem_shared>> -> memref<10000x128xf32, #tpu.memory_space<vmem_shared>>
      %dma_start3A_1061 = tpu.memref_slice %arg20[%dma_start3A_1050] : memref<2x!tpu.dma_semaphore, #tpu.memory_space<semaphore_mem>> -> memref<1x!tpu.dma_semaphore, #tpu.memory_space<semaphore_mem>>
      %dma_start3A_1062 = tpu.memref_squeeze %dma_start3A_1061 : memref<1x!tpu.dma_semaphore, #tpu.memory_space<semaphore_mem>> -> memref<!tpu.dma_semaphore, #tpu.memory_space<semaphore_mem>>
      tpu.enqueue_indirect_dma source(%dma_start3A_1054 : memref<40x128xf32, #tpu.memory_space<vmem>>) target(%dma_start3A_1060 : memref<10000x128xf32, #tpu.memory_space<vmem_shared>>) offsets(%dma_start3A_1057 : memref<40xi32, #tpu.memory_space<vmem>>) semaphore(%dma_start3A_1062 : memref<!tpu.dma_semaphore, #tpu.memory_space<semaphore_mem>>) {add = true}
      %dma_start3A_1063 = arith.constant 0 : i32
      %dma_start3A_1064 = arith.constant 1 : i32
      %dma_start3A_1065 = arith.constant 0 : i32
      %dma_start3A_1066 = arith.constant 0 : i32
      %dma_start3A_1067 = tpu.memref_slice %arg16[%dma_start3A_1065, %dma_start3A_1066] : memref<40x16xf32, #tpu.memory_space<vmem>> -> memref<40x16xf32, #tpu.memory_space<vmem>>
      %dma_start3A_1068 = arith.constant 0 : i32
      %dma_start3A_1069 = tpu.memref_slice %arg12[%rem3A_1047, %dma_start3A_1063, %dma_start3A_1068] : memref<4x3x40xi32, #tpu.memory_space<vmem>> -> memref<1x1x40xi32, #tpu.memory_space<vmem>>
      %dma_start3A_1070 = tpu.memref_squeeze %dma_start3A_1069 : memref<1x1x40xi32, #tpu.memory_space<vmem>> -> memref<40xi32, #tpu.memory_space<vmem>>
      %dma_start3A_1071 = arith.constant 0 : i32
      %dma_start3A_1072 = arith.constant 0 : i32
      %dma_start3A_1073 = tpu.memref_slice %arg10[%dma_start3A_1071, %dma_start3A_1072] : memref<10000x16xf32, #tpu.memory_space<vmem_shared>> -> memref<10000x16xf32, #tpu.memory_space<vmem_shared>>
      %dma_start3A_1074 = tpu.memref_slice %arg21[%dma_start3A_1064] : memref<2x!tpu.dma_semaphore, #tpu.memory_space<semaphore_mem>> -> memref<1x!tpu.dma_semaphore, #tpu.memory_space<semaphore_mem>>
      %dma_start3A_1075 = tpu.memref_squeeze %dma_start3A_1074 : memref<1x!tpu.dma_semaphore, #tpu.memory_space<semaphore_mem>> -> memref<!tpu.dma_semaphore, #tpu.memory_space<semaphore_mem>>
      tpu.enqueue_indirect_dma source(%dma_start3A_1067 : memref<40x16xf32, #tpu.memory_space<vmem>>) target(%dma_start3A_1073 : memref<10000x16xf32, #tpu.memory_space<vmem_shared>>) offsets(%dma_start3A_1070 : memref<40xi32, #tpu.memory_space<vmem>>) semaphore(%dma_start3A_1075 : memref<!tpu.dma_semaphore, #tpu.memory_space<semaphore_mem>>) {add = true}
      %add3A_1076 = arith.constant 2 : i32
      %add3A_1077 = arith.addi %add3A_970, %add3A_1076 : i32
      %lt3A_1078 = arith.constant 250 : i32
      %lt3A_1079 = arith.cmpi slt, %add3A_1077, %lt3A_1078 : i32
      %convert_element_type3A_1080 = arith.extui %lt3A_1079 : i1 to i32
      %cond3A_1081 = arith.constant 0 : i32
      %cond3A_1082 = arith.cmpi ne, %convert_element_type3A_1080, %cond3A_1081 : i32
      scf.if %cond3A_1082 {
        %add3A_1083 = arith.constant 2 : i32
        %add3A_1084 = arith.addi %add3A_970, %add3A_1083 : i32
        %rem3A_1085 = arith.constant 4 : i32
        %rem3A_1086 = arith.remsi %add3A_1084, %rem3A_1085 : i32
        %dma_wait3A_1087 = arith.constant 0 : i32
        %dma_wait3A_1088 = arith.constant 0 : i32
        %dma_wait3A_1089 = arith.constant 0 : i32
        %dma_wait3A_1090 = tpu.memref_slice %arg12[%rem3A_1086, %dma_wait3A_1088, %dma_wait3A_1089] : memref<4x3x40xi32, #tpu.memory_space<vmem>> -> memref<1x1x40xi32, #tpu.memory_space<vmem>>
        %dma_wait3A_1091 = tpu.memref_squeeze %dma_wait3A_1090 : memref<1x1x40xi32, #tpu.memory_space<vmem>> -> memref<40xi32, #tpu.memory_space<vmem>>
        %dma_wait3A_1092 = arith.constant 0 : i32
        %dma_wait3A_1093 = tpu.memref_slice %arg4[%arg0, %arg1, %dma_wait3A_1087, %dma_wait3A_1092] : memref<2x16x250x40xi32, #tpu.memory_space<hbm>> -> memref<1x1x1x40xi32, #tpu.memory_space<hbm>>
        %dma_wait3A_1094 = tpu.memref_squeeze %dma_wait3A_1093 : memref<1x1x1x40xi32, #tpu.memory_space<hbm>> -> memref<40xi32, #tpu.memory_space<hbm>>
        %dma_wait3A_1095 = tpu.memref_slice %arg17[%rem3A_1086] : memref<4x!tpu.dma_semaphore, #tpu.memory_space<semaphore_mem>> -> memref<1x!tpu.dma_semaphore, #tpu.memory_space<semaphore_mem>>
        %dma_wait3A_1096 = tpu.memref_squeeze %dma_wait3A_1095 : memref<1x!tpu.dma_semaphore, #tpu.memory_space<semaphore_mem>> -> memref<!tpu.dma_semaphore, #tpu.memory_space<semaphore_mem>>
        %dma_wait3A_1097 = arith.constant 0 : i32
        %dma_wait3A_1098 = tpu.memref_slice %arg12[%rem3A_1086, %dma_wait3A_1088, %dma_wait3A_1097] : memref<4x3x40xi32, #tpu.memory_space<vmem>> -> memref<1x1x40xi32, #tpu.memory_space<vmem>>
        %dma_wait3A_1099 = tpu.memref_squeeze %dma_wait3A_1098 : memref<1x1x40xi32, #tpu.memory_space<vmem>> -> memref<40xi32, #tpu.memory_space<vmem>>
        %dma_wait3A_1100 = arith.constant 0 : i32
        %dma_wait3A_1101 = tpu.memref_slice %arg4[%arg0, %arg1, %dma_wait3A_1087, %dma_wait3A_1100] : memref<2x16x250x40xi32, #tpu.memory_space<hbm>> -> memref<1x1x1x40xi32, #tpu.memory_space<hbm>>
        %dma_wait3A_1102 = tpu.memref_squeeze %dma_wait3A_1101 : memref<1x1x1x40xi32, #tpu.memory_space<hbm>> -> memref<40xi32, #tpu.memory_space<hbm>>
        tpu.wait_dma2 semaphore(%dma_wait3A_1096 : memref<!tpu.dma_semaphore, #tpu.memory_space<semaphore_mem>>) src(%dma_wait3A_1102 : memref<40xi32, #tpu.memory_space<hbm>>) dst(%dma_wait3A_1099 : memref<40xi32, #tpu.memory_space<vmem>>)
        %dma_wait3A_1103 = arith.constant 0 : i32
        %dma_wait3A_1104 = arith.constant 1 : i32
        %dma_wait3A_1105 = arith.constant 0 : i32
        %dma_wait3A_1106 = tpu.memref_slice %arg12[%rem3A_1086, %dma_wait3A_1104, %dma_wait3A_1105] : memref<4x3x40xi32, #tpu.memory_space<vmem>> -> memref<1x1x40xi32, #tpu.memory_space<vmem>>
        %dma_wait3A_1107 = tpu.memref_squeeze %dma_wait3A_1106 : memref<1x1x40xi32, #tpu.memory_space<vmem>> -> memref<40xi32, #tpu.memory_space<vmem>>
        %dma_wait3A_1108 = arith.constant 0 : i32
        %dma_wait3A_1109 = tpu.memref_slice %arg4[%arg0, %arg1, %dma_wait3A_1103, %dma_wait3A_1108] : memref<2x16x250x40xi32, #tpu.memory_space<hbm>> -> memref<1x1x1x40xi32, #tpu.memory_space<hbm>>
        %dma_wait3A_1110 = tpu.memref_squeeze %dma_wait3A_1109 : memref<1x1x1x40xi32, #tpu.memory_space<hbm>> -> memref<40xi32, #tpu.memory_space<hbm>>
        %dma_wait3A_1111 = tpu.memref_slice %arg17[%rem3A_1086] : memref<4x!tpu.dma_semaphore, #tpu.memory_space<semaphore_mem>> -> memref<1x!tpu.dma_semaphore, #tpu.memory_space<semaphore_mem>>
        %dma_wait3A_1112 = tpu.memref_squeeze %dma_wait3A_1111 : memref<1x!tpu.dma_semaphore, #tpu.memory_space<semaphore_mem>> -> memref<!tpu.dma_semaphore, #tpu.memory_space<semaphore_mem>>
        %dma_wait3A_1113 = arith.constant 0 : i32
        %dma_wait3A_1114 = tpu.memref_slice %arg12[%rem3A_1086, %dma_wait3A_1104, %dma_wait3A_1113] : memref<4x3x40xi32, #tpu.memory_space<vmem>> -> memref<1x1x40xi32, #tpu.memory_space<vmem>>
        %dma_wait3A_1115 = tpu.memref_squeeze %dma_wait3A_1114 : memref<1x1x40xi32, #tpu.memory_space<vmem>> -> memref<40xi32, #tpu.memory_space<vmem>>
        %dma_wait3A_1116 = arith.constant 0 : i32
        %dma_wait3A_1117 = tpu.memref_slice %arg4[%arg0, %arg1, %dma_wait3A_1103, %dma_wait3A_1116] : memref<2x16x250x40xi32, #tpu.memory_space<hbm>> -> memref<1x1x1x40xi32, #tpu.memory_space<hbm>>
        %dma_wait3A_1118 = tpu.memref_squeeze %dma_wait3A_1117 : memref<1x1x1x40xi32, #tpu.memory_space<hbm>> -> memref<40xi32, #tpu.memory_space<hbm>>
        tpu.wait_dma2 semaphore(%dma_wait3A_1112 : memref<!tpu.dma_semaphore, #tpu.memory_space<semaphore_mem>>) src(%dma_wait3A_1118 : memref<40xi32, #tpu.memory_space<hbm>>) dst(%dma_wait3A_1115 : memref<40xi32, #tpu.memory_space<vmem>>)
        %dma_wait3A_1119 = arith.constant 0 : i32
        %dma_wait3A_1120 = arith.constant 2 : i32
        %dma_wait3A_1121 = arith.constant 0 : i32
        %dma_wait3A_1122 = tpu.memref_slice %arg12[%rem3A_1086, %dma_wait3A_1120, %dma_wait3A_1121] : memref<4x3x40xi32, #tpu.memory_space<vmem>> -> memref<1x1x40xi32, #tpu.memory_space<vmem>>
        %dma_wait3A_1123 = tpu.memref_squeeze %dma_wait3A_1122 : memref<1x1x40xi32, #tpu.memory_space<vmem>> -> memref<40xi32, #tpu.memory_space<vmem>>
        %dma_wait3A_1124 = arith.constant 0 : i32
        %dma_wait3A_1125 = tpu.memref_slice %arg4[%arg0, %arg1, %dma_wait3A_1119, %dma_wait3A_1124] : memref<2x16x250x40xi32, #tpu.memory_space<hbm>> -> memref<1x1x1x40xi32, #tpu.memory_space<hbm>>
        %dma_wait3A_1126 = tpu.memref_squeeze %dma_wait3A_1125 : memref<1x1x1x40xi32, #tpu.memory_space<hbm>> -> memref<40xi32, #tpu.memory_space<hbm>>
        %dma_wait3A_1127 = tpu.memref_slice %arg17[%rem3A_1086] : memref<4x!tpu.dma_semaphore, #tpu.memory_space<semaphore_mem>> -> memref<1x!tpu.dma_semaphore, #tpu.memory_space<semaphore_mem>>
        %dma_wait3A_1128 = tpu.memref_squeeze %dma_wait3A_1127 : memref<1x!tpu.dma_semaphore, #tpu.memory_space<semaphore_mem>> -> memref<!tpu.dma_semaphore, #tpu.memory_space<semaphore_mem>>
        %dma_wait3A_1129 = arith.constant 0 : i32
        %dma_wait3A_1130 = tpu.memref_slice %arg12[%rem3A_1086, %dma_wait3A_1120, %dma_wait3A_1129] : memref<4x3x40xi32, #tpu.memory_space<vmem>> -> memref<1x1x40xi32, #tpu.memory_space<vmem>>
        %dma_wait3A_1131 = tpu.memref_squeeze %dma_wait3A_1130 : memref<1x1x40xi32, #tpu.memory_space<vmem>> -> memref<40xi32, #tpu.memory_space<vmem>>
        %dma_wait3A_1132 = arith.constant 0 : i32
        %dma_wait3A_1133 = tpu.memref_slice %arg4[%arg0, %arg1, %dma_wait3A_1119, %dma_wait3A_1132] : memref<2x16x250x40xi32, #tpu.memory_space<hbm>> -> memref<1x1x1x40xi32, #tpu.memory_space<hbm>>
        %dma_wait3A_1134 = tpu.memref_squeeze %dma_wait3A_1133 : memref<1x1x1x40xi32, #tpu.memory_space<hbm>> -> memref<40xi32, #tpu.memory_space<hbm>>
        tpu.wait_dma2 semaphore(%dma_wait3A_1128 : memref<!tpu.dma_semaphore, #tpu.memory_space<semaphore_mem>>) src(%dma_wait3A_1134 : memref<40xi32, #tpu.memory_space<hbm>>) dst(%dma_wait3A_1131 : memref<40xi32, #tpu.memory_space<vmem>>)
        %add3A_1135 = arith.constant 2 : i32
        %add3A_1136 = arith.addi %add3A_970, %add3A_1135 : i32
        %rem3A_1137 = arith.constant 4 : i32
        %rem3A_1138 = arith.remsi %add3A_1136, %rem3A_1137 : i32
        %dma_start3A_1139 = arith.constant 1 : i32
        %dma_start3A_1140 = arith.constant 1 : i32
        %dma_start3A_1141 = arith.constant 1 : i32
        %dma_start3A_1142 = arith.constant 0 : i32
        %dma_start3A_1143 = arith.constant 0 : i32
        %dma_start3A_1144 = tpu.memref_slice %arg13[%dma_start3A_1140, %dma_start3A_1142, %dma_start3A_1143] : memref<2x40x128xf32, #tpu.memory_space<vmem>> -> memref<1x40x128xf32, #tpu.memory_space<vmem>>
        %dma_start3A_1145 = tpu.memref_squeeze %dma_start3A_1144 : memref<1x40x128xf32, #tpu.memory_space<vmem>> -> memref<40x128xf32, #tpu.memory_space<vmem>>
        %dma_start3A_1146 = arith.constant 0 : i32
        %dma_start3A_1147 = tpu.memref_slice %arg12[%rem3A_1138, %dma_start3A_1139, %dma_start3A_1146] : memref<4x3x40xi32, #tpu.memory_space<vmem>> -> memref<1x1x40xi32, #tpu.memory_space<vmem>>
        %dma_start3A_1148 = tpu.memref_squeeze %dma_start3A_1147 : memref<1x1x40xi32, #tpu.memory_space<vmem>> -> memref<40xi32, #tpu.memory_space<vmem>>
        %dma_start3A_1149 = arith.constant 0 : i32
        %dma_start3A_1150 = arith.constant 0 : i32
        %dma_start3A_1151 = tpu.memref_slice %arg2[%dma_start3A_1149, %dma_start3A_1150] : memref<10000x128xf32, #tpu.memory_space<hbm>> -> memref<10000x128xf32, #tpu.memory_space<hbm>>
        %dma_start3A_1152 = tpu.memref_slice %arg18[%dma_start3A_1141] : memref<2x!tpu.dma_semaphore, #tpu.memory_space<semaphore_mem>> -> memref<1x!tpu.dma_semaphore, #tpu.memory_space<semaphore_mem>>
        %dma_start3A_1153 = tpu.memref_squeeze %dma_start3A_1152 : memref<1x!tpu.dma_semaphore, #tpu.memory_space<semaphore_mem>> -> memref<!tpu.dma_semaphore, #tpu.memory_space<semaphore_mem>>
        tpu.enqueue_indirect_dma source(%dma_start3A_1151 : memref<10000x128xf32, #tpu.memory_space<hbm>>) target(%dma_start3A_1145 : memref<40x128xf32, #tpu.memory_space<vmem>>) offsets(%dma_start3A_1148 : memref<40xi32, #tpu.memory_space<vmem>>) semaphore(%dma_start3A_1153 : memref<!tpu.dma_semaphore, #tpu.memory_space<semaphore_mem>>)
        %dma_start3A_1154 = arith.constant 2 : i32
        %dma_start3A_1155 = arith.constant 1 : i32
        %dma_start3A_1156 = arith.constant 1 : i32
        %dma_start3A_1157 = arith.constant 0 : i32
        %dma_start3A_1158 = arith.constant 0 : i32
        %dma_start3A_1159 = tpu.memref_slice %arg14[%dma_start3A_1155, %dma_start3A_1157, %dma_start3A_1158] : memref<2x40x128xf32, #tpu.memory_space<vmem>> -> memref<1x40x128xf32, #tpu.memory_space<vmem>>
        %dma_start3A_1160 = tpu.memref_squeeze %dma_start3A_1159 : memref<1x40x128xf32, #tpu.memory_space<vmem>> -> memref<40x128xf32, #tpu.memory_space<vmem>>
        %dma_start3A_1161 = arith.constant 0 : i32
        %dma_start3A_1162 = tpu.memref_slice %arg12[%rem3A_1138, %dma_start3A_1154, %dma_start3A_1161] : memref<4x3x40xi32, #tpu.memory_space<vmem>> -> memref<1x1x40xi32, #tpu.memory_space<vmem>>
        %dma_start3A_1163 = tpu.memref_squeeze %dma_start3A_1162 : memref<1x1x40xi32, #tpu.memory_space<vmem>> -> memref<40xi32, #tpu.memory_space<vmem>>
        %dma_start3A_1164 = arith.constant 0 : i32
        %dma_start3A_1165 = arith.constant 0 : i32
        %dma_start3A_1166 = tpu.memref_slice %arg11[%dma_start3A_1164, %dma_start3A_1165] : memref<401x128xf32, #tpu.memory_space<vmem_shared>> -> memref<401x128xf32, #tpu.memory_space<vmem_shared>>
        %dma_start3A_1167 = tpu.memref_slice %arg19[%dma_start3A_1156] : memref<2x!tpu.dma_semaphore, #tpu.memory_space<semaphore_mem>> -> memref<1x!tpu.dma_semaphore, #tpu.memory_space<semaphore_mem>>
        %dma_start3A_1168 = tpu.memref_squeeze %dma_start3A_1167 : memref<1x!tpu.dma_semaphore, #tpu.memory_space<semaphore_mem>> -> memref<!tpu.dma_semaphore, #tpu.memory_space<semaphore_mem>>
        tpu.enqueue_indirect_dma source(%dma_start3A_1166 : memref<401x128xf32, #tpu.memory_space<vmem_shared>>) target(%dma_start3A_1160 : memref<40x128xf32, #tpu.memory_space<vmem>>) offsets(%dma_start3A_1163 : memref<40xi32, #tpu.memory_space<vmem>>) semaphore(%dma_start3A_1168 : memref<!tpu.dma_semaphore, #tpu.memory_space<semaphore_mem>>)
      } else {
      }
    }
    %scan3A_781 = arith.constant 124 : i32
    %dma_wait3A_782 = arith.constant 0 : i32
    %dma_wait3A_783 = arith.constant 0 : i32
    %dma_wait3A_784 = arith.constant 0 : i32
    %dma_wait3A_785 = arith.constant 0 : i32
    %dma_wait3A_786 = arith.constant 0 : i32
    %dma_wait3A_787 = arith.constant 0 : i32
    %dma_wait3A_788 = tpu.memref_slice %arg15[%dma_wait3A_782, %dma_wait3A_786, %dma_wait3A_787] : memref<2x40x128xf32, #tpu.memory_space<vmem>> -> memref<1x40x128xf32, #tpu.memory_space<vmem>>
    %dma_wait3A_789 = tpu.memref_squeeze %dma_wait3A_788 : memref<1x40x128xf32, #tpu.memory_space<vmem>> -> memref<40x128xf32, #tpu.memory_space<vmem>>
    %dma_wait3A_790 = arith.constant 0 : i32
    %dma_wait3A_791 = tpu.memref_slice %arg12[%dma_wait3A_783, %dma_wait3A_784, %dma_wait3A_790] : memref<4x3x40xi32, #tpu.memory_space<vmem>> -> memref<1x1x40xi32, #tpu.memory_space<vmem>>
    %dma_wait3A_792 = tpu.memref_squeeze %dma_wait3A_791 : memref<1x1x40xi32, #tpu.memory_space<vmem>> -> memref<40xi32, #tpu.memory_space<vmem>>
    %dma_wait3A_793 = arith.constant 0 : i32
    %dma_wait3A_794 = arith.constant 0 : i32
    %dma_wait3A_795 = tpu.memref_slice %arg9[%dma_wait3A_793, %dma_wait3A_794] : memref<10000x128xf32, #tpu.memory_space<vmem_shared>> -> memref<10000x128xf32, #tpu.memory_space<vmem_shared>>
    %dma_wait3A_796 = tpu.memref_slice %arg20[%dma_wait3A_785] : memref<2x!tpu.dma_semaphore, #tpu.memory_space<semaphore_mem>> -> memref<1x!tpu.dma_semaphore, #tpu.memory_space<semaphore_mem>>
    %dma_wait3A_797 = tpu.memref_squeeze %dma_wait3A_796 : memref<1x!tpu.dma_semaphore, #tpu.memory_space<semaphore_mem>> -> memref<!tpu.dma_semaphore, #tpu.memory_space<semaphore_mem>>
    tpu.wait_indirect_dma semaphore(%dma_wait3A_797 : memref<!tpu.dma_semaphore, #tpu.memory_space<semaphore_mem>>) src(%dma_wait3A_789 : memref<40x128xf32, #tpu.memory_space<vmem>>) dst(%dma_wait3A_795 : memref<10000x128xf32, #tpu.memory_space<vmem_shared>>)
    %dma_wait3A_798 = arith.constant 0 : i32
    %dma_wait3A_799 = arith.constant 0 : i32
    %dma_wait3A_800 = arith.constant 0 : i32
    %dma_wait3A_801 = arith.constant 0 : i32
    %dma_wait3A_802 = arith.constant 0 : i32
    %dma_wait3A_803 = tpu.memref_slice %arg16[%dma_wait3A_801, %dma_wait3A_802] : memref<40x16xf32, #tpu.memory_space<vmem>> -> memref<40x16xf32, #tpu.memory_space<vmem>>
    %dma_wait3A_804 = arith.constant 0 : i32
    %dma_wait3A_805 = tpu.memref_slice %arg12[%dma_wait3A_798, %dma_wait3A_799, %dma_wait3A_804] : memref<4x3x40xi32, #tpu.memory_space<vmem>> -> memref<1x1x40xi32, #tpu.memory_space<vmem>>
    %dma_wait3A_806 = tpu.memref_squeeze %dma_wait3A_805 : memref<1x1x40xi32, #tpu.memory_space<vmem>> -> memref<40xi32, #tpu.memory_space<vmem>>
    %dma_wait3A_807 = arith.constant 0 : i32
    %dma_wait3A_808 = arith.constant 0 : i32
    %dma_wait3A_809 = tpu.memref_slice %arg10[%dma_wait3A_807, %dma_wait3A_808] : memref<10000x16xf32, #tpu.memory_space<vmem_shared>> -> memref<10000x16xf32, #tpu.memory_space<vmem_shared>>
    %dma_wait3A_810 = tpu.memref_slice %arg21[%dma_wait3A_800] : memref<2x!tpu.dma_semaphore, #tpu.memory_space<semaphore_mem>> -> memref<1x!tpu.dma_semaphore, #tpu.memory_space<semaphore_mem>>
    %dma_wait3A_811 = tpu.memref_squeeze %dma_wait3A_810 : memref<1x!tpu.dma_semaphore, #tpu.memory_space<semaphore_mem>> -> memref<!tpu.dma_semaphore, #tpu.memory_space<semaphore_mem>>
    tpu.wait_indirect_dma semaphore(%dma_wait3A_811 : memref<!tpu.dma_semaphore, #tpu.memory_space<semaphore_mem>>) src(%dma_wait3A_803 : memref<40x16xf32, #tpu.memory_space<vmem>>) dst(%dma_wait3A_809 : memref<10000x16xf32, #tpu.memory_space<vmem_shared>>)
    %dma_wait3A_812 = arith.constant 1 : i32
    %dma_wait3A_813 = arith.constant 0 : i32
    %dma_wait3A_814 = arith.constant 0 : i32
    %dma_wait3A_815 = arith.constant 1 : i32
    %dma_wait3A_816 = arith.constant 0 : i32
    %dma_wait3A_817 = arith.constant 0 : i32
    %dma_wait3A_818 = tpu.memref_slice %arg15[%dma_wait3A_812, %dma_wait3A_816, %dma_wait3A_817] : memref<2x40x128xf32, #tpu.memory_space<vmem>> -> memref<1x40x128xf32, #tpu.memory_space<vmem>>
    %dma_wait3A_819 = tpu.memref_squeeze %dma_wait3A_818 : memref<1x40x128xf32, #tpu.memory_space<vmem>> -> memref<40x128xf32, #tpu.memory_space<vmem>>
    %dma_wait3A_820 = arith.constant 0 : i32
    %dma_wait3A_821 = tpu.memref_slice %arg12[%dma_wait3A_813, %dma_wait3A_814, %dma_wait3A_820] : memref<4x3x40xi32, #tpu.memory_space<vmem>> -> memref<1x1x40xi32, #tpu.memory_space<vmem>>
    %dma_wait3A_822 = tpu.memref_squeeze %dma_wait3A_821 : memref<1x1x40xi32, #tpu.memory_space<vmem>> -> memref<40xi32, #tpu.memory_space<vmem>>
    %dma_wait3A_823 = arith.constant 0 : i32
    %dma_wait3A_824 = arith.constant 0 : i32
    %dma_wait3A_825 = tpu.memref_slice %arg9[%dma_wait3A_823, %dma_wait3A_824] : memref<10000x128xf32, #tpu.memory_space<vmem_shared>> -> memref<10000x128xf32, #tpu.memory_space<vmem_shared>>
    %dma_wait3A_826 = tpu.memref_slice %arg20[%dma_wait3A_815] : memref<2x!tpu.dma_semaphore, #tpu.memory_space<semaphore_mem>> -> memref<1x!tpu.dma_semaphore, #tpu.memory_space<semaphore_mem>>
    %dma_wait3A_827 = tpu.memref_squeeze %dma_wait3A_826 : memref<1x!tpu.dma_semaphore, #tpu.memory_space<semaphore_mem>> -> memref<!tpu.dma_semaphore, #tpu.memory_space<semaphore_mem>>
    tpu.wait_indirect_dma semaphore(%dma_wait3A_827 : memref<!tpu.dma_semaphore, #tpu.memory_space<semaphore_mem>>) src(%dma_wait3A_819 : memref<40x128xf32, #tpu.memory_space<vmem>>) dst(%dma_wait3A_825 : memref<10000x128xf32, #tpu.memory_space<vmem_shared>>)
    %dma_wait3A_828 = arith.constant 0 : i32
    %dma_wait3A_829 = arith.constant 0 : i32
    %dma_wait3A_830 = arith.constant 1 : i32
    %dma_wait3A_831 = arith.constant 0 : i32
    %dma_wait3A_832 = arith.constant 0 : i32
    %dma_wait3A_833 = tpu.memref_slice %arg16[%dma_wait3A_831, %dma_wait3A_832] : memref<40x16xf32, #tpu.memory_space<vmem>> -> memref<40x16xf32, #tpu.memory_space<vmem>>
    %dma_wait3A_834 = arith.constant 0 : i32
    %dma_wait3A_835 = tpu.memref_slice %arg12[%dma_wait3A_828, %dma_wait3A_829, %dma_wait3A_834] : memref<4x3x40xi32, #tpu.memory_space<vmem>> -> memref<1x1x40xi32, #tpu.memory_space<vmem>>
    %dma_wait3A_836 = tpu.memref_squeeze %dma_wait3A_835 : memref<1x1x40xi32, #tpu.memory_space<vmem>> -> memref<40xi32, #tpu.memory_space<vmem>>
    %dma_wait3A_837 = arith.constant 0 : i32
    %dma_wait3A_838 = arith.constant 0 : i32
    %dma_wait3A_839 = tpu.memref_slice %arg10[%dma_wait3A_837, %dma_wait3A_838] : memref<10000x16xf32, #tpu.memory_space<vmem_shared>> -> memref<10000x16xf32, #tpu.memory_space<vmem_shared>>
    %dma_wait3A_840 = tpu.memref_slice %arg21[%dma_wait3A_830] : memref<2x!tpu.dma_semaphore, #tpu.memory_space<semaphore_mem>> -> memref<1x!tpu.dma_semaphore, #tpu.memory_space<semaphore_mem>>
    %dma_wait3A_841 = tpu.memref_squeeze %dma_wait3A_840 : memref<1x!tpu.dma_semaphore, #tpu.memory_space<semaphore_mem>> -> memref<!tpu.dma_semaphore, #tpu.memory_space<semaphore_mem>>
    tpu.wait_indirect_dma semaphore(%dma_wait3A_841 : memref<!tpu.dma_semaphore, #tpu.memory_space<semaphore_mem>>) src(%dma_wait3A_833 : memref<40x16xf32, #tpu.memory_space<vmem>>) dst(%dma_wait3A_839 : memref<10000x16xf32, #tpu.memory_space<vmem_shared>>)
    %barrier3A_842 = arith.constant 0 : index
    tpu.barrier barrier_id(%barrier3A_842)
    %mul3A_843 = arith.constant 625 : i32
    %mul3A_844 = arith.muli %arg1, %mul3A_843 : i32
    %mul3A_845 = arith.constant 625 : i32
    %mul3A_846 = arith.muli %arg1, %mul3A_845 : i32
    "tpu.region"() ({
      %run_scoped3A_851 = tpu.sem_alloc : memref<!tpu.dma_semaphore, #tpu.memory_space<semaphore_mem>>
      %dma_start3A_852 = arith.constant 0 : i32
      %dma_start3A_853 = tpu.memref_slice %arg7[%arg0, %mul3A_846, %dma_start3A_852] : memref<2x10000x128xf32, #tpu.memory_space<hbm>> -> memref<1x625x128xf32, #tpu.memory_space<hbm>>
      %dma_start3A_854 = tpu.memref_squeeze %dma_start3A_853 : memref<1x625x128xf32, #tpu.memory_space<hbm>> -> memref<625x128xf32, #tpu.memory_space<hbm>>
      %dma_start3A_855 = arith.constant 0 : i32
      %dma_start3A_856 = tpu.memref_slice %arg9[%mul3A_844, %dma_start3A_855] : memref<10000x128xf32, #tpu.memory_space<vmem_shared>> -> memref<625x128xf32, #tpu.memory_space<vmem_shared>>
      tpu.enqueue_dma source(%dma_start3A_856 : memref<625x128xf32, #tpu.memory_space<vmem_shared>>) target(%dma_start3A_854 : memref<625x128xf32, #tpu.memory_space<hbm>>) target_semaphore(%run_scoped3A_851 : memref<!tpu.dma_semaphore, #tpu.memory_space<semaphore_mem>>)
      %dma_wait3A_857 = arith.constant 0 : i32
      %dma_wait3A_858 = tpu.memref_slice %arg7[%arg0, %mul3A_846, %dma_wait3A_857] : memref<2x10000x128xf32, #tpu.memory_space<hbm>> -> memref<1x625x128xf32, #tpu.memory_space<hbm>>
      %dma_wait3A_859 = tpu.memref_squeeze %dma_wait3A_858 : memref<1x625x128xf32, #tpu.memory_space<hbm>> -> memref<625x128xf32, #tpu.memory_space<hbm>>
      %dma_wait3A_860 = arith.constant 0 : i32
      %dma_wait3A_861 = tpu.memref_slice %arg9[%mul3A_844, %dma_wait3A_860] : memref<10000x128xf32, #tpu.memory_space<vmem_shared>> -> memref<625x128xf32, #tpu.memory_space<vmem_shared>>
      tpu.wait_dma2 semaphore(%run_scoped3A_851 : memref<!tpu.dma_semaphore, #tpu.memory_space<semaphore_mem>>) src(%dma_wait3A_861 : memref<625x128xf32, #tpu.memory_space<vmem_shared>>) dst(%dma_wait3A_859 : memref<625x128xf32, #tpu.memory_space<hbm>>)
      tpu.yield
    }) : () -> ()
    %mul3A_847 = arith.constant 625 : i32
    %mul3A_848 = arith.muli %arg1, %mul3A_847 : i32
    %mul3A_849 = arith.constant 625 : i32
    %mul3A_850 = arith.muli %arg1, %mul3A_849 : i32
    "tpu.region"() ({
      %run_scoped3A_851 = tpu.sem_alloc : memref<!tpu.dma_semaphore, #tpu.memory_space<semaphore_mem>>
      %dma_start3A_852 = arith.constant 0 : i32
      %dma_start3A_853 = tpu.memref_slice %arg8[%arg0, %mul3A_850, %dma_start3A_852] : memref<2x10000x16xf32, #tpu.memory_space<hbm>> -> memref<1x625x16xf32, #tpu.memory_space<hbm>>
      %dma_start3A_854 = tpu.memref_squeeze %dma_start3A_853 : memref<1x625x16xf32, #tpu.memory_space<hbm>> -> memref<625x16xf32, #tpu.memory_space<hbm>>
      %dma_start3A_855 = arith.constant 0 : i32
      %dma_start3A_856 = tpu.memref_slice %arg10[%mul3A_848, %dma_start3A_855] : memref<10000x16xf32, #tpu.memory_space<vmem_shared>> -> memref<625x16xf32, #tpu.memory_space<vmem_shared>>
      tpu.enqueue_dma source(%dma_start3A_856 : memref<625x16xf32, #tpu.memory_space<vmem_shared>>) target(%dma_start3A_854 : memref<625x16xf32, #tpu.memory_space<hbm>>) target_semaphore(%run_scoped3A_851 : memref<!tpu.dma_semaphore, #tpu.memory_space<semaphore_mem>>)
      %dma_wait3A_857 = arith.constant 0 : i32
      %dma_wait3A_858 = tpu.memref_slice %arg8[%arg0, %mul3A_850, %dma_wait3A_857] : memref<2x10000x16xf32, #tpu.memory_space<hbm>> -> memref<1x625x16xf32, #tpu.memory_space<hbm>>
      %dma_wait3A_859 = tpu.memref_squeeze %dma_wait3A_858 : memref<1x625x16xf32, #tpu.memory_space<hbm>> -> memref<625x16xf32, #tpu.memory_space<hbm>>
      %dma_wait3A_860 = arith.constant 0 : i32
      %dma_wait3A_861 = tpu.memref_slice %arg10[%mul3A_848, %dma_wait3A_860] : memref<10000x16xf32, #tpu.memory_space<vmem_shared>> -> memref<625x16xf32, #tpu.memory_space<vmem_shared>>
      tpu.wait_dma2 semaphore(%run_scoped3A_851 : memref<!tpu.dma_semaphore, #tpu.memory_space<semaphore_mem>>) src(%dma_wait3A_861 : memref<625x16xf32, #tpu.memory_space<vmem_shared>>) dst(%dma_wait3A_859 : memref<625x16xf32, #tpu.memory_space<hbm>>)
      tpu.yield
    }) : () -> ()
    return
  }
}

module attributes {stable_mosaic.version = 14 : i64} {
  func.func @_tc_prep_body(%arg0: memref<400x50xf32, #tpu.memory_space<vmem>>, %arg1: memref<50x128xf32, #tpu.memory_space<vmem>>, %arg2: memref<1x128xf32, #tpu.memory_space<vmem>>, %arg3: memref<128x128xf32, #tpu.memory_space<vmem>>, %arg4: memref<401x128xf32, #tpu.memory_space<vmem>>, %arg5: memref<400x128xf32, #tpu.memory_space<vmem>>) attributes {dimension_semantics = [], scalar_prefetch = 0 : i64, scratch_operands = 0 : i64, tpu.core_type = #tpu.core_type<tc>} {
    %get3A = arith.constant 0 : index
    %get3A_0 = arith.constant 0 : index
    %get3A_1 = vector.load %arg0[%get3A, %get3A_0] : memref<400x50xf32, #tpu.memory_space<vmem>>, vector<400x50xf32>
    %get3A_2 = arith.constant 0 : index
    %get3A_3 = arith.constant 0 : index
    %get3A_4 = vector.load %arg1[%get3A_2, %get3A_3] : memref<50x128xf32, #tpu.memory_space<vmem>>, vector<50x128xf32>
    %dot_general3A = arith.constant dense<0.000000e+00> : vector<400x128xf32>
    %dot_general3A_5 = tpu.matmul %get3A_1, %get3A_4, %dot_general3A {dimension_numbers = #tpu.dot_dimension_numbers<[1], [0], [0], [1], [0, 0, 1, 1], [], []>, transpose_lhs_hint = false} : vector<400x50xf32>, vector<50x128xf32>, vector<400x128xf32> -> vector<400x128xf32>
    %swap3A = arith.constant 0 : index
    %swap3A_6 = arith.constant 0 : index
    %swap3A_7 = vector.load %arg4[%swap3A, %swap3A_6] : memref<401x128xf32, #tpu.memory_space<vmem>>, vector<400x128xf32>
    tpu.vector_store %arg4[%swap3A, %swap3A_6], %dot_general3A_5 {strides = array<i32>} : memref<401x128xf32, #tpu.memory_space<vmem>>, vector<400x128xf32>,
    %get3A_8 = arith.constant 0 : index
    %get3A_9 = arith.constant 0 : index
    %get3A_10 = vector.load %arg2[%get3A_8, %get3A_9] : memref<1x128xf32, #tpu.memory_space<vmem>>, vector<1x128xf32>
    %swap3A_11 = arith.constant 400 : index
    %swap3A_12 = arith.constant 0 : index
    %swap3A_13 = vector.load %arg4[%swap3A_11, %swap3A_12] : memref<401x128xf32, #tpu.memory_space<vmem>>, vector<1x128xf32>
    tpu.vector_store %arg4[%swap3A_11, %swap3A_12], %get3A_10 {strides = array<i32>} : memref<401x128xf32, #tpu.memory_space<vmem>>, vector<1x128xf32>,
    %get3A_14 = arith.constant 0 : index
    %get3A_15 = arith.constant 0 : index
    %get3A_16 = vector.load %arg3[%get3A_14, %get3A_15] : memref<128x128xf32, #tpu.memory_space<vmem>>, vector<128x128xf32>
    %dot_general3A_17 = arith.constant dense<0.000000e+00> : vector<400x128xf32>
    %dot_general3A_18 = tpu.matmul %dot_general3A_5, %get3A_16, %dot_general3A_17 {dimension_numbers = #tpu.dot_dimension_numbers<[1], [0], [0], [1], [0, 0, 1, 1], [], []>, transpose_lhs_hint = false} : vector<400x128xf32>, vector<128x128xf32>, vector<400x128xf32> -> vector<400x128xf32>
    %swap3A_19 = arith.constant 0 : index
    %swap3A_20 = arith.constant 0 : index
    %swap3A_21 = vector.load %arg5[%swap3A_19, %swap3A_20] : memref<400x128xf32, #tpu.memory_space<vmem>>, vector<400x128xf32>
    tpu.vector_store %arg5[%swap3A_19, %swap3A_20], %dot_general3A_18 {strides = array<i32>} : memref<400x128xf32, #tpu.memory_space<vmem>>, vector<400x128xf32>,
    return
  }
}

module attributes {stable_mosaic.version = 14 : i64} {
  func.func @_tc_final_body(%arg0: memref<2x10000x128xf32, #tpu.memory_space<vmem>>, %arg1: memref<2x10000x16xf32, #tpu.memory_space<vmem>>, %arg2: memref<10000x128xf32, #tpu.memory_space<vmem>>, %arg3: memref<1x128xf32, #tpu.memory_space<vmem>>, %arg4: memref<128x128xf32, #tpu.memory_space<vmem>>, %arg5: memref<128x128xf32, #tpu.memory_space<vmem>>, %arg6: memref<128x128xf32, #tpu.memory_space<vmem>>, %arg7: memref<1x128xf32, #tpu.memory_space<vmem>>, %arg8: memref<1x128xf32, #tpu.memory_space<vmem>>, %arg9: memref<1x128xf32, #tpu.memory_space<vmem>>, %arg10: memref<10000x128xf32, #tpu.memory_space<vmem>>) attributes {dimension_semantics = [], scalar_prefetch = 0 : i64, scratch_operands = 0 : i64, tpu.core_type = #tpu.core_type<tc>} {
    %get3A = arith.constant 0 : index
    %get3A_0 = arith.constant 0 : index
    %get3A_1 = arith.constant 0 : index
    %get3A_2 = vector.load %arg1[%get3A, %get3A_0, %get3A_1] : memref<2x10000x16xf32, #tpu.memory_space<vmem>>, vector<1x10000x1xf32>
    %get3A_3 = vector.shape_cast %get3A_2 : vector<1x10000x1xf32> to vector<10000x1xf32>
    %get3A_4 = arith.constant 1 : index
    %get3A_5 = arith.constant 0 : index
    %get3A_6 = arith.constant 0 : index
    %get3A_7 = vector.load %arg1[%get3A_4, %get3A_5, %get3A_6] : memref<2x10000x16xf32, #tpu.memory_space<vmem>>, vector<1x10000x1xf32>
    %get3A_8 = vector.shape_cast %get3A_7 : vector<1x10000x1xf32> to vector<10000x1xf32>
    %gt3A = arith.constant 0.000000e+00 : f32
    %gt3A_9 = vector.broadcast %gt3A : f32 to vector<10000x1xf32>
    %gt3A_10 = arith.cmpf ogt, %get3A_3, %gt3A_9 : vector<10000x1xf32>
    %max3A = arith.constant 1.000000e+00 : f32
    %max3A_11 = vector.broadcast %max3A : f32 to vector<10000x1xf32>
    %max3A_12 = arith.maximumf %get3A_3, %max3A_11 : vector<10000x1xf32>
    %div3A = arith.constant 1.000000e+00 : f32
    %div3A_13 = vector.broadcast %div3A : f32 to vector<10000x1xf32>
    %div3A_14 = arith.divf %div3A_13, %max3A_12 : vector<10000x1xf32>
    %jit3A = arith.constant 0.000000e+00 : f32
    %broadcast_in_dim3A = vector.broadcast %jit3A : f32 to vector<10000x1xf32>
    %select_n3A = arith.select %gt3A_10, %div3A_14, %broadcast_in_dim3A : vector<10000x1xi1>, vector<10000x1xf32>
    %gt3A_15 = arith.constant 0.000000e+00 : f32
    %gt3A_16 = vector.broadcast %gt3A_15 : f32 to vector<10000x1xf32>
    %gt3A_17 = arith.cmpf ogt, %get3A_8, %gt3A_16 : vector<10000x1xf32>
    %max3A_18 = arith.constant 1.000000e+00 : f32
    %max3A_19 = vector.broadcast %max3A_18 : f32 to vector<10000x1xf32>
    %max3A_20 = arith.maximumf %get3A_8, %max3A_19 : vector<10000x1xf32>
    %div3A_21 = arith.constant 1.000000e+00 : f32
    %div3A_22 = vector.broadcast %div3A_21 : f32 to vector<10000x1xf32>
    %div3A_23 = arith.divf %div3A_22, %max3A_20 : vector<10000x1xf32>
    %jit3A_24 = arith.constant 0.000000e+00 : f32
    %broadcast_in_dim3A_25 = vector.broadcast %jit3A_24 : f32 to vector<10000x1xf32>
    %select_n3A_26 = arith.select %gt3A_17, %div3A_23, %broadcast_in_dim3A_25 : vector<10000x1xi1>, vector<10000x1xf32>
    %get3A_27 = arith.constant 0 : index
    %get3A_28 = arith.constant 0 : index
    %get3A_29 = arith.constant 0 : index
    %get3A_30 = vector.load %arg0[%get3A_27, %get3A_28, %get3A_29] : memref<2x10000x128xf32, #tpu.memory_space<vmem>>, vector<1x10000x128xf32>
    %get3A_31 = vector.shape_cast %get3A_30 : vector<1x10000x128xf32> to vector<10000x128xf32>
    %mul3A = vector.broadcast %select_n3A : vector<10000x1xf32> to vector<10000x128xf32>
    %mul3A_32 = arith.mulf %get3A_31, %mul3A : vector<10000x128xf32>
    %get3A_33 = arith.constant 0 : index
    %get3A_34 = arith.constant 0 : index
    %get3A_35 = vector.load %arg4[%get3A_33, %get3A_34] : memref<128x128xf32, #tpu.memory_space<vmem>>, vector<128x128xf32>
    %dot_general3A = arith.constant dense<0.000000e+00> : vector<10000x128xf32>
    %dot_general3A_36 = tpu.matmul %mul3A_32, %get3A_35, %dot_general3A {dimension_numbers = #tpu.dot_dimension_numbers<[1], [0], [0], [1], [0, 0, 1, 1], [], []>, transpose_lhs_hint = false} : vector<10000x128xf32>, vector<128x128xf32>, vector<10000x128xf32> -> vector<10000x128xf32>
    %get3A_37 = arith.constant 1 : index
    %get3A_38 = arith.constant 0 : index
    %get3A_39 = arith.constant 0 : index
    %get3A_40 = vector.load %arg0[%get3A_37, %get3A_38, %get3A_39] : memref<2x10000x128xf32, #tpu.memory_space<vmem>>, vector<1x10000x128xf32>
    %get3A_41 = vector.shape_cast %get3A_40 : vector<1x10000x128xf32> to vector<10000x128xf32>
    %mul3A_42 = vector.broadcast %select_n3A_26 : vector<10000x1xf32> to vector<10000x128xf32>
    %mul3A_43 = arith.mulf %get3A_41, %mul3A_42 : vector<10000x128xf32>
    %get3A_44 = arith.constant 0 : index
    %get3A_45 = arith.constant 0 : index
    %get3A_46 = vector.load %arg5[%get3A_44, %get3A_45] : memref<128x128xf32, #tpu.memory_space<vmem>>, vector<128x128xf32>
    %dot_general3A_47 = arith.constant dense<0.000000e+00> : vector<10000x128xf32>
    %dot_general3A_48 = tpu.matmul %mul3A_43, %get3A_46, %dot_general3A_47 {dimension_numbers = #tpu.dot_dimension_numbers<[1], [0], [0], [1], [0, 0, 1, 1], [], []>, transpose_lhs_hint = false} : vector<10000x128xf32>, vector<128x128xf32>, vector<10000x128xf32> -> vector<10000x128xf32>
    %add3A = arith.addf %dot_general3A_36, %dot_general3A_48 : vector<10000x128xf32>
    %get3A_49 = arith.constant 0 : index
    %get3A_50 = arith.constant 0 : index
    %get3A_51 = vector.load %arg2[%get3A_49, %get3A_50] : memref<10000x128xf32, #tpu.memory_space<vmem>>, vector<10000x128xf32>
    %get3A_52 = arith.constant 0 : index
    %get3A_53 = arith.constant 0 : index
    %get3A_54 = vector.load %arg3[%get3A_52, %get3A_53] : memref<1x128xf32, #tpu.memory_space<vmem>>, vector<1x128xf32>
    %mul3A_55 = vector.broadcast %get3A_54 : vector<1x128xf32> to vector<10000x128xf32>
    %mul3A_56 = arith.mulf %get3A_51, %mul3A_55 : vector<10000x128xf32>
    %get3A_57 = arith.constant 0 : index
    %get3A_58 = arith.constant 0 : index
    %get3A_59 = vector.load %arg6[%get3A_57, %get3A_58] : memref<128x128xf32, #tpu.memory_space<vmem>>, vector<128x128xf32>
    %dot_general3A_60 = arith.constant dense<0.000000e+00> : vector<10000x128xf32>
    %dot_general3A_61 = tpu.matmul %mul3A_56, %get3A_59, %dot_general3A_60 {dimension_numbers = #tpu.dot_dimension_numbers<[1], [0], [0], [1], [0, 0, 1, 1], [], []>, transpose_lhs_hint = false} : vector<10000x128xf32>, vector<128x128xf32>, vector<10000x128xf32> -> vector<10000x128xf32>
    %add3A_62 = arith.addf %add3A, %dot_general3A_61 : vector<10000x128xf32>
    %mul3A_63 = arith.constant 0.333333343 : f32
    %mul3A_64 = vector.broadcast %mul3A_63 : f32 to vector<10000x128xf32>
    %mul3A_65 = arith.mulf %add3A_62, %mul3A_64 : vector<10000x128xf32>
    %get3A_66 = arith.constant 0 : index
    %get3A_67 = arith.constant 0 : index
    %get3A_68 = vector.load %arg7[%get3A_66, %get3A_67] : memref<1x128xf32, #tpu.memory_space<vmem>>, vector<1x128xf32>
    %add3A_69 = vector.broadcast %get3A_68 : vector<1x128xf32> to vector<10000x128xf32>
    %add3A_70 = arith.addf %mul3A_65, %add3A_69 : vector<10000x128xf32>
    %reduce_sum3A = arith.constant dense<0.000000e+00> : vector<128xf32>
    %reduce_sum3A_71 = vector.multi_reduction <add>, %add3A_70, %reduce_sum3A [0] : vector<10000x128xf32> to vector<128xf32>
    %broadcast_in_dim3A_72 = vector.shape_cast %reduce_sum3A_71 : vector<128xf32> to vector<1x128xf32>
    %div3A_73 = arith.constant 1.000000e+04 : f32
    %div3A_74 = vector.broadcast %div3A_73 : f32 to vector<1x128xf32>
    %div3A_75 = arith.divf %broadcast_in_dim3A_72, %div3A_74 : vector<1x128xf32>
    %sub3A = vector.broadcast %div3A_75 : vector<1x128xf32> to vector<10000x128xf32>
    %sub3A_76 = arith.subf %add3A_70, %sub3A : vector<10000x128xf32>
    %mul3A_77 = arith.mulf %sub3A_76, %sub3A_76 : vector<10000x128xf32>
    %reduce_sum3A_78 = arith.constant dense<0.000000e+00> : vector<128xf32>
    %reduce_sum3A_79 = vector.multi_reduction <add>, %mul3A_77, %reduce_sum3A_78 [0] : vector<10000x128xf32> to vector<128xf32>
    %broadcast_in_dim3A_80 = vector.shape_cast %reduce_sum3A_79 : vector<128xf32> to vector<1x128xf32>
    %div3A_81 = arith.constant 1.000000e+04 : f32
    %div3A_82 = vector.broadcast %div3A_81 : f32 to vector<1x128xf32>
    %div3A_83 = arith.divf %broadcast_in_dim3A_80, %div3A_82 : vector<1x128xf32>
    %add3A_84 = arith.constant 9.99999974E-6 : f32
    %add3A_85 = vector.broadcast %add3A_84 : f32 to vector<1x128xf32>
    %add3A_86 = arith.addf %div3A_83, %add3A_85 : vector<1x128xf32>
    %sqrt3A = math.sqrt %add3A_86 : vector<1x128xf32>
    %div3A_87 = vector.broadcast %sqrt3A : vector<1x128xf32> to vector<10000x128xf32>
    %div3A_88 = arith.divf %sub3A_76, %div3A_87 : vector<10000x128xf32>
    %get3A_89 = arith.constant 0 : index
    %get3A_90 = arith.constant 0 : index
    %get3A_91 = vector.load %arg8[%get3A_89, %get3A_90] : memref<1x128xf32, #tpu.memory_space<vmem>>, vector<1x128xf32>
    %mul3A_92 = vector.broadcast %get3A_91 : vector<1x128xf32> to vector<10000x128xf32>
    %mul3A_93 = arith.mulf %div3A_88, %mul3A_92 : vector<10000x128xf32>
    %get3A_94 = arith.constant 0 : index
    %get3A_95 = arith.constant 0 : index
    %get3A_96 = vector.load %arg9[%get3A_94, %get3A_95] : memref<1x128xf32, #tpu.memory_space<vmem>>, vector<1x128xf32>
    %add3A_97 = vector.broadcast %get3A_96 : vector<1x128xf32> to vector<10000x128xf32>
    %add3A_98 = arith.addf %mul3A_93, %add3A_97 : vector<10000x128xf32>
    %swap3A = arith.constant 0 : index
    %swap3A_99 = arith.constant 0 : index
    %swap3A_100 = vector.load %arg10[%swap3A, %swap3A_99] : memref<10000x128xf32, #tpu.memory_space<vmem>>, vector<10000x128xf32>
    tpu.vector_store %arg10[%swap3A, %swap3A_99], %add3A_98 {strides = array<i32>} : memref<10000x128xf32, #tpu.memory_space<vmem>>, vector<10000x128xf32>,
    return
  }
}

</mosaic_0001>

<sc_bundles>
// kernel: kernel.5.cloned.1.call-start
scs
__scs_entry_jumppad:
0x0: {  	(pc) =	sbr.rel $0x88, $3  }
0x1: {  	(tag) =	ssettag $0x0;
	lr =	simm.s32 $0x1  }
0x2: {  	[smem:$0x3F94] =	sst lr;
	_ =	strace $0xD0000000  }
0x3: {  	_ = 	snop  }
0x4: {  	_ = 	snop  }
0x5: {  	_ = 	snop  }
0x6: {  	_ = 	snop  }
0x7: {  	_ = 	snop  }
__scs_overlays_trampoline_lowered:
0x8: {  	[smem:$0x3FA3] =	sst s0  }
0x9: {  	[smem:$0x3FA4] =	sst s1  }
0xa: {  	[smem:$0x3FA5] =	sst s2  }
0xb: {  	[smem:$0x3FA6] =	sst s3  }
0xc: {  	[smem:$0x3FA7] =	sst s4  }
0xd: {  	[smem:$0x3FA8] =	sst s5  }
0xe: {  	[smem:$0x3FA9] =	sst s6  }
0xf: {  	[smem:$0x3FAA] =	sst s7  }
0x10: {  	[smem:$0x3FAB] =	sst s8  }
0x11: {  	[smem:$0x3FAC] =	sst s9;
	s0 =	simm.s32 @!p0 $0x0  }
0x12: {  	s1 =	sld [smem:$0x3F92];
	s0 =	simm.s32 @p0 $0x1  }
0x13: {  	[smem:$0x3FAD] =	sst s0;
	s0 =	simm.s32 @!p1 $0x0  }
0x14: {  	s2 =	sld [smem:$0x3F91];
	s0 =	simm.s32 @p1 $0x1  }
0x15: {  	[smem:$0x3FAE] =	sst s0;
	s0 =	simm.s32 @!p2 $0x0  }
0x16: {  	s3 =	sld [smem:$0x3FDB];
	s0 =	simm.s32 @p2 $0x1  }
0x17: {  	s4 =	simm.s32 $0x1BF5;
	[smem:$0x3FB0] =	sst s0  }
0x18: {  	s0 =	sld [smem:$0x3F93];
	_ =	swait.ge [sflag:s4], $0x0  }
0x19: {  	s7 =	sld [smem:$0x3F94]  }
0x1a: {  	s8 =	sadd.s32 $0xFFFFE003, lr  }
0x1b: {  	s9 =	sadd.s32 $0xFFFFFEF7, lr;
	s5 =	simm.s32 $0xFFFFFFFF;
	p2 =	slt.u32 s8, $0xFFFFF086  }
0x1c: {  	p1 =	slt.u32 s9, $0xF7A;
	s5 =	simm.s32 @!p2 $0x0  }
0x1d: {  	s5 =	simm.s32 @p1 $0x1;
	p0 =	seq.s32 s7, s2  }
0x1e: {  	s7 =	smul.u32 @!p0 $0xF7A, s2;
	p2 =	seq.s32 @!p0 s5, $0x0  }
0x1f: {  	s9 =	smul.u32 $0xF7A, s1;
	s8 =	simm.s32 @!p0 $0x1BF5;
	p2 =	por !p2, p0  }
0x20: {  	[sflag:s8] =	ssyncset.s32 @!p0 $0xFFFFF086;
	s6 =	sadd.s32 @!p0 s3, s7;
	s7 =	simm.s32 @!p0 $0x108  }
0x21: {  	s3 =	sadd.s32 s3, s9;
	s6 =	sadd.s32 @!p0 $0x88, s6;
	s7 =	simm.s32 @p2 $0x1082  }
0x22: {  	[simem:s7], [sflag:s8] =	dma.local @!p0 [hbm:s6], $0xF7A  }
0x23: {  	s9 =	sor.u32 $0xD0000000, s2;
	s6 =	simm.s32 $0x108;
	_ =	swait.ge @!p0 [sflag:s8], $0x0  }
0x24: {  	s3 =	sadd.s32 $0x88, s3;
	s6 =	simm.s32 @!p1 $0x1082;
	[sflag:s4] =	ssyncset.s32 $0xFFFFF086  }
0x25: {  	[simem:s6], [sflag:s4] =	dma.local [hbm:s3], $0xF7A  }
0x26: {  	[smem:$0x3F94] =	sst s1;
	(tag) =	ssettag s2;
	_ =	strace s9  }
0x27: {  	s1 =	sld [smem:$0x3FA4]  }
0x28: {  	s2 =	sld [smem:$0x3FA5]  }
0x29: {  	s4 =	sld [smem:$0x3FA7]  }
0x2a: {  	p0 =	seq.s32 s5, $0x0;
	s5 =	sld [smem:$0x3FA8]  }
0x2b: {  	s6 =	sld [smem:$0x3FA9]  }
0x2c: {  	s7 =	sld [smem:$0x3FAA]  }
0x2d: {  	s3 =	simm.s32 $0x108;
	s8 =	sld [smem:$0x3FAB]  }
0x2e: {  	s3 =	simm.s32 @!p0 $0x1082;
	s9 =	sld [smem:$0x3FAC]  }
0x2f: {  	lr =	sadd.s32 s0, s3;
	s0 =	sld [smem:$0x3FA3]  }
0x30: {  	s3 =	sld [smem:$0x3FA6]  }
0x31: {  	[smem:$0x3FAF] =	sst s10  }
0x32: {  	s10 =	sld [smem:$0x3FAD];
	_ =	sdelay $0x3  }
0x33: {  	p0 =	seq.s32 s10, $0x1;
	s10 =	sld [smem:$0x3FAF];
	_ =	sdelay $0x3  }
0x34: {  	[smem:$0x3FAF] =	sst s10  }
0x35: {  	s10 =	sld [smem:$0x3FAE];
	_ =	sdelay $0x3  }
0x36: {  	p1 =	seq.s32 s10, $0x1;
	s10 =	sld [smem:$0x3FAF];
	_ =	sdelay $0x3  }
0x37: {  	[smem:$0x3FAF] =	sst s10  }
0x38: {  	s10 =	sld [smem:$0x3FB0]  }
0x39: {  	_ = 	snop;
	(pc) =	sbr.ind lr, $3  }
0x3a: {  	_ = 	snop  }
0x3b: {  	_ = 	snop  }
0x3c: {  	p2 =	seq.s32 s10, $0x1;
	s10 =	sld [smem:$0x3FAF]  }
0x3d: {  	_ =	shalt  }
0x3e: {  	_ =	shalt  }
0x3f: {  	_ =	shalt  }
0x40: {  	_ =	shalt  }
0x41: {  	_ =	shalt  }
0x42: {  	_ =	shalt  }
0x43: {  	_ =	shalt  }
0x44: {  	_ =	shalt  }
0x45: {  	_ =	shalt  }
0x46: {  	_ =	shalt  }
0x47: {  	_ =	shalt  }
0x48: {  	_ =	shalt  }
0x49: {  	_ =	shalt  }
0x4a: {  	_ =	shalt  }
0x4b: {  	_ =	shalt  }
0x4c: {  	_ =	shalt  }
0x4d: {  	_ =	shalt  }
0x4e: {  	_ =	shalt  }
0x4f: {  	_ =	shalt  }
0x50: {  	_ =	shalt  }
0x51: {  	_ =	shalt  }
0x52: {  	_ =	shalt  }
0x53: {  	_ =	shalt  }
0x54: {  	_ =	shalt  }
0x55: {  	_ =	shalt  }
0x56: {  	_ =	shalt  }
0x57: {  	_ =	shalt  }
0x58: {  	_ =	shalt  }
0x59: {  	_ =	shalt  }
0x5a: {  	_ =	shalt  }
0x5b: {  	_ =	shalt  }
0x5c: {  	_ =	shalt  }
0x5d: {  	_ =	shalt  }
0x5e: {  	_ =	shalt  }
0x5f: {  	_ =	shalt  }
0x60: {  	_ =	shalt  }
0x61: {  	_ =	shalt  }
0x62: {  	_ =	shalt  }
0x63: {  	_ =	shalt  }
0x64: {  	_ =	shalt  }
0x65: {  	_ =	shalt  }
0x66: {  	_ =	shalt  }
0x67: {  	_ =	shalt  }
0x68: {  	_ =	shalt  }
0x69: {  	_ =	shalt  }
0x6a: {  	_ =	shalt  }
0x6b: {  	_ =	shalt  }
0x6c: {  	_ =	shalt  }
0x6d: {  	_ =	shalt  }
0x6e: {  	_ =	shalt  }
0x6f: {  	_ =	shalt  }
0x70: {  	_ =	shalt  }
0x71: {  	_ =	shalt  }
0x72: {  	_ =	shalt  }
0x73: {  	_ =	shalt  }
0x74: {  	_ =	shalt  }
0x75: {  	_ =	shalt  }
0x76: {  	_ =	shalt  }
0x77: {  	_ =	shalt  }
0x78: {  	_ =	shalt  }
0x79: {  	_ =	shalt  }
0x7a: {  	_ =	shalt  }
0x7b: {  	_ =	shalt  }
0x7c: {  	_ =	shalt  }
0x7d: {  	_ =	shalt  }
0x7e: {  	_ =	shalt  }
0x7f: {  	_ =	shalt  }
0x80: {  	_ =	shalt  }
0x81: {  	_ =	shalt  }
0x82: {  	_ =	shalt  }
0x83: {  	_ =	shalt  }
0x84: {  	_ =	shalt  }
0x85: {  	_ =	shalt  }
0x86: {  	_ =	shalt  }
0x87: {  	_ =	shalt  }
.Lfunc_end0:
.L_simem_size_0:
called_computation_lowered:
.L_overlay_start_0:
0x88: {  	s2 =	sld [smem:$0x3FD9]  }
0x89: {  	s3 =	sld [smem:$0x3FFE];
	_ =	sdelay $0x1  }
0x8a: {  	s1 =	srdreg.scid  }
0x8b: {  	s0 =	sand.u32 $0x1, s1  }
0x8c: {  	s14 =	sshll.u32 s0, $0xA;
	s2 =	sadd.s32 s3, s2  }
0x8d: {  	s2 =	sadd.s32 s2, s14  }
0x8e: {  	[smem:$0x3FBB] =	sst s2  }
0x8f: {  	_ = 	snop  }
0x90: {  	s2 =	sld [smem:$0x3FD0];
	_ =	sdelay $0x1  }
0x91: {  	s15 =	sld [smem:$0x3FC9]  }
0x92: {  	s5 =	simm.s32 $0xA;
	s6 =	simm.s32 $0x10;
	s4 =	sld [smem:$0x3FC7]  }
0x93: {  	[smem:s6], [sflag:s5] =	dma.local [hbm:s2], $0x1  }
0x94: {  	_ =	swait.eq [sflag:s5], $0x1  }
0x95: {  	[sflag:s5] =	ssyncset.done $0x0  }
0x96: {  	[sflag:s5] =	ssyncadd.s32 $0xFFFFFFFF  }
0x97: {  	s16 =	sld [smem:$0x10];
	(tm) =	ssettm $0x1  }
0x98: {  	s17 =	sld [smem:$0x3FFB];
	_ =	sdelay $0x3  }
0x99: {  	_ =	strace s17  }
0x9a: {  	s5 =	sld [smem:$0x3FFC];
	_ =	sdelay $0x3  }
0x9b: {  	_ =	strace s5  }
0x9c: {  	s5 =	sld [smem:$0x3FFD];
	_ =	sdelay $0x3  }
0x9d: {  	_ =	strace s5  }
0x9e: {  	_ =	strace $0x8FFFFFFF  }
0x9f: {  	s18 =	sld [smem:$0x3FDB];
	_ =	sdelay $0x1  }
0xa0: {  	s19 =	simm.s32 $_scs_section_size  }
0xa1: {  	s7 =	simm.s32 $_size__tile_overlayer_lowered;
	s8 =	simm.s32 $_tile_overlayer_lowered  }
0xa2: {  	s22 =	simm.s32 $0x1BFF;
	s21 =	sshll.u32 s8, $0x1;
	s5 =	sadd.s32 s19, s18  }
0xa3: {  	s9 =	simm.s32 $0x0;
	s20 =	sshll.u32 s7, $0x1;
	s7 =	sadd.s32 s21, s5  }
0xa4: {  	[timem:s9], [sflag:s22] =	dma.local [hbm:s7], s20  }
0xa5: {  	_ =	swait.ge [sflag:s22], s20  }
0xa6: {  	s6 =	ssub.s32 $0x0, s20;
	[sflag:s22] =	ssyncset.done $0x0  }
0xa7: {  	[sflag:s22] =	ssyncadd.s32 s6;
	_ =	sdelay $0x1  }
0xa8: {  	s23 =	simm.s32 $0x1B8B  }
0xa9: {  	_ =	swait.ge [sflag:s23], $0x1  }
0xaa: {  	[sflag:s23] =	ssyncset.done $0x0  }
0xab: {  	s25 =	simm.s32 $0x1B8E;
	s24 =	sld [smem:$0x3FFE];
	[sflag:s23] =	ssyncadd.s32 $0xFFFFFFFF  }
0xac: {  	s26 =	simm.s32 $execute0_lowered;
	[smem:$0x3FD2] =	sst s25  }
0xad: {  	s7 =	sshll.u32 s26, $0x1;
	_ =	strace $0x80000046;
	[dreg:$0x1] =	wrdreg $0xFFFFFFFF  }
0xae: {  	s28 =	simm.s32 $_size_execute0_lowered;
	s5 =	sadd.s32 s5, s7;
	[dreg:$0x0] =	wrdreg $0x0  }
0xaf: {  	s7 =	sshll.u32 s28, $0x1;
	[dreg:$0x2] =	wrdreg s5  }
0xb0: {  	[dreg:$0x3] =	wrdreg s7  }
0xb1: {  	[dreg:$0x4] =	wrdreg $0xC0  }
0xb2: {  	_ =	task [dreg:s9], $0x5FFFF  }
0xb3: {  	[dreg:$0x1] =	wrdreg $0xFFFFFFFF  }
0xb4: {  	[dreg:$0x0] =	wrdreg $0x60  }
0xb5: {  	[dreg:$0x2] =	wrdreg s15  }
0xb6: {  	[dreg:$0x3] =	wrdreg s24  }
0xb7: {  	[dreg:$0x4] =	wrdreg s16  }
0xb8: {  	[dreg:$0x5] =	wrdreg s4  }
0xb9: {  	[dreg:$0x6] =	wrdreg $0x15F900  }
0xba: {  	[dreg:$0x7] =	wrdreg $0x0  }
0xbb: {  	[dreg:$0x8] =	wrdreg $0x138800  }
0xbc: {  	[dreg:$0x9] =	wrdreg $0x9  }
0xbd: {  	_ =	task.clear_ibuf [dreg:s9], $0xAFFFF;
	_ =	strace $0x90000046  }
0xbe: {  	s29 =	simm.s32 $0x9;
	_ =	strace $0x80000048  }
0xbf: {  	_ =	swait.ge [sflag:s29], $0x1  }
0xc0: {  	[sflag:s29] =	ssyncadd.s32 $0xFFFFFFFF  }
0xc1: {  	_ =	strace $0x90000048  }
0xc2: {  	_ =	sfence  }
0xc3: {  	s30 =	sld [smem:$0x0];
	_ =	sdelay $0x2  }
0xc4: {  	s31 =	sshll.u32 s1, $0xD;
	s1 =	sshrl.u32 s1, $0x2  }
0xc5: {  	s3 =	sand.u32 $0x4000, s31;
	s1 =	sadd.s32 s1, s30  }
0xc6: {  	s0 =	sor.u32 s3, s0;
	s1 =	sshll.u32 s1, $0x11  }
0xc7: {  	s0 =	sor.u32 s1, s0  }
0xc8: {  	s0 =	sadd.s32 $0x8F2B, s0  }
0xc9: {  	[sflag:s0] =	ssyncadd.remote.s32 $0x1  }
0xca: {  	_ =	sfence.sel $0xFFFF  }
0xcb: {  	[dreg:$0x0] =	wrdreg $0xFFFFFFFF;
	(pc) =	sbr.abs _section_cstart, $3  }
0xcc: {  	[dreg:$0x1] =	wrdreg $0xFFFFFFFF  }
0xcd: {  	_ =	task.clear_ibuf [dreg:s9], $0x2FFFF;
	_ =	strace $0x9FFFFFFF  }
0xce: {  	(tm) =	ssettm $0x7FFFFFFF  }
0xcf: {  	_ =	shalt  }
tec
execute0_lowered:
.L_overlay_start_1:
0x0: {  	(tag) =	ssettag $0x1  }
0x1: {  	s0 =	rddreg [dreg:$0x0]  }
0x2: {  	s5 =	rddreg [dreg:$0x1]  }
0x3: {  	s1 =	rddreg [dreg:$0x2]  }
0x4: {  	s2 =	rddreg [dreg:$0x3]  }
0x5: {  	s3 =	rddreg [dreg:$0x4];
	s4 =	srdreg.scid  }
0x6: {  	s31 =	stileid.u32;
	s6 =	rddreg [dreg:$0x5]  }
0x7: {  	s7 =	rddreg [dreg:$0x6];
	s8 =	smul.u32 $0x13880, s31  }
0x8: {  	s10 =	simm.s32 $0x0;
	s4 =	sand.u32 $0x1, s4;
	s13 =	smul.u32 $0x2710, s31  }
0x9: {  	s11 =	simm.s32 $0x0;
	[dreg:$0x8] =	wrdreg s10;
	s9 =	smul.u32 $0x138800, s4  }
0xa: {  	[smem:$0x7FF] =	sst s11;
	s16 =	sadd.s32 $0xBE00, s5;
	s15 =	smul.u32 $0x27100, s4  }
0xb: {  	s10 =	sadd.s32 $0x2000, s5;
	_ =	strace $0x80000047;
	[dreg:$0x9] =	wrdreg s16  }
0xc: {  	s14 =	ssub.s32 $0x2, s4;
	s9 =	sadd.s32 s8, s9;
	s11 =	sadd.s32 s13, s15  }
0xd: {  	s15 =	smul.u32 $0x271, s31;
	s8 =	sadd.s32 s8, s6;
	s9 =	sshrl.u32 s9, $0x3  }
0xe: {  	s17 =	sshrl.u32 s14, $0x1;
	[dreg:$0xa] =	wrdreg s8;
	s4 =	sadd.s32 s9, s5  }
0xf: {  	s9 =	ssub.s32 s14, s17;
	s8 =	sadd.s32 $0x28, s15;
	s16 =	sadd.s32 $0x50, s15  }
0x10: {  	s17 =	sadd.s32 $0x78, s15;
	s18 =	sshll.u32 s8, $0x7;
	s19 =	sshll.u32 s16, $0x7  }
0x11: {  	s8 =	sshll.u32 s8, $0x4;
	s16 =	sshll.u32 s16, $0x4;
	s4 =	sadd.s32 $0x17600, s4  }
0x12: {  	s14 =	sadd.s32 s18, s6;
	s18 =	sshll.u32 s17, $0x7;
	[smem:$0x7FB] =	sst s4  }
0x13: {  	s8 =	sadd.s32 s8, s7;
	[dreg:$0xb] =	wrdreg s14;
	s14 =	sadd.s32 s19, s6  }
0x14: {  	s20 =	sadd.s32 s18, s6;
	s19 =	sadd.s32 $0xC8, s15;
	[dreg:$0x1b] =	wrdreg s8  }
0x15: {  	s8 =	sadd.s32 s16, s7;
	[dreg:$0xc] =	wrdreg s14;
	s14 =	sadd.s32 $0xA0, s15  }
0x16: {  	[dreg:$0xd] =	wrdreg s20;
	s20 =	sadd.s32 $0xF0, s15;
	s21 =	sshll.u32 s14, $0x7  }
0x17: {  	s22 =	sshll.u32 s19, $0x7;
	[dreg:$0x1c] =	wrdreg s8;
	s18 =	sadd.s32 s21, s6  }
0x18: {  	s16 =	sshll.u32 s14, $0x4;
	[dreg:$0xe] =	wrdreg s18;
	s18 =	sadd.s32 s22, s6  }
0x19: {  	s21 =	sshll.u32 s20, $0x7;
	[dreg:$0xf] =	wrdreg s18;
	s18 =	sadd.s32 $0x118, s15  }
0x1a: {  	s23 =	sadd.s32 s21, s6;
	s22 =	sadd.s32 $0x140, s15;
	s24 =	sshll.u32 s18, $0x7  }
0x1b: {  	[dreg:$0x10] =	wrdreg s23;
	s25 =	sshll.u32 s22, $0x7;
	s21 =	sadd.s32 s24, s6  }
0x1c: {  	s23 =	sadd.s32 $0x168, s15;
	[dreg:$0x11] =	wrdreg s21;
	s21 =	sadd.s32 s25, s6  }
0x1d: {  	s24 =	sshll.u32 s23, $0x7;
	[dreg:$0x12] =	wrdreg s21;
	s21 =	sadd.s32 $0x190, s15  }
0x1e: {  	s14 =	sshll.u32 s18, $0x4;
	s26 =	sadd.s32 s24, s6;
	s28 =	sshll.u32 s21, $0x7  }
0x1f: {  	s25 =	sadd.s32 $0x1B8, s15;
	[dreg:$0x13] =	wrdreg s26;
	s24 =	sadd.s32 s28, s6  }
0x20: {  	s26 =	sadd.s32 $0x1E0, s15;
	[dreg:$0x14] =	wrdreg s24;
	s24 =	sshll.u32 s25, $0x7  }
0x21: {  	s18 =	sshll.u32 s23, $0x4;
	s28 =	sshll.u32 s26, $0x7;
	s24 =	sadd.s32 s24, s6  }
0x22: {  	s28 =	sadd.s32 s28, s6;
	[dreg:$0x15] =	wrdreg s24;
	s24 =	sadd.s32 $0x208, s15  }
0x23: {  	[dreg:$0x16] =	wrdreg s28;
	s28 =	sadd.s32 $0x230, s15;
	s29 =	sshll.u32 s24, $0x7  }
0x24: {  	s15 =	sadd.s32 $0x258, s15;
	s23 =	sshll.u32 s24, $0x4;
	s29 =	sadd.s32 s29, s6  }
0x25: {  	s24 =	sadd.s32 s23, s7;
	[dreg:$0x17] =	wrdreg s29;
	s29 =	sshll.u32 s28, $0x7  }
0x26: {  	s30 =	sshll.u32 s15, $0x7;
	[smem:$0x7EC] =	sst s24;
	s29 =	sadd.s32 s29, s6  }
0x27: {  	s12 =	sshrl.u32 s11, $0x3;
	[dreg:$0x18] =	wrdreg s29;
	s29 =	sadd.s32 s30, s6  }
0x28: {  	p0 =	sne.s32 s31, $0x0;
	s5 =	sadd.s32 s12, s5;
	[dreg:$0x19] =	wrdreg s29  }
0x29: {  	s29 =	sadd.s32 s13, s7;
	s13 =	sshll.u32 s17, $0x4;
	s17 =	sadd.s32 s16, s7  }
0x2a: {  	s19 =	sshll.u32 s19, $0x4;
	s16 =	sadd.s32 s14, s7;
	[dreg:$0x1e] =	wrdreg s17  }
0x2b: {  	s8 =	sadd.s32 s13, s7;
	s13 =	sshll.u32 s20, $0x4;
	[smem:$0x7E6] =	sst s16  }
0x2c: {  	s17 =	sshll.u32 s22, $0x4;
	s22 =	sshll.u32 s26, $0x4;
	[dreg:$0x1a] =	wrdreg s29  }
0x2d: {  	s26 =	sshll.u32 s15, $0x4;
	s15 =	sadd.s32 s10, s12;
	[dreg:$0x1d] =	wrdreg s8  }
0x2e: {  	s16 =	sadd.s32 s1, s12;
	s8 =	sadd.s32 s19, s7;
	[smem:$0x7EF] =	sst s15  }
0x2f: {  	s19 =	sshll.u32 s21, $0x4;
	s21 =	sshll.u32 s25, $0x4;
	[smem:$0x7F0] =	sst s16  }
0x30: {  	s25 =	sshll.u32 s28, $0x4;
	[dreg:$0x1f] =	wrdreg s8;
	s8 =	sadd.s32 s13, s7  }
0x31: {  	s28 =	sadd.s32 $0x28, s11;
	s20 =	sadd.s32 s19, s7;
	[smem:$0x7E5] =	sst s8  }
0x32: {  	s14 =	sshrl.u32 s28, $0x3;
	s28 =	smax.u32 s9, $0x1;
	[smem:$0x7E9] =	sst s20  }
0x33: {  	s30 =	simm.s32 $0x28;
	s8 =	sadd.s32 s17, s7;
	[smem:$0x7FD] =	sst s28  }
0x34: {  	s16 =	simm.s32 $0x8;
	s17 =	sadd.s32 s2, s12;
	[smem:$0x7E7] =	sst s8  }
0x35: {  	s9 =	simm.s32 $0xB;
	s19 =	sadd.s32 s1, s14;
	[smem:$0x7F1] =	sst s17  }
0x36: {  	s13 =	simm.s32 $0xA;
	s8 =	sadd.s32 s18, s7;
	[smem:$0x7F3] =	sst s19  }
0x37: {  	s12 =	sadd.s32 $0xA, s12;
	s18 =	sadd.s32 s10, s14;
	[smem:$0x7E8] =	sst s8  }
0x38: {  	s20 =	sadd.s32 $0x78, s11;
	s23 =	sadd.s32 s1, s12;
	[smem:$0x7F2] =	sst s18  }
0x39: {  	s19 =	simm.s32 $0xD;
	s8 =	sadd.s32 s21, s7;
	[smem:$0x7F6] =	sst s23  }
0x3a: {  	s17 =	simm.s32 $0x1D1F8;
	[smem:$0x7EA] =	sst s8;
	s8 =	sadd.s32 s22, s7  }
0x3b: {  	s21 =	sshrl.u32 s20, $0x3;
	s22 =	sadd.s32 s10, s12;
	[smem:$0x7EB] =	sst s8  }
0x3c: {  	s18 =	simm.s32 $0x1BDF8;
	s12 =	sadd.s32 s2, s12;
	[smem:$0x7F5] =	sst s22  }
0x3d: {  	s20 =	simm.s32 $0x1E5F8;
	s24 =	sadd.s32 s10, s21;
	[smem:$0x7F7] =	sst s12  }
0x3e: {  	s23 =	simm.s32 $0x6;
	s8 =	sadd.s32 s25, s7;
	[smem:$0x7F8] =	sst s24  }
0x3f: {  	s25 =	sadd.s32 s1, s21;
	s22 =	simm.s32 $0x7;
	[smem:$0x7ED] =	sst s8  }
.Ltmp0:
0x40: {  	s8 =	sadd.s32 s26, s7;
	[smem:$0x7F9] =	sst s25;
	(pc) =	sbr.rel .LBB2_1-.Ltmp0, $4  }
0x41: {  	s26 =	sadd.s32 $0xD800, s5;
	s25 =	simm.s32 $0x16C18;
	[smem:$0x7EE] =	sst s8  }
0x42: {  	s5 =	simm.s32 $0x9;
	s8 =	sadd.s32 s2, s14;
	[smem:$0x7FC] =	sst s26  }
0x43: {  	s26 =	simm.s32 $0x1A9F8;
	[smem:$0x7F4] =	sst s8;
	s8 =	sadd.s32 s2, s21  }
0x44: {  	v0 =	vimm.f32 $0.0e+00;
	v1 =	vimm.f32 $1.000000000e+00;
	s14 =	simm.s32 $0x5;
	s21 =	simm.s32 $0xC;
	[smem:$0x7FA] =	sst s8  }
.LBB2_14:
0x45: {  	_ =	swait.ge [sflag:s5], $0x1400  }
0x46: {  	[sflag:s5] =	ssyncset.done $0x0  }
0x47: {  	[sflag:s5] =	ssyncadd.s32 $0xFFFFEC00  }
0x48: {  	_ =	swait.ge [sflag:s9], $0x280  }
0x49: {  	[sflag:s9] =	ssyncset.done $0x0  }
0x4a: {  	[sflag:s9] =	ssyncadd.s32 $0xFFFFFD80  }
0x4b: {  	_ =	swait.ge [sflag:s13], $0x1400  }
0x4c: {  	[sflag:s13] =	ssyncset.done $0x0  }
0x4d: {  	[sflag:s13] =	ssyncadd.s32 $0xFFFFEC00  }
0x4e: {  	_ =	swait.ge [sflag:s21], $0x280  }
0x4f: {  	[sflag:s21] =	ssyncset.done $0x0  }
0x50: {  	[sflag:s21] =	ssyncadd.s32 $0xFFFFFD80  }
0x51: {  	[bflag:$0x0] =	sbarrier.arrive $0xFFFF  }
0x52: {  	s4 =	stileid.u32;
	s12 =	sld [smem:$0x7FB]  }
0x53: {  	s4 =	sshll.u32 s4, $0x6;
	s8 =	rddreg [dreg:$0xa]  }
0x54: {  	s4 =	sor.u32 $0x1C0D, s4;
	s8 =	sshrl.u32 s8, $0x3  }
0x55: {  	[hbm:s12], [sflag:s4] =	dma.local [spmem:s8], $0x2710  }
0x56: {  	_ =	swait.ge [sflag:s19], $0x2710  }
0x57: {  	s25 =	sld [smem:$0x7FC]  }
0x58: {  	[sflag:s19] =	ssyncset.done $0x0;
	s29 =	rddreg [dreg:$0x1a]  }
0x59: {  	[sflag:s19] =	ssyncadd.s32 $0xFFFFD8F0;
	s24 =	sshrl.u32 s29, $0x3  }
0x5a: {  	[hbm:s25], [sflag:s4] =	dma.local [spmem:s24], $0x4E2  }
0x5b: {  	_ =	swait.ge [sflag:s19], $0x4E2  }
0x5c: {  	s31 =	sld [smem:$0x7FD]  }
0x5d: {  	s28 =	rddreg [dreg:$0x8]  }
0x5e: {  	s4 =	sadd.s32 $0x1, s28  }
0x5f: {  	p1 =	sne.s32 s4, s31  }
.Ltmp1:
0x60: {  	_ = 	snop;
	(pc) =	sbr.rel @!p1 .LBB2_15-.Ltmp1, $3  }
0x61: {  	_ =	sdelay $0x1  }
0x62: {  	[sflag:s19] =	ssyncset.done $0x0  }
0x63: {  	s25 =	simm.s32 $0x16C18;
	[sflag:s19] =	ssyncadd.s32 $0xFFFFFB1E;
	[dreg:$0x8] =	wrdreg s4  }
.LBB2_1:
0x64: {  	s8 =	sshrl.u32 @!p0 s3, $0x3;
	s12 =	simm.s32 @!p0 $0x1C0D;
	s4 =	rddreg [dreg:$0x9]  }
0x65: {  	[spmem:s8], [sflag:s12] =	dma.local @!p0 [hbm:s4], $0x1910  }
0x66: {  	s8 =	simm.s32 @!p0 $0xD  }
0x67: {  	_ =	swait.ge @!p0 [sflag:s8], $0x1910  }
0x68: {  	[sflag:s8] =	ssyncset.done @!p0 $0x0  }
0x69: {  	s12 =	simm.s32 $0x200;
	[sflag:s8] =	ssyncadd.s32 @!p0 $0xFFFFE6F0;
	s8 =	simm.s32 $0x0  }
.LBB2_2:
0x6a: {  	p1 =	sne.s32 s12, $0x4E00;
	[tilespmem:s8+$0x1BE68] =	vst v0  }
0x6b: {  	[tilespmem:s8+$0x1BDF8] =	vst v0  }
0x6c: {  	[tilespmem:s8+$0x1BE08] =	vst v0  }
.Ltmp2:
0x6d: {  	[tilespmem:s8+$0x1BE18] =	vst v0;
	(pc) =	sbr.rel @p1 .LBB2_2-.Ltmp2, $4  }
0x6e: {  	[tilespmem:s8+$0x1BE28] =	vst v0  }
0x6f: {  	[tilespmem:s8+$0x1BE38] =	vst v0  }
0x70: {  	[tilespmem:s8+$0x1BE48] =	vst v0  }
0x71: {  	[tilespmem:s8+$0x1BE58] =	vst v0;
	s8 =	sshra.s32 s12, $0x2;
	s12 =	sadd.s32 $0x200, s12  }
0x72: {  	[tilespmem:s8+$0x1BE68] =	vst v0  }
0x73: {  	[tilespmem:s8+$0x1BDF8] =	vst v0  }
0x74: {  	[tilespmem:s8+$0x1BE08] =	vst v0  }
0x75: {  	[tilespmem:s8+$0x1BE18] =	vst v0  }
0x76: {  	[tilespmem:s8+$0x1BE28] =	vst v0  }
0x77: {  	[tilespmem:s8+$0x1BE38] =	vst v0  }
0x78: {  	[tilespmem:s8+$0x1BE48] =	vst v0  }
0x79: {  	[tilespmem:s8+$0x1BE58] =	vst v0;
	s4 =	rddreg [dreg:$0xa]  }
0x7a: {  	[spmem:s4] =	stream.linear.scatter [tilespmem:s18], [sflag:$0xD], $0x1400, $0x38;
	[tilespmem:$0x1E878] =	vst v63  }
0x7b: {  	_ =	swait.ge [sflag:s19], $0x1400  }
0x7c: {  	[sflag:s19] =	ssyncset.done $0x0  }
0x7d: {  	s31 =	rddreg [dreg:$0xb];
	[sflag:s19] =	ssyncadd.s32 $0xFFFFEC00  }
0x7e: {  	[spmem:s31] =	stream.linear.scatter [tilespmem:s18], [sflag:$0xD], $0x1400, $0x38;
	[tilespmem:$0x1E878] =	vst v63  }
0x7f: {  	_ =	swait.ge [sflag:s19], $0x1400  }
0x80: {  	[sflag:s19] =	ssyncset.done $0x0  }
0x81: {  	s8 =	rddreg [dreg:$0xc];
	[sflag:s19] =	ssyncadd.s32 $0xFFFFEC00  }
0x82: {  	[spmem:s8] =	stream.linear.scatter [tilespmem:s18], [sflag:$0xD], $0x1400, $0x38;
	[tilespmem:$0x1E878] =	vst v63  }
0x83: {  	_ =	swait.ge [sflag:s19], $0x1400  }
0x84: {  	[sflag:s19] =	ssyncset.done $0x0  }
0x85: {  	s12 =	rddreg [dreg:$0xd];
	[sflag:s19] =	ssyncadd.s32 $0xFFFFEC00  }
0x86: {  	[spmem:s12] =	stream.linear.scatter [tilespmem:s18], [sflag:$0xD], $0x1400, $0x38;
	[tilespmem:$0x1E878] =	vst v63  }
0x87: {  	_ =	swait.ge [sflag:s19], $0x1400  }
0x88: {  	[sflag:s19] =	ssyncset.done $0x0  }
0x89: {  	s15 =	rddreg [dreg:$0xe];
	[sflag:s19] =	ssyncadd.s32 $0xFFFFEC00  }
0x8a: {  	[spmem:s15] =	stream.linear.scatter [tilespmem:s18], [sflag:$0xD], $0x1400, $0x38;
	[tilespmem:$0x1E878] =	vst v63  }
0x8b: {  	_ =	swait.ge [sflag:s19], $0x1400  }
0x8c: {  	[sflag:s19] =	ssyncset.done $0x0  }
0x8d: {  	s24 =	rddreg [dreg:$0xf];
	[sflag:s19] =	ssyncadd.s32 $0xFFFFEC00  }
0x8e: {  	[spmem:s24] =	stream.linear.scatter [tilespmem:s18], [sflag:$0xD], $0x1400, $0x38;
	[tilespmem:$0x1E878] =	vst v63  }
0x8f: {  	_ =	swait.ge [sflag:s19], $0x1400  }
0x90: {  	[sflag:s19] =	ssyncset.done $0x0  }
0x91: {  	s28 =	rddreg [dreg:$0x10];
	[sflag:s19] =	ssyncadd.s32 $0xFFFFEC00  }
0x92: {  	[spmem:s28] =	stream.linear.scatter [tilespmem:s18], [sflag:$0xD], $0x1400, $0x38;
	[tilespmem:$0x1E878] =	vst v63  }
0x93: {  	_ =	swait.ge [sflag:s19], $0x1400  }
0x94: {  	[sflag:s19] =	ssyncset.done $0x0  }
0x95: {  	s31 =	rddreg [dreg:$0x11];
	[sflag:s19] =	ssyncadd.s32 $0xFFFFEC00  }
0x96: {  	[spmem:s31] =	stream.linear.scatter [tilespmem:s18], [sflag:$0xD], $0x1400, $0x38;
	[tilespmem:$0x1E878] =	vst v63  }
0x97: {  	_ =	swait.ge [sflag:s19], $0x1400  }
0x98: {  	[sflag:s19] =	ssyncset.done $0x0  }
0x99: {  	s8 =	rddreg [dreg:$0x12];
	[sflag:s19] =	ssyncadd.s32 $0xFFFFEC00  }
0x9a: {  	[spmem:s8] =	stream.linear.scatter [tilespmem:s18], [sflag:$0xD], $0x1400, $0x38;
	[tilespmem:$0x1E878] =	vst v63  }
0x9b: {  	_ =	swait.ge [sflag:s19], $0x1400  }
0x9c: {  	[sflag:s19] =	ssyncset.done $0x0  }
0x9d: {  	s12 =	rddreg [dreg:$0x13];
	[sflag:s19] =	ssyncadd.s32 $0xFFFFEC00  }
0x9e: {  	[spmem:s12] =	stream.linear.scatter [tilespmem:s18], [sflag:$0xD], $0x1400, $0x38;
	[tilespmem:$0x1E878] =	vst v63  }
0x9f: {  	_ =	swait.ge [sflag:s19], $0x1400  }
0xa0: {  	[sflag:s19] =	ssyncset.done $0x0  }
0xa1: {  	s15 =	rddreg [dreg:$0x14];
	[sflag:s19] =	ssyncadd.s32 $0xFFFFEC00  }
0xa2: {  	[spmem:s15] =	stream.linear.scatter [tilespmem:s18], [sflag:$0xD], $0x1400, $0x38;
	[tilespmem:$0x1E878] =	vst v63  }
0xa3: {  	_ =	swait.ge [sflag:s19], $0x1400  }
0xa4: {  	[sflag:s19] =	ssyncset.done $0x0  }
0xa5: {  	s24 =	rddreg [dreg:$0x15];
	[sflag:s19] =	ssyncadd.s32 $0xFFFFEC00  }
0xa6: {  	[spmem:s24] =	stream.linear.scatter [tilespmem:s18], [sflag:$0xD], $0x1400, $0x38;
	[tilespmem:$0x1E878] =	vst v63  }
0xa7: {  	_ =	swait.ge [sflag:s19], $0x1400  }
0xa8: {  	[sflag:s19] =	ssyncset.done $0x0  }
0xa9: {  	s28 =	rddreg [dreg:$0x16];
	[sflag:s19] =	ssyncadd.s32 $0xFFFFEC00  }
0xaa: {  	[spmem:s28] =	stream.linear.scatter [tilespmem:s18], [sflag:$0xD], $0x1400, $0x38;
	[tilespmem:$0x1E878] =	vst v63  }
0xab: {  	_ =	swait.ge [sflag:s19], $0x1400  }
0xac: {  	[sflag:s19] =	ssyncset.done $0x0  }
0xad: {  	s31 =	rddreg [dreg:$0x17];
	[sflag:s19] =	ssyncadd.s32 $0xFFFFEC00  }
0xae: {  	[spmem:s31] =	stream.linear.scatter [tilespmem:s18], [sflag:$0xD], $0x1400, $0x38;
	[tilespmem:$0x1E878] =	vst v63  }
0xaf: {  	_ =	swait.ge [sflag:s19], $0x1400  }
0xb0: {  	[sflag:s19] =	ssyncset.done $0x0  }
0xb1: {  	s8 =	rddreg [dreg:$0x18];
	[sflag:s19] =	ssyncadd.s32 $0xFFFFEC00  }
0xb2: {  	[spmem:s8] =	stream.linear.scatter [tilespmem:s18], [sflag:$0xD], $0x1400, $0x38;
	[tilespmem:$0x1E878] =	vst v63  }
0xb3: {  	_ =	swait.ge [sflag:s19], $0x1400  }
0xb4: {  	[sflag:s19] =	ssyncset.done $0x0  }
0xb5: {  	s12 =	rddreg [dreg:$0x19];
	[sflag:s19] =	ssyncadd.s32 $0xFFFFEC00  }
0xb6: {  	[spmem:s12] =	stream.linear.scatter [tilespmem:s18], [sflag:$0xD], $0xC80, $0x38;
	[tilespmem:$0x1E878] =	vst v63  }
0xb7: {  	_ =	swait.ge [sflag:s19], $0xC80  }
0xb8: {  	[sflag:s19] =	ssyncset.done $0x0  }
0xb9: {  	[sflag:s19] =	ssyncadd.s32 $0xFFFFF380  }
0xba: {  	[tilespmem:$0x1E5F8] =	vst v0  }
0xbb: {  	[tilespmem:$0x1E608] =	vst v0  }
0xbc: {  	[tilespmem:$0x1E618] =	vst v0  }
0xbd: {  	[tilespmem:$0x1E628] =	vst v0  }
0xbe: {  	[tilespmem:$0x1E638] =	vst v0  }
0xbf: {  	[tilespmem:$0x1E648] =	vst v0  }
0xc0: {  	[tilespmem:$0x1E658] =	vst v0  }
0xc1: {  	[tilespmem:$0x1E668] =	vst v0  }
0xc2: {  	[tilespmem:$0x1E678] =	vst v0  }
0xc3: {  	[tilespmem:$0x1E688] =	vst v0  }
0xc4: {  	[tilespmem:$0x1E698] =	vst v0  }
0xc5: {  	[tilespmem:$0x1E6A8] =	vst v0  }
0xc6: {  	[tilespmem:$0x1E6B8] =	vst v0  }
0xc7: {  	[tilespmem:$0x1E6C8] =	vst v0  }
0xc8: {  	[tilespmem:$0x1E6D8] =	vst v0  }
0xc9: {  	[tilespmem:$0x1E6E8] =	vst v0  }
0xca: {  	[tilespmem:$0x1E6F8] =	vst v0  }
0xcb: {  	[tilespmem:$0x1E708] =	vst v0  }
0xcc: {  	[tilespmem:$0x1E718] =	vst v0  }
0xcd: {  	[tilespmem:$0x1E728] =	vst v0  }
0xce: {  	[tilespmem:$0x1E738] =	vst v0  }
0xcf: {  	[tilespmem:$0x1E748] =	vst v0  }
0xd0: {  	[tilespmem:$0x1E758] =	vst v0  }
0xd1: {  	[tilespmem:$0x1E768] =	vst v0  }
0xd2: {  	[tilespmem:$0x1E778] =	vst v0  }
0xd3: {  	[tilespmem:$0x1E788] =	vst v0  }
0xd4: {  	[tilespmem:$0x1E798] =	vst v0  }
0xd5: {  	[tilespmem:$0x1E7A8] =	vst v0  }
0xd6: {  	[tilespmem:$0x1E7B8] =	vst v0  }
0xd7: {  	[tilespmem:$0x1E7C8] =	vst v0  }
0xd8: {  	[tilespmem:$0x1E7D8] =	vst v0  }
0xd9: {  	[tilespmem:$0x1E7E8] =	vst v0  }
0xda: {  	[tilespmem:$0x1E7F8] =	vst v0  }
0xdb: {  	[tilespmem:$0x1E808] =	vst v0  }
0xdc: {  	[tilespmem:$0x1E818] =	vst v0  }
0xdd: {  	[tilespmem:$0x1E828] =	vst v0  }
0xde: {  	[tilespmem:$0x1E838] =	vst v0  }
0xdf: {  	[tilespmem:$0x1E848] =	vst v0  }
0xe0: {  	[tilespmem:$0x1E858] =	vst v0  }
0xe1: {  	[tilespmem:$0x1E868] =	vst v0  }
0xe2: {  	[spmem:s29] =	stream.linear.scatter [tilespmem:s20], [sflag:$0xD], $0x280, $0x38;
	[tilespmem:$0x1E878] =	vst v63  }
0xe3: {  	_ =	swait.ge [sflag:s19], $0x280  }
0xe4: {  	[sflag:s19] =	ssyncset.done $0x0  }
0xe5: {  	s15 =	rddreg [dreg:$0x1b];
	[sflag:s19] =	ssyncadd.s32 $0xFFFFFD80  }
0xe6: {  	[spmem:s15] =	stream.linear.scatter [tilespmem:s20], [sflag:$0xD], $0x280, $0x38;
	[tilespmem:$0x1E878] =	vst v63  }
0xe7: {  	_ =	swait.ge [sflag:s19], $0x280  }
0xe8: {  	[sflag:s19] =	ssyncset.done $0x0  }
0xe9: {  	s24 =	rddreg [dreg:$0x1c];
	[sflag:s19] =	ssyncadd.s32 $0xFFFFFD80  }
0xea: {  	[spmem:s24] =	stream.linear.scatter [tilespmem:s20], [sflag:$0xD], $0x280, $0x38;
	[tilespmem:$0x1E878] =	vst v63  }
0xeb: {  	_ =	swait.ge [sflag:s19], $0x280  }
0xec: {  	[sflag:s19] =	ssyncset.done $0x0  }
0xed: {  	s28 =	rddreg [dreg:$0x1d];
	[sflag:s19] =	ssyncadd.s32 $0xFFFFFD80  }
0xee: {  	[spmem:s28] =	stream.linear.scatter [tilespmem:s20], [sflag:$0xD], $0x280, $0x38;
	[tilespmem:$0x1E878] =	vst v63  }
0xef: {  	_ =	swait.ge [sflag:s19], $0x280  }
0xf0: {  	[sflag:s19] =	ssyncset.done $0x0  }
0xf1: {  	s29 =	rddreg [dreg:$0x1e];
	[sflag:s19] =	ssyncadd.s32 $0xFFFFFD80  }
0xf2: {  	[spmem:s29] =	stream.linear.scatter [tilespmem:s20], [sflag:$0xD], $0x280, $0x38;
	[tilespmem:$0x1E878] =	vst v63  }
0xf3: {  	_ =	swait.ge [sflag:s19], $0x280  }
0xf4: {  	[sflag:s19] =	ssyncset.done $0x0  }
0xf5: {  	s31 =	rddreg [dreg:$0x1f];
	[sflag:s19] =	ssyncadd.s32 $0xFFFFFD80  }
0xf6: {  	[spmem:s31] =	stream.linear.scatter [tilespmem:s20], [sflag:$0xD], $0x280, $0x38;
	[tilespmem:$0x1E878] =	vst v63  }
0xf7: {  	_ =	swait.ge [sflag:s19], $0x280  }
0xf8: {  	s8 =	sld [smem:$0x7E5]  }
0xf9: {  	[sflag:s19] =	ssyncset.done $0x0  }
0xfa: {  	[sflag:s19] =	ssyncadd.s32 $0xFFFFFD80  }
0xfb: {  	[spmem:s8] =	stream.linear.scatter [tilespmem:s20], [sflag:$0xD], $0x280, $0x38;
	[tilespmem:$0x1E878] =	vst v63  }
0xfc: {  	_ =	swait.ge [sflag:s19], $0x280  }
0xfd: {  	s12 =	sld [smem:$0x7E6]  }
0xfe: {  	[sflag:s19] =	ssyncset.done $0x0  }
0xff: {  	[sflag:s19] =	ssyncadd.s32 $0xFFFFFD80  }
0x100: {  	[spmem:s12] =	stream.linear.scatter [tilespmem:s20], [sflag:$0xD], $0x280, $0x38;
	[tilespmem:$0x1E878] =	vst v63  }
0x101: {  	_ =	swait.ge [sflag:s19], $0x280  }
0x102: {  	s15 =	sld [smem:$0x7E7]  }
0x103: {  	[sflag:s19] =	ssyncset.done $0x0  }
0x104: {  	[sflag:s19] =	ssyncadd.s32 $0xFFFFFD80  }
0x105: {  	[spmem:s15] =	stream.linear.scatter [tilespmem:s20], [sflag:$0xD], $0x280, $0x38;
	[tilespmem:$0x1E878] =	vst v63  }
0x106: {  	_ =	swait.ge [sflag:s19], $0x280  }
0x107: {  	s24 =	sld [smem:$0x7E8]  }
0x108: {  	[sflag:s19] =	ssyncset.done $0x0  }
0x109: {  	[sflag:s19] =	ssyncadd.s32 $0xFFFFFD80  }
0x10a: {  	[spmem:s24] =	stream.linear.scatter [tilespmem:s20], [sflag:$0xD], $0x280, $0x38;
	[tilespmem:$0x1E878] =	vst v63  }
0x10b: {  	_ =	swait.ge [sflag:s19], $0x280  }
0x10c: {  	s28 =	sld [smem:$0x7E9]  }
0x10d: {  	[sflag:s19] =	ssyncset.done $0x0  }
0x10e: {  	[sflag:s19] =	ssyncadd.s32 $0xFFFFFD80  }
0x10f: {  	[spmem:s28] =	stream.linear.scatter [tilespmem:s20], [sflag:$0xD], $0x280, $0x38;
	[tilespmem:$0x1E878] =	vst v63  }
0x110: {  	_ =	swait.ge [sflag:s19], $0x280  }
0x111: {  	s29 =	sld [smem:$0x7EA]  }
0x112: {  	[sflag:s19] =	ssyncset.done $0x0  }
0x113: {  	[sflag:s19] =	ssyncadd.s32 $0xFFFFFD80  }
0x114: {  	[spmem:s29] =	stream.linear.scatter [tilespmem:s20], [sflag:$0xD], $0x280, $0x38;
	[tilespmem:$0x1E878] =	vst v63  }
0x115: {  	_ =	swait.ge [sflag:s19], $0x280  }
0x116: {  	s31 =	sld [smem:$0x7EB]  }
0x117: {  	[sflag:s19] =	ssyncset.done $0x0  }
0x118: {  	[sflag:s19] =	ssyncadd.s32 $0xFFFFFD80  }
0x119: {  	[spmem:s31] =	stream.linear.scatter [tilespmem:s20], [sflag:$0xD], $0x280, $0x38;
	[tilespmem:$0x1E878] =	vst v63  }
0x11a: {  	_ =	swait.ge [sflag:s19], $0x280  }
0x11b: {  	s8 =	sld [smem:$0x7EC]  }
0x11c: {  	[sflag:s19] =	ssyncset.done $0x0  }
0x11d: {  	[sflag:s19] =	ssyncadd.s32 $0xFFFFFD80  }
0x11e: {  	[spmem:s8] =	stream.linear.scatter [tilespmem:s20], [sflag:$0xD], $0x280, $0x38;
	[tilespmem:$0x1E878] =	vst v63  }
0x11f: {  	_ =	swait.ge [sflag:s19], $0x280  }
0x120: {  	s12 =	sld [smem:$0x7ED]  }
0x121: {  	[sflag:s19] =	ssyncset.done $0x0  }
0x122: {  	[sflag:s19] =	ssyncadd.s32 $0xFFFFFD80  }
0x123: {  	[spmem:s12] =	stream.linear.scatter [tilespmem:s20], [sflag:$0xD], $0x280, $0x38;
	[tilespmem:$0x1E878] =	vst v63  }
0x124: {  	_ =	swait.ge [sflag:s19], $0x280  }
0x125: {  	s15 =	sld [smem:$0x7EE]  }
0x126: {  	[sflag:s19] =	ssyncset.done $0x0  }
0x127: {  	[sflag:s19] =	ssyncadd.s32 $0xFFFFFD80  }
0x128: {  	[spmem:s15] =	stream.linear.scatter [tilespmem:s20], [sflag:$0xD], $0x190, $0x38;
	[tilespmem:$0x1E878] =	vst v63  }
0x129: {  	_ =	swait.ge [sflag:s19], $0x190  }
0x12a: {  	[sflag:s19] =	ssyncset.done $0x0  }
0x12b: {  	[sflag:s19] =	ssyncadd.s32 $0xFFFFFE70  }
0x12c: {  	[tilespmem:$0x1E5F8] =	vst v1  }
0x12d: {  	[tilespmem:$0x1E608] =	vst v1  }
0x12e: {  	[tilespmem:$0x1E618] =	vst v1  }
0x12f: {  	[tilespmem:$0x1E628] =	vst v1  }
0x130: {  	[tilespmem:$0x1E638] =	vst v1  }
0x131: {  	[tilespmem:$0x1E648] =	vst v1  }
0x132: {  	[tilespmem:$0x1E658] =	vst v1  }
0x133: {  	[tilespmem:$0x1E668] =	vst v1  }
0x134: {  	[tilespmem:$0x1E678] =	vst v1  }
0x135: {  	[tilespmem:$0x1E688] =	vst v1  }
0x136: {  	[tilespmem:$0x1E698] =	vst v1  }
0x137: {  	[tilespmem:$0x1E6A8] =	vst v1  }
0x138: {  	[tilespmem:$0x1E6B8] =	vst v1  }
0x139: {  	[tilespmem:$0x1E6C8] =	vst v1  }
0x13a: {  	[tilespmem:$0x1E6D8] =	vst v1  }
0x13b: {  	[tilespmem:$0x1E6E8] =	vst v1  }
0x13c: {  	[tilespmem:$0x1E6F8] =	vst v1  }
0x13d: {  	[tilespmem:$0x1E708] =	vst v1  }
0x13e: {  	[tilespmem:$0x1E718] =	vst v1  }
0x13f: {  	[tilespmem:$0x1E728] =	vst v1  }
0x140: {  	[tilespmem:$0x1E738] =	vst v1  }
0x141: {  	[tilespmem:$0x1E748] =	vst v1  }
0x142: {  	[tilespmem:$0x1E758] =	vst v1  }
0x143: {  	[tilespmem:$0x1E768] =	vst v1  }
0x144: {  	[tilespmem:$0x1E778] =	vst v1  }
0x145: {  	[tilespmem:$0x1E788] =	vst v1  }
0x146: {  	[tilespmem:$0x1E798] =	vst v1  }
0x147: {  	[tilespmem:$0x1E7A8] =	vst v1  }
0x148: {  	[tilespmem:$0x1E7B8] =	vst v1  }
0x149: {  	[tilespmem:$0x1E7C8] =	vst v1  }
0x14a: {  	[tilespmem:$0x1E7D8] =	vst v1  }
0x14b: {  	[tilespmem:$0x1E7E8] =	vst v1  }
0x14c: {  	[tilespmem:$0x1E7F8] =	vst v1  }
0x14d: {  	[tilespmem:$0x1E808] =	vst v1  }
0x14e: {  	[tilespmem:$0x1E818] =	vst v1  }
0x14f: {  	[tilespmem:$0x1E828] =	vst v1  }
0x150: {  	[tilespmem:$0x1E838] =	vst v1  }
0x151: {  	[tilespmem:$0x1E848] =	vst v1  }
0x152: {  	[tilespmem:$0x1E858] =	vst v1  }
0x153: {  	[tilespmem:$0x1E868] =	vst v1  }
0x154: {  	[bflag:$0x0] =	sbarrier.arrive $0xFFFF  }
0x155: {  	s24 =	sld [smem:$0x7EF];
	_ =	sdelay $0x1  }
0x156: {  	s8 =	simm.s32 $0x0;
	s28 =	sld [smem:$0x7F0]  }
0x157: {  	[tilespmem:s25], [sflag:$0x1] =	stream.linear.gather [hbm4b:s24+s8], $0x28, $0x38;
	[tilespmem:$0x1E878] =	vst v63  }
0x158: {  	s12 =	simm.s32 $0x16C40;
	s29 =	sld [smem:$0x7F1]  }
0x159: {  	[tilespmem:s12], [sflag:$0x1] =	stream.linear.gather [hbm4b:s28+s8], $0x28, $0x38;
	[tilespmem:$0x1E878] =	vst v63  }
0x15a: {  	s15 =	simm.s32 $0x16C68;
	s31 =	sld [smem:$0x7F2]  }
0x15b: {  	[tilespmem:s15], [sflag:$0x1] =	stream.linear.gather [hbm4b:s29+s8], $0x28, $0x38;
	[tilespmem:$0x1E878] =	vst v63  }
0x15c: {  	s24 =	simm.s32 $0x16C90;
	s28 =	sld [smem:$0x7F3]  }
0x15d: {  	[tilespmem:s24], [sflag:$0x2] =	stream.linear.gather [hbm4b:s31+s8], $0x28, $0x38;
	[tilespmem:$0x1E878] =	vst v63  }
0x15e: {  	s29 =	sld [smem:$0x7F4];
	s24 =	simm.s32 $0x16CB8  }
0x15f: {  	[tilespmem:s24], [sflag:$0x2] =	stream.linear.gather [hbm4b:s28+s8], $0x28, $0x38;
	[tilespmem:$0x1E878] =	vst v63  }
0x160: {  	s31 =	simm.s32 $0x1;
	s28 =	simm.s32 $0x16CE0  }
0x161: {  	[tilespmem:s28], [sflag:$0x2] =	stream.linear.gather [hbm4b:s29+s8], $0x28, $0x38;
	[tilespmem:$0x1E878] =	vst v63  }
0x162: {  	_ =	swait.ge [sflag:s31], $0x28  }
0x163: {  	[sflag:s31] =	ssyncset.done $0x0  }
0x164: {  	[sflag:s31] =	ssyncadd.s32 $0xFFFFFFD8  }
0x165: {  	_ =	swait.ge [sflag:s31], $0x28  }
0x166: {  	[sflag:s31] =	ssyncset.done $0x0  }
0x167: {  	[sflag:s31] =	ssyncadd.s32 $0xFFFFFFD8  }
0x168: {  	_ =	swait.ge [sflag:s31], $0x28  }
0x169: {  	[sflag:s31] =	ssyncset.done $0x0  }
0x16a: {  	s29 =	simm.s32 $0x16DF8;
	[sflag:s31] =	ssyncadd.s32 $0xFFFFFFD8  }
0x16b: {  	[tilespmem:s29], [sflag:$0x5] =	stream.indirect.gather [hbm4b:s0+s30], $0x80, s12, s30, $0xb8;
	[tilespmem:$0x1E878] =	vst v63  }
0x16c: {  	s31 =	simm.s32 $0x195F8;
	s12 =	sld [smem:$0x7F5]  }
0x16d: {  	[tilespmem:s31], [sflag:$0x7] =	stream.indirect.gather [spmem:s3], $0x80, s15, s30, $0xb8;
	[tilespmem:$0x1E878] =	vst v63  }
0x16e: {  	s29 =	sld [smem:$0x7F6];
	s15 =	simm.s32 $0x16D08  }
0x16f: {  	[tilespmem:s15], [sflag:$0x3] =	stream.linear.gather [hbm4b:s12+s8], $0x28, $0x38;
	[tilespmem:$0x1E878] =	vst v63  }
0x170: {  	s31 =	simm.s32 $0x16D30;
	s12 =	sld [smem:$0x7F7]  }
0x171: {  	[tilespmem:s31], [sflag:$0x3] =	stream.linear.gather [hbm4b:s29+s8], $0x28, $0x38;
	[tilespmem:$0x1E878] =	vst v63  }
0x172: {  	s15 =	simm.s32 $0x16D58;
	s29 =	simm.s32 $0x2  }
0x173: {  	[tilespmem:s15], [sflag:$0x3] =	stream.linear.gather [hbm4b:s12+s8], $0x28, $0x38;
	[tilespmem:$0x1E878] =	vst v63  }
0x174: {  	_ =	swait.ge [sflag:s29], $0x28  }
0x175: {  	[sflag:s29] =	ssyncset.done $0x0  }
0x176: {  	[sflag:s29] =	ssyncadd.s32 $0xFFFFFFD8  }
0x177: {  	_ =	swait.ge [sflag:s29], $0x28  }
0x178: {  	[sflag:s29] =	ssyncset.done $0x0  }
0x179: {  	[sflag:s29] =	ssyncadd.s32 $0xFFFFFFD8  }
0x17a: {  	_ =	swait.ge [sflag:s29], $0x28  }
0x17b: {  	[sflag:s29] =	ssyncset.done $0x0  }
0x17c: {  	s31 =	simm.s32 $0x181F8;
	[sflag:s29] =	ssyncadd.s32 $0xFFFFFFD8  }
0x17d: {  	[tilespmem:s31], [sflag:$0x6] =	stream.indirect.gather [hbm4b:s0+s30], $0x80, s24, s30, $0xb8;
	[tilespmem:$0x1E878] =	vst v63  }
0x17e: {  	s12 =	sld [smem:$0x7F8]  }
0x17f: {  	[tilespmem:s26], [sflag:$0x8] =	stream.indirect.gather [spmem:s3], $0x80, s28, s30, $0xb8;
	[tilespmem:$0x1E878] =	vst v63  }
0x180: {  	s15 =	simm.s32 $0x16D80;
	s24 =	sld [smem:$0x7F9]  }
0x181: {  	[tilespmem:s15], [sflag:$0x4] =	stream.linear.gather [hbm4b:s12+s8], $0x28, $0x38;
	[tilespmem:$0x1E878] =	vst v63  }
0x182: {  	s29 =	sld [smem:$0x7FA];
	s28 =	simm.s32 $0x16DA8  }
0x183: {  	[tilespmem:s28], [sflag:$0x4] =	stream.linear.gather [hbm4b:s24+s8], $0x28, $0x38;
	[tilespmem:$0x1E878] =	vst v63  }
0x184: {  	s31 =	simm.s32 $0x16DD0  }
0x185: {  	[tilespmem:s31], [sflag:$0x4] =	stream.linear.gather [hbm4b:s29+s8], $0x28, $0x38;
	[tilespmem:$0x1E878] =	vst v63  }
0x186: {  	_ =	swait.ge [sflag:s14], $0x1400  }
0x187: {  	[sflag:s14] =	ssyncset.done $0x0  }
0x188: {  	[sflag:s14] =	ssyncadd.s32 $0xFFFFEC00  }
0x189: {  	_ =	swait.ge [sflag:s22], $0x1400  }
0x18a: {  	[sflag:s22] =	ssyncset.done $0x0  }
0x18b: {  	s12 =	simm.s32 $0x0;
	[sflag:s22] =	ssyncadd.s32 $0xFFFFEC00  }
0x18c: {  	v2 =	vld [tilespmem:s12+$0x16E68]  }
0x18d: {  	v3 =	vld [tilespmem:s12+$0x19668]  }
0x18e: {  	v4 =	vld [tilespmem:s12+$0x16DF8]  }
0x18f: {  	v5 =	vld [tilespmem:s12+$0x195F8]  }
0x190: {  	v6 =	vld [tilespmem:s12+$0x16E08]  }
0x191: {  	v7 =	vld [tilespmem:s12+$0x19608]  }
0x192: {  	v8 =	vld [tilespmem:s12+$0x16E18]  }
0x193: {  	v9 =	vld [tilespmem:s12+$0x16E28]  }
0x194: {  	v2 =	vmul.f32 v3, v2;
	v3 =	vld [tilespmem:s12+$0x19618]  }
0x195: {  	v10 =	vld [tilespmem:s12+$0x19628]  }
0x196: {  	v11 =	vld [tilespmem:s12+$0x19638];
	v4 =	vmul.f32 v5, v4  }
0x197: {  	[tilespmem:s12+$0x1BE68] =	vst v2;
	v2 =	vmul.f32 v7, v6;
	v7 =	vld [tilespmem:s12+$0x16E38]  }
0x198: {  	v5 =	vld [tilespmem:s12+$0x19648];
	[tilespmem:s12+$0x1BDF8] =	vst v4  }
0x199: {  	v4 =	vld [tilespmem:s12+$0x16E48];
	[tilespmem:s12+$0x1BE08] =	vst v2;
	v2 =	vmul.f32 v3, v8  }
0x19a: {  	v6 =	vld [tilespmem:s12+$0x19658];
	v8 =	vmul.f32 v10, v9  }
0x19b: {  	s15 =	simm.s32 $0x80;
	[tilespmem:s12+$0x1BE18] =	vst v2;
	v2 =	vld [tilespmem:s12+$0x16E58]  }
0x19c: {  	s24 =	simm.s32 $0x400;
	v7 =	vmul.f32 v11, v7;
	v3 =	vld [tilespmem:s15+$0x16E68];
	[tilespmem:s12+$0x1BE28] =	vst v8  }
.LBB2_4:
0x19d: {  	p1 =	sne.s32 s24, $0x4E00;
	v8 =	vld [tilespmem:s15+$0x19668]  }
0x19e: {  	v9 =	vld [tilespmem:s15+$0x16DF8];
	[tilespmem:s12+$0x1BE38] =	vst v7;
	v4 =	vmul.f32 v5, v4  }
0x19f: {  	v5 =	vld [tilespmem:s15+$0x195F8]  }
0x1a0: {  	v7 =	vld [tilespmem:s15+$0x16E08];
	[tilespmem:s12+$0x1BE48] =	vst v4;
	v2 =	vmul.f32 v6, v2  }
0x1a1: {  	v4 =	vld [tilespmem:s15+$0x19608]  }
0x1a2: {  	v6 =	vld [tilespmem:s15+$0x16E18];
	v3 =	vmul.f32 v8, v3;
	[tilespmem:s12+$0x1BE58] =	vst v2;
	s12 =	smov.u32 s15  }
0x1a3: {  	v2 =	vld [tilespmem:s12+$0x19618]  }
0x1a4: {  	v5 =	vmul.f32 v5, v9;
	v8 =	vld [tilespmem:s12+$0x16E28];
	[tilespmem:s12+$0x1BE68] =	vst v3  }
0x1a5: {  	v3 =	vld [tilespmem:s12+$0x19628]  }
0x1a6: {  	[tilespmem:s12+$0x1BDF8] =	vst v5;
	v4 =	vmul.f32 v4, v7;
	v7 =	vld [tilespmem:s12+$0x16E38]  }
0x1a7: {  	v9 =	vld [tilespmem:s12+$0x19638]  }
.Ltmp3:
0x1a8: {  	[tilespmem:s12+$0x1BE08] =	vst v4;
	v2 =	vmul.f32 v2, v6;
	v4 =	vld [tilespmem:s12+$0x16E48];
	(pc) =	sbr.rel @p1 .LBB2_4-.Ltmp3, $4  }
0x1a9: {  	v5 =	vld [tilespmem:s12+$0x19648]  }
0x1aa: {  	[tilespmem:s12+$0x1BE18] =	vst v2;
	v8 =	vmul.f32 v3, v8;
	v2 =	vld [tilespmem:s12+$0x16E58]  }
0x1ab: {  	s15 =	sshra.s32 s24, $0x2;
	v6 =	vld [tilespmem:s12+$0x19658]  }
0x1ac: {  	s24 =	sadd.s32 $0x200, s24;
	v3 =	vld [tilespmem:s15+$0x16E68];
	[tilespmem:s12+$0x1BE28] =	vst v8;
	v7 =	vmul.f32 v9, v7  }
0x1ad: {  	v8 =	vld [tilespmem:s15+$0x19668]  }
0x1ae: {  	v9 =	vld [tilespmem:s15+$0x16DF8];
	[tilespmem:s12+$0x1BE38] =	vst v7;
	v4 =	vmul.f32 v5, v4  }
0x1af: {  	v5 =	vld [tilespmem:s15+$0x195F8]  }
0x1b0: {  	v7 =	vld [tilespmem:s15+$0x16E08];
	[tilespmem:s12+$0x1BE48] =	vst v4;
	v2 =	vmul.f32 v6, v2  }
0x1b1: {  	v4 =	vld [tilespmem:s15+$0x19608]  }
0x1b2: {  	v6 =	vld [tilespmem:s15+$0x16E18];
	[tilespmem:s12+$0x1BE58] =	vst v2  }
0x1b3: {  	v2 =	vmul.f32 v8, v3;
	v3 =	vld [tilespmem:s15+$0x19618]  }
0x1b4: {  	v8 =	vld [tilespmem:s15+$0x16E28]  }
0x1b5: {  	v62 =	vld [tilespmem:s15+$0x19658];
	v5 =	vmul.f32 v5, v9  }
0x1b6: {  	[tilespmem:s15+$0x1BE68] =	vst v2;
	v2 =	vld [tilespmem:s15+$0x19628]  }
0x1b7: {  	[tilespmem:s15+$0x1BDF8] =	vst v5;
	v4 =	vmul.f32 v4, v7;
	v5 =	vld [tilespmem:s15+$0x16E38]  }
0x1b8: {  	v7 =	vld [tilespmem:s15+$0x19638]  }
0x1b9: {  	[tilespmem:s15+$0x1BE08] =	vst v4;
	v3 =	vmul.f32 v3, v6;
	v4 =	vld [tilespmem:s15+$0x16E48]  }
0x1ba: {  	v6 =	vld [tilespmem:s15+$0x19648]  }
0x1bb: {  	[tilespmem:s15+$0x1BE18] =	vst v3;
	v3 =	vld [tilespmem:s15+$0x16E58];
	_ =	sdelay $0x1  }
0x1bc: {  	v2 =	vmul.f32 v2, v8  }
0x1bd: {  	v5 =	vmul.f32 v7, v5  }
0x1be: {  	[tilespmem:s15+$0x1BE28] =	vst v2;
	v2 =	vmul.f32 v6, v4  }
0x1bf: {  	[tilespmem:s15+$0x1BE38] =	vst v5;
	v3 =	vmul.f32 v62, v3  }
0x1c0: {  	[tilespmem:s15+$0x1BE48] =	vst v2  }
0x1c1: {  	[tilespmem:s15+$0x1BE58] =	vst v3  }
0x1c2: {  	[spmem:s6] =	stream.indirect.scatter.add.f32 [tilespmem:s18], [sflag:$0x9], $0x80, s25, s30, $0xb8;
	[tilespmem:$0x1E878] =	vst v63  }
0x1c3: {  	s4 =	simm.s32 $0x3  }
0x1c4: {  	[spmem:s7] =	stream.indirect.scatter.add.f32 [tilespmem:s20], [sflag:$0xB], $0x10, s25, s30, $0xb8;
	[tilespmem:$0x1E878] =	vst v63  }
0x1c5: {  	_ =	swait.ge [sflag:s4], $0x28  }
0x1c6: {  	[sflag:s4] =	ssyncset.done $0x0  }
0x1c7: {  	[sflag:s4] =	ssyncadd.s32 $0xFFFFFFD8  }
0x1c8: {  	_ =	swait.ge [sflag:s4], $0x28  }
0x1c9: {  	[sflag:s4] =	ssyncset.done $0x0  }
0x1ca: {  	[sflag:s4] =	ssyncadd.s32 $0xFFFFFFD8  }
0x1cb: {  	_ =	swait.ge [sflag:s4], $0x28  }
0x1cc: {  	[sflag:s4] =	ssyncset.done $0x0  }
0x1cd: {  	s28 =	simm.s32 $0x16DF8;
	s8 =	simm.s32 $0x16D30;
	[sflag:s4] =	ssyncadd.s32 $0xFFFFFFD8  }
0x1ce: {  	[tilespmem:s28], [sflag:$0x5] =	stream.indirect.gather [hbm4b:s0+s30], $0x80, s8, s30, $0xb8;
	[tilespmem:$0x1E878] =	vst v63  }
0x1cf: {  	s29 =	simm.s32 $0x195F8;
	s31 =	simm.s32 $0x16D58  }
0x1d0: {  	[tilespmem:s29], [sflag:$0x7] =	stream.indirect.gather [spmem:s3], $0x80, s31, s30, $0xb8;
	[tilespmem:$0x1E878] =	vst v63  }
0x1d1: {  	_ =	swait.ge [sflag:s23], $0x1400  }
0x1d2: {  	[sflag:s23] =	ssyncset.done $0x0  }
0x1d3: {  	[sflag:s23] =	ssyncadd.s32 $0xFFFFEC00  }
0x1d4: {  	_ =	swait.ge [sflag:s16], $0x1400  }
0x1d5: {  	[sflag:s16] =	ssyncset.done $0x0  }
0x1d6: {  	s12 =	simm.s32 $0x0;
	[sflag:s16] =	ssyncadd.s32 $0xFFFFEC00  }
0x1d7: {  	v2 =	vld [tilespmem:s12+$0x18268]  }
0x1d8: {  	v3 =	vld [tilespmem:s12+$0x1AA68]  }
0x1d9: {  	v4 =	vld [tilespmem:s12+$0x181F8]  }
0x1da: {  	v5 =	vld [tilespmem:s12+$0x1A9F8]  }
0x1db: {  	v6 =	vld [tilespmem:s12+$0x18208]  }
0x1dc: {  	v7 =	vld [tilespmem:s12+$0x1AA08]  }
0x1dd: {  	v8 =	vld [tilespmem:s12+$0x18218]  }
0x1de: {  	v63 =	vld [tilespmem:s12+$0x18228]  }
0x1df: {  	v2 =	vmul.f32 v3, v2;
	v3 =	vld [tilespmem:s12+$0x1AA18]  }
0x1e0: {  	v10 =	vld [tilespmem:s12+$0x1AA28]  }
0x1e1: {  	v11 =	vld [tilespmem:s12+$0x1AA38];
	v4 =	vmul.f32 v5, v4  }
0x1e2: {  	[tilespmem:s12+$0x1D268] =	vst v2;
	v2 =	vmul.f32 v7, v6;
	v7 =	vld [tilespmem:s12+$0x18238]  }
0x1e3: {  	v5 =	vld [tilespmem:s12+$0x1AA48];
	[tilespmem:s12+$0x1D1F8] =	vst v4  }
0x1e4: {  	v4 =	vld [tilespmem:s12+$0x18248];
	[tilespmem:s12+$0x1D208] =	vst v2;
	v2 =	vmul.f32 v3, v8  }
0x1e5: {  	v6 =	vld [tilespmem:s12+$0x1AA58];
	v8 =	vmul.f32 v10, v63  }
0x1e6: {  	s15 =	simm.s32 $0x80;
	[tilespmem:s12+$0x1D218] =	vst v2;
	v2 =	vld [tilespmem:s12+$0x18258]  }
0x1e7: {  	s24 =	simm.s32 $0x400;
	v7 =	vmul.f32 v11, v7;
	v3 =	vld [tilespmem:s15+$0x18268];
	[tilespmem:s12+$0x1D228] =	vst v8  }
.LBB2_6:
0x1e8: {  	p1 =	sne.s32 s24, $0x4E00;
	v8 =	vld [tilespmem:s15+$0x1AA68]  }
0x1e9: {  	v9 =	vld [tilespmem:s15+$0x181F8];
	[tilespmem:s12+$0x1D238] =	vst v7;
	v4 =	vmul.f32 v5, v4  }
0x1ea: {  	v5 =	vld [tilespmem:s15+$0x1A9F8]  }
0x1eb: {  	v7 =	vld [tilespmem:s15+$0x18208];
	[tilespmem:s12+$0x1D248] =	vst v4;
	v2 =	vmul.f32 v6, v2  }
0x1ec: {  	v4 =	vld [tilespmem:s15+$0x1AA08]  }
0x1ed: {  	v6 =	vld [tilespmem:s15+$0x18218];
	v3 =	vmul.f32 v8, v3;
	[tilespmem:s12+$0x1D258] =	vst v2;
	s12 =	smov.u32 s15  }
0x1ee: {  	v2 =	vld [tilespmem:s12+$0x1AA18]  }
0x1ef: {  	v5 =	vmul.f32 v5, v9;
	v8 =	vld [tilespmem:s12+$0x18228];
	[tilespmem:s12+$0x1D268] =	vst v3  }
0x1f0: {  	v3 =	vld [tilespmem:s12+$0x1AA28]  }
0x1f1: {  	[tilespmem:s12+$0x1D1F8] =	vst v5;
	v4 =	vmul.f32 v4, v7;
	v7 =	vld [tilespmem:s12+$0x18238]  }
0x1f2: {  	v9 =	vld [tilespmem:s12+$0x1AA38]  }
.Ltmp4:
0x1f3: {  	[tilespmem:s12+$0x1D208] =	vst v4;
	v2 =	vmul.f32 v2, v6;
	v4 =	vld [tilespmem:s12+$0x18248];
	(pc) =	sbr.rel @p1 .LBB2_6-.Ltmp4, $4  }
0x1f4: {  	v5 =	vld [tilespmem:s12+$0x1AA48]  }
0x1f5: {  	[tilespmem:s12+$0x1D218] =	vst v2;
	v8 =	vmul.f32 v3, v8;
	v2 =	vld [tilespmem:s12+$0x18258]  }
0x1f6: {  	s15 =	sshra.s32 s24, $0x2;
	v6 =	vld [tilespmem:s12+$0x1AA58]  }
0x1f7: {  	s24 =	sadd.s32 $0x200, s24;
	v3 =	vld [tilespmem:s15+$0x18268];
	[tilespmem:s12+$0x1D228] =	vst v8;
	v7 =	vmul.f32 v9, v7  }
0x1f8: {  	v8 =	vld [tilespmem:s15+$0x1AA68]  }
0x1f9: {  	v9 =	vld [tilespmem:s15+$0x181F8];
	[tilespmem:s12+$0x1D238] =	vst v7;
	v4 =	vmul.f32 v5, v4  }
0x1fa: {  	v56 =	vld [tilespmem:s15+$0x1A9F8]  }
0x1fb: {  	v7 =	vld [tilespmem:s15+$0x18208];
	[tilespmem:s12+$0x1D248] =	vst v4;
	v2 =	vmul.f32 v6, v2  }
0x1fc: {  	v4 =	vld [tilespmem:s15+$0x1AA08]  }
0x1fd: {  	v57 =	vld [tilespmem:s15+$0x18218];
	[tilespmem:s12+$0x1D258] =	vst v2  }
0x1fe: {  	v2 =	vmul.f32 v8, v3;
	v3 =	vld [tilespmem:s15+$0x1AA18]  }
0x1ff: {  	v58 =	vld [tilespmem:s15+$0x18228]  }
0x200: {  	v59 =	vld [tilespmem:s15+$0x18238]  }
0x201: {  	v60 =	vld [tilespmem:s15+$0x1AA38]  }
0x202: {  	v61 =	vld [tilespmem:s15+$0x18248]  }
0x203: {  	[tilespmem:s15+$0x1D268] =	vst v2;
	v2 =	vld [tilespmem:s15+$0x1AA28]  }
0x204: {  	v62 =	vld [tilespmem:s15+$0x1AA48];
	v3 =	vmul.f32 v3, v57  }
0x205: {  	v63 =	vld [tilespmem:s15+$0x1AA58]  }
0x206: {  	v5 =	vmul.f32 v56, v9;
	[tilespmem:s15+$0x1D218] =	vst v3;
	v3 =	vld [tilespmem:s15+$0x18258]  }
0x207: {  	v4 =	vmul.f32 v4, v7  }
0x208: {  	[tilespmem:s15+$0x1D1F8] =	vst v5;
	v2 =	vmul.f32 v2, v58  }
0x209: {  	[tilespmem:s15+$0x1D208] =	vst v4;
	v5 =	vmul.f32 v60, v59  }
0x20a: {  	[tilespmem:s15+$0x1D228] =	vst v2;
	v2 =	vmul.f32 v62, v61  }
0x20b: {  	[tilespmem:s15+$0x1D238] =	vst v5;
	v3 =	vmul.f32 v63, v3  }
0x20c: {  	[tilespmem:s15+$0x1D248] =	vst v2  }
0x20d: {  	s4 =	simm.s32 $0x16C90;
	[tilespmem:s15+$0x1D258] =	vst v3  }
0x20e: {  	[spmem:s6] =	stream.indirect.scatter.add.f32 [tilespmem:s17], [sflag:$0xA], $0x80, s4, s30, $0xb8;
	[tilespmem:$0x1E878] =	vst v63  }
0x20f: {  	s28 =	simm.s32 $0x4  }
0x210: {  	[spmem:s7] =	stream.indirect.scatter.add.f32 [tilespmem:s20], [sflag:$0xC], $0x10, s4, s30, $0xb8;
	[tilespmem:$0x1E878] =	vst v63  }
0x211: {  	_ =	swait.ge [sflag:s28], $0x28  }
0x212: {  	[sflag:s28] =	ssyncset.done $0x0  }
0x213: {  	[sflag:s28] =	ssyncadd.s32 $0xFFFFFFD8  }
0x214: {  	_ =	swait.ge [sflag:s28], $0x28  }
0x215: {  	[sflag:s28] =	ssyncset.done $0x0  }
0x216: {  	[sflag:s28] =	ssyncadd.s32 $0xFFFFFFD8  }
0x217: {  	_ =	swait.ge [sflag:s28], $0x28  }
0x218: {  	[sflag:s28] =	ssyncset.done $0x0  }
0x219: {  	s29 =	simm.s32 $0x181F8;
	s8 =	simm.s32 $0x16DA8;
	[sflag:s28] =	ssyncadd.s32 $0xFFFFFFD8  }
0x21a: {  	[tilespmem:s29], [sflag:$0x6] =	stream.indirect.gather [hbm4b:s0+s30], $0x80, s8, s30, $0xb8;
	[tilespmem:$0x1E878] =	vst v63  }
0x21b: {  	s31 =	simm.s32 $0x16DD0;
	s24 =	simm.s32 $0x1  }
0x21c: {  	[tilespmem:s26], [sflag:$0x8] =	stream.indirect.gather [spmem:s3], $0x80, s31, s30, $0xb8;
	[tilespmem:$0x1E878] =	vst v63  }
.LBB2_8:
0x21d: {  	s12 =	sshll.u32 s24, $0x1  }
0x21e: {  	_ =	swait.ge [sflag:s5], $0x1400;
	p1 =	seq.s32 s24, $0x7C;
	s8 =	sadd.s32 $0x2, s12  }
0x21f: {  	[sflag:s5] =	ssyncset.done $0x0;
	s15 =	sand.u32 @!p1 $0x2, s8;
	s8 =	smul.u32 @!p1 $0x28, s8  }
0x220: {  	s31 =	simm.s32 @!p1 $0x0;
	[sflag:s5] =	ssyncadd.s32 $0xFFFFEC00;
	s25 =	smul.u32 @!p1 $0x1E0, s15  }
0x221: {  	_ =	swait.ge [sflag:s9], $0x280;
	s28 =	sor.u32 @!p1 $0x1, s15;
	s8 =	sadd.s32 @!p1 s11, s8  }
0x222: {  	[sflag:s9] =	ssyncset.done $0x0;
	s15 =	sshrl.u32 @!p1 s25, $0x2;
	s8 =	sshrl.u32 @!p1 s8, $0x3  }
0x223: {  	[sflag:s9] =	ssyncadd.s32 $0xFFFFFD80;
	s25 =	sadd.s32 @!p1 $0x16C18, s15;
	s29 =	sadd.s32 @!p1 s10, s8  }
0x224: {  	[tilespmem:s25], [sflag:s28] =	stream.linear.gather @!p1 [hbm4b:s29+s31], $0x28, $0x38;
	[tilespmem:$0x1E878] =	vst v63  }
0x225: {  	s25 =	sadd.s32 @!p1 $0x16C40, s15;
	s29 =	sadd.s32 @!p1 s1, s8  }
0x226: {  	[tilespmem:s25], [sflag:s28] =	stream.linear.gather @!p1 [hbm4b:s29+s31], $0x28, $0x38;
	[tilespmem:$0x1E878] =	vst v63  }
0x227: {  	s15 =	sadd.s32 @!p1 $0x16C68, s15;
	s8 =	sadd.s32 @!p1 s2, s8  }
0x228: {  	[tilespmem:s15], [sflag:s28] =	stream.linear.gather @!p1 [hbm4b:s8+s31], $0x28, $0x38;
	[tilespmem:$0x1E878] =	vst v63  }
0x229: {  	_ =	swait.ge [sflag:s14], $0x1400  }
0x22a: {  	[sflag:s14] =	ssyncset.done $0x0  }
0x22b: {  	[sflag:s14] =	ssyncadd.s32 $0xFFFFEC00  }
0x22c: {  	_ =	swait.ge [sflag:s22], $0x1400  }
0x22d: {  	[sflag:s22] =	ssyncset.done $0x0  }
0x22e: {  	s29 =	simm.s32 $0x0;
	[sflag:s22] =	ssyncadd.s32 $0xFFFFEC00  }
0x22f: {  	v2 =	vld [tilespmem:s29+$0x16E68]  }
0x230: {  	v3 =	vld [tilespmem:s29+$0x19668]  }
0x231: {  	v4 =	vld [tilespmem:s29+$0x16DF8]  }
0x232: {  	v5 =	vld [tilespmem:s29+$0x195F8]  }
0x233: {  	v6 =	vld [tilespmem:s29+$0x16E08]  }
0x234: {  	v7 =	vld [tilespmem:s29+$0x19608]  }
0x235: {  	v8 =	vld [tilespmem:s29+$0x16E18]  }
0x236: {  	v9 =	vld [tilespmem:s29+$0x16E28]  }
0x237: {  	v2 =	vmul.f32 v3, v2;
	v3 =	vld [tilespmem:s29+$0x19618]  }
0x238: {  	v10 =	vld [tilespmem:s29+$0x19628]  }
0x239: {  	v11 =	vld [tilespmem:s29+$0x19638];
	v4 =	vmul.f32 v5, v4  }
0x23a: {  	[tilespmem:s29+$0x1BE68] =	vst v2;
	v2 =	vmul.f32 v7, v6;
	v7 =	vld [tilespmem:s29+$0x16E38]  }
0x23b: {  	v5 =	vld [tilespmem:s29+$0x19648];
	[tilespmem:s29+$0x1BDF8] =	vst v4  }
0x23c: {  	v4 =	vld [tilespmem:s29+$0x16E48];
	[tilespmem:s29+$0x1BE08] =	vst v2;
	v2 =	vmul.f32 v3, v8  }
0x23d: {  	v6 =	vld [tilespmem:s29+$0x19658];
	v8 =	vmul.f32 v10, v9  }
0x23e: {  	s31 =	simm.s32 $0x80;
	[tilespmem:s29+$0x1BE18] =	vst v2;
	v2 =	vld [tilespmem:s29+$0x16E58]  }
0x23f: {  	s8 =	simm.s32 $0x400;
	v7 =	vmul.f32 v11, v7;
	v3 =	vld [tilespmem:s31+$0x16E68];
	[tilespmem:s29+$0x1BE28] =	vst v8  }
.LBB2_9:
0x240: {  	p2 =	sne.s32 s8, $0x4E00;
	v8 =	vld [tilespmem:s31+$0x19668]  }
0x241: {  	v9 =	vld [tilespmem:s31+$0x16DF8];
	[tilespmem:s29+$0x1BE38] =	vst v7;
	v4 =	vmul.f32 v5, v4  }
0x242: {  	v5 =	vld [tilespmem:s31+$0x195F8]  }
0x243: {  	v7 =	vld [tilespmem:s31+$0x16E08];
	[tilespmem:s29+$0x1BE48] =	vst v4;
	v2 =	vmul.f32 v6, v2  }
0x244: {  	v4 =	vld [tilespmem:s31+$0x19608]  }
0x245: {  	v6 =	vld [tilespmem:s31+$0x16E18];
	v3 =	vmul.f32 v8, v3;
	[tilespmem:s29+$0x1BE58] =	vst v2;
	s29 =	smov.u32 s31  }
0x246: {  	v2 =	vld [tilespmem:s29+$0x19618]  }
0x247: {  	v5 =	vmul.f32 v5, v9;
	v8 =	vld [tilespmem:s29+$0x16E28];
	[tilespmem:s29+$0x1BE68] =	vst v3  }
0x248: {  	v3 =	vld [tilespmem:s29+$0x19628]  }
0x249: {  	[tilespmem:s29+$0x1BDF8] =	vst v5;
	v4 =	vmul.f32 v4, v7;
	v7 =	vld [tilespmem:s29+$0x16E38]  }
0x24a: {  	v9 =	vld [tilespmem:s29+$0x19638]  }
.Ltmp5:
0x24b: {  	[tilespmem:s29+$0x1BE08] =	vst v4;
	v2 =	vmul.f32 v2, v6;
	v4 =	vld [tilespmem:s29+$0x16E48];
	(pc) =	sbr.rel @p2 .LBB2_9-.Ltmp5, $4  }
0x24c: {  	v5 =	vld [tilespmem:s29+$0x19648]  }
0x24d: {  	[tilespmem:s29+$0x1BE18] =	vst v2;
	v8 =	vmul.f32 v3, v8;
	v2 =	vld [tilespmem:s29+$0x16E58]  }
0x24e: {  	s31 =	sshra.s32 s8, $0x2;
	v6 =	vld [tilespmem:s29+$0x19658]  }
0x24f: {  	s8 =	sadd.s32 $0x200, s8;
	v3 =	vld [tilespmem:s31+$0x16E68];
	[tilespmem:s29+$0x1BE28] =	vst v8;
	v7 =	vmul.f32 v9, v7  }
0x250: {  	v8 =	vld [tilespmem:s31+$0x19668]  }
0x251: {  	v9 =	vld [tilespmem:s31+$0x16DF8];
	[tilespmem:s29+$0x1BE38] =	vst v7;
	v4 =	vmul.f32 v5, v4  }
0x252: {  	v5 =	vld [tilespmem:s31+$0x195F8]  }
0x253: {  	v7 =	vld [tilespmem:s31+$0x16E08];
	[tilespmem:s29+$0x1BE48] =	vst v4;
	v2 =	vmul.f32 v6, v2  }
0x254: {  	v4 =	vld [tilespmem:s31+$0x19608]  }
0x255: {  	v6 =	vld [tilespmem:s31+$0x16E18];
	[tilespmem:s29+$0x1BE58] =	vst v2  }
0x256: {  	v2 =	vmul.f32 v8, v3;
	v3 =	vld [tilespmem:s31+$0x19618]  }
0x257: {  	v8 =	vld [tilespmem:s31+$0x16E28]  }
0x258: {  	v62 =	vld [tilespmem:s31+$0x19658];
	v5 =	vmul.f32 v5, v9  }
0x259: {  	[tilespmem:s31+$0x1BE68] =	vst v2;
	v2 =	vld [tilespmem:s31+$0x19628]  }
0x25a: {  	[tilespmem:s31+$0x1BDF8] =	vst v5;
	v4 =	vmul.f32 v4, v7;
	v5 =	vld [tilespmem:s31+$0x16E38]  }
0x25b: {  	v7 =	vld [tilespmem:s31+$0x19638]  }
0x25c: {  	[tilespmem:s31+$0x1BE08] =	vst v4;
	v3 =	vmul.f32 v3, v6;
	v4 =	vld [tilespmem:s31+$0x16E48]  }
0x25d: {  	v6 =	vld [tilespmem:s31+$0x19648]  }
0x25e: {  	[tilespmem:s31+$0x1BE18] =	vst v3;
	v3 =	vld [tilespmem:s31+$0x16E58];
	_ =	sdelay $0x1  }
0x25f: {  	v2 =	vmul.f32 v2, v8  }
0x260: {  	s8 =	sand.u32 $0x2, s12;
	v5 =	vmul.f32 v7, v5  }
0x261: {  	s8 =	smul.u32 $0x1E0, s8;
	[tilespmem:s31+$0x1BE28] =	vst v2;
	v2 =	vmul.f32 v6, v4  }
0x262: {  	[tilespmem:s31+$0x1BE38] =	vst v5;
	v3 =	vmul.f32 v62, v3  }
0x263: {  	s29 =	sshrl.u32 s8, $0x2;
	[tilespmem:s31+$0x1BE48] =	vst v2  }
0x264: {  	s8 =	sadd.s32 $0x16C18, s29;
	[tilespmem:s31+$0x1BE58] =	vst v3  }
0x265: {  	[spmem:s6] =	stream.indirect.scatter.add.f32 [tilespmem:s18], [sflag:$0x9], $0x80, s8, s30, $0xb8;
	[tilespmem:$0x1E878] =	vst v63  }
0x266: {  	_ = 	snop  }
0x267: {  	[spmem:s7] =	stream.indirect.scatter.add.f32 [tilespmem:s20], [sflag:$0xB], $0x10, s8, s30, $0xb8;
	[tilespmem:$0x1E878] =	vst v63  }
0x268: {  	_ =	swait.ge @!p1 [sflag:s28], $0x28  }
0x269: {  	[sflag:s28] =	ssyncset.done @!p1 $0x0  }
0x26a: {  	[sflag:s28] =	ssyncadd.s32 @!p1 $0xFFFFFFD8  }
0x26b: {  	_ =	swait.ge @!p1 [sflag:s28], $0x28  }
0x26c: {  	[sflag:s28] =	ssyncset.done @!p1 $0x0  }
0x26d: {  	[sflag:s28] =	ssyncadd.s32 @!p1 $0xFFFFFFD8  }
0x26e: {  	_ =	swait.ge @!p1 [sflag:s28], $0x28  }
0x26f: {  	[sflag:s28] =	ssyncset.done @!p1 $0x0  }
0x270: {  	s8 =	simm.s32 @!p1 $0x28;
	[sflag:s28] =	ssyncadd.s32 @!p1 $0xFFFFFFD8;
	s28 =	simm.s32 @!p1 $0x16DF8  }
0x271: {  	[tilespmem:s28], [sflag:$0x5] =	stream.indirect.gather @!p1 [hbm4b:s0+s8], $0x80, s25, s8, $0xb8;
	[tilespmem:$0x1E878] =	vst v63  }
0x272: {  	s25 =	simm.s32 @!p1 $0x195F8  }
0x273: {  	[tilespmem:s25], [sflag:$0x7] =	stream.indirect.gather @!p1 [spmem:s3], $0x80, s15, s8, $0xb8;
	[tilespmem:$0x1E878] =	vst v63  }
0x274: {  	s12 =	sadd.s32 $0x3, s12;
	_ =	swait.ge [sflag:s13], $0x1400  }
0x275: {  	s8 =	sand.u32 @!p1 $0x3, s12;
	s15 =	smul.u32 @!p1 $0x28, s12;
	[sflag:s13] =	ssyncset.done $0x0  }
0x276: {  	s4 =	simm.s32 @!p1 $0x0;
	s25 =	smul.u32 @!p1 $0x1E0, s8;
	[sflag:s13] =	ssyncadd.s32 $0xFFFFEC00  }
0x277: {  	s8 =	sadd.s32 @!p1 $0x1, s8;
	s15 =	sadd.s32 @!p1 s11, s15;
	_ =	swait.ge [sflag:s21], $0x280  }
0x278: {  	s25 =	sshrl.u32 @!p1 s25, $0x2;
	s15 =	sshrl.u32 @!p1 s15, $0x3;
	[sflag:s21] =	ssyncset.done $0x0  }
0x279: {  	s28 =	sadd.s32 @!p1 $0x16C18, s25;
	s31 =	sadd.s32 @!p1 s10, s15;
	[sflag:s21] =	ssyncadd.s32 $0xFFFFFD80  }
0x27a: {  	[tilespmem:s28], [sflag:s8] =	stream.linear.gather @!p1 [hbm4b:s31+s4], $0x28, $0x38;
	[tilespmem:$0x1E878] =	vst v63  }
0x27b: {  	s28 =	sadd.s32 @!p1 $0x16C40, s25;
	s31 =	sadd.s32 @!p1 s1, s15  }
0x27c: {  	[tilespmem:s28], [sflag:s8] =	stream.linear.gather @!p1 [hbm4b:s31+s4], $0x28, $0x38;
	[tilespmem:$0x1E878] =	vst v63  }
0x27d: {  	s25 =	sadd.s32 @!p1 $0x16C68, s25;
	s15 =	sadd.s32 @!p1 s2, s15  }
0x27e: {  	[tilespmem:s25], [sflag:s8] =	stream.linear.gather @!p1 [hbm4b:s15+s4], $0x28, $0x38;
	[tilespmem:$0x1E878] =	vst v63  }
0x27f: {  	_ =	swait.ge [sflag:s23], $0x1400  }
0x280: {  	[sflag:s23] =	ssyncset.done $0x0  }
0x281: {  	[sflag:s23] =	ssyncadd.s32 $0xFFFFEC00  }
0x282: {  	_ =	swait.ge [sflag:s16], $0x1400  }
0x283: {  	[sflag:s16] =	ssyncset.done $0x0  }
0x284: {  	s15 =	simm.s32 $0x0;
	[sflag:s16] =	ssyncadd.s32 $0xFFFFEC00  }
0x285: {  	v2 =	vld [tilespmem:s15+$0x18268]  }
0x286: {  	v3 =	vld [tilespmem:s15+$0x1AA68]  }
0x287: {  	v4 =	vld [tilespmem:s15+$0x181F8]  }
0x288: {  	v5 =	vld [tilespmem:s15+$0x1A9F8]  }
0x289: {  	v6 =	vld [tilespmem:s15+$0x18208]  }
0x28a: {  	v7 =	vld [tilespmem:s15+$0x1AA08]  }
0x28b: {  	v8 =	vld [tilespmem:s15+$0x18218]  }
0x28c: {  	v63 =	vld [tilespmem:s15+$0x18228]  }
0x28d: {  	v2 =	vmul.f32 v3, v2;
	v3 =	vld [tilespmem:s15+$0x1AA18]  }
0x28e: {  	v10 =	vld [tilespmem:s15+$0x1AA28]  }
0x28f: {  	v11 =	vld [tilespmem:s15+$0x1AA38];
	v4 =	vmul.f32 v5, v4  }
0x290: {  	[tilespmem:s15+$0x1D268] =	vst v2;
	v2 =	vmul.f32 v7, v6;
	v7 =	vld [tilespmem:s15+$0x18238]  }
0x291: {  	v5 =	vld [tilespmem:s15+$0x1AA48];
	[tilespmem:s15+$0x1D1F8] =	vst v4  }
0x292: {  	v4 =	vld [tilespmem:s15+$0x18248];
	[tilespmem:s15+$0x1D208] =	vst v2;
	v2 =	vmul.f32 v3, v8  }
0x293: {  	v6 =	vld [tilespmem:s15+$0x1AA58];
	v8 =	vmul.f32 v10, v63  }
0x294: {  	s25 =	simm.s32 $0x80;
	[tilespmem:s15+$0x1D218] =	vst v2;
	v2 =	vld [tilespmem:s15+$0x18258]  }
0x295: {  	s8 =	simm.s32 $0x400;
	v7 =	vmul.f32 v11, v7;
	v3 =	vld [tilespmem:s25+$0x18268];
	[tilespmem:s15+$0x1D228] =	vst v8  }
.LBB2_11:
0x296: {  	p2 =	sne.s32 s8, $0x4E00;
	v8 =	vld [tilespmem:s25+$0x1AA68]  }
0x297: {  	v9 =	vld [tilespmem:s25+$0x181F8];
	[tilespmem:s15+$0x1D238] =	vst v7;
	v4 =	vmul.f32 v5, v4  }
0x298: {  	v5 =	vld [tilespmem:s25+$0x1A9F8]  }
0x299: {  	v7 =	vld [tilespmem:s25+$0x18208];
	[tilespmem:s15+$0x1D248] =	vst v4;
	v2 =	vmul.f32 v6, v2  }
0x29a: {  	v4 =	vld [tilespmem:s25+$0x1AA08]  }
0x29b: {  	v6 =	vld [tilespmem:s25+$0x18218];
	v3 =	vmul.f32 v8, v3;
	[tilespmem:s15+$0x1D258] =	vst v2;
	s15 =	smov.u32 s25  }
0x29c: {  	v2 =	vld [tilespmem:s15+$0x1AA18]  }
0x29d: {  	v5 =	vmul.f32 v5, v9;
	v8 =	vld [tilespmem:s15+$0x18228];
	[tilespmem:s15+$0x1D268] =	vst v3  }
0x29e: {  	v3 =	vld [tilespmem:s15+$0x1AA28]  }
0x29f: {  	[tilespmem:s15+$0x1D1F8] =	vst v5;
	v4 =	vmul.f32 v4, v7;
	v7 =	vld [tilespmem:s15+$0x18238]  }
0x2a0: {  	v9 =	vld [tilespmem:s15+$0x1AA38]  }
.Ltmp6:
0x2a1: {  	[tilespmem:s15+$0x1D208] =	vst v4;
	v2 =	vmul.f32 v2, v6;
	v4 =	vld [tilespmem:s15+$0x18248];
	(pc) =	sbr.rel @p2 .LBB2_11-.Ltmp6, $4  }
0x2a2: {  	v5 =	vld [tilespmem:s15+$0x1AA48]  }
0x2a3: {  	[tilespmem:s15+$0x1D218] =	vst v2;
	v8 =	vmul.f32 v3, v8;
	v2 =	vld [tilespmem:s15+$0x18258]  }
0x2a4: {  	s25 =	sshra.s32 s8, $0x2;
	v6 =	vld [tilespmem:s15+$0x1AA58]  }
0x2a5: {  	s8 =	sadd.s32 $0x200, s8;
	v3 =	vld [tilespmem:s25+$0x18268];
	[tilespmem:s15+$0x1D228] =	vst v8;
	v7 =	vmul.f32 v9, v7  }
0x2a6: {  	v8 =	vld [tilespmem:s25+$0x1AA68]  }
0x2a7: {  	v9 =	vld [tilespmem:s25+$0x181F8];
	[tilespmem:s15+$0x1D238] =	vst v7;
	v4 =	vmul.f32 v5, v4  }
0x2a8: {  	v56 =	vld [tilespmem:s25+$0x1A9F8]  }
0x2a9: {  	v7 =	vld [tilespmem:s25+$0x18208];
	[tilespmem:s15+$0x1D248] =	vst v4;
	v2 =	vmul.f32 v6, v2  }
0x2aa: {  	v4 =	vld [tilespmem:s25+$0x1AA08]  }
0x2ab: {  	v57 =	vld [tilespmem:s25+$0x18218];
	[tilespmem:s15+$0x1D258] =	vst v2  }
0x2ac: {  	v2 =	vmul.f32 v8, v3;
	v3 =	vld [tilespmem:s25+$0x1AA18]  }
0x2ad: {  	v58 =	vld [tilespmem:s25+$0x18228]  }
0x2ae: {  	v59 =	vld [tilespmem:s25+$0x18238]  }
0x2af: {  	v60 =	vld [tilespmem:s25+$0x1AA38]  }
0x2b0: {  	v61 =	vld [tilespmem:s25+$0x18248]  }
0x2b1: {  	[tilespmem:s25+$0x1D268] =	vst v2;
	v2 =	vld [tilespmem:s25+$0x1AA28]  }
0x2b2: {  	v62 =	vld [tilespmem:s25+$0x1AA48];
	v3 =	vmul.f32 v3, v57  }
0x2b3: {  	v63 =	vld [tilespmem:s25+$0x1AA58]  }
0x2b4: {  	v5 =	vmul.f32 v56, v9;
	[tilespmem:s25+$0x1D218] =	vst v3;
	v3 =	vld [tilespmem:s25+$0x18258]  }
0x2b5: {  	v4 =	vmul.f32 v4, v7  }
0x2b6: {  	[tilespmem:s25+$0x1D1F8] =	vst v5;
	v2 =	vmul.f32 v2, v58  }
0x2b7: {  	[tilespmem:s25+$0x1D208] =	vst v4;
	v5 =	vmul.f32 v60, v59  }
0x2b8: {  	[tilespmem:s25+$0x1D228] =	vst v2;
	v2 =	vmul.f32 v62, v61  }
0x2b9: {  	[tilespmem:s25+$0x1D238] =	vst v5;
	v3 =	vmul.f32 v63, v3  }
.Ltmp7:
0x2ba: {  	[tilespmem:s25+$0x1D248] =	vst v2;
	(pc) =	sbr.rel @p1 .LBB2_14-.Ltmp7, $4  }
0x2bb: {  	s4 =	sadd.s32 $0x16C90, s29;
	[tilespmem:s25+$0x1D258] =	vst v3  }
0x2bc: {  	[spmem:s6] =	stream.indirect.scatter.add.f32 [tilespmem:s17], [sflag:$0xA], $0x80, s4, s30, $0xb8;
	[tilespmem:$0x1E878] =	vst v63  }
0x2bd: {  	_ = 	snop  }
0x2be: {  	[spmem:s7] =	stream.indirect.scatter.add.f32 [tilespmem:s20], [sflag:$0xC], $0x10, s4, s30, $0xb8;
	[tilespmem:$0x1E878] =	vst v63  }
0x2bf: {  	s4 =	sand.u32 $0x3, s12  }
0x2c0: {  	s8 =	sadd.s32 $0x1, s4  }
0x2c1: {  	_ =	swait.ge [sflag:s8], $0x28  }
0x2c2: {  	[sflag:s8] =	ssyncset.done $0x0  }
0x2c3: {  	[sflag:s8] =	ssyncadd.s32 $0xFFFFFFD8  }
0x2c4: {  	_ =	swait.ge [sflag:s8], $0x28  }
0x2c5: {  	[sflag:s8] =	ssyncset.done $0x0  }
0x2c6: {  	s4 =	smul.u32 $0x1E0, s4;
	[sflag:s8] =	ssyncadd.s32 $0xFFFFFFD8  }
0x2c7: {  	_ =	swait.ge [sflag:s8], $0x28  }
.Ltmp8:
0x2c8: {  	s4 =	sshrl.u32 s4, $0x2;
	[sflag:s8] =	ssyncset.done $0x0;
	(pc) =	sbr.rel .LBB2_8-.Ltmp8, $4  }
0x2c9: {  	s31 =	simm.s32 $0x181F8;
	s29 =	sadd.s32 $0x16C40, s4;
	[sflag:s8] =	ssyncadd.s32 $0xFFFFFFD8  }
0x2ca: {  	[tilespmem:s31], [sflag:$0x6] =	stream.indirect.gather [hbm4b:s0+s30], $0x80, s29, s30, $0xb8;
	[tilespmem:$0x1E878] =	vst v63  }
0x2cb: {  	s24 =	sadd.s32 $0x1, s24;
	s4 =	sadd.s32 $0x16C68, s4  }
0x2cc: {  	[tilespmem:s26], [sflag:$0x8] =	stream.indirect.gather [spmem:s3], $0x80, s4, s30, $0xb8;
	[tilespmem:$0x1E878] =	vst v63  }
.LBB2_15:
0x2cd: {  	_ =	sfence.sel $0x180000  }
0x2ce: {  	[bflag:$0x0] =	sbarrier.arrive $0xFFFF  }
0x2cf: {  	_ =	strace $0x90000047  }
0x2d0: {  	[bflag:$0x2] =	sbarrier.arrive $0xFFFF  }
0x2d1: {  	s0 =	rddreg [dreg:$0x7]  }
0x2d2: {  	s0 =	sadd.s32 @!p0 $0x100000, s0  }
0x2d3: {  	[sflag:s0] =	ssyncadd.tile.s32 @!p0 $0x1;
	_ =	shalt  }
.Lfunc_end2:
_tile_overlayer_lowered:
.L_overlay_start_2:
0x2d4: {  	(tag) =	ssettag $0x2  }
0x2d5: {  	s0 =	rddreg [dreg:$0x0];
	s2 =	stileid.u32  }
0x2d6: {  	s1 =	rddreg [dreg:$0x1];
	p0 =	sne.s32 s2, $0x0  }
0x2d7: {  	s3 =	rddreg [dreg:$0x2];
	[bflag:$0x3] =	sbarrier.arrive $0xFFFF;
	s2 =	simm.s32 @!p0 $0x1C0D  }
0x2d8: {  	[timem:s3], [sflag:s2] =	dma.local @!p0 [hbm:s0], s1  }
0x2d9: {  	s0 =	simm.s32 @!p0 $0xD  }
0x2da: {  	_ =	swait.ge @!p0 [sflag:s0], s1  }
0x2db: {  	s1 =	ssub.s32 @!p0 $0x0, s1;
	[sflag:s0] =	ssyncset.done @!p0 $0x0  }
0x2dc: {  	[sflag:s0] =	ssyncadd.s32 @!p0 s1  }
0x2dd: {  	[bflag:$0x3] =	sbarrier.arrive $0xFFFF  }
0x2de: {  	_ =	shalt  }

</sc_bundles>
